<compile_context>
chip_gen: v7x
topology: tpu7x:2x2x1
jax: 0.10.2.dev20260603
libtpu: 0.0.44.dev20260713+nightly
codegen_flags: <defaults>
</compile_context>

<pallas_src>
import functools

import jax
import jax.numpy as jnp
from jax import lax
from jax.experimental import pallas as pl
from jax.experimental.pallas import tpu as pltpu
from jax.experimental.pallas import tpu_sc as plsc

N = 10000
E = 320000
C = 128
G = 16
EPS = 1e-5

NC = 2
NS = 16
NW = NC * NS
K = 128
NCHUNK = 80
EPT = NCHUNK * K
EPAD = EPT * NW
ACC_N = 10240
RPT = ACC_N // NS



@functools.cache
def _mesh():
  return plsc.VectorSubcoreMesh(core_axis_name="c", subcore_axis_name="s",
                                num_cores=NC, num_subcores=NS)


CH0 = 158
CH1 = (NW * NCHUNK - NS * CH0) // NS


def _sc_agg_body(hs_hbm, src_hbm, dst_hbm, zeros_hbm, out_hbm,
                 acc_sh, sidx0, sidx1, didx0, didx1, rows0, rows1,
                 sem0, sem1, semsi0, semsi1, semd0, semd1):
  c = lax.axis_index("c")
  s = lax.axis_index("s")
  pltpu.sync_copy(zeros_hbm.at[pl.ds(s * RPT, RPT)],
                  acc_sh.at[pl.ds(s * RPT, RPT)])
  plsc.subcore_barrier()
  bufs = (rows0, rows1)
  sems = (sem0, sem1)
  sidxs = (sidx0, sidx1)
  semsis = (semsi0, semsi1)
  didxs = (didx0, didx1)
  semds = (semd0, semd1)
  nch = jnp.where(c == 0, CH0, CH1)
  cbase = jnp.where(c == 0, s * CH0, NS * CH0 + s * CH1)
  for b in range(2):
    q = cbase + b
    pltpu.async_copy(src_hbm.at[pl.ds(q * K, K)], sidxs[b], semsis[b])
    pltpu.async_copy(dst_hbm.at[pl.ds(q * K, K)], didxs[b], semds[b])
  for b in range(2):
    q = cbase + b
    pltpu.make_async_copy(src_hbm.at[pl.ds(q * K, K)], sidxs[b],
                          semsis[b]).wait()
    pltpu.async_copy(hs_hbm.at[sidxs[b]], bufs[b], sems[b])

  def pair(go, carry):
    for b in range(2):
      q = cbase + go * 2 + b
      pltpu.make_async_copy(hs_hbm.at[sidxs[b]], bufs[b], sems[b]).wait()
      pltpu.async_copy(src_hbm.at[pl.ds((q + 2) * K, K)], sidxs[b],
                       semsis[b])
      pltpu.make_async_copy(dst_hbm.at[pl.ds(q * K, K)], didxs[b],
                            semds[b]).wait()
      pltpu.sync_copy(bufs[b], acc_sh.at[didxs[b]], add=True)
      pltpu.async_copy(dst_hbm.at[pl.ds((q + 2) * K, K)], didxs[b],
                       semds[b])
      pltpu.make_async_copy(src_hbm.at[pl.ds((q + 2) * K, K)], sidxs[b],
                            semsis[b]).wait()
      pltpu.async_copy(hs_hbm.at[sidxs[b]], bufs[b], sems[b])
    return carry

  lax.fori_loop(0, (nch - 2) // 2, pair, 0)
  for b in range(2):
    pltpu.make_async_copy(hs_hbm.at[sidxs[b]], bufs[b], sems[b]).wait()
    pltpu.make_async_copy(dst_hbm.at[pl.ds((cbase + nch - 2 + b) * K, K)],
                          didxs[b], semds[b]).wait()
    pltpu.sync_copy(bufs[b], acc_sh.at[didxs[b]], add=True)
  plsc.subcore_barrier()
  pltpu.sync_copy(acc_sh.at[pl.ds(s * RPT, RPT)],
                  out_hbm.at[c, pl.ds(s * RPT, RPT)])


@functools.cache
def _sc_agg_kernel():
  return pl.kernel(
      _sc_agg_body,
      out_type=jax.ShapeDtypeStruct((NC, ACC_N, C), jnp.float32),
      mesh=_mesh(),
      scratch_types=[
          pltpu.VMEM_SHARED((ACC_N, C), jnp.float32),
          pltpu.VMEM((K,), jnp.int32),
          pltpu.VMEM((K,), jnp.int32),
          pltpu.VMEM((K,), jnp.int32),
          pltpu.VMEM((K,), jnp.int32),
          pltpu.VMEM((K, C), jnp.float32),
          pltpu.VMEM((K, C), jnp.float32),
          pltpu.SemaphoreType.DMA,
          pltpu.SemaphoreType.DMA,
          pltpu.SemaphoreType.DMA,
          pltpu.SemaphoreType.DMA,
          pltpu.SemaphoreType.DMA,
          pltpu.SemaphoreType.DMA,
      ],
  )


def _sc_agg(hs, src_p, dst_p, zeros_acc):
  return _sc_agg_kernel()(hs, src_p, dst_p, zeros_acc)


def _sc_deg_body(dst_hbm, ones_hbm, zeros_hbm, out_hbm,
                 acc_sh, dst_v, ones_v):
  c = lax.axis_index("c")
  s = lax.axis_index("s")
  wid = c * NS + s
  pltpu.sync_copy(zeros_hbm.at[pl.ds(s * RPT, RPT)],
                  acc_sh.at[pl.ds(s * RPT, RPT)])
  pltpu.sync_copy(ones_hbm, ones_v)
  pltpu.sync_copy(dst_hbm.at[pl.ds(wid * NCHUNK, NCHUNK)], dst_v)
  plsc.subcore_barrier()

  def chunk(g, carry):
    pltpu.sync_copy(ones_v, acc_sh.at[dst_v.at[g]], add=True)
    return carry

  lax.fori_loop(0, NCHUNK, chunk, 0)
  plsc.subcore_barrier()
  pltpu.sync_copy(acc_sh.at[pl.ds(s * RPT, RPT)],
                  out_hbm.at[pl.ds(c * ACC_N + s * RPT, RPT)])


@functools.cache
def _sc_deg_kernel():
  return pl.kernel(
      _sc_deg_body,
      out_type=jax.ShapeDtypeStruct((NC * ACC_N,), jnp.float32),
      mesh=_mesh(),
      scratch_types=[
          pltpu.VMEM_SHARED((ACC_N,), jnp.float32),
          pltpu.VMEM((NCHUNK, K), jnp.int32),
          pltpu.VMEM((K,), jnp.float32),
      ],
  )


def _sc_deg(dst_p, ones_k, zeros_n):
  return _sc_deg_kernel()(dst_p, ones_k, zeros_n).reshape(NC, ACC_N)




def _tc_pre_body(degacc_ref, x_ref, w_ref, hs_ref, dinv_ref):
  deg = degacc_ref[0, :] + degacc_ref[1, :] + 1.0
  dinv = lax.rsqrt(deg)[:N][:, None]
  dinv_ref[...] = dinv
  hs_ref[...] = jnp.dot(x_ref[...], w_ref[...],
                        preferred_element_type=jnp.float32) * dinv


def _tc_pre(degacc, x, w):
  return pl.pallas_call(
      _tc_pre_body,
      out_shape=(jax.ShapeDtypeStruct((N, C), jnp.float32),
                 jax.ShapeDtypeStruct((N, 1), jnp.float32)),
  )(degacc, x, w)


BLK = 1000
NBLK = N // BLK

_GIOTA = None


def _layer_impl(acc_ref, hs_ref, dinv_ref, batch_ref, b_ref,
                gnw_ref, gnb_ref, gns_ref, h_ref, hsn_ref, pre_ref,
                wn_ref=None):
  giota = lax.broadcasted_iota(jnp.int32, (G, 1), 0)

  def pass1(i, carry):
    sums, cnts = carry
    sl = pl.ds(i * BLK, BLK)
    pre = dinv_ref[sl, :] * (acc_ref[0, sl, :] + acc_ref[1, sl, :]
                             + hs_ref[sl, :]) + b_ref[...][None, :]
    pre_ref[sl, :] = pre
    bt = batch_ref[sl, :]
    for g in range(G):
      m = bt == g
      sel = (giota == g).astype(jnp.float32)
      sums = sums + sel * jnp.sum(jnp.where(m, pre, 0.0), axis=0,
                                  keepdims=True)
      cnts = cnts + sel * jnp.sum(m.astype(jnp.float32))
    return sums, cnts

  sums, cnts = lax.fori_loop(
      0, NBLK, pass1,
      (jnp.zeros((G, C), jnp.float32), jnp.zeros((G, 1), jnp.float32)))
  cnts = jnp.maximum(cnts, 1.0)
  mean = sums / cnts

  def pass2(i, sq_sums):
    sl = pl.ds(i * BLK, BLK)
    bt = batch_ref[sl, :]
    msel = jnp.zeros((BLK, C), jnp.float32)
    for g in range(G):
      msel = jnp.where(bt == g, mean[g][None, :], msel)
    out2 = pre_ref[sl, :] - msel * gns_ref[...][None, :]
    pre_ref[sl, :] = out2
    for g in range(G):
      sel = (giota == g).astype(jnp.float32)
      sq_sums = sq_sums + sel * jnp.sum(
          jnp.where(bt == g, out2 * out2, 0.0), axis=0, keepdims=True)
    return sq_sums

  sq_sums = lax.fori_loop(0, NBLK, pass2, jnp.zeros((G, C), jnp.float32))
  inv_std = lax.rsqrt(sq_sums / cnts + EPS)

  def pass3(i, carry):
    sl = pl.ds(i * BLK, BLK)
    bt = batch_ref[sl, :]
    ssel = jnp.zeros((BLK, C), jnp.float32)
    for g in range(G):
      ssel = jnp.where(bt == g, inv_std[g][None, :], ssel)
    out2 = pre_ref[sl, :]
    hn = gnw_ref[...][None, :] * out2 * ssel + gnb_ref[...][None, :]
    h = jnp.where(hn >= 0, hn, 0.01 * hn)
    h_ref[sl, :] = h
    if wn_ref is not None:
      hsn_ref[sl, :] = jnp.dot(h, wn_ref[...],
                               preferred_element_type=jnp.float32) \
          * dinv_ref[sl, :]
    return carry

  lax.fori_loop(0, NBLK, pass3, 0)


def _tc_layer_body(acc_ref, hs_ref, dinv_ref, batch_ref, b_ref,
                   gnw_ref, gnb_ref, gns_ref, wn_ref, h_ref, hsn_ref,
                   pre_ref):
  _layer_impl(acc_ref, hs_ref, dinv_ref, batch_ref, b_ref, gnw_ref,
              gnb_ref, gns_ref, h_ref, hsn_ref, pre_ref, wn_ref=wn_ref)


def _tc_layer(acc, hs, dinv, batch2d, b, gn_w, gn_b, gn_s, w_next):
  return pl.pallas_call(
      _tc_layer_body,
      out_shape=(jax.ShapeDtypeStruct((N, C), jnp.float32),
                 jax.ShapeDtypeStruct((N, C), jnp.float32)),
      scratch_shapes=[pltpu.VMEM((N, C), jnp.float32)],
  )(acc, hs, dinv, batch2d, b, gn_w, gn_b, gn_s, w_next)


def _tc_last_body(acc_ref, hs_ref, dinv_ref, batch_ref, b_ref,
                  gnw_ref, gnb_ref, gns_ref, h_ref, pre_ref):
  _layer_impl(acc_ref, hs_ref, dinv_ref, batch_ref, b_ref, gnw_ref,
              gnb_ref, gns_ref, h_ref, None, pre_ref, wn_ref=None)


def _tc_last(acc, hs, dinv, batch2d, b, gn_w, gn_b, gn_s):
  return pl.pallas_call(
      _tc_last_body,
      out_shape=jax.ShapeDtypeStruct((N, C), jnp.float32),
      scratch_shapes=[pltpu.VMEM((N, C), jnp.float32)],
  )(acc, hs, dinv, batch2d, b, gn_w, gn_b, gn_s)




def kernel(x, edge_index, batch, W0, b0, gn_w0, gn_b0, gn_s0,
           W1, b1, gn_w1, gn_b1, gn_s1, W2, b2, gn_w2, gn_b2, gn_s2):
  src = edge_index[0].astype(jnp.int32)
  dst = edge_index[1].astype(jnp.int32)
  pad = EPAD - E
  src_flat = jnp.concatenate([src, jnp.zeros((pad,), jnp.int32)])
  trash = N + (jnp.arange(pad, dtype=jnp.int32) % (ACC_N - N))
  dst_flat = jnp.concatenate([dst, trash])
  dst_p = dst_flat.reshape(NW * NCHUNK, K)
  zeros_acc = jnp.zeros((ACC_N, C), jnp.float32)
  zeros_n = jnp.zeros((ACC_N,), jnp.float32)
  ones_k = jnp.ones((K,), jnp.float32)
  batch2d = batch.astype(jnp.int32)[:, None]

  degacc = _sc_deg(dst_p, ones_k, zeros_n)
  hs, dinv = _tc_pre(degacc, x, W0)

  acc = _sc_agg(hs, src_flat, dst_flat, zeros_acc)
  h0, hs = _tc_layer(acc, hs, dinv, batch2d, b0, gn_w0, gn_b0, gn_s0, W1)

  acc = _sc_agg(hs, src_flat, dst_flat, zeros_acc)
  h1, hs = _tc_layer(acc, hs, dinv, batch2d, b1, gn_w1, gn_b1, gn_s1, W2)

  acc = _sc_agg(hs, src_flat, dst_flat, zeros_acc)
  h2 = _tc_last(acc, hs, dinv, batch2d, b2, gn_w2, gn_b2, gn_s2)

  return (h2, (h0, h1, h2))

# --- scband reference (transcript-rebuilt; emitter-appended) ---
"""Pipeline reference for scband-gnns-32049045962863 (READ-ONLY COPY).

The authoritative reference and input builder live on the scoring server;
editing this copy changes nothing except your own understanding.
"""

import jax, jax.numpy as jnp
import numpy as np

N = 10000
E = 320000
C = 128
G = 16
L = 3
EPS = 1e-5


def setup_inputs(seed: int = 0) -> dict:
    key = jax.random.key(seed)
    ks = jax.random.split(key, 4 + 5 * L)
    inp = {}
    inp["x"] = jax.random.normal(ks[0], (N, C), dtype=jnp.float32)
    inp["edge_index"] = jax.random.randint(ks[1], (2, E), 0, N)
    inp["batch"] = jnp.sort(jax.random.randint(ks[2], (N,), 0, G))
    for i in range(L):
        base = 3 + 5 * i
        inp[f"W{i}"] = jax.random.normal(ks[base], (C, C), dtype=jnp.float32) * 0.05
        inp[f"b{i}"] = jnp.zeros((C,), dtype=jnp.float32)
        inp[f"gn_w{i}"] = jnp.ones((C,), dtype=jnp.float32)
        inp[f"gn_b{i}"] = jnp.zeros((C,), dtype=jnp.float32)
        inp[f"gn_s{i}"] = jnp.ones((C,), dtype=jnp.float32)
    return inp


def _gcn_conv(x, edge_index, W, b):
    src = edge_index[0]
    dst = edge_index[1]
    loop = jnp.arange(N, dtype=src.dtype)
    src = jnp.concatenate([src, loop])
    dst = jnp.concatenate([dst, loop])
    deg = jax.ops.segment_sum(jnp.ones_like(dst, dtype=x.dtype), dst, num_segments=N)
    dinv = jnp.where(deg > 0, 1.0 / jnp.sqrt(deg), 0.0)
    norm = dinv[src] * dinv[dst]
    h = x @ W
    msg = h[src] * norm[:, None]
    out = jax.ops.segment_sum(msg, dst, num_segments=N)
    return out + b


def _graph_norm(x, batch, weight, bias, mean_scale):
    cnt = jax.ops.segment_sum(jnp.ones((x.shape[0],), x.dtype), batch, num_segments=G)
    cnt = jnp.maximum(cnt, 1.0)
    mean = jax.ops.segment_sum(x, batch, num_segments=G) / cnt[:, None]
    out = x - mean[batch] * mean_scale
    var = jax.ops.segment_sum(out * out, batch, num_segments=G) / cnt[:, None]
    std = jnp.sqrt(var + EPS)
    return weight * out / std[batch] + bias


def reference(x, edge_index, batch, W0, b0, gn_w0, gn_b0, gn_s0, W1, b1, gn_w1, gn_b1, gn_s1, W2, b2, gn_w2, gn_b2, gn_s2):
    Ws = [W0, W1, W2]
    bs = [b0, b1, b2]
    gws = [gn_w0, gn_w1, gn_w2]
    gbs = [gn_b0, gn_b1, gn_b2]
    gss = [gn_s0, gn_s1, gn_s2]
    h = x
    history = []
    for i in range(L):
        h = _gcn_conv(h, edge_index, Ws[i], bs[i])
        h = _graph_norm(h, batch, gws[i], gbs[i], gss[i])
        h = jnp.where(h >= 0, h, 0.01 * h)  # leaky_relu, default slope 0.01
        # dropout is identity in eval mode (training=False)
        history.append(h)
    return (h, tuple(history))

if __name__ == "__main__":
    import jax
    _d = setup_inputs()
    print(jax.jit(kernel)(*tuple(_d.values())))

</pallas_src>

<mosaic_0001>
#map = affine_map<(d0, d1) -> (0, 0)>
#map1 = affine_map<(d0, d1) -> (0)>
module attributes {stable_mosaic.version = 14 : i64} {
  func.func @_sc_deg_body(%arg0: i32, %arg1: i32, %arg2: memref<2560x128xi32, #tpu.memory_space<hbm>>, %arg3: memref<128xf32, #tpu.memory_space<hbm>>, %arg4: memref<10240xf32, #tpu.memory_space<hbm>>, %arg5: memref<20480xf32, #tpu.memory_space<hbm>>, %arg6: memref<10240xf32, #tpu.memory_space<vmem_shared>>, %arg7: memref<80x128xi32, #tpu.memory_space<vmem>>, %arg8: memref<128xf32, #tpu.memory_space<vmem>>) attributes {dimension_semantics = [#tpu.dimension_semantics<core_parallel>, #tpu.dimension_semantics<subcore_parallel>], iteration_bounds = array<i64: 2, 16>, scalar_prefetch = 0 : i64, scratch_operands = 3 : i64, tpu.core_type = #tpu.core_type<sc_vector_subcore>, window_params = [{transform_indices = #map}, {transform_indices = #map1}, {transform_indices = #map1}, {transform_indices = #map1}]} {
    %mul3A = arith.constant 16 : i32
    %mul3A_0 = arith.muli %arg0, %mul3A : i32
    %add3A = arith.addi %mul3A_0, %arg1 : i32
    %mul3A_1 = arith.constant 640 : i32
    %mul3A_2 = arith.muli %arg1, %mul3A_1 : i32
    %mul3A_3 = arith.constant 640 : i32
    %mul3A_4 = arith.muli %arg1, %mul3A_3 : i32
    "tpu.region"() ({
      %run_scoped3A = tpu.sem_alloc : memref<!tpu.dma_semaphore, #tpu.memory_space<semaphore_mem>>
      %dma_start3A = tpu.memref_slice %arg6[%mul3A_4] : memref<10240xf32, #tpu.memory_space<vmem_shared>> -> memref<640xf32, #tpu.memory_space<vmem_shared>>
      %dma_start3A_20 = tpu.memref_slice %arg4[%mul3A_2] : memref<10240xf32, #tpu.memory_space<hbm>> -> memref<640xf32, #tpu.memory_space<hbm>>
      tpu.enqueue_dma source(%dma_start3A_20 : memref<640xf32, #tpu.memory_space<hbm>>) target(%dma_start3A : memref<640xf32, #tpu.memory_space<vmem_shared>>) target_semaphore(%run_scoped3A : memref<!tpu.dma_semaphore, #tpu.memory_space<semaphore_mem>>)
      %dma_wait3A = tpu.memref_slice %arg6[%mul3A_4] : memref<10240xf32, #tpu.memory_space<vmem_shared>> -> memref<640xf32, #tpu.memory_space<vmem_shared>>
      %dma_wait3A_21 = tpu.memref_slice %arg4[%mul3A_2] : memref<10240xf32, #tpu.memory_space<hbm>> -> memref<640xf32, #tpu.memory_space<hbm>>
      tpu.wait_dma2 semaphore(%run_scoped3A : memref<!tpu.dma_semaphore, #tpu.memory_space<semaphore_mem>>) src(%dma_wait3A_21 : memref<640xf32, #tpu.memory_space<hbm>>) dst(%dma_wait3A : memref<640xf32, #tpu.memory_space<vmem_shared>>)
      tpu.yield
    }) : () -> ()
    "tpu.region"() ({
      %run_scoped3A = tpu.sem_alloc : memref<!tpu.dma_semaphore, #tpu.memory_space<semaphore_mem>>
      tpu.enqueue_dma source(%arg3 : memref<128xf32, #tpu.memory_space<hbm>>) target(%arg8 : memref<128xf32, #tpu.memory_space<vmem>>) target_semaphore(%run_scoped3A : memref<!tpu.dma_semaphore, #tpu.memory_space<semaphore_mem>>)
      tpu.wait_dma2 semaphore(%run_scoped3A : memref<!tpu.dma_semaphore, #tpu.memory_space<semaphore_mem>>) src(%arg3 : memref<128xf32, #tpu.memory_space<hbm>>) dst(%arg8 : memref<128xf32, #tpu.memory_space<vmem>>)
      tpu.yield
    }) : () -> ()
    %mul3A_5 = arith.constant 80 : i32
    %mul3A_6 = arith.muli %add3A, %mul3A_5 : i32
    "tpu.region"() ({
      %run_scoped3A = tpu.sem_alloc : memref<!tpu.dma_semaphore, #tpu.memory_space<semaphore_mem>>
      %dma_start3A = arith.constant 0 : i32
      %dma_start3A_20 = tpu.memref_slice %arg2[%mul3A_6, %dma_start3A] : memref<2560x128xi32, #tpu.memory_space<hbm>> -> memref<80x128xi32, #tpu.memory_space<hbm>>
      %dma_start3A_21 = arith.constant 0 : i32
      %dma_start3A_22 = tpu.memref_slice %arg2[%mul3A_6, %dma_start3A_21] : memref<2560x128xi32, #tpu.memory_space<hbm>> -> memref<80x128xi32, #tpu.memory_space<hbm>>
      tpu.enqueue_dma source(%dma_start3A_22 : memref<80x128xi32, #tpu.memory_space<hbm>>) target(%arg7 : memref<80x128xi32, #tpu.memory_space<vmem>>) target_semaphore(%run_scoped3A : memref<!tpu.dma_semaphore, #tpu.memory_space<semaphore_mem>>)
      %dma_wait3A = arith.constant 0 : i32
      %dma_wait3A_23 = tpu.memref_slice %arg2[%mul3A_6, %dma_wait3A] : memref<2560x128xi32, #tpu.memory_space<hbm>> -> memref<80x128xi32, #tpu.memory_space<hbm>>
      %dma_wait3A_24 = arith.constant 0 : i32
      %dma_wait3A_25 = tpu.memref_slice %arg2[%mul3A_6, %dma_wait3A_24] : memref<2560x128xi32, #tpu.memory_space<hbm>> -> memref<80x128xi32, #tpu.memory_space<hbm>>
      tpu.wait_dma2 semaphore(%run_scoped3A : memref<!tpu.dma_semaphore, #tpu.memory_space<semaphore_mem>>) src(%dma_wait3A_25 : memref<80x128xi32, #tpu.memory_space<hbm>>) dst(%arg7 : memref<80x128xi32, #tpu.memory_space<vmem>>)
      tpu.yield
    }) : () -> ()
    %barrier3A = arith.constant 0 : index
    tpu.barrier barrier_id(%barrier3A)
    %scan3A = arith.constant 0 : i32
    %scan3A_7 = arith.constant 0 : i32
    %scan3A_8 = arith.constant 80 : i32
    %scan3A_9 = arith.addi %scan3A_7, %scan3A_8 : i32
    %scan3A_10 = arith.constant 1 : i32
    scf.for %scan3A_20 = %scan3A_7 to %scan3A_9 step %scan3A_10  : i32 {
      "tpu.region"() ({
        %run_scoped3A = tpu.sem_alloc : memref<!tpu.dma_semaphore, #tpu.memory_space<semaphore_mem>>
        %dma_start3A = arith.constant 0 : i32
        %dma_start3A_21 = tpu.memref_slice %arg7[%scan3A_20, %dma_start3A] : memref<80x128xi32, #tpu.memory_space<vmem>> -> memref<1x128xi32, #tpu.memory_space<vmem>>
        %dma_start3A_22 = tpu.memref_squeeze %dma_start3A_21 : memref<1x128xi32, #tpu.memory_space<vmem>> -> memref<128xi32, #tpu.memory_space<vmem>>
        %dma_start3A_23 = arith.constant 0 : i32
        %dma_start3A_24 = tpu.memref_slice %arg6[%dma_start3A_23] : memref<10240xf32, #tpu.memory_space<vmem_shared>> -> memref<10240xf32, #tpu.memory_space<vmem_shared>>
        tpu.enqueue_indirect_dma source(%arg8 : memref<128xf32, #tpu.memory_space<vmem>>) target(%dma_start3A_24 : memref<10240xf32, #tpu.memory_space<vmem_shared>>) offsets(%dma_start3A_22 : memref<128xi32, #tpu.memory_space<vmem>>) semaphore(%run_scoped3A : memref<!tpu.dma_semaphore, #tpu.memory_space<semaphore_mem>>) {add = true}
        %dma_wait3A = arith.constant 0 : i32
        %dma_wait3A_25 = tpu.memref_slice %arg7[%scan3A_20, %dma_wait3A] : memref<80x128xi32, #tpu.memory_space<vmem>> -> memref<1x128xi32, #tpu.memory_space<vmem>>
        %dma_wait3A_26 = tpu.memref_squeeze %dma_wait3A_25 : memref<1x128xi32, #tpu.memory_space<vmem>> -> memref<128xi32, #tpu.memory_space<vmem>>
        %dma_wait3A_27 = arith.constant 0 : i32
        %dma_wait3A_28 = tpu.memref_slice %arg6[%dma_wait3A_27] : memref<10240xf32, #tpu.memory_space<vmem_shared>> -> memref<10240xf32, #tpu.memory_space<vmem_shared>>
        tpu.wait_indirect_dma semaphore(%run_scoped3A : memref<!tpu.dma_semaphore, #tpu.memory_space<semaphore_mem>>) src(%arg8 : memref<128xf32, #tpu.memory_space<vmem>>) dst(%dma_wait3A_28 : memref<10240xf32, #tpu.memory_space<vmem_shared>>)
        tpu.yield
      }) : () -> ()
    }
    %scan3A_11 = arith.constant 80 : i32
    %barrier3A_12 = arith.constant 0 : index
    tpu.barrier barrier_id(%barrier3A_12)
    %mul3A_13 = arith.constant 640 : i32
    %mul3A_14 = arith.muli %arg1, %mul3A_13 : i32
    %mul3A_15 = arith.constant 10240 : i32
    %mul3A_16 = arith.muli %arg0, %mul3A_15 : i32
    %mul3A_17 = arith.constant 640 : i32
    %mul3A_18 = arith.muli %arg1, %mul3A_17 : i32
    %add3A_19 = arith.addi %mul3A_16, %mul3A_18 : i32
    "tpu.region"() ({
      %run_scoped3A = tpu.sem_alloc : memref<!tpu.dma_semaphore, #tpu.memory_space<semaphore_mem>>
      %dma_start3A = tpu.memref_slice %arg5[%add3A_19] : memref<20480xf32, #tpu.memory_space<hbm>> -> memref<640xf32, #tpu.memory_space<hbm>>
      %dma_start3A_20 = tpu.memref_slice %arg6[%mul3A_14] : memref<10240xf32, #tpu.memory_space<vmem_shared>> -> memref<640xf32, #tpu.memory_space<vmem_shared>>
      tpu.enqueue_dma source(%dma_start3A_20 : memref<640xf32, #tpu.memory_space<vmem_shared>>) target(%dma_start3A : memref<640xf32, #tpu.memory_space<hbm>>) target_semaphore(%run_scoped3A : memref<!tpu.dma_semaphore, #tpu.memory_space<semaphore_mem>>)
      %dma_wait3A = tpu.memref_slice %arg5[%add3A_19] : memref<20480xf32, #tpu.memory_space<hbm>> -> memref<640xf32, #tpu.memory_space<hbm>>
      %dma_wait3A_21 = tpu.memref_slice %arg6[%mul3A_14] : memref<10240xf32, #tpu.memory_space<vmem_shared>> -> memref<640xf32, #tpu.memory_space<vmem_shared>>
      tpu.wait_dma2 semaphore(%run_scoped3A : memref<!tpu.dma_semaphore, #tpu.memory_space<semaphore_mem>>) src(%dma_wait3A_21 : memref<640xf32, #tpu.memory_space<vmem_shared>>) dst(%dma_wait3A : memref<640xf32, #tpu.memory_space<hbm>>)
      tpu.yield
    }) : () -> ()
    return
  }
}

#map = affine_map<(d0, d1) -> (0, 0)>
#map1 = affine_map<(d0, d1) -> (0)>
#map2 = affine_map<(d0, d1) -> (0, 0, 0)>
module attributes {stable_mosaic.version = 14 : i64} {
  func.func @_sc_agg_body(%arg0: i32, %arg1: i32, %arg2: memref<10000x128xf32, #tpu.memory_space<hbm>>, %arg3: memref<327680xi32, #tpu.memory_space<hbm>>, %arg4: memref<327680xi32, #tpu.memory_space<hbm>>, %arg5: memref<10240x128xf32, #tpu.memory_space<hbm>>, %arg6: memref<2x10240x128xf32, #tpu.memory_space<hbm>>, %arg7: memref<10240x128xf32, #tpu.memory_space<vmem_shared>>, %arg8: memref<128xi32, #tpu.memory_space<vmem>>, %arg9: memref<128xi32, #tpu.memory_space<vmem>>, %arg10: memref<128xi32, #tpu.memory_space<vmem>>, %arg11: memref<128xi32, #tpu.memory_space<vmem>>, %arg12: memref<128x128xf32, #tpu.memory_space<vmem>>, %arg13: memref<128x128xf32, #tpu.memory_space<vmem>>, %arg14: memref<!tpu.dma_semaphore, #tpu.memory_space<semaphore_mem>>, %arg15: memref<!tpu.dma_semaphore, #tpu.memory_space<semaphore_mem>>, %arg16: memref<!tpu.dma_semaphore, #tpu.memory_space<semaphore_mem>>, %arg17: memref<!tpu.dma_semaphore, #tpu.memory_space<semaphore_mem>>, %arg18: memref<!tpu.dma_semaphore, #tpu.memory_space<semaphore_mem>>, %arg19: memref<!tpu.dma_semaphore, #tpu.memory_space<semaphore_mem>>) attributes {dimension_semantics = [#tpu.dimension_semantics<core_parallel>, #tpu.dimension_semantics<subcore_parallel>], iteration_bounds = array<i64: 2, 16>, scalar_prefetch = 0 : i64, scratch_operands = 13 : i64, tpu.core_type = #tpu.core_type<sc_vector_subcore>, window_params = [{transform_indices = #map}, {transform_indices = #map1}, {transform_indices = #map1}, {transform_indices = #map}, {transform_indices = #map2}]} {
    %mul3A = arith.constant 640 : i32
    %mul3A_0 = arith.muli %arg1, %mul3A : i32
    %mul3A_1 = arith.constant 640 : i32
    %mul3A_2 = arith.muli %arg1, %mul3A_1 : i32
    "tpu.region"() ({
      %run_scoped3A = tpu.sem_alloc : memref<!tpu.dma_semaphore, #tpu.memory_space<semaphore_mem>>
      %dma_start3A_107 = arith.constant 0 : i32
      %dma_start3A_108 = tpu.memref_slice %arg7[%mul3A_2, %dma_start3A_107] : memref<10240x128xf32, #tpu.memory_space<vmem_shared>> -> memref<640x128xf32, #tpu.memory_space<vmem_shared>>
      %dma_start3A_109 = arith.constant 0 : i32
      %dma_start3A_110 = tpu.memref_slice %arg5[%mul3A_0, %dma_start3A_109] : memref<10240x128xf32, #tpu.memory_space<hbm>> -> memref<640x128xf32, #tpu.memory_space<hbm>>
      tpu.enqueue_dma source(%dma_start3A_110 : memref<640x128xf32, #tpu.memory_space<hbm>>) target(%dma_start3A_108 : memref<640x128xf32, #tpu.memory_space<vmem_shared>>) target_semaphore(%run_scoped3A : memref<!tpu.dma_semaphore, #tpu.memory_space<semaphore_mem>>)
      %dma_wait3A_111 = arith.constant 0 : i32
      %dma_wait3A_112 = tpu.memref_slice %arg7[%mul3A_2, %dma_wait3A_111] : memref<10240x128xf32, #tpu.memory_space<vmem_shared>> -> memref<640x128xf32, #tpu.memory_space<vmem_shared>>
      %dma_wait3A_113 = arith.constant 0 : i32
      %dma_wait3A_114 = tpu.memref_slice %arg5[%mul3A_0, %dma_wait3A_113] : memref<10240x128xf32, #tpu.memory_space<hbm>> -> memref<640x128xf32, #tpu.memory_space<hbm>>
      tpu.wait_dma2 semaphore(%run_scoped3A : memref<!tpu.dma_semaphore, #tpu.memory_space<semaphore_mem>>) src(%dma_wait3A_114 : memref<640x128xf32, #tpu.memory_space<hbm>>) dst(%dma_wait3A_112 : memref<640x128xf32, #tpu.memory_space<vmem_shared>>)
      tpu.yield
    }) : () -> ()
    %barrier3A = arith.constant 0 : index
    tpu.barrier barrier_id(%barrier3A)
    %eq3A = arith.constant 0 : i32
    %eq3A_3 = arith.cmpi eq, %arg0, %eq3A : i32
    %jit3A = arith.constant 158 : i32
    %jit3A_4 = arith.constant 2 : i32
    %select_n3A = arith.select %eq3A_3, %jit3A, %jit3A_4 : i32
    %eq3A_5 = arith.constant 0 : i32
    %eq3A_6 = arith.cmpi eq, %arg0, %eq3A_5 : i32
    %mul3A_7 = arith.constant 158 : i32
    %mul3A_8 = arith.muli %arg1, %mul3A_7 : i32
    %mul3A_9 = arith.constant 2 : i32
    %mul3A_10 = arith.muli %arg1, %mul3A_9 : i32
    %add3A = arith.constant 2528 : i32
    %add3A_11 = arith.addi %add3A, %mul3A_10 : i32
    %select_n3A_12 = arith.select %eq3A_6, %mul3A_8, %add3A_11 : i32
    %add3A_13 = arith.constant 0 : i32
    %add3A_14 = arith.addi %select_n3A_12, %add3A_13 : i32
    %mul3A_15 = arith.constant 128 : i32
    %mul3A_16 = arith.muli %add3A_14, %mul3A_15 : i32
    %dma_start3A = tpu.memref_slice %arg3[%mul3A_16] : memref<327680xi32, #tpu.memory_space<hbm>> -> memref<128xi32, #tpu.memory_space<hbm>>
    %dma_start3A_17 = tpu.memref_slice %arg3[%mul3A_16] : memref<327680xi32, #tpu.memory_space<hbm>> -> memref<128xi32, #tpu.memory_space<hbm>>
    tpu.enqueue_dma source(%dma_start3A_17 : memref<128xi32, #tpu.memory_space<hbm>>) target(%arg8 : memref<128xi32, #tpu.memory_space<vmem>>) target_semaphore(%arg16 : memref<!tpu.dma_semaphore, #tpu.memory_space<semaphore_mem>>)
    %mul3A_18 = arith.constant 128 : i32
    %mul3A_19 = arith.muli %add3A_14, %mul3A_18 : i32
    %dma_start3A_20 = tpu.memref_slice %arg4[%mul3A_19] : memref<327680xi32, #tpu.memory_space<hbm>> -> memref<128xi32, #tpu.memory_space<hbm>>
    %dma_start3A_21 = tpu.memref_slice %arg4[%mul3A_19] : memref<327680xi32, #tpu.memory_space<hbm>> -> memref<128xi32, #tpu.memory_space<hbm>>
    tpu.enqueue_dma source(%dma_start3A_21 : memref<128xi32, #tpu.memory_space<hbm>>) target(%arg10 : memref<128xi32, #tpu.memory_space<vmem>>) target_semaphore(%arg18 : memref<!tpu.dma_semaphore, #tpu.memory_space<semaphore_mem>>)
    %add3A_22 = arith.constant 1 : i32
    %add3A_23 = arith.addi %select_n3A_12, %add3A_22 : i32
    %mul3A_24 = arith.constant 128 : i32
    %mul3A_25 = arith.muli %add3A_23, %mul3A_24 : i32
    %dma_start3A_26 = tpu.memref_slice %arg3[%mul3A_25] : memref<327680xi32, #tpu.memory_space<hbm>> -> memref<128xi32, #tpu.memory_space<hbm>>
    %dma_start3A_27 = tpu.memref_slice %arg3[%mul3A_25] : memref<327680xi32, #tpu.memory_space<hbm>> -> memref<128xi32, #tpu.memory_space<hbm>>
    tpu.enqueue_dma source(%dma_start3A_27 : memref<128xi32, #tpu.memory_space<hbm>>) target(%arg9 : memref<128xi32, #tpu.memory_space<vmem>>) target_semaphore(%arg17 : memref<!tpu.dma_semaphore, #tpu.memory_space<semaphore_mem>>)
    %mul3A_28 = arith.constant 128 : i32
    %mul3A_29 = arith.muli %add3A_23, %mul3A_28 : i32
    %dma_start3A_30 = tpu.memref_slice %arg4[%mul3A_29] : memref<327680xi32, #tpu.memory_space<hbm>> -> memref<128xi32, #tpu.memory_space<hbm>>
    %dma_start3A_31 = tpu.memref_slice %arg4[%mul3A_29] : memref<327680xi32, #tpu.memory_space<hbm>> -> memref<128xi32, #tpu.memory_space<hbm>>
    tpu.enqueue_dma source(%dma_start3A_31 : memref<128xi32, #tpu.memory_space<hbm>>) target(%arg11 : memref<128xi32, #tpu.memory_space<vmem>>) target_semaphore(%arg19 : memref<!tpu.dma_semaphore, #tpu.memory_space<semaphore_mem>>)
    %add3A_32 = arith.constant 0 : i32
    %add3A_33 = arith.addi %select_n3A_12, %add3A_32 : i32
    %mul3A_34 = arith.constant 128 : i32
    %mul3A_35 = arith.muli %add3A_33, %mul3A_34 : i32
    %dma_wait3A = tpu.memref_slice %arg3[%mul3A_35] : memref<327680xi32, #tpu.memory_space<hbm>> -> memref<128xi32, #tpu.memory_space<hbm>>
    %dma_wait3A_36 = tpu.memref_slice %arg3[%mul3A_35] : memref<327680xi32, #tpu.memory_space<hbm>> -> memref<128xi32, #tpu.memory_space<hbm>>
    tpu.wait_dma2 semaphore(%arg16 : memref<!tpu.dma_semaphore, #tpu.memory_space<semaphore_mem>>) src(%dma_wait3A_36 : memref<128xi32, #tpu.memory_space<hbm>>) dst(%arg8 : memref<128xi32, #tpu.memory_space<vmem>>)
    %dma_start3A_37 = arith.constant 0 : i32
    %dma_start3A_38 = arith.constant 0 : i32
    %dma_start3A_39 = tpu.memref_slice %arg2[%dma_start3A_37, %dma_start3A_38] : memref<10000x128xf32, #tpu.memory_space<hbm>> -> memref<10000x128xf32, #tpu.memory_space<hbm>>
    tpu.enqueue_indirect_dma source(%dma_start3A_39 : memref<10000x128xf32, #tpu.memory_space<hbm>>) target(%arg12 : memref<128x128xf32, #tpu.memory_space<vmem>>) offsets(%arg8 : memref<128xi32, #tpu.memory_space<vmem>>) semaphore(%arg14 : memref<!tpu.dma_semaphore, #tpu.memory_space<semaphore_mem>>)
    %add3A_40 = arith.constant 1 : i32
    %add3A_41 = arith.addi %select_n3A_12, %add3A_40 : i32
    %mul3A_42 = arith.constant 128 : i32
    %mul3A_43 = arith.muli %add3A_41, %mul3A_42 : i32
    %dma_wait3A_44 = tpu.memref_slice %arg3[%mul3A_43] : memref<327680xi32, #tpu.memory_space<hbm>> -> memref<128xi32, #tpu.memory_space<hbm>>
    %dma_wait3A_45 = tpu.memref_slice %arg3[%mul3A_43] : memref<327680xi32, #tpu.memory_space<hbm>> -> memref<128xi32, #tpu.memory_space<hbm>>
    tpu.wait_dma2 semaphore(%arg17 : memref<!tpu.dma_semaphore, #tpu.memory_space<semaphore_mem>>) src(%dma_wait3A_45 : memref<128xi32, #tpu.memory_space<hbm>>) dst(%arg9 : memref<128xi32, #tpu.memory_space<vmem>>)
    %dma_start3A_46 = arith.constant 0 : i32
    %dma_start3A_47 = arith.constant 0 : i32
    %dma_start3A_48 = tpu.memref_slice %arg2[%dma_start3A_46, %dma_start3A_47] : memref<10000x128xf32, #tpu.memory_space<hbm>> -> memref<10000x128xf32, #tpu.memory_space<hbm>>
    tpu.enqueue_indirect_dma source(%dma_start3A_48 : memref<10000x128xf32, #tpu.memory_space<hbm>>) target(%arg13 : memref<128x128xf32, #tpu.memory_space<vmem>>) offsets(%arg9 : memref<128xi32, #tpu.memory_space<vmem>>) semaphore(%arg15 : memref<!tpu.dma_semaphore, #tpu.memory_space<semaphore_mem>>)
    %sub3A = arith.constant 2 : i32
    %sub3A_49 = arith.subi %select_n3A, %sub3A : i32
    %jit3A_50 = arith.constant 2 : i32
    %div3A = arith.divsi %sub3A_49, %jit3A_50 : i32
    %sign3A = arith.constant 0 : i32
    %sign3A_51 = arith.cmpi sgt, %sub3A_49, %sign3A : i32
    %sign3A_52 = arith.extui %sign3A_51 : i1 to i32
    %sign3A_53 = arith.constant 0 : i32
    %sign3A_54 = arith.cmpi slt, %sub3A_49, %sign3A_53 : i32
    %sign3A_55 = arith.extui %sign3A_54 : i1 to i32
    %sign3A_56 = arith.subi %sign3A_52, %sign3A_55 : i32
    %sign3A_57 = arith.constant 0 : i32
    %sign3A_58 = arith.cmpi sgt, %jit3A_50, %sign3A_57 : i32
    %sign3A_59 = arith.extui %sign3A_58 : i1 to i32
    %sign3A_60 = arith.constant 0 : i32
    %sign3A_61 = arith.cmpi slt, %jit3A_50, %sign3A_60 : i32
    %sign3A_62 = arith.extui %sign3A_61 : i1 to i32
    %sign3A_63 = arith.subi %sign3A_59, %sign3A_62 : i32
    %ne3A = arith.cmpi ne, %sign3A_56, %sign3A_63 : i32
    %rem3A = arith.remsi %sub3A_49, %jit3A_50 : i32
    %ne3A_64 = arith.constant 0 : i32
    %ne3A_65 = arith.cmpi ne, %rem3A, %ne3A_64 : i32
    %and3A = arith.andi %ne3A, %ne3A_65 : i1
    %sub3A_66 = arith.constant 1 : i32
    %sub3A_67 = arith.subi %div3A, %sub3A_66 : i32
    %select_n3A_68 = arith.select %and3A, %sub3A_67, %div3A : i32
    %while3A = arith.constant 0 : i32
    %while3A_69 = arith.constant 0 : i32
    %while3A_70 = arith.subi %select_n3A_68, %while3A_69 : i32
    %while3A_71 = arith.addi %while3A_69, %while3A_70 : i32
    %while3A_72 = arith.constant 1 : i32
    %while3A_73 = arith.divsi %while3A_70, %while3A_72 : i32
    %while3A_74 = arith.muli %while3A_73, %while3A_72 : i32
    %while3A_75 = arith.addi %while3A_69, %while3A_74 : i32
    %while3A_76 = arith.constant 1 : i32
    scf.for %while3A_107 = %while3A_69 to %while3A_75 step %while3A_76  : i32 {
      %mul3A_108 = arith.constant 2 : i32
      %mul3A_109 = arith.muli %while3A_107, %mul3A_108 : i32
      %add3A_110 = arith.addi %select_n3A_12, %mul3A_109 : i32
      %add3A_111 = arith.constant 0 : i32
      %add3A_112 = arith.addi %add3A_110, %add3A_111 : i32
      %dma_wait3A_113 = arith.constant 0 : i32
      %dma_wait3A_114 = arith.constant 0 : i32
      %dma_wait3A_115 = tpu.memref_slice %arg2[%dma_wait3A_113, %dma_wait3A_114] : memref<10000x128xf32, #tpu.memory_space<hbm>> -> memref<10000x128xf32, #tpu.memory_space<hbm>>
      tpu.wait_indirect_dma semaphore(%arg14 : memref<!tpu.dma_semaphore, #tpu.memory_space<semaphore_mem>>) src(%dma_wait3A_115 : memref<10000x128xf32, #tpu.memory_space<hbm>>) dst(%arg12 : memref<128x128xf32, #tpu.memory_space<vmem>>)
      %add3A_116 = arith.constant 2 : i32
      %add3A_117 = arith.addi %add3A_112, %add3A_116 : i32
      %mul3A_118 = arith.constant 128 : i32
      %mul3A_119 = arith.muli %add3A_117, %mul3A_118 : i32
      %dma_start3A_120 = tpu.memref_slice %arg3[%mul3A_119] : memref<327680xi32, #tpu.memory_space<hbm>> -> memref<128xi32, #tpu.memory_space<hbm>>
      %dma_start3A_121 = tpu.memref_slice %arg3[%mul3A_119] : memref<327680xi32, #tpu.memory_space<hbm>> -> memref<128xi32, #tpu.memory_space<hbm>>
      tpu.enqueue_dma source(%dma_start3A_121 : memref<128xi32, #tpu.memory_space<hbm>>) target(%arg8 : memref<128xi32, #tpu.memory_space<vmem>>) target_semaphore(%arg16 : memref<!tpu.dma_semaphore, #tpu.memory_space<semaphore_mem>>)
      %mul3A_122 = arith.constant 128 : i32
      %mul3A_123 = arith.muli %add3A_112, %mul3A_122 : i32
      %dma_wait3A_124 = tpu.memref_slice %arg4[%mul3A_123] : memref<327680xi32, #tpu.memory_space<hbm>> -> memref<128xi32, #tpu.memory_space<hbm>>
      %dma_wait3A_125 = tpu.memref_slice %arg4[%mul3A_123] : memref<327680xi32, #tpu.memory_space<hbm>> -> memref<128xi32, #tpu.memory_space<hbm>>
      tpu.wait_dma2 semaphore(%arg18 : memref<!tpu.dma_semaphore, #tpu.memory_space<semaphore_mem>>) src(%dma_wait3A_125 : memref<128xi32, #tpu.memory_space<hbm>>) dst(%arg10 : memref<128xi32, #tpu.memory_space<vmem>>)
      "tpu.region"() ({
        %run_scoped3A = tpu.sem_alloc : memref<!tpu.dma_semaphore, #tpu.memory_space<semaphore_mem>>
        %dma_start3A_174 = arith.constant 0 : i32
        %dma_start3A_175 = arith.constant 0 : i32
        %dma_start3A_176 = tpu.memref_slice %arg7[%dma_start3A_174, %dma_start3A_175] : memref<10240x128xf32, #tpu.memory_space<vmem_shared>> -> memref<10240x128xf32, #tpu.memory_space<vmem_shared>>
        tpu.enqueue_indirect_dma source(%arg12 : memref<128x128xf32, #tpu.memory_space<vmem>>) target(%dma_start3A_176 : memref<10240x128xf32, #tpu.memory_space<vmem_shared>>) offsets(%arg10 : memref<128xi32, #tpu.memory_space<vmem>>) semaphore(%run_scoped3A : memref<!tpu.dma_semaphore, #tpu.memory_space<semaphore_mem>>) {add = true}
        %dma_wait3A_177 = arith.constant 0 : i32
        %dma_wait3A_178 = arith.constant 0 : i32
        %dma_wait3A_179 = tpu.memref_slice %arg7[%dma_wait3A_177, %dma_wait3A_178] : memref<10240x128xf32, #tpu.memory_space<vmem_shared>> -> memref<10240x128xf32, #tpu.memory_space<vmem_shared>>
        tpu.wait_indirect_dma semaphore(%run_scoped3A : memref<!tpu.dma_semaphore, #tpu.memory_space<semaphore_mem>>) src(%arg12 : memref<128x128xf32, #tpu.memory_space<vmem>>) dst(%dma_wait3A_179 : memref<10240x128xf32, #tpu.memory_space<vmem_shared>>)
        tpu.yield
      }) : () -> ()
      %add3A_126 = arith.constant 2 : i32
      %add3A_127 = arith.addi %add3A_112, %add3A_126 : i32
      %mul3A_128 = arith.constant 128 : i32
      %mul3A_129 = arith.muli %add3A_127, %mul3A_128 : i32
      %dma_start3A_130 = tpu.memref_slice %arg4[%mul3A_129] : memref<327680xi32, #tpu.memory_space<hbm>> -> memref<128xi32, #tpu.memory_space<hbm>>
      %dma_start3A_131 = tpu.memref_slice %arg4[%mul3A_129] : memref<327680xi32, #tpu.memory_space<hbm>> -> memref<128xi32, #tpu.memory_space<hbm>>
      tpu.enqueue_dma source(%dma_start3A_131 : memref<128xi32, #tpu.memory_space<hbm>>) target(%arg10 : memref<128xi32, #tpu.memory_space<vmem>>) target_semaphore(%arg18 : memref<!tpu.dma_semaphore, #tpu.memory_space<semaphore_mem>>)
      %add3A_132 = arith.constant 2 : i32
      %add3A_133 = arith.addi %add3A_112, %add3A_132 : i32
      %mul3A_134 = arith.constant 128 : i32
      %mul3A_135 = arith.muli %add3A_133, %mul3A_134 : i32
      %dma_wait3A_136 = tpu.memref_slice %arg3[%mul3A_135] : memref<327680xi32, #tpu.memory_space<hbm>> -> memref<128xi32, #tpu.memory_space<hbm>>
      %dma_wait3A_137 = tpu.memref_slice %arg3[%mul3A_135] : memref<327680xi32, #tpu.memory_space<hbm>> -> memref<128xi32, #tpu.memory_space<hbm>>
      tpu.wait_dma2 semaphore(%arg16 : memref<!tpu.dma_semaphore, #tpu.memory_space<semaphore_mem>>) src(%dma_wait3A_137 : memref<128xi32, #tpu.memory_space<hbm>>) dst(%arg8 : memref<128xi32, #tpu.memory_space<vmem>>)
      %dma_start3A_138 = arith.constant 0 : i32
      %dma_start3A_139 = arith.constant 0 : i32
      %dma_start3A_140 = tpu.memref_slice %arg2[%dma_start3A_138, %dma_start3A_139] : memref<10000x128xf32, #tpu.memory_space<hbm>> -> memref<10000x128xf32, #tpu.memory_space<hbm>>
      tpu.enqueue_indirect_dma source(%dma_start3A_140 : memref<10000x128xf32, #tpu.memory_space<hbm>>) target(%arg12 : memref<128x128xf32, #tpu.memory_space<vmem>>) offsets(%arg8 : memref<128xi32, #tpu.memory_space<vmem>>) semaphore(%arg14 : memref<!tpu.dma_semaphore, #tpu.memory_space<semaphore_mem>>)
      %mul3A_141 = arith.constant 2 : i32
      %mul3A_142 = arith.muli %while3A_107, %mul3A_141 : i32
      %add3A_143 = arith.addi %select_n3A_12, %mul3A_142 : i32
      %add3A_144 = arith.constant 1 : i32
      %add3A_145 = arith.addi %add3A_143, %add3A_144 : i32
      %dma_wait3A_146 = arith.constant 0 : i32
      %dma_wait3A_147 = arith.constant 0 : i32
      %dma_wait3A_148 = tpu.memref_slice %arg2[%dma_wait3A_146, %dma_wait3A_147] : memref<10000x128xf32, #tpu.memory_space<hbm>> -> memref<10000x128xf32, #tpu.memory_space<hbm>>
      tpu.wait_indirect_dma semaphore(%arg15 : memref<!tpu.dma_semaphore, #tpu.memory_space<semaphore_mem>>) src(%dma_wait3A_148 : memref<10000x128xf32, #tpu.memory_space<hbm>>) dst(%arg13 : memref<128x128xf32, #tpu.memory_space<vmem>>)
      %add3A_149 = arith.constant 2 : i32
      %add3A_150 = arith.addi %add3A_145, %add3A_149 : i32
      %mul3A_151 = arith.constant 128 : i32
      %mul3A_152 = arith.muli %add3A_150, %mul3A_151 : i32
      %dma_start3A_153 = tpu.memref_slice %arg3[%mul3A_152] : memref<327680xi32, #tpu.memory_space<hbm>> -> memref<128xi32, #tpu.memory_space<hbm>>
      %dma_start3A_154 = tpu.memref_slice %arg3[%mul3A_152] : memref<327680xi32, #tpu.memory_space<hbm>> -> memref<128xi32, #tpu.memory_space<hbm>>
      tpu.enqueue_dma source(%dma_start3A_154 : memref<128xi32, #tpu.memory_space<hbm>>) target(%arg9 : memref<128xi32, #tpu.memory_space<vmem>>) target_semaphore(%arg17 : memref<!tpu.dma_semaphore, #tpu.memory_space<semaphore_mem>>)
      %mul3A_155 = arith.constant 128 : i32
      %mul3A_156 = arith.muli %add3A_145, %mul3A_155 : i32
      %dma_wait3A_157 = tpu.memref_slice %arg4[%mul3A_156] : memref<327680xi32, #tpu.memory_space<hbm>> -> memref<128xi32, #tpu.memory_space<hbm>>
      %dma_wait3A_158 = tpu.memref_slice %arg4[%mul3A_156] : memref<327680xi32, #tpu.memory_space<hbm>> -> memref<128xi32, #tpu.memory_space<hbm>>
      tpu.wait_dma2 semaphore(%arg19 : memref<!tpu.dma_semaphore, #tpu.memory_space<semaphore_mem>>) src(%dma_wait3A_158 : memref<128xi32, #tpu.memory_space<hbm>>) dst(%arg11 : memref<128xi32, #tpu.memory_space<vmem>>)
      "tpu.region"() ({
        %run_scoped3A = tpu.sem_alloc : memref<!tpu.dma_semaphore, #tpu.memory_space<semaphore_mem>>
        %dma_start3A_174 = arith.constant 0 : i32
        %dma_start3A_175 = arith.constant 0 : i32
        %dma_start3A_176 = tpu.memref_slice %arg7[%dma_start3A_174, %dma_start3A_175] : memref<10240x128xf32, #tpu.memory_space<vmem_shared>> -> memref<10240x128xf32, #tpu.memory_space<vmem_shared>>
        tpu.enqueue_indirect_dma source(%arg13 : memref<128x128xf32, #tpu.memory_space<vmem>>) target(%dma_start3A_176 : memref<10240x128xf32, #tpu.memory_space<vmem_shared>>) offsets(%arg11 : memref<128xi32, #tpu.memory_space<vmem>>) semaphore(%run_scoped3A : memref<!tpu.dma_semaphore, #tpu.memory_space<semaphore_mem>>) {add = true}
        %dma_wait3A_177 = arith.constant 0 : i32
        %dma_wait3A_178 = arith.constant 0 : i32
        %dma_wait3A_179 = tpu.memref_slice %arg7[%dma_wait3A_177, %dma_wait3A_178] : memref<10240x128xf32, #tpu.memory_space<vmem_shared>> -> memref<10240x128xf32, #tpu.memory_space<vmem_shared>>
        tpu.wait_indirect_dma semaphore(%run_scoped3A : memref<!tpu.dma_semaphore, #tpu.memory_space<semaphore_mem>>) src(%arg13 : memref<128x128xf32, #tpu.memory_space<vmem>>) dst(%dma_wait3A_179 : memref<10240x128xf32, #tpu.memory_space<vmem_shared>>)
        tpu.yield
      }) : () -> ()
      %add3A_159 = arith.constant 2 : i32
      %add3A_160 = arith.addi %add3A_145, %add3A_159 : i32
      %mul3A_161 = arith.constant 128 : i32
      %mul3A_162 = arith.muli %add3A_160, %mul3A_161 : i32
      %dma_start3A_163 = tpu.memref_slice %arg4[%mul3A_162] : memref<327680xi32, #tpu.memory_space<hbm>> -> memref<128xi32, #tpu.memory_space<hbm>>
      %dma_start3A_164 = tpu.memref_slice %arg4[%mul3A_162] : memref<327680xi32, #tpu.memory_space<hbm>> -> memref<128xi32, #tpu.memory_space<hbm>>
      tpu.enqueue_dma source(%dma_start3A_164 : memref<128xi32, #tpu.memory_space<hbm>>) target(%arg11 : memref<128xi32, #tpu.memory_space<vmem>>) target_semaphore(%arg19 : memref<!tpu.dma_semaphore, #tpu.memory_space<semaphore_mem>>)
      %add3A_165 = arith.constant 2 : i32
      %add3A_166 = arith.addi %add3A_145, %add3A_165 : i32
      %mul3A_167 = arith.constant 128 : i32
      %mul3A_168 = arith.muli %add3A_166, %mul3A_167 : i32
      %dma_wait3A_169 = tpu.memref_slice %arg3[%mul3A_168] : memref<327680xi32, #tpu.memory_space<hbm>> -> memref<128xi32, #tpu.memory_space<hbm>>
      %dma_wait3A_170 = tpu.memref_slice %arg3[%mul3A_168] : memref<327680xi32, #tpu.memory_space<hbm>> -> memref<128xi32, #tpu.memory_space<hbm>>
      tpu.wait_dma2 semaphore(%arg17 : memref<!tpu.dma_semaphore, #tpu.memory_space<semaphore_mem>>) src(%dma_wait3A_170 : memref<128xi32, #tpu.memory_space<hbm>>) dst(%arg9 : memref<128xi32, #tpu.memory_space<vmem>>)
      %dma_start3A_171 = arith.constant 0 : i32
      %dma_start3A_172 = arith.constant 0 : i32
      %dma_start3A_173 = tpu.memref_slice %arg2[%dma_start3A_171, %dma_start3A_172] : memref<10000x128xf32, #tpu.memory_space<hbm>> -> memref<10000x128xf32, #tpu.memory_space<hbm>>
      tpu.enqueue_indirect_dma source(%dma_start3A_173 : memref<10000x128xf32, #tpu.memory_space<hbm>>) target(%arg13 : memref<128x128xf32, #tpu.memory_space<vmem>>) offsets(%arg9 : memref<128xi32, #tpu.memory_space<vmem>>) semaphore(%arg15 : memref<!tpu.dma_semaphore, #tpu.memory_space<semaphore_mem>>)
    }
    %while3A_77 = arith.constant 1 : i32
    scf.for %while3A_107 = %while3A_75 to %while3A_71 step %while3A_77  : i32 {
      %mul3A_108 = arith.constant 2 : i32
      %mul3A_109 = arith.muli %while3A_107, %mul3A_108 : i32
      %add3A_110 = arith.addi %select_n3A_12, %mul3A_109 : i32
      %add3A_111 = arith.constant 0 : i32
      %add3A_112 = arith.addi %add3A_110, %add3A_111 : i32
      %dma_wait3A_113 = arith.constant 0 : i32
      %dma_wait3A_114 = arith.constant 0 : i32
      %dma_wait3A_115 = tpu.memref_slice %arg2[%dma_wait3A_113, %dma_wait3A_114] : memref<10000x128xf32, #tpu.memory_space<hbm>> -> memref<10000x128xf32, #tpu.memory_space<hbm>>
      tpu.wait_indirect_dma semaphore(%arg14 : memref<!tpu.dma_semaphore, #tpu.memory_space<semaphore_mem>>) src(%dma_wait3A_115 : memref<10000x128xf32, #tpu.memory_space<hbm>>) dst(%arg12 : memref<128x128xf32, #tpu.memory_space<vmem>>)
      %add3A_116 = arith.constant 2 : i32
      %add3A_117 = arith.addi %add3A_112, %add3A_116 : i32
      %mul3A_118 = arith.constant 128 : i32
      %mul3A_119 = arith.muli %add3A_117, %mul3A_118 : i32
      %dma_start3A_120 = tpu.memref_slice %arg3[%mul3A_119] : memref<327680xi32, #tpu.memory_space<hbm>> -> memref<128xi32, #tpu.memory_space<hbm>>
      %dma_start3A_121 = tpu.memref_slice %arg3[%mul3A_119] : memref<327680xi32, #tpu.memory_space<hbm>> -> memref<128xi32, #tpu.memory_space<hbm>>
      tpu.enqueue_dma source(%dma_start3A_121 : memref<128xi32, #tpu.memory_space<hbm>>) target(%arg8 : memref<128xi32, #tpu.memory_space<vmem>>) target_semaphore(%arg16 : memref<!tpu.dma_semaphore, #tpu.memory_space<semaphore_mem>>)
      %mul3A_122 = arith.constant 128 : i32
      %mul3A_123 = arith.muli %add3A_112, %mul3A_122 : i32
      %dma_wait3A_124 = tpu.memref_slice %arg4[%mul3A_123] : memref<327680xi32, #tpu.memory_space<hbm>> -> memref<128xi32, #tpu.memory_space<hbm>>
      %dma_wait3A_125 = tpu.memref_slice %arg4[%mul3A_123] : memref<327680xi32, #tpu.memory_space<hbm>> -> memref<128xi32, #tpu.memory_space<hbm>>
      tpu.wait_dma2 semaphore(%arg18 : memref<!tpu.dma_semaphore, #tpu.memory_space<semaphore_mem>>) src(%dma_wait3A_125 : memref<128xi32, #tpu.memory_space<hbm>>) dst(%arg10 : memref<128xi32, #tpu.memory_space<vmem>>)
      "tpu.region"() ({
        %run_scoped3A = tpu.sem_alloc : memref<!tpu.dma_semaphore, #tpu.memory_space<semaphore_mem>>
        %dma_start3A_174 = arith.constant 0 : i32
        %dma_start3A_175 = arith.constant 0 : i32
        %dma_start3A_176 = tpu.memref_slice %arg7[%dma_start3A_174, %dma_start3A_175] : memref<10240x128xf32, #tpu.memory_space<vmem_shared>> -> memref<10240x128xf32, #tpu.memory_space<vmem_shared>>
        tpu.enqueue_indirect_dma source(%arg12 : memref<128x128xf32, #tpu.memory_space<vmem>>) target(%dma_start3A_176 : memref<10240x128xf32, #tpu.memory_space<vmem_shared>>) offsets(%arg10 : memref<128xi32, #tpu.memory_space<vmem>>) semaphore(%run_scoped3A : memref<!tpu.dma_semaphore, #tpu.memory_space<semaphore_mem>>) {add = true}
        %dma_wait3A_177 = arith.constant 0 : i32
        %dma_wait3A_178 = arith.constant 0 : i32
        %dma_wait3A_179 = tpu.memref_slice %arg7[%dma_wait3A_177, %dma_wait3A_178] : memref<10240x128xf32, #tpu.memory_space<vmem_shared>> -> memref<10240x128xf32, #tpu.memory_space<vmem_shared>>
        tpu.wait_indirect_dma semaphore(%run_scoped3A : memref<!tpu.dma_semaphore, #tpu.memory_space<semaphore_mem>>) src(%arg12 : memref<128x128xf32, #tpu.memory_space<vmem>>) dst(%dma_wait3A_179 : memref<10240x128xf32, #tpu.memory_space<vmem_shared>>)
        tpu.yield
      }) : () -> ()
      %add3A_126 = arith.constant 2 : i32
      %add3A_127 = arith.addi %add3A_112, %add3A_126 : i32
      %mul3A_128 = arith.constant 128 : i32
      %mul3A_129 = arith.muli %add3A_127, %mul3A_128 : i32
      %dma_start3A_130 = tpu.memref_slice %arg4[%mul3A_129] : memref<327680xi32, #tpu.memory_space<hbm>> -> memref<128xi32, #tpu.memory_space<hbm>>
      %dma_start3A_131 = tpu.memref_slice %arg4[%mul3A_129] : memref<327680xi32, #tpu.memory_space<hbm>> -> memref<128xi32, #tpu.memory_space<hbm>>
      tpu.enqueue_dma source(%dma_start3A_131 : memref<128xi32, #tpu.memory_space<hbm>>) target(%arg10 : memref<128xi32, #tpu.memory_space<vmem>>) target_semaphore(%arg18 : memref<!tpu.dma_semaphore, #tpu.memory_space<semaphore_mem>>)
      %add3A_132 = arith.constant 2 : i32
      %add3A_133 = arith.addi %add3A_112, %add3A_132 : i32
      %mul3A_134 = arith.constant 128 : i32
      %mul3A_135 = arith.muli %add3A_133, %mul3A_134 : i32
      %dma_wait3A_136 = tpu.memref_slice %arg3[%mul3A_135] : memref<327680xi32, #tpu.memory_space<hbm>> -> memref<128xi32, #tpu.memory_space<hbm>>
      %dma_wait3A_137 = tpu.memref_slice %arg3[%mul3A_135] : memref<327680xi32, #tpu.memory_space<hbm>> -> memref<128xi32, #tpu.memory_space<hbm>>
      tpu.wait_dma2 semaphore(%arg16 : memref<!tpu.dma_semaphore, #tpu.memory_space<semaphore_mem>>) src(%dma_wait3A_137 : memref<128xi32, #tpu.memory_space<hbm>>) dst(%arg8 : memref<128xi32, #tpu.memory_space<vmem>>)
      %dma_start3A_138 = arith.constant 0 : i32
      %dma_start3A_139 = arith.constant 0 : i32
      %dma_start3A_140 = tpu.memref_slice %arg2[%dma_start3A_138, %dma_start3A_139] : memref<10000x128xf32, #tpu.memory_space<hbm>> -> memref<10000x128xf32, #tpu.memory_space<hbm>>
      tpu.enqueue_indirect_dma source(%dma_start3A_140 : memref<10000x128xf32, #tpu.memory_space<hbm>>) target(%arg12 : memref<128x128xf32, #tpu.memory_space<vmem>>) offsets(%arg8 : memref<128xi32, #tpu.memory_space<vmem>>) semaphore(%arg14 : memref<!tpu.dma_semaphore, #tpu.memory_space<semaphore_mem>>)
      %mul3A_141 = arith.constant 2 : i32
      %mul3A_142 = arith.muli %while3A_107, %mul3A_141 : i32
      %add3A_143 = arith.addi %select_n3A_12, %mul3A_142 : i32
      %add3A_144 = arith.constant 1 : i32
      %add3A_145 = arith.addi %add3A_143, %add3A_144 : i32
      %dma_wait3A_146 = arith.constant 0 : i32
      %dma_wait3A_147 = arith.constant 0 : i32
      %dma_wait3A_148 = tpu.memref_slice %arg2[%dma_wait3A_146, %dma_wait3A_147] : memref<10000x128xf32, #tpu.memory_space<hbm>> -> memref<10000x128xf32, #tpu.memory_space<hbm>>
      tpu.wait_indirect_dma semaphore(%arg15 : memref<!tpu.dma_semaphore, #tpu.memory_space<semaphore_mem>>) src(%dma_wait3A_148 : memref<10000x128xf32, #tpu.memory_space<hbm>>) dst(%arg13 : memref<128x128xf32, #tpu.memory_space<vmem>>)
      %add3A_149 = arith.constant 2 : i32
      %add3A_150 = arith.addi %add3A_145, %add3A_149 : i32
      %mul3A_151 = arith.constant 128 : i32
      %mul3A_152 = arith.muli %add3A_150, %mul3A_151 : i32
      %dma_start3A_153 = tpu.memref_slice %arg3[%mul3A_152] : memref<327680xi32, #tpu.memory_space<hbm>> -> memref<128xi32, #tpu.memory_space<hbm>>
      %dma_start3A_154 = tpu.memref_slice %arg3[%mul3A_152] : memref<327680xi32, #tpu.memory_space<hbm>> -> memref<128xi32, #tpu.memory_space<hbm>>
      tpu.enqueue_dma source(%dma_start3A_154 : memref<128xi32, #tpu.memory_space<hbm>>) target(%arg9 : memref<128xi32, #tpu.memory_space<vmem>>) target_semaphore(%arg17 : memref<!tpu.dma_semaphore, #tpu.memory_space<semaphore_mem>>)
      %mul3A_155 = arith.constant 128 : i32
      %mul3A_156 = arith.muli %add3A_145, %mul3A_155 : i32
      %dma_wait3A_157 = tpu.memref_slice %arg4[%mul3A_156] : memref<327680xi32, #tpu.memory_space<hbm>> -> memref<128xi32, #tpu.memory_space<hbm>>
      %dma_wait3A_158 = tpu.memref_slice %arg4[%mul3A_156] : memref<327680xi32, #tpu.memory_space<hbm>> -> memref<128xi32, #tpu.memory_space<hbm>>
      tpu.wait_dma2 semaphore(%arg19 : memref<!tpu.dma_semaphore, #tpu.memory_space<semaphore_mem>>) src(%dma_wait3A_158 : memref<128xi32, #tpu.memory_space<hbm>>) dst(%arg11 : memref<128xi32, #tpu.memory_space<vmem>>)
      "tpu.region"() ({
        %run_scoped3A = tpu.sem_alloc : memref<!tpu.dma_semaphore, #tpu.memory_space<semaphore_mem>>
        %dma_start3A_174 = arith.constant 0 : i32
        %dma_start3A_175 = arith.constant 0 : i32
        %dma_start3A_176 = tpu.memref_slice %arg7[%dma_start3A_174, %dma_start3A_175] : memref<10240x128xf32, #tpu.memory_space<vmem_shared>> -> memref<10240x128xf32, #tpu.memory_space<vmem_shared>>
        tpu.enqueue_indirect_dma source(%arg13 : memref<128x128xf32, #tpu.memory_space<vmem>>) target(%dma_start3A_176 : memref<10240x128xf32, #tpu.memory_space<vmem_shared>>) offsets(%arg11 : memref<128xi32, #tpu.memory_space<vmem>>) semaphore(%run_scoped3A : memref<!tpu.dma_semaphore, #tpu.memory_space<semaphore_mem>>) {add = true}
        %dma_wait3A_177 = arith.constant 0 : i32
        %dma_wait3A_178 = arith.constant 0 : i32
        %dma_wait3A_179 = tpu.memref_slice %arg7[%dma_wait3A_177, %dma_wait3A_178] : memref<10240x128xf32, #tpu.memory_space<vmem_shared>> -> memref<10240x128xf32, #tpu.memory_space<vmem_shared>>
        tpu.wait_indirect_dma semaphore(%run_scoped3A : memref<!tpu.dma_semaphore, #tpu.memory_space<semaphore_mem>>) src(%arg13 : memref<128x128xf32, #tpu.memory_space<vmem>>) dst(%dma_wait3A_179 : memref<10240x128xf32, #tpu.memory_space<vmem_shared>>)
        tpu.yield
      }) : () -> ()
      %add3A_159 = arith.constant 2 : i32
      %add3A_160 = arith.addi %add3A_145, %add3A_159 : i32
      %mul3A_161 = arith.constant 128 : i32
      %mul3A_162 = arith.muli %add3A_160, %mul3A_161 : i32
      %dma_start3A_163 = tpu.memref_slice %arg4[%mul3A_162] : memref<327680xi32, #tpu.memory_space<hbm>> -> memref<128xi32, #tpu.memory_space<hbm>>
      %dma_start3A_164 = tpu.memref_slice %arg4[%mul3A_162] : memref<327680xi32, #tpu.memory_space<hbm>> -> memref<128xi32, #tpu.memory_space<hbm>>
      tpu.enqueue_dma source(%dma_start3A_164 : memref<128xi32, #tpu.memory_space<hbm>>) target(%arg11 : memref<128xi32, #tpu.memory_space<vmem>>) target_semaphore(%arg19 : memref<!tpu.dma_semaphore, #tpu.memory_space<semaphore_mem>>)
      %add3A_165 = arith.constant 2 : i32
      %add3A_166 = arith.addi %add3A_145, %add3A_165 : i32
      %mul3A_167 = arith.constant 128 : i32
      %mul3A_168 = arith.muli %add3A_166, %mul3A_167 : i32
      %dma_wait3A_169 = tpu.memref_slice %arg3[%mul3A_168] : memref<327680xi32, #tpu.memory_space<hbm>> -> memref<128xi32, #tpu.memory_space<hbm>>
      %dma_wait3A_170 = tpu.memref_slice %arg3[%mul3A_168] : memref<327680xi32, #tpu.memory_space<hbm>> -> memref<128xi32, #tpu.memory_space<hbm>>
      tpu.wait_dma2 semaphore(%arg17 : memref<!tpu.dma_semaphore, #tpu.memory_space<semaphore_mem>>) src(%dma_wait3A_170 : memref<128xi32, #tpu.memory_space<hbm>>) dst(%arg9 : memref<128xi32, #tpu.memory_space<vmem>>)
      %dma_start3A_171 = arith.constant 0 : i32
      %dma_start3A_172 = arith.constant 0 : i32
      %dma_start3A_173 = tpu.memref_slice %arg2[%dma_start3A_171, %dma_start3A_172] : memref<10000x128xf32, #tpu.memory_space<hbm>> -> memref<10000x128xf32, #tpu.memory_space<hbm>>
      tpu.enqueue_indirect_dma source(%dma_start3A_173 : memref<10000x128xf32, #tpu.memory_space<hbm>>) target(%arg13 : memref<128x128xf32, #tpu.memory_space<vmem>>) offsets(%arg9 : memref<128xi32, #tpu.memory_space<vmem>>) semaphore(%arg15 : memref<!tpu.dma_semaphore, #tpu.memory_space<semaphore_mem>>)
    }
    %dma_wait3A_78 = arith.constant 0 : i32
    %dma_wait3A_79 = arith.constant 0 : i32
    %dma_wait3A_80 = tpu.memref_slice %arg2[%dma_wait3A_78, %dma_wait3A_79] : memref<10000x128xf32, #tpu.memory_space<hbm>> -> memref<10000x128xf32, #tpu.memory_space<hbm>>
    tpu.wait_indirect_dma semaphore(%arg14 : memref<!tpu.dma_semaphore, #tpu.memory_space<semaphore_mem>>) src(%dma_wait3A_80 : memref<10000x128xf32, #tpu.memory_space<hbm>>) dst(%arg12 : memref<128x128xf32, #tpu.memory_space<vmem>>)
    %add3A_81 = arith.addi %select_n3A_12, %select_n3A : i32
    %sub3A_82 = arith.constant 2 : i32
    %sub3A_83 = arith.subi %add3A_81, %sub3A_82 : i32
    %add3A_84 = arith.constant 0 : i32
    %add3A_85 = arith.addi %sub3A_83, %add3A_84 : i32
    %mul3A_86 = arith.constant 128 : i32
    %mul3A_87 = arith.muli %add3A_85, %mul3A_86 : i32
    %dma_wait3A_88 = tpu.memref_slice %arg4[%mul3A_87] : memref<327680xi32, #tpu.memory_space<hbm>> -> memref<128xi32, #tpu.memory_space<hbm>>
    %dma_wait3A_89 = tpu.memref_slice %arg4[%mul3A_87] : memref<327680xi32, #tpu.memory_space<hbm>> -> memref<128xi32, #tpu.memory_space<hbm>>
    tpu.wait_dma2 semaphore(%arg18 : memref<!tpu.dma_semaphore, #tpu.memory_space<semaphore_mem>>) src(%dma_wait3A_89 : memref<128xi32, #tpu.memory_space<hbm>>) dst(%arg10 : memref<128xi32, #tpu.memory_space<vmem>>)
    "tpu.region"() ({
      %run_scoped3A = tpu.sem_alloc : memref<!tpu.dma_semaphore, #tpu.memory_space<semaphore_mem>>
      %dma_start3A_107 = arith.constant 0 : i32
      %dma_start3A_108 = arith.constant 0 : i32
      %dma_start3A_109 = tpu.memref_slice %arg7[%dma_start3A_107, %dma_start3A_108] : memref<10240x128xf32, #tpu.memory_space<vmem_shared>> -> memref<10240x128xf32, #tpu.memory_space<vmem_shared>>
      tpu.enqueue_indirect_dma source(%arg12 : memref<128x128xf32, #tpu.memory_space<vmem>>) target(%dma_start3A_109 : memref<10240x128xf32, #tpu.memory_space<vmem_shared>>) offsets(%arg10 : memref<128xi32, #tpu.memory_space<vmem>>) semaphore(%run_scoped3A : memref<!tpu.dma_semaphore, #tpu.memory_space<semaphore_mem>>) {add = true}
      %dma_wait3A_110 = arith.constant 0 : i32
      %dma_wait3A_111 = arith.constant 0 : i32
      %dma_wait3A_112 = tpu.memref_slice %arg7[%dma_wait3A_110, %dma_wait3A_111] : memref<10240x128xf32, #tpu.memory_space<vmem_shared>> -> memref<10240x128xf32, #tpu.memory_space<vmem_shared>>
      tpu.wait_indirect_dma semaphore(%run_scoped3A : memref<!tpu.dma_semaphore, #tpu.memory_space<semaphore_mem>>) src(%arg12 : memref<128x128xf32, #tpu.memory_space<vmem>>) dst(%dma_wait3A_112 : memref<10240x128xf32, #tpu.memory_space<vmem_shared>>)
      tpu.yield
    }) : () -> ()
    %dma_wait3A_90 = arith.constant 0 : i32
    %dma_wait3A_91 = arith.constant 0 : i32
    %dma_wait3A_92 = tpu.memref_slice %arg2[%dma_wait3A_90, %dma_wait3A_91] : memref<10000x128xf32, #tpu.memory_space<hbm>> -> memref<10000x128xf32, #tpu.memory_space<hbm>>
    tpu.wait_indirect_dma semaphore(%arg15 : memref<!tpu.dma_semaphore, #tpu.memory_space<semaphore_mem>>) src(%dma_wait3A_92 : memref<10000x128xf32, #tpu.memory_space<hbm>>) dst(%arg13 : memref<128x128xf32, #tpu.memory_space<vmem>>)
    %add3A_93 = arith.addi %select_n3A_12, %select_n3A : i32
    %sub3A_94 = arith.constant 2 : i32
    %sub3A_95 = arith.subi %add3A_93, %sub3A_94 : i32
    %add3A_96 = arith.constant 1 : i32
    %add3A_97 = arith.addi %sub3A_95, %add3A_96 : i32
    %mul3A_98 = arith.constant 128 : i32
    %mul3A_99 = arith.muli %add3A_97, %mul3A_98 : i32
    %dma_wait3A_100 = tpu.memref_slice %arg4[%mul3A_99] : memref<327680xi32, #tpu.memory_space<hbm>> -> memref<128xi32, #tpu.memory_space<hbm>>
    %dma_wait3A_101 = tpu.memref_slice %arg4[%mul3A_99] : memref<327680xi32, #tpu.memory_space<hbm>> -> memref<128xi32, #tpu.memory_space<hbm>>
    tpu.wait_dma2 semaphore(%arg19 : memref<!tpu.dma_semaphore, #tpu.memory_space<semaphore_mem>>) src(%dma_wait3A_101 : memref<128xi32, #tpu.memory_space<hbm>>) dst(%arg11 : memref<128xi32, #tpu.memory_space<vmem>>)
    "tpu.region"() ({
      %run_scoped3A = tpu.sem_alloc : memref<!tpu.dma_semaphore, #tpu.memory_space<semaphore_mem>>
      %dma_start3A_107 = arith.constant 0 : i32
      %dma_start3A_108 = arith.constant 0 : i32
      %dma_start3A_109 = tpu.memref_slice %arg7[%dma_start3A_107, %dma_start3A_108] : memref<10240x128xf32, #tpu.memory_space<vmem_shared>> -> memref<10240x128xf32, #tpu.memory_space<vmem_shared>>
      tpu.enqueue_indirect_dma source(%arg13 : memref<128x128xf32, #tpu.memory_space<vmem>>) target(%dma_start3A_109 : memref<10240x128xf32, #tpu.memory_space<vmem_shared>>) offsets(%arg11 : memref<128xi32, #tpu.memory_space<vmem>>) semaphore(%run_scoped3A : memref<!tpu.dma_semaphore, #tpu.memory_space<semaphore_mem>>) {add = true}
      %dma_wait3A_110 = arith.constant 0 : i32
      %dma_wait3A_111 = arith.constant 0 : i32
      %dma_wait3A_112 = tpu.memref_slice %arg7[%dma_wait3A_110, %dma_wait3A_111] : memref<10240x128xf32, #tpu.memory_space<vmem_shared>> -> memref<10240x128xf32, #tpu.memory_space<vmem_shared>>
      tpu.wait_indirect_dma semaphore(%run_scoped3A : memref<!tpu.dma_semaphore, #tpu.memory_space<semaphore_mem>>) src(%arg13 : memref<128x128xf32, #tpu.memory_space<vmem>>) dst(%dma_wait3A_112 : memref<10240x128xf32, #tpu.memory_space<vmem_shared>>)
      tpu.yield
    }) : () -> ()
    %barrier3A_102 = arith.constant 0 : index
    tpu.barrier barrier_id(%barrier3A_102)
    %mul3A_103 = arith.constant 640 : i32
    %mul3A_104 = arith.muli %arg1, %mul3A_103 : i32
    %mul3A_105 = arith.constant 640 : i32
    %mul3A_106 = arith.muli %arg1, %mul3A_105 : i32
    "tpu.region"() ({
      %run_scoped3A = tpu.sem_alloc : memref<!tpu.dma_semaphore, #tpu.memory_space<semaphore_mem>>
      %dma_start3A_107 = arith.constant 0 : i32
      %dma_start3A_108 = tpu.memref_slice %arg6[%arg0, %mul3A_106, %dma_start3A_107] : memref<2x10240x128xf32, #tpu.memory_space<hbm>> -> memref<1x640x128xf32, #tpu.memory_space<hbm>>
      %dma_start3A_109 = tpu.memref_squeeze %dma_start3A_108 : memref<1x640x128xf32, #tpu.memory_space<hbm>> -> memref<640x128xf32, #tpu.memory_space<hbm>>
      %dma_start3A_110 = arith.constant 0 : i32
      %dma_start3A_111 = tpu.memref_slice %arg7[%mul3A_104, %dma_start3A_110] : memref<10240x128xf32, #tpu.memory_space<vmem_shared>> -> memref<640x128xf32, #tpu.memory_space<vmem_shared>>
      tpu.enqueue_dma source(%dma_start3A_111 : memref<640x128xf32, #tpu.memory_space<vmem_shared>>) target(%dma_start3A_109 : memref<640x128xf32, #tpu.memory_space<hbm>>) target_semaphore(%run_scoped3A : memref<!tpu.dma_semaphore, #tpu.memory_space<semaphore_mem>>)
      %dma_wait3A_112 = arith.constant 0 : i32
      %dma_wait3A_113 = tpu.memref_slice %arg6[%arg0, %mul3A_106, %dma_wait3A_112] : memref<2x10240x128xf32, #tpu.memory_space<hbm>> -> memref<1x640x128xf32, #tpu.memory_space<hbm>>
      %dma_wait3A_114 = tpu.memref_squeeze %dma_wait3A_113 : memref<1x640x128xf32, #tpu.memory_space<hbm>> -> memref<640x128xf32, #tpu.memory_space<hbm>>
      %dma_wait3A_115 = arith.constant 0 : i32
      %dma_wait3A_116 = tpu.memref_slice %arg7[%mul3A_104, %dma_wait3A_115] : memref<10240x128xf32, #tpu.memory_space<vmem_shared>> -> memref<640x128xf32, #tpu.memory_space<vmem_shared>>
      tpu.wait_dma2 semaphore(%run_scoped3A : memref<!tpu.dma_semaphore, #tpu.memory_space<semaphore_mem>>) src(%dma_wait3A_116 : memref<640x128xf32, #tpu.memory_space<vmem_shared>>) dst(%dma_wait3A_114 : memref<640x128xf32, #tpu.memory_space<hbm>>)
      tpu.yield
    }) : () -> ()
    return
  }
}

#map = affine_map<(d0, d1) -> (0, 0)>
#map1 = affine_map<(d0, d1) -> (0)>
#map2 = affine_map<(d0, d1) -> (0, 0, 0)>
module attributes {stable_mosaic.version = 14 : i64} {
  func.func @_sc_agg_body(%arg0: i32, %arg1: i32, %arg2: memref<10000x128xf32, #tpu.memory_space<hbm>>, %arg3: memref<327680xi32, #tpu.memory_space<hbm>>, %arg4: memref<327680xi32, #tpu.memory_space<hbm>>, %arg5: memref<10240x128xf32, #tpu.memory_space<hbm>>, %arg6: memref<2x10240x128xf32, #tpu.memory_space<hbm>>, %arg7: memref<10240x128xf32, #tpu.memory_space<vmem_shared>>, %arg8: memref<128xi32, #tpu.memory_space<vmem>>, %arg9: memref<128xi32, #tpu.memory_space<vmem>>, %arg10: memref<128xi32, #tpu.memory_space<vmem>>, %arg11: memref<128xi32, #tpu.memory_space<vmem>>, %arg12: memref<128x128xf32, #tpu.memory_space<vmem>>, %arg13: memref<128x128xf32, #tpu.memory_space<vmem>>, %arg14: memref<!tpu.dma_semaphore, #tpu.memory_space<semaphore_mem>>, %arg15: memref<!tpu.dma_semaphore, #tpu.memory_space<semaphore_mem>>, %arg16: memref<!tpu.dma_semaphore, #tpu.memory_space<semaphore_mem>>, %arg17: memref<!tpu.dma_semaphore, #tpu.memory_space<semaphore_mem>>, %arg18: memref<!tpu.dma_semaphore, #tpu.memory_space<semaphore_mem>>, %arg19: memref<!tpu.dma_semaphore, #tpu.memory_space<semaphore_mem>>) attributes {dimension_semantics = [#tpu.dimension_semantics<core_parallel>, #tpu.dimension_semantics<subcore_parallel>], iteration_bounds = array<i64: 2, 16>, scalar_prefetch = 0 : i64, scratch_operands = 13 : i64, tpu.core_type = #tpu.core_type<sc_vector_subcore>, window_params = [{transform_indices = #map}, {transform_indices = #map1}, {transform_indices = #map1}, {transform_indices = #map}, {transform_indices = #map2}]} {
    %mul3A = arith.constant 640 : i32
    %mul3A_0 = arith.muli %arg1, %mul3A : i32
    %mul3A_1 = arith.constant 640 : i32
    %mul3A_2 = arith.muli %arg1, %mul3A_1 : i32
    "tpu.region"() ({
      %run_scoped3A = tpu.sem_alloc : memref<!tpu.dma_semaphore, #tpu.memory_space<semaphore_mem>>
      %dma_start3A_107 = arith.constant 0 : i32
      %dma_start3A_108 = tpu.memref_slice %arg7[%mul3A_2, %dma_start3A_107] : memref<10240x128xf32, #tpu.memory_space<vmem_shared>> -> memref<640x128xf32, #tpu.memory_space<vmem_shared>>
      %dma_start3A_109 = arith.constant 0 : i32
      %dma_start3A_110 = tpu.memref_slice %arg5[%mul3A_0, %dma_start3A_109] : memref<10240x128xf32, #tpu.memory_space<hbm>> -> memref<640x128xf32, #tpu.memory_space<hbm>>
      tpu.enqueue_dma source(%dma_start3A_110 : memref<640x128xf32, #tpu.memory_space<hbm>>) target(%dma_start3A_108 : memref<640x128xf32, #tpu.memory_space<vmem_shared>>) target_semaphore(%run_scoped3A : memref<!tpu.dma_semaphore, #tpu.memory_space<semaphore_mem>>)
      %dma_wait3A_111 = arith.constant 0 : i32
      %dma_wait3A_112 = tpu.memref_slice %arg7[%mul3A_2, %dma_wait3A_111] : memref<10240x128xf32, #tpu.memory_space<vmem_shared>> -> memref<640x128xf32, #tpu.memory_space<vmem_shared>>
      %dma_wait3A_113 = arith.constant 0 : i32
      %dma_wait3A_114 = tpu.memref_slice %arg5[%mul3A_0, %dma_wait3A_113] : memref<10240x128xf32, #tpu.memory_space<hbm>> -> memref<640x128xf32, #tpu.memory_space<hbm>>
      tpu.wait_dma2 semaphore(%run_scoped3A : memref<!tpu.dma_semaphore, #tpu.memory_space<semaphore_mem>>) src(%dma_wait3A_114 : memref<640x128xf32, #tpu.memory_space<hbm>>) dst(%dma_wait3A_112 : memref<640x128xf32, #tpu.memory_space<vmem_shared>>)
      tpu.yield
    }) : () -> ()
    %barrier3A = arith.constant 0 : index
    tpu.barrier barrier_id(%barrier3A)
    %eq3A = arith.constant 0 : i32
    %eq3A_3 = arith.cmpi eq, %arg0, %eq3A : i32
    %jit3A = arith.constant 158 : i32
    %jit3A_4 = arith.constant 2 : i32
    %select_n3A = arith.select %eq3A_3, %jit3A, %jit3A_4 : i32
    %eq3A_5 = arith.constant 0 : i32
    %eq3A_6 = arith.cmpi eq, %arg0, %eq3A_5 : i32
    %mul3A_7 = arith.constant 158 : i32
    %mul3A_8 = arith.muli %arg1, %mul3A_7 : i32
    %mul3A_9 = arith.constant 2 : i32
    %mul3A_10 = arith.muli %arg1, %mul3A_9 : i32
    %add3A = arith.constant 2528 : i32
    %add3A_11 = arith.addi %add3A, %mul3A_10 : i32
    %select_n3A_12 = arith.select %eq3A_6, %mul3A_8, %add3A_11 : i32
    %add3A_13 = arith.constant 0 : i32
    %add3A_14 = arith.addi %select_n3A_12, %add3A_13 : i32
    %mul3A_15 = arith.constant 128 : i32
    %mul3A_16 = arith.muli %add3A_14, %mul3A_15 : i32
    %dma_start3A = tpu.memref_slice %arg3[%mul3A_16] : memref<327680xi32, #tpu.memory_space<hbm>> -> memref<128xi32, #tpu.memory_space<hbm>>
    %dma_start3A_17 = tpu.memref_slice %arg3[%mul3A_16] : memref<327680xi32, #tpu.memory_space<hbm>> -> memref<128xi32, #tpu.memory_space<hbm>>
    tpu.enqueue_dma source(%dma_start3A_17 : memref<128xi32, #tpu.memory_space<hbm>>) target(%arg8 : memref<128xi32, #tpu.memory_space<vmem>>) target_semaphore(%arg16 : memref<!tpu.dma_semaphore, #tpu.memory_space<semaphore_mem>>)
    %mul3A_18 = arith.constant 128 : i32
    %mul3A_19 = arith.muli %add3A_14, %mul3A_18 : i32
    %dma_start3A_20 = tpu.memref_slice %arg4[%mul3A_19] : memref<327680xi32, #tpu.memory_space<hbm>> -> memref<128xi32, #tpu.memory_space<hbm>>
    %dma_start3A_21 = tpu.memref_slice %arg4[%mul3A_19] : memref<327680xi32, #tpu.memory_space<hbm>> -> memref<128xi32, #tpu.memory_space<hbm>>
    tpu.enqueue_dma source(%dma_start3A_21 : memref<128xi32, #tpu.memory_space<hbm>>) target(%arg10 : memref<128xi32, #tpu.memory_space<vmem>>) target_semaphore(%arg18 : memref<!tpu.dma_semaphore, #tpu.memory_space<semaphore_mem>>)
    %add3A_22 = arith.constant 1 : i32
    %add3A_23 = arith.addi %select_n3A_12, %add3A_22 : i32
    %mul3A_24 = arith.constant 128 : i32
    %mul3A_25 = arith.muli %add3A_23, %mul3A_24 : i32
    %dma_start3A_26 = tpu.memref_slice %arg3[%mul3A_25] : memref<327680xi32, #tpu.memory_space<hbm>> -> memref<128xi32, #tpu.memory_space<hbm>>
    %dma_start3A_27 = tpu.memref_slice %arg3[%mul3A_25] : memref<327680xi32, #tpu.memory_space<hbm>> -> memref<128xi32, #tpu.memory_space<hbm>>
    tpu.enqueue_dma source(%dma_start3A_27 : memref<128xi32, #tpu.memory_space<hbm>>) target(%arg9 : memref<128xi32, #tpu.memory_space<vmem>>) target_semaphore(%arg17 : memref<!tpu.dma_semaphore, #tpu.memory_space<semaphore_mem>>)
    %mul3A_28 = arith.constant 128 : i32
    %mul3A_29 = arith.muli %add3A_23, %mul3A_28 : i32
    %dma_start3A_30 = tpu.memref_slice %arg4[%mul3A_29] : memref<327680xi32, #tpu.memory_space<hbm>> -> memref<128xi32, #tpu.memory_space<hbm>>
    %dma_start3A_31 = tpu.memref_slice %arg4[%mul3A_29] : memref<327680xi32, #tpu.memory_space<hbm>> -> memref<128xi32, #tpu.memory_space<hbm>>
    tpu.enqueue_dma source(%dma_start3A_31 : memref<128xi32, #tpu.memory_space<hbm>>) target(%arg11 : memref<128xi32, #tpu.memory_space<vmem>>) target_semaphore(%arg19 : memref<!tpu.dma_semaphore, #tpu.memory_space<semaphore_mem>>)
    %add3A_32 = arith.constant 0 : i32
    %add3A_33 = arith.addi %select_n3A_12, %add3A_32 : i32
    %mul3A_34 = arith.constant 128 : i32
    %mul3A_35 = arith.muli %add3A_33, %mul3A_34 : i32
    %dma_wait3A = tpu.memref_slice %arg3[%mul3A_35] : memref<327680xi32, #tpu.memory_space<hbm>> -> memref<128xi32, #tpu.memory_space<hbm>>
    %dma_wait3A_36 = tpu.memref_slice %arg3[%mul3A_35] : memref<327680xi32, #tpu.memory_space<hbm>> -> memref<128xi32, #tpu.memory_space<hbm>>
    tpu.wait_dma2 semaphore(%arg16 : memref<!tpu.dma_semaphore, #tpu.memory_space<semaphore_mem>>) src(%dma_wait3A_36 : memref<128xi32, #tpu.memory_space<hbm>>) dst(%arg8 : memref<128xi32, #tpu.memory_space<vmem>>)
    %dma_start3A_37 = arith.constant 0 : i32
    %dma_start3A_38 = arith.constant 0 : i32
    %dma_start3A_39 = tpu.memref_slice %arg2[%dma_start3A_37, %dma_start3A_38] : memref<10000x128xf32, #tpu.memory_space<hbm>> -> memref<10000x128xf32, #tpu.memory_space<hbm>>
    tpu.enqueue_indirect_dma source(%dma_start3A_39 : memref<10000x128xf32, #tpu.memory_space<hbm>>) target(%arg12 : memref<128x128xf32, #tpu.memory_space<vmem>>) offsets(%arg8 : memref<128xi32, #tpu.memory_space<vmem>>) semaphore(%arg14 : memref<!tpu.dma_semaphore, #tpu.memory_space<semaphore_mem>>)
    %add3A_40 = arith.constant 1 : i32
    %add3A_41 = arith.addi %select_n3A_12, %add3A_40 : i32
    %mul3A_42 = arith.constant 128 : i32
    %mul3A_43 = arith.muli %add3A_41, %mul3A_42 : i32
    %dma_wait3A_44 = tpu.memref_slice %arg3[%mul3A_43] : memref<327680xi32, #tpu.memory_space<hbm>> -> memref<128xi32, #tpu.memory_space<hbm>>
    %dma_wait3A_45 = tpu.memref_slice %arg3[%mul3A_43] : memref<327680xi32, #tpu.memory_space<hbm>> -> memref<128xi32, #tpu.memory_space<hbm>>
    tpu.wait_dma2 semaphore(%arg17 : memref<!tpu.dma_semaphore, #tpu.memory_space<semaphore_mem>>) src(%dma_wait3A_45 : memref<128xi32, #tpu.memory_space<hbm>>) dst(%arg9 : memref<128xi32, #tpu.memory_space<vmem>>)
    %dma_start3A_46 = arith.constant 0 : i32
    %dma_start3A_47 = arith.constant 0 : i32
    %dma_start3A_48 = tpu.memref_slice %arg2[%dma_start3A_46, %dma_start3A_47] : memref<10000x128xf32, #tpu.memory_space<hbm>> -> memref<10000x128xf32, #tpu.memory_space<hbm>>
    tpu.enqueue_indirect_dma source(%dma_start3A_48 : memref<10000x128xf32, #tpu.memory_space<hbm>>) target(%arg13 : memref<128x128xf32, #tpu.memory_space<vmem>>) offsets(%arg9 : memref<128xi32, #tpu.memory_space<vmem>>) semaphore(%arg15 : memref<!tpu.dma_semaphore, #tpu.memory_space<semaphore_mem>>)
    %sub3A = arith.constant 2 : i32
    %sub3A_49 = arith.subi %select_n3A, %sub3A : i32
    %jit3A_50 = arith.constant 2 : i32
    %div3A = arith.divsi %sub3A_49, %jit3A_50 : i32
    %sign3A = arith.constant 0 : i32
    %sign3A_51 = arith.cmpi sgt, %sub3A_49, %sign3A : i32
    %sign3A_52 = arith.extui %sign3A_51 : i1 to i32
    %sign3A_53 = arith.constant 0 : i32
    %sign3A_54 = arith.cmpi slt, %sub3A_49, %sign3A_53 : i32
    %sign3A_55 = arith.extui %sign3A_54 : i1 to i32
    %sign3A_56 = arith.subi %sign3A_52, %sign3A_55 : i32
    %sign3A_57 = arith.constant 0 : i32
    %sign3A_58 = arith.cmpi sgt, %jit3A_50, %sign3A_57 : i32
    %sign3A_59 = arith.extui %sign3A_58 : i1 to i32
    %sign3A_60 = arith.constant 0 : i32
    %sign3A_61 = arith.cmpi slt, %jit3A_50, %sign3A_60 : i32
    %sign3A_62 = arith.extui %sign3A_61 : i1 to i32
    %sign3A_63 = arith.subi %sign3A_59, %sign3A_62 : i32
    %ne3A = arith.cmpi ne, %sign3A_56, %sign3A_63 : i32
    %rem3A = arith.remsi %sub3A_49, %jit3A_50 : i32
    %ne3A_64 = arith.constant 0 : i32
    %ne3A_65 = arith.cmpi ne, %rem3A, %ne3A_64 : i32
    %and3A = arith.andi %ne3A, %ne3A_65 : i1
    %sub3A_66 = arith.constant 1 : i32
    %sub3A_67 = arith.subi %div3A, %sub3A_66 : i32
    %select_n3A_68 = arith.select %and3A, %sub3A_67, %div3A : i32
    %while3A = arith.constant 0 : i32
    %while3A_69 = arith.constant 0 : i32
    %while3A_70 = arith.subi %select_n3A_68, %while3A_69 : i32
    %while3A_71 = arith.addi %while3A_69, %while3A_70 : i32
    %while3A_72 = arith.constant 1 : i32
    %while3A_73 = arith.divsi %while3A_70, %while3A_72 : i32
    %while3A_74 = arith.muli %while3A_73, %while3A_72 : i32
    %while3A_75 = arith.addi %while3A_69, %while3A_74 : i32
    %while3A_76 = arith.constant 1 : i32
    scf.for %while3A_107 = %while3A_69 to %while3A_75 step %while3A_76  : i32 {
      %mul3A_108 = arith.constant 2 : i32
      %mul3A_109 = arith.muli %while3A_107, %mul3A_108 : i32
      %add3A_110 = arith.addi %select_n3A_12, %mul3A_109 : i32
      %add3A_111 = arith.constant 0 : i32
      %add3A_112 = arith.addi %add3A_110, %add3A_111 : i32
      %dma_wait3A_113 = arith.constant 0 : i32
      %dma_wait3A_114 = arith.constant 0 : i32
      %dma_wait3A_115 = tpu.memref_slice %arg2[%dma_wait3A_113, %dma_wait3A_114] : memref<10000x128xf32, #tpu.memory_space<hbm>> -> memref<10000x128xf32, #tpu.memory_space<hbm>>
      tpu.wait_indirect_dma semaphore(%arg14 : memref<!tpu.dma_semaphore, #tpu.memory_space<semaphore_mem>>) src(%dma_wait3A_115 : memref<10000x128xf32, #tpu.memory_space<hbm>>) dst(%arg12 : memref<128x128xf32, #tpu.memory_space<vmem>>)
      %add3A_116 = arith.constant 2 : i32
      %add3A_117 = arith.addi %add3A_112, %add3A_116 : i32
      %mul3A_118 = arith.constant 128 : i32
      %mul3A_119 = arith.muli %add3A_117, %mul3A_118 : i32
      %dma_start3A_120 = tpu.memref_slice %arg3[%mul3A_119] : memref<327680xi32, #tpu.memory_space<hbm>> -> memref<128xi32, #tpu.memory_space<hbm>>
      %dma_start3A_121 = tpu.memref_slice %arg3[%mul3A_119] : memref<327680xi32, #tpu.memory_space<hbm>> -> memref<128xi32, #tpu.memory_space<hbm>>
      tpu.enqueue_dma source(%dma_start3A_121 : memref<128xi32, #tpu.memory_space<hbm>>) target(%arg8 : memref<128xi32, #tpu.memory_space<vmem>>) target_semaphore(%arg16 : memref<!tpu.dma_semaphore, #tpu.memory_space<semaphore_mem>>)
      %mul3A_122 = arith.constant 128 : i32
      %mul3A_123 = arith.muli %add3A_112, %mul3A_122 : i32
      %dma_wait3A_124 = tpu.memref_slice %arg4[%mul3A_123] : memref<327680xi32, #tpu.memory_space<hbm>> -> memref<128xi32, #tpu.memory_space<hbm>>
      %dma_wait3A_125 = tpu.memref_slice %arg4[%mul3A_123] : memref<327680xi32, #tpu.memory_space<hbm>> -> memref<128xi32, #tpu.memory_space<hbm>>
      tpu.wait_dma2 semaphore(%arg18 : memref<!tpu.dma_semaphore, #tpu.memory_space<semaphore_mem>>) src(%dma_wait3A_125 : memref<128xi32, #tpu.memory_space<hbm>>) dst(%arg10 : memref<128xi32, #tpu.memory_space<vmem>>)
      "tpu.region"() ({
        %run_scoped3A = tpu.sem_alloc : memref<!tpu.dma_semaphore, #tpu.memory_space<semaphore_mem>>
        %dma_start3A_174 = arith.constant 0 : i32
        %dma_start3A_175 = arith.constant 0 : i32
        %dma_start3A_176 = tpu.memref_slice %arg7[%dma_start3A_174, %dma_start3A_175] : memref<10240x128xf32, #tpu.memory_space<vmem_shared>> -> memref<10240x128xf32, #tpu.memory_space<vmem_shared>>
        tpu.enqueue_indirect_dma source(%arg12 : memref<128x128xf32, #tpu.memory_space<vmem>>) target(%dma_start3A_176 : memref<10240x128xf32, #tpu.memory_space<vmem_shared>>) offsets(%arg10 : memref<128xi32, #tpu.memory_space<vmem>>) semaphore(%run_scoped3A : memref<!tpu.dma_semaphore, #tpu.memory_space<semaphore_mem>>) {add = true}
        %dma_wait3A_177 = arith.constant 0 : i32
        %dma_wait3A_178 = arith.constant 0 : i32
        %dma_wait3A_179 = tpu.memref_slice %arg7[%dma_wait3A_177, %dma_wait3A_178] : memref<10240x128xf32, #tpu.memory_space<vmem_shared>> -> memref<10240x128xf32, #tpu.memory_space<vmem_shared>>
        tpu.wait_indirect_dma semaphore(%run_scoped3A : memref<!tpu.dma_semaphore, #tpu.memory_space<semaphore_mem>>) src(%arg12 : memref<128x128xf32, #tpu.memory_space<vmem>>) dst(%dma_wait3A_179 : memref<10240x128xf32, #tpu.memory_space<vmem_shared>>)
        tpu.yield
      }) : () -> ()
      %add3A_126 = arith.constant 2 : i32
      %add3A_127 = arith.addi %add3A_112, %add3A_126 : i32
      %mul3A_128 = arith.constant 128 : i32
      %mul3A_129 = arith.muli %add3A_127, %mul3A_128 : i32
      %dma_start3A_130 = tpu.memref_slice %arg4[%mul3A_129] : memref<327680xi32, #tpu.memory_space<hbm>> -> memref<128xi32, #tpu.memory_space<hbm>>
      %dma_start3A_131 = tpu.memref_slice %arg4[%mul3A_129] : memref<327680xi32, #tpu.memory_space<hbm>> -> memref<128xi32, #tpu.memory_space<hbm>>
      tpu.enqueue_dma source(%dma_start3A_131 : memref<128xi32, #tpu.memory_space<hbm>>) target(%arg10 : memref<128xi32, #tpu.memory_space<vmem>>) target_semaphore(%arg18 : memref<!tpu.dma_semaphore, #tpu.memory_space<semaphore_mem>>)
      %add3A_132 = arith.constant 2 : i32
      %add3A_133 = arith.addi %add3A_112, %add3A_132 : i32
      %mul3A_134 = arith.constant 128 : i32
      %mul3A_135 = arith.muli %add3A_133, %mul3A_134 : i32
      %dma_wait3A_136 = tpu.memref_slice %arg3[%mul3A_135] : memref<327680xi32, #tpu.memory_space<hbm>> -> memref<128xi32, #tpu.memory_space<hbm>>
      %dma_wait3A_137 = tpu.memref_slice %arg3[%mul3A_135] : memref<327680xi32, #tpu.memory_space<hbm>> -> memref<128xi32, #tpu.memory_space<hbm>>
      tpu.wait_dma2 semaphore(%arg16 : memref<!tpu.dma_semaphore, #tpu.memory_space<semaphore_mem>>) src(%dma_wait3A_137 : memref<128xi32, #tpu.memory_space<hbm>>) dst(%arg8 : memref<128xi32, #tpu.memory_space<vmem>>)
      %dma_start3A_138 = arith.constant 0 : i32
      %dma_start3A_139 = arith.constant 0 : i32
      %dma_start3A_140 = tpu.memref_slice %arg2[%dma_start3A_138, %dma_start3A_139] : memref<10000x128xf32, #tpu.memory_space<hbm>> -> memref<10000x128xf32, #tpu.memory_space<hbm>>
      tpu.enqueue_indirect_dma source(%dma_start3A_140 : memref<10000x128xf32, #tpu.memory_space<hbm>>) target(%arg12 : memref<128x128xf32, #tpu.memory_space<vmem>>) offsets(%arg8 : memref<128xi32, #tpu.memory_space<vmem>>) semaphore(%arg14 : memref<!tpu.dma_semaphore, #tpu.memory_space<semaphore_mem>>)
      %mul3A_141 = arith.constant 2 : i32
      %mul3A_142 = arith.muli %while3A_107, %mul3A_141 : i32
      %add3A_143 = arith.addi %select_n3A_12, %mul3A_142 : i32
      %add3A_144 = arith.constant 1 : i32
      %add3A_145 = arith.addi %add3A_143, %add3A_144 : i32
      %dma_wait3A_146 = arith.constant 0 : i32
      %dma_wait3A_147 = arith.constant 0 : i32
      %dma_wait3A_148 = tpu.memref_slice %arg2[%dma_wait3A_146, %dma_wait3A_147] : memref<10000x128xf32, #tpu.memory_space<hbm>> -> memref<10000x128xf32, #tpu.memory_space<hbm>>
      tpu.wait_indirect_dma semaphore(%arg15 : memref<!tpu.dma_semaphore, #tpu.memory_space<semaphore_mem>>) src(%dma_wait3A_148 : memref<10000x128xf32, #tpu.memory_space<hbm>>) dst(%arg13 : memref<128x128xf32, #tpu.memory_space<vmem>>)
      %add3A_149 = arith.constant 2 : i32
      %add3A_150 = arith.addi %add3A_145, %add3A_149 : i32
      %mul3A_151 = arith.constant 128 : i32
      %mul3A_152 = arith.muli %add3A_150, %mul3A_151 : i32
      %dma_start3A_153 = tpu.memref_slice %arg3[%mul3A_152] : memref<327680xi32, #tpu.memory_space<hbm>> -> memref<128xi32, #tpu.memory_space<hbm>>
      %dma_start3A_154 = tpu.memref_slice %arg3[%mul3A_152] : memref<327680xi32, #tpu.memory_space<hbm>> -> memref<128xi32, #tpu.memory_space<hbm>>
      tpu.enqueue_dma source(%dma_start3A_154 : memref<128xi32, #tpu.memory_space<hbm>>) target(%arg9 : memref<128xi32, #tpu.memory_space<vmem>>) target_semaphore(%arg17 : memref<!tpu.dma_semaphore, #tpu.memory_space<semaphore_mem>>)
      %mul3A_155 = arith.constant 128 : i32
      %mul3A_156 = arith.muli %add3A_145, %mul3A_155 : i32
      %dma_wait3A_157 = tpu.memref_slice %arg4[%mul3A_156] : memref<327680xi32, #tpu.memory_space<hbm>> -> memref<128xi32, #tpu.memory_space<hbm>>
      %dma_wait3A_158 = tpu.memref_slice %arg4[%mul3A_156] : memref<327680xi32, #tpu.memory_space<hbm>> -> memref<128xi32, #tpu.memory_space<hbm>>
      tpu.wait_dma2 semaphore(%arg19 : memref<!tpu.dma_semaphore, #tpu.memory_space<semaphore_mem>>) src(%dma_wait3A_158 : memref<128xi32, #tpu.memory_space<hbm>>) dst(%arg11 : memref<128xi32, #tpu.memory_space<vmem>>)
      "tpu.region"() ({
        %run_scoped3A = tpu.sem_alloc : memref<!tpu.dma_semaphore, #tpu.memory_space<semaphore_mem>>
        %dma_start3A_174 = arith.constant 0 : i32
        %dma_start3A_175 = arith.constant 0 : i32
        %dma_start3A_176 = tpu.memref_slice %arg7[%dma_start3A_174, %dma_start3A_175] : memref<10240x128xf32, #tpu.memory_space<vmem_shared>> -> memref<10240x128xf32, #tpu.memory_space<vmem_shared>>
        tpu.enqueue_indirect_dma source(%arg13 : memref<128x128xf32, #tpu.memory_space<vmem>>) target(%dma_start3A_176 : memref<10240x128xf32, #tpu.memory_space<vmem_shared>>) offsets(%arg11 : memref<128xi32, #tpu.memory_space<vmem>>) semaphore(%run_scoped3A : memref<!tpu.dma_semaphore, #tpu.memory_space<semaphore_mem>>) {add = true}
        %dma_wait3A_177 = arith.constant 0 : i32
        %dma_wait3A_178 = arith.constant 0 : i32
        %dma_wait3A_179 = tpu.memref_slice %arg7[%dma_wait3A_177, %dma_wait3A_178] : memref<10240x128xf32, #tpu.memory_space<vmem_shared>> -> memref<10240x128xf32, #tpu.memory_space<vmem_shared>>
        tpu.wait_indirect_dma semaphore(%run_scoped3A : memref<!tpu.dma_semaphore, #tpu.memory_space<semaphore_mem>>) src(%arg13 : memref<128x128xf32, #tpu.memory_space<vmem>>) dst(%dma_wait3A_179 : memref<10240x128xf32, #tpu.memory_space<vmem_shared>>)
        tpu.yield
      }) : () -> ()
      %add3A_159 = arith.constant 2 : i32
      %add3A_160 = arith.addi %add3A_145, %add3A_159 : i32
      %mul3A_161 = arith.constant 128 : i32
      %mul3A_162 = arith.muli %add3A_160, %mul3A_161 : i32
      %dma_start3A_163 = tpu.memref_slice %arg4[%mul3A_162] : memref<327680xi32, #tpu.memory_space<hbm>> -> memref<128xi32, #tpu.memory_space<hbm>>
      %dma_start3A_164 = tpu.memref_slice %arg4[%mul3A_162] : memref<327680xi32, #tpu.memory_space<hbm>> -> memref<128xi32, #tpu.memory_space<hbm>>
      tpu.enqueue_dma source(%dma_start3A_164 : memref<128xi32, #tpu.memory_space<hbm>>) target(%arg11 : memref<128xi32, #tpu.memory_space<vmem>>) target_semaphore(%arg19 : memref<!tpu.dma_semaphore, #tpu.memory_space<semaphore_mem>>)
      %add3A_165 = arith.constant 2 : i32
      %add3A_166 = arith.addi %add3A_145, %add3A_165 : i32
      %mul3A_167 = arith.constant 128 : i32
      %mul3A_168 = arith.muli %add3A_166, %mul3A_167 : i32
      %dma_wait3A_169 = tpu.memref_slice %arg3[%mul3A_168] : memref<327680xi32, #tpu.memory_space<hbm>> -> memref<128xi32, #tpu.memory_space<hbm>>
      %dma_wait3A_170 = tpu.memref_slice %arg3[%mul3A_168] : memref<327680xi32, #tpu.memory_space<hbm>> -> memref<128xi32, #tpu.memory_space<hbm>>
      tpu.wait_dma2 semaphore(%arg17 : memref<!tpu.dma_semaphore, #tpu.memory_space<semaphore_mem>>) src(%dma_wait3A_170 : memref<128xi32, #tpu.memory_space<hbm>>) dst(%arg9 : memref<128xi32, #tpu.memory_space<vmem>>)
      %dma_start3A_171 = arith.constant 0 : i32
      %dma_start3A_172 = arith.constant 0 : i32
      %dma_start3A_173 = tpu.memref_slice %arg2[%dma_start3A_171, %dma_start3A_172] : memref<10000x128xf32, #tpu.memory_space<hbm>> -> memref<10000x128xf32, #tpu.memory_space<hbm>>
      tpu.enqueue_indirect_dma source(%dma_start3A_173 : memref<10000x128xf32, #tpu.memory_space<hbm>>) target(%arg13 : memref<128x128xf32, #tpu.memory_space<vmem>>) offsets(%arg9 : memref<128xi32, #tpu.memory_space<vmem>>) semaphore(%arg15 : memref<!tpu.dma_semaphore, #tpu.memory_space<semaphore_mem>>)
    }
    %while3A_77 = arith.constant 1 : i32
    scf.for %while3A_107 = %while3A_75 to %while3A_71 step %while3A_77  : i32 {
      %mul3A_108 = arith.constant 2 : i32
      %mul3A_109 = arith.muli %while3A_107, %mul3A_108 : i32
      %add3A_110 = arith.addi %select_n3A_12, %mul3A_109 : i32
      %add3A_111 = arith.constant 0 : i32
      %add3A_112 = arith.addi %add3A_110, %add3A_111 : i32
      %dma_wait3A_113 = arith.constant 0 : i32
      %dma_wait3A_114 = arith.constant 0 : i32
      %dma_wait3A_115 = tpu.memref_slice %arg2[%dma_wait3A_113, %dma_wait3A_114] : memref<10000x128xf32, #tpu.memory_space<hbm>> -> memref<10000x128xf32, #tpu.memory_space<hbm>>
      tpu.wait_indirect_dma semaphore(%arg14 : memref<!tpu.dma_semaphore, #tpu.memory_space<semaphore_mem>>) src(%dma_wait3A_115 : memref<10000x128xf32, #tpu.memory_space<hbm>>) dst(%arg12 : memref<128x128xf32, #tpu.memory_space<vmem>>)
      %add3A_116 = arith.constant 2 : i32
      %add3A_117 = arith.addi %add3A_112, %add3A_116 : i32
      %mul3A_118 = arith.constant 128 : i32
      %mul3A_119 = arith.muli %add3A_117, %mul3A_118 : i32
      %dma_start3A_120 = tpu.memref_slice %arg3[%mul3A_119] : memref<327680xi32, #tpu.memory_space<hbm>> -> memref<128xi32, #tpu.memory_space<hbm>>
      %dma_start3A_121 = tpu.memref_slice %arg3[%mul3A_119] : memref<327680xi32, #tpu.memory_space<hbm>> -> memref<128xi32, #tpu.memory_space<hbm>>
      tpu.enqueue_dma source(%dma_start3A_121 : memref<128xi32, #tpu.memory_space<hbm>>) target(%arg8 : memref<128xi32, #tpu.memory_space<vmem>>) target_semaphore(%arg16 : memref<!tpu.dma_semaphore, #tpu.memory_space<semaphore_mem>>)
      %mul3A_122 = arith.constant 128 : i32
      %mul3A_123 = arith.muli %add3A_112, %mul3A_122 : i32
      %dma_wait3A_124 = tpu.memref_slice %arg4[%mul3A_123] : memref<327680xi32, #tpu.memory_space<hbm>> -> memref<128xi32, #tpu.memory_space<hbm>>
      %dma_wait3A_125 = tpu.memref_slice %arg4[%mul3A_123] : memref<327680xi32, #tpu.memory_space<hbm>> -> memref<128xi32, #tpu.memory_space<hbm>>
      tpu.wait_dma2 semaphore(%arg18 : memref<!tpu.dma_semaphore, #tpu.memory_space<semaphore_mem>>) src(%dma_wait3A_125 : memref<128xi32, #tpu.memory_space<hbm>>) dst(%arg10 : memref<128xi32, #tpu.memory_space<vmem>>)
      "tpu.region"() ({
        %run_scoped3A = tpu.sem_alloc : memref<!tpu.dma_semaphore, #tpu.memory_space<semaphore_mem>>
        %dma_start3A_174 = arith.constant 0 : i32
        %dma_start3A_175 = arith.constant 0 : i32
        %dma_start3A_176 = tpu.memref_slice %arg7[%dma_start3A_174, %dma_start3A_175] : memref<10240x128xf32, #tpu.memory_space<vmem_shared>> -> memref<10240x128xf32, #tpu.memory_space<vmem_shared>>
        tpu.enqueue_indirect_dma source(%arg12 : memref<128x128xf32, #tpu.memory_space<vmem>>) target(%dma_start3A_176 : memref<10240x128xf32, #tpu.memory_space<vmem_shared>>) offsets(%arg10 : memref<128xi32, #tpu.memory_space<vmem>>) semaphore(%run_scoped3A : memref<!tpu.dma_semaphore, #tpu.memory_space<semaphore_mem>>) {add = true}
        %dma_wait3A_177 = arith.constant 0 : i32
        %dma_wait3A_178 = arith.constant 0 : i32
        %dma_wait3A_179 = tpu.memref_slice %arg7[%dma_wait3A_177, %dma_wait3A_178] : memref<10240x128xf32, #tpu.memory_space<vmem_shared>> -> memref<10240x128xf32, #tpu.memory_space<vmem_shared>>
        tpu.wait_indirect_dma semaphore(%run_scoped3A : memref<!tpu.dma_semaphore, #tpu.memory_space<semaphore_mem>>) src(%arg12 : memref<128x128xf32, #tpu.memory_space<vmem>>) dst(%dma_wait3A_179 : memref<10240x128xf32, #tpu.memory_space<vmem_shared>>)
        tpu.yield
      }) : () -> ()
      %add3A_126 = arith.constant 2 : i32
      %add3A_127 = arith.addi %add3A_112, %add3A_126 : i32
      %mul3A_128 = arith.constant 128 : i32
      %mul3A_129 = arith.muli %add3A_127, %mul3A_128 : i32
      %dma_start3A_130 = tpu.memref_slice %arg4[%mul3A_129] : memref<327680xi32, #tpu.memory_space<hbm>> -> memref<128xi32, #tpu.memory_space<hbm>>
      %dma_start3A_131 = tpu.memref_slice %arg4[%mul3A_129] : memref<327680xi32, #tpu.memory_space<hbm>> -> memref<128xi32, #tpu.memory_space<hbm>>
      tpu.enqueue_dma source(%dma_start3A_131 : memref<128xi32, #tpu.memory_space<hbm>>) target(%arg10 : memref<128xi32, #tpu.memory_space<vmem>>) target_semaphore(%arg18 : memref<!tpu.dma_semaphore, #tpu.memory_space<semaphore_mem>>)
      %add3A_132 = arith.constant 2 : i32
      %add3A_133 = arith.addi %add3A_112, %add3A_132 : i32
      %mul3A_134 = arith.constant 128 : i32
      %mul3A_135 = arith.muli %add3A_133, %mul3A_134 : i32
      %dma_wait3A_136 = tpu.memref_slice %arg3[%mul3A_135] : memref<327680xi32, #tpu.memory_space<hbm>> -> memref<128xi32, #tpu.memory_space<hbm>>
      %dma_wait3A_137 = tpu.memref_slice %arg3[%mul3A_135] : memref<327680xi32, #tpu.memory_space<hbm>> -> memref<128xi32, #tpu.memory_space<hbm>>
      tpu.wait_dma2 semaphore(%arg16 : memref<!tpu.dma_semaphore, #tpu.memory_space<semaphore_mem>>) src(%dma_wait3A_137 : memref<128xi32, #tpu.memory_space<hbm>>) dst(%arg8 : memref<128xi32, #tpu.memory_space<vmem>>)
      %dma_start3A_138 = arith.constant 0 : i32
      %dma_start3A_139 = arith.constant 0 : i32
      %dma_start3A_140 = tpu.memref_slice %arg2[%dma_start3A_138, %dma_start3A_139] : memref<10000x128xf32, #tpu.memory_space<hbm>> -> memref<10000x128xf32, #tpu.memory_space<hbm>>
      tpu.enqueue_indirect_dma source(%dma_start3A_140 : memref<10000x128xf32, #tpu.memory_space<hbm>>) target(%arg12 : memref<128x128xf32, #tpu.memory_space<vmem>>) offsets(%arg8 : memref<128xi32, #tpu.memory_space<vmem>>) semaphore(%arg14 : memref<!tpu.dma_semaphore, #tpu.memory_space<semaphore_mem>>)
      %mul3A_141 = arith.constant 2 : i32
      %mul3A_142 = arith.muli %while3A_107, %mul3A_141 : i32
      %add3A_143 = arith.addi %select_n3A_12, %mul3A_142 : i32
      %add3A_144 = arith.constant 1 : i32
      %add3A_145 = arith.addi %add3A_143, %add3A_144 : i32
      %dma_wait3A_146 = arith.constant 0 : i32
      %dma_wait3A_147 = arith.constant 0 : i32
      %dma_wait3A_148 = tpu.memref_slice %arg2[%dma_wait3A_146, %dma_wait3A_147] : memref<10000x128xf32, #tpu.memory_space<hbm>> -> memref<10000x128xf32, #tpu.memory_space<hbm>>
      tpu.wait_indirect_dma semaphore(%arg15 : memref<!tpu.dma_semaphore, #tpu.memory_space<semaphore_mem>>) src(%dma_wait3A_148 : memref<10000x128xf32, #tpu.memory_space<hbm>>) dst(%arg13 : memref<128x128xf32, #tpu.memory_space<vmem>>)
      %add3A_149 = arith.constant 2 : i32
      %add3A_150 = arith.addi %add3A_145, %add3A_149 : i32
      %mul3A_151 = arith.constant 128 : i32
      %mul3A_152 = arith.muli %add3A_150, %mul3A_151 : i32
      %dma_start3A_153 = tpu.memref_slice %arg3[%mul3A_152] : memref<327680xi32, #tpu.memory_space<hbm>> -> memref<128xi32, #tpu.memory_space<hbm>>
      %dma_start3A_154 = tpu.memref_slice %arg3[%mul3A_152] : memref<327680xi32, #tpu.memory_space<hbm>> -> memref<128xi32, #tpu.memory_space<hbm>>
      tpu.enqueue_dma source(%dma_start3A_154 : memref<128xi32, #tpu.memory_space<hbm>>) target(%arg9 : memref<128xi32, #tpu.memory_space<vmem>>) target_semaphore(%arg17 : memref<!tpu.dma_semaphore, #tpu.memory_space<semaphore_mem>>)
      %mul3A_155 = arith.constant 128 : i32
      %mul3A_156 = arith.muli %add3A_145, %mul3A_155 : i32
      %dma_wait3A_157 = tpu.memref_slice %arg4[%mul3A_156] : memref<327680xi32, #tpu.memory_space<hbm>> -> memref<128xi32, #tpu.memory_space<hbm>>
      %dma_wait3A_158 = tpu.memref_slice %arg4[%mul3A_156] : memref<327680xi32, #tpu.memory_space<hbm>> -> memref<128xi32, #tpu.memory_space<hbm>>
      tpu.wait_dma2 semaphore(%arg19 : memref<!tpu.dma_semaphore, #tpu.memory_space<semaphore_mem>>) src(%dma_wait3A_158 : memref<128xi32, #tpu.memory_space<hbm>>) dst(%arg11 : memref<128xi32, #tpu.memory_space<vmem>>)
      "tpu.region"() ({
        %run_scoped3A = tpu.sem_alloc : memref<!tpu.dma_semaphore, #tpu.memory_space<semaphore_mem>>
        %dma_start3A_174 = arith.constant 0 : i32
        %dma_start3A_175 = arith.constant 0 : i32
        %dma_start3A_176 = tpu.memref_slice %arg7[%dma_start3A_174, %dma_start3A_175] : memref<10240x128xf32, #tpu.memory_space<vmem_shared>> -> memref<10240x128xf32, #tpu.memory_space<vmem_shared>>
        tpu.enqueue_indirect_dma source(%arg13 : memref<128x128xf32, #tpu.memory_space<vmem>>) target(%dma_start3A_176 : memref<10240x128xf32, #tpu.memory_space<vmem_shared>>) offsets(%arg11 : memref<128xi32, #tpu.memory_space<vmem>>) semaphore(%run_scoped3A : memref<!tpu.dma_semaphore, #tpu.memory_space<semaphore_mem>>) {add = true}
        %dma_wait3A_177 = arith.constant 0 : i32
        %dma_wait3A_178 = arith.constant 0 : i32
        %dma_wait3A_179 = tpu.memref_slice %arg7[%dma_wait3A_177, %dma_wait3A_178] : memref<10240x128xf32, #tpu.memory_space<vmem_shared>> -> memref<10240x128xf32, #tpu.memory_space<vmem_shared>>
        tpu.wait_indirect_dma semaphore(%run_scoped3A : memref<!tpu.dma_semaphore, #tpu.memory_space<semaphore_mem>>) src(%arg13 : memref<128x128xf32, #tpu.memory_space<vmem>>) dst(%dma_wait3A_179 : memref<10240x128xf32, #tpu.memory_space<vmem_shared>>)
        tpu.yield
      }) : () -> ()
      %add3A_159 = arith.constant 2 : i32
      %add3A_160 = arith.addi %add3A_145, %add3A_159 : i32
      %mul3A_161 = arith.constant 128 : i32
      %mul3A_162 = arith.muli %add3A_160, %mul3A_161 : i32
      %dma_start3A_163 = tpu.memref_slice %arg4[%mul3A_162] : memref<327680xi32, #tpu.memory_space<hbm>> -> memref<128xi32, #tpu.memory_space<hbm>>
      %dma_start3A_164 = tpu.memref_slice %arg4[%mul3A_162] : memref<327680xi32, #tpu.memory_space<hbm>> -> memref<128xi32, #tpu.memory_space<hbm>>
      tpu.enqueue_dma source(%dma_start3A_164 : memref<128xi32, #tpu.memory_space<hbm>>) target(%arg11 : memref<128xi32, #tpu.memory_space<vmem>>) target_semaphore(%arg19 : memref<!tpu.dma_semaphore, #tpu.memory_space<semaphore_mem>>)
      %add3A_165 = arith.constant 2 : i32
      %add3A_166 = arith.addi %add3A_145, %add3A_165 : i32
      %mul3A_167 = arith.constant 128 : i32
      %mul3A_168 = arith.muli %add3A_166, %mul3A_167 : i32
      %dma_wait3A_169 = tpu.memref_slice %arg3[%mul3A_168] : memref<327680xi32, #tpu.memory_space<hbm>> -> memref<128xi32, #tpu.memory_space<hbm>>
      %dma_wait3A_170 = tpu.memref_slice %arg3[%mul3A_168] : memref<327680xi32, #tpu.memory_space<hbm>> -> memref<128xi32, #tpu.memory_space<hbm>>
      tpu.wait_dma2 semaphore(%arg17 : memref<!tpu.dma_semaphore, #tpu.memory_space<semaphore_mem>>) src(%dma_wait3A_170 : memref<128xi32, #tpu.memory_space<hbm>>) dst(%arg9 : memref<128xi32, #tpu.memory_space<vmem>>)
      %dma_start3A_171 = arith.constant 0 : i32
      %dma_start3A_172 = arith.constant 0 : i32
      %dma_start3A_173 = tpu.memref_slice %arg2[%dma_start3A_171, %dma_start3A_172] : memref<10000x128xf32, #tpu.memory_space<hbm>> -> memref<10000x128xf32, #tpu.memory_space<hbm>>
      tpu.enqueue_indirect_dma source(%dma_start3A_173 : memref<10000x128xf32, #tpu.memory_space<hbm>>) target(%arg13 : memref<128x128xf32, #tpu.memory_space<vmem>>) offsets(%arg9 : memref<128xi32, #tpu.memory_space<vmem>>) semaphore(%arg15 : memref<!tpu.dma_semaphore, #tpu.memory_space<semaphore_mem>>)
    }
    %dma_wait3A_78 = arith.constant 0 : i32
    %dma_wait3A_79 = arith.constant 0 : i32
    %dma_wait3A_80 = tpu.memref_slice %arg2[%dma_wait3A_78, %dma_wait3A_79] : memref<10000x128xf32, #tpu.memory_space<hbm>> -> memref<10000x128xf32, #tpu.memory_space<hbm>>
    tpu.wait_indirect_dma semaphore(%arg14 : memref<!tpu.dma_semaphore, #tpu.memory_space<semaphore_mem>>) src(%dma_wait3A_80 : memref<10000x128xf32, #tpu.memory_space<hbm>>) dst(%arg12 : memref<128x128xf32, #tpu.memory_space<vmem>>)
    %add3A_81 = arith.addi %select_n3A_12, %select_n3A : i32
    %sub3A_82 = arith.constant 2 : i32
    %sub3A_83 = arith.subi %add3A_81, %sub3A_82 : i32
    %add3A_84 = arith.constant 0 : i32
    %add3A_85 = arith.addi %sub3A_83, %add3A_84 : i32
    %mul3A_86 = arith.constant 128 : i32
    %mul3A_87 = arith.muli %add3A_85, %mul3A_86 : i32
    %dma_wait3A_88 = tpu.memref_slice %arg4[%mul3A_87] : memref<327680xi32, #tpu.memory_space<hbm>> -> memref<128xi32, #tpu.memory_space<hbm>>
    %dma_wait3A_89 = tpu.memref_slice %arg4[%mul3A_87] : memref<327680xi32, #tpu.memory_space<hbm>> -> memref<128xi32, #tpu.memory_space<hbm>>
    tpu.wait_dma2 semaphore(%arg18 : memref<!tpu.dma_semaphore, #tpu.memory_space<semaphore_mem>>) src(%dma_wait3A_89 : memref<128xi32, #tpu.memory_space<hbm>>) dst(%arg10 : memref<128xi32, #tpu.memory_space<vmem>>)
    "tpu.region"() ({
      %run_scoped3A = tpu.sem_alloc : memref<!tpu.dma_semaphore, #tpu.memory_space<semaphore_mem>>
      %dma_start3A_107 = arith.constant 0 : i32
      %dma_start3A_108 = arith.constant 0 : i32
      %dma_start3A_109 = tpu.memref_slice %arg7[%dma_start3A_107, %dma_start3A_108] : memref<10240x128xf32, #tpu.memory_space<vmem_shared>> -> memref<10240x128xf32, #tpu.memory_space<vmem_shared>>
      tpu.enqueue_indirect_dma source(%arg12 : memref<128x128xf32, #tpu.memory_space<vmem>>) target(%dma_start3A_109 : memref<10240x128xf32, #tpu.memory_space<vmem_shared>>) offsets(%arg10 : memref<128xi32, #tpu.memory_space<vmem>>) semaphore(%run_scoped3A : memref<!tpu.dma_semaphore, #tpu.memory_space<semaphore_mem>>) {add = true}
      %dma_wait3A_110 = arith.constant 0 : i32
      %dma_wait3A_111 = arith.constant 0 : i32
      %dma_wait3A_112 = tpu.memref_slice %arg7[%dma_wait3A_110, %dma_wait3A_111] : memref<10240x128xf32, #tpu.memory_space<vmem_shared>> -> memref<10240x128xf32, #tpu.memory_space<vmem_shared>>
      tpu.wait_indirect_dma semaphore(%run_scoped3A : memref<!tpu.dma_semaphore, #tpu.memory_space<semaphore_mem>>) src(%arg12 : memref<128x128xf32, #tpu.memory_space<vmem>>) dst(%dma_wait3A_112 : memref<10240x128xf32, #tpu.memory_space<vmem_shared>>)
      tpu.yield
    }) : () -> ()
    %dma_wait3A_90 = arith.constant 0 : i32
    %dma_wait3A_91 = arith.constant 0 : i32
    %dma_wait3A_92 = tpu.memref_slice %arg2[%dma_wait3A_90, %dma_wait3A_91] : memref<10000x128xf32, #tpu.memory_space<hbm>> -> memref<10000x128xf32, #tpu.memory_space<hbm>>
    tpu.wait_indirect_dma semaphore(%arg15 : memref<!tpu.dma_semaphore, #tpu.memory_space<semaphore_mem>>) src(%dma_wait3A_92 : memref<10000x128xf32, #tpu.memory_space<hbm>>) dst(%arg13 : memref<128x128xf32, #tpu.memory_space<vmem>>)
    %add3A_93 = arith.addi %select_n3A_12, %select_n3A : i32
    %sub3A_94 = arith.constant 2 : i32
    %sub3A_95 = arith.subi %add3A_93, %sub3A_94 : i32
    %add3A_96 = arith.constant 1 : i32
    %add3A_97 = arith.addi %sub3A_95, %add3A_96 : i32
    %mul3A_98 = arith.constant 128 : i32
    %mul3A_99 = arith.muli %add3A_97, %mul3A_98 : i32
    %dma_wait3A_100 = tpu.memref_slice %arg4[%mul3A_99] : memref<327680xi32, #tpu.memory_space<hbm>> -> memref<128xi32, #tpu.memory_space<hbm>>
    %dma_wait3A_101 = tpu.memref_slice %arg4[%mul3A_99] : memref<327680xi32, #tpu.memory_space<hbm>> -> memref<128xi32, #tpu.memory_space<hbm>>
    tpu.wait_dma2 semaphore(%arg19 : memref<!tpu.dma_semaphore, #tpu.memory_space<semaphore_mem>>) src(%dma_wait3A_101 : memref<128xi32, #tpu.memory_space<hbm>>) dst(%arg11 : memref<128xi32, #tpu.memory_space<vmem>>)
    "tpu.region"() ({
      %run_scoped3A = tpu.sem_alloc : memref<!tpu.dma_semaphore, #tpu.memory_space<semaphore_mem>>
      %dma_start3A_107 = arith.constant 0 : i32
      %dma_start3A_108 = arith.constant 0 : i32
      %dma_start3A_109 = tpu.memref_slice %arg7[%dma_start3A_107, %dma_start3A_108] : memref<10240x128xf32, #tpu.memory_space<vmem_shared>> -> memref<10240x128xf32, #tpu.memory_space<vmem_shared>>
      tpu.enqueue_indirect_dma source(%arg13 : memref<128x128xf32, #tpu.memory_space<vmem>>) target(%dma_start3A_109 : memref<10240x128xf32, #tpu.memory_space<vmem_shared>>) offsets(%arg11 : memref<128xi32, #tpu.memory_space<vmem>>) semaphore(%run_scoped3A : memref<!tpu.dma_semaphore, #tpu.memory_space<semaphore_mem>>) {add = true}
      %dma_wait3A_110 = arith.constant 0 : i32
      %dma_wait3A_111 = arith.constant 0 : i32
      %dma_wait3A_112 = tpu.memref_slice %arg7[%dma_wait3A_110, %dma_wait3A_111] : memref<10240x128xf32, #tpu.memory_space<vmem_shared>> -> memref<10240x128xf32, #tpu.memory_space<vmem_shared>>
      tpu.wait_indirect_dma semaphore(%run_scoped3A : memref<!tpu.dma_semaphore, #tpu.memory_space<semaphore_mem>>) src(%arg13 : memref<128x128xf32, #tpu.memory_space<vmem>>) dst(%dma_wait3A_112 : memref<10240x128xf32, #tpu.memory_space<vmem_shared>>)
      tpu.yield
    }) : () -> ()
    %barrier3A_102 = arith.constant 0 : index
    tpu.barrier barrier_id(%barrier3A_102)
    %mul3A_103 = arith.constant 640 : i32
    %mul3A_104 = arith.muli %arg1, %mul3A_103 : i32
    %mul3A_105 = arith.constant 640 : i32
    %mul3A_106 = arith.muli %arg1, %mul3A_105 : i32
    "tpu.region"() ({
      %run_scoped3A = tpu.sem_alloc : memref<!tpu.dma_semaphore, #tpu.memory_space<semaphore_mem>>
      %dma_start3A_107 = arith.constant 0 : i32
      %dma_start3A_108 = tpu.memref_slice %arg6[%arg0, %mul3A_106, %dma_start3A_107] : memref<2x10240x128xf32, #tpu.memory_space<hbm>> -> memref<1x640x128xf32, #tpu.memory_space<hbm>>
      %dma_start3A_109 = tpu.memref_squeeze %dma_start3A_108 : memref<1x640x128xf32, #tpu.memory_space<hbm>> -> memref<640x128xf32, #tpu.memory_space<hbm>>
      %dma_start3A_110 = arith.constant 0 : i32
      %dma_start3A_111 = tpu.memref_slice %arg7[%mul3A_104, %dma_start3A_110] : memref<10240x128xf32, #tpu.memory_space<vmem_shared>> -> memref<640x128xf32, #tpu.memory_space<vmem_shared>>
      tpu.enqueue_dma source(%dma_start3A_111 : memref<640x128xf32, #tpu.memory_space<vmem_shared>>) target(%dma_start3A_109 : memref<640x128xf32, #tpu.memory_space<hbm>>) target_semaphore(%run_scoped3A : memref<!tpu.dma_semaphore, #tpu.memory_space<semaphore_mem>>)
      %dma_wait3A_112 = arith.constant 0 : i32
      %dma_wait3A_113 = tpu.memref_slice %arg6[%arg0, %mul3A_106, %dma_wait3A_112] : memref<2x10240x128xf32, #tpu.memory_space<hbm>> -> memref<1x640x128xf32, #tpu.memory_space<hbm>>
      %dma_wait3A_114 = tpu.memref_squeeze %dma_wait3A_113 : memref<1x640x128xf32, #tpu.memory_space<hbm>> -> memref<640x128xf32, #tpu.memory_space<hbm>>
      %dma_wait3A_115 = arith.constant 0 : i32
      %dma_wait3A_116 = tpu.memref_slice %arg7[%mul3A_104, %dma_wait3A_115] : memref<10240x128xf32, #tpu.memory_space<vmem_shared>> -> memref<640x128xf32, #tpu.memory_space<vmem_shared>>
      tpu.wait_dma2 semaphore(%run_scoped3A : memref<!tpu.dma_semaphore, #tpu.memory_space<semaphore_mem>>) src(%dma_wait3A_116 : memref<640x128xf32, #tpu.memory_space<vmem_shared>>) dst(%dma_wait3A_114 : memref<640x128xf32, #tpu.memory_space<hbm>>)
      tpu.yield
    }) : () -> ()
    return
  }
}

#map = affine_map<(d0, d1) -> (0, 0)>
#map1 = affine_map<(d0, d1) -> (0)>
#map2 = affine_map<(d0, d1) -> (0, 0, 0)>
module attributes {stable_mosaic.version = 14 : i64} {
  func.func @_sc_agg_body(%arg0: i32, %arg1: i32, %arg2: memref<10000x128xf32, #tpu.memory_space<hbm>>, %arg3: memref<327680xi32, #tpu.memory_space<hbm>>, %arg4: memref<327680xi32, #tpu.memory_space<hbm>>, %arg5: memref<10240x128xf32, #tpu.memory_space<hbm>>, %arg6: memref<2x10240x128xf32, #tpu.memory_space<hbm>>, %arg7: memref<10240x128xf32, #tpu.memory_space<vmem_shared>>, %arg8: memref<128xi32, #tpu.memory_space<vmem>>, %arg9: memref<128xi32, #tpu.memory_space<vmem>>, %arg10: memref<128xi32, #tpu.memory_space<vmem>>, %arg11: memref<128xi32, #tpu.memory_space<vmem>>, %arg12: memref<128x128xf32, #tpu.memory_space<vmem>>, %arg13: memref<128x128xf32, #tpu.memory_space<vmem>>, %arg14: memref<!tpu.dma_semaphore, #tpu.memory_space<semaphore_mem>>, %arg15: memref<!tpu.dma_semaphore, #tpu.memory_space<semaphore_mem>>, %arg16: memref<!tpu.dma_semaphore, #tpu.memory_space<semaphore_mem>>, %arg17: memref<!tpu.dma_semaphore, #tpu.memory_space<semaphore_mem>>, %arg18: memref<!tpu.dma_semaphore, #tpu.memory_space<semaphore_mem>>, %arg19: memref<!tpu.dma_semaphore, #tpu.memory_space<semaphore_mem>>) attributes {dimension_semantics = [#tpu.dimension_semantics<core_parallel>, #tpu.dimension_semantics<subcore_parallel>], iteration_bounds = array<i64: 2, 16>, scalar_prefetch = 0 : i64, scratch_operands = 13 : i64, tpu.core_type = #tpu.core_type<sc_vector_subcore>, window_params = [{transform_indices = #map}, {transform_indices = #map1}, {transform_indices = #map1}, {transform_indices = #map}, {transform_indices = #map2}]} {
    %mul3A = arith.constant 640 : i32
    %mul3A_0 = arith.muli %arg1, %mul3A : i32
    %mul3A_1 = arith.constant 640 : i32
    %mul3A_2 = arith.muli %arg1, %mul3A_1 : i32
    "tpu.region"() ({
      %run_scoped3A = tpu.sem_alloc : memref<!tpu.dma_semaphore, #tpu.memory_space<semaphore_mem>>
      %dma_start3A_107 = arith.constant 0 : i32
      %dma_start3A_108 = tpu.memref_slice %arg7[%mul3A_2, %dma_start3A_107] : memref<10240x128xf32, #tpu.memory_space<vmem_shared>> -> memref<640x128xf32, #tpu.memory_space<vmem_shared>>
      %dma_start3A_109 = arith.constant 0 : i32
      %dma_start3A_110 = tpu.memref_slice %arg5[%mul3A_0, %dma_start3A_109] : memref<10240x128xf32, #tpu.memory_space<hbm>> -> memref<640x128xf32, #tpu.memory_space<hbm>>
      tpu.enqueue_dma source(%dma_start3A_110 : memref<640x128xf32, #tpu.memory_space<hbm>>) target(%dma_start3A_108 : memref<640x128xf32, #tpu.memory_space<vmem_shared>>) target_semaphore(%run_scoped3A : memref<!tpu.dma_semaphore, #tpu.memory_space<semaphore_mem>>)
      %dma_wait3A_111 = arith.constant 0 : i32
      %dma_wait3A_112 = tpu.memref_slice %arg7[%mul3A_2, %dma_wait3A_111] : memref<10240x128xf32, #tpu.memory_space<vmem_shared>> -> memref<640x128xf32, #tpu.memory_space<vmem_shared>>
      %dma_wait3A_113 = arith.constant 0 : i32
      %dma_wait3A_114 = tpu.memref_slice %arg5[%mul3A_0, %dma_wait3A_113] : memref<10240x128xf32, #tpu.memory_space<hbm>> -> memref<640x128xf32, #tpu.memory_space<hbm>>
      tpu.wait_dma2 semaphore(%run_scoped3A : memref<!tpu.dma_semaphore, #tpu.memory_space<semaphore_mem>>) src(%dma_wait3A_114 : memref<640x128xf32, #tpu.memory_space<hbm>>) dst(%dma_wait3A_112 : memref<640x128xf32, #tpu.memory_space<vmem_shared>>)
      tpu.yield
    }) : () -> ()
    %barrier3A = arith.constant 0 : index
    tpu.barrier barrier_id(%barrier3A)
    %eq3A = arith.constant 0 : i32
    %eq3A_3 = arith.cmpi eq, %arg0, %eq3A : i32
    %jit3A = arith.constant 158 : i32
    %jit3A_4 = arith.constant 2 : i32
    %select_n3A = arith.select %eq3A_3, %jit3A, %jit3A_4 : i32
    %eq3A_5 = arith.constant 0 : i32
    %eq3A_6 = arith.cmpi eq, %arg0, %eq3A_5 : i32
    %mul3A_7 = arith.constant 158 : i32
    %mul3A_8 = arith.muli %arg1, %mul3A_7 : i32
    %mul3A_9 = arith.constant 2 : i32
    %mul3A_10 = arith.muli %arg1, %mul3A_9 : i32
    %add3A = arith.constant 2528 : i32
    %add3A_11 = arith.addi %add3A, %mul3A_10 : i32
    %select_n3A_12 = arith.select %eq3A_6, %mul3A_8, %add3A_11 : i32
    %add3A_13 = arith.constant 0 : i32
    %add3A_14 = arith.addi %select_n3A_12, %add3A_13 : i32
    %mul3A_15 = arith.constant 128 : i32
    %mul3A_16 = arith.muli %add3A_14, %mul3A_15 : i32
    %dma_start3A = tpu.memref_slice %arg3[%mul3A_16] : memref<327680xi32, #tpu.memory_space<hbm>> -> memref<128xi32, #tpu.memory_space<hbm>>
    %dma_start3A_17 = tpu.memref_slice %arg3[%mul3A_16] : memref<327680xi32, #tpu.memory_space<hbm>> -> memref<128xi32, #tpu.memory_space<hbm>>
    tpu.enqueue_dma source(%dma_start3A_17 : memref<128xi32, #tpu.memory_space<hbm>>) target(%arg8 : memref<128xi32, #tpu.memory_space<vmem>>) target_semaphore(%arg16 : memref<!tpu.dma_semaphore, #tpu.memory_space<semaphore_mem>>)
    %mul3A_18 = arith.constant 128 : i32
    %mul3A_19 = arith.muli %add3A_14, %mul3A_18 : i32
    %dma_start3A_20 = tpu.memref_slice %arg4[%mul3A_19] : memref<327680xi32, #tpu.memory_space<hbm>> -> memref<128xi32, #tpu.memory_space<hbm>>
    %dma_start3A_21 = tpu.memref_slice %arg4[%mul3A_19] : memref<327680xi32, #tpu.memory_space<hbm>> -> memref<128xi32, #tpu.memory_space<hbm>>
    tpu.enqueue_dma source(%dma_start3A_21 : memref<128xi32, #tpu.memory_space<hbm>>) target(%arg10 : memref<128xi32, #tpu.memory_space<vmem>>) target_semaphore(%arg18 : memref<!tpu.dma_semaphore, #tpu.memory_space<semaphore_mem>>)
    %add3A_22 = arith.constant 1 : i32
    %add3A_23 = arith.addi %select_n3A_12, %add3A_22 : i32
    %mul3A_24 = arith.constant 128 : i32
    %mul3A_25 = arith.muli %add3A_23, %mul3A_24 : i32
    %dma_start3A_26 = tpu.memref_slice %arg3[%mul3A_25] : memref<327680xi32, #tpu.memory_space<hbm>> -> memref<128xi32, #tpu.memory_space<hbm>>
    %dma_start3A_27 = tpu.memref_slice %arg3[%mul3A_25] : memref<327680xi32, #tpu.memory_space<hbm>> -> memref<128xi32, #tpu.memory_space<hbm>>
    tpu.enqueue_dma source(%dma_start3A_27 : memref<128xi32, #tpu.memory_space<hbm>>) target(%arg9 : memref<128xi32, #tpu.memory_space<vmem>>) target_semaphore(%arg17 : memref<!tpu.dma_semaphore, #tpu.memory_space<semaphore_mem>>)
    %mul3A_28 = arith.constant 128 : i32
    %mul3A_29 = arith.muli %add3A_23, %mul3A_28 : i32
    %dma_start3A_30 = tpu.memref_slice %arg4[%mul3A_29] : memref<327680xi32, #tpu.memory_space<hbm>> -> memref<128xi32, #tpu.memory_space<hbm>>
    %dma_start3A_31 = tpu.memref_slice %arg4[%mul3A_29] : memref<327680xi32, #tpu.memory_space<hbm>> -> memref<128xi32, #tpu.memory_space<hbm>>
    tpu.enqueue_dma source(%dma_start3A_31 : memref<128xi32, #tpu.memory_space<hbm>>) target(%arg11 : memref<128xi32, #tpu.memory_space<vmem>>) target_semaphore(%arg19 : memref<!tpu.dma_semaphore, #tpu.memory_space<semaphore_mem>>)
    %add3A_32 = arith.constant 0 : i32
    %add3A_33 = arith.addi %select_n3A_12, %add3A_32 : i32
    %mul3A_34 = arith.constant 128 : i32
    %mul3A_35 = arith.muli %add3A_33, %mul3A_34 : i32
    %dma_wait3A = tpu.memref_slice %arg3[%mul3A_35] : memref<327680xi32, #tpu.memory_space<hbm>> -> memref<128xi32, #tpu.memory_space<hbm>>
    %dma_wait3A_36 = tpu.memref_slice %arg3[%mul3A_35] : memref<327680xi32, #tpu.memory_space<hbm>> -> memref<128xi32, #tpu.memory_space<hbm>>
    tpu.wait_dma2 semaphore(%arg16 : memref<!tpu.dma_semaphore, #tpu.memory_space<semaphore_mem>>) src(%dma_wait3A_36 : memref<128xi32, #tpu.memory_space<hbm>>) dst(%arg8 : memref<128xi32, #tpu.memory_space<vmem>>)
    %dma_start3A_37 = arith.constant 0 : i32
    %dma_start3A_38 = arith.constant 0 : i32
    %dma_start3A_39 = tpu.memref_slice %arg2[%dma_start3A_37, %dma_start3A_38] : memref<10000x128xf32, #tpu.memory_space<hbm>> -> memref<10000x128xf32, #tpu.memory_space<hbm>>
    tpu.enqueue_indirect_dma source(%dma_start3A_39 : memref<10000x128xf32, #tpu.memory_space<hbm>>) target(%arg12 : memref<128x128xf32, #tpu.memory_space<vmem>>) offsets(%arg8 : memref<128xi32, #tpu.memory_space<vmem>>) semaphore(%arg14 : memref<!tpu.dma_semaphore, #tpu.memory_space<semaphore_mem>>)
    %add3A_40 = arith.constant 1 : i32
    %add3A_41 = arith.addi %select_n3A_12, %add3A_40 : i32
    %mul3A_42 = arith.constant 128 : i32
    %mul3A_43 = arith.muli %add3A_41, %mul3A_42 : i32
    %dma_wait3A_44 = tpu.memref_slice %arg3[%mul3A_43] : memref<327680xi32, #tpu.memory_space<hbm>> -> memref<128xi32, #tpu.memory_space<hbm>>
    %dma_wait3A_45 = tpu.memref_slice %arg3[%mul3A_43] : memref<327680xi32, #tpu.memory_space<hbm>> -> memref<128xi32, #tpu.memory_space<hbm>>
    tpu.wait_dma2 semaphore(%arg17 : memref<!tpu.dma_semaphore, #tpu.memory_space<semaphore_mem>>) src(%dma_wait3A_45 : memref<128xi32, #tpu.memory_space<hbm>>) dst(%arg9 : memref<128xi32, #tpu.memory_space<vmem>>)
    %dma_start3A_46 = arith.constant 0 : i32
    %dma_start3A_47 = arith.constant 0 : i32
    %dma_start3A_48 = tpu.memref_slice %arg2[%dma_start3A_46, %dma_start3A_47] : memref<10000x128xf32, #tpu.memory_space<hbm>> -> memref<10000x128xf32, #tpu.memory_space<hbm>>
    tpu.enqueue_indirect_dma source(%dma_start3A_48 : memref<10000x128xf32, #tpu.memory_space<hbm>>) target(%arg13 : memref<128x128xf32, #tpu.memory_space<vmem>>) offsets(%arg9 : memref<128xi32, #tpu.memory_space<vmem>>) semaphore(%arg15 : memref<!tpu.dma_semaphore, #tpu.memory_space<semaphore_mem>>)
    %sub3A = arith.constant 2 : i32
    %sub3A_49 = arith.subi %select_n3A, %sub3A : i32
    %jit3A_50 = arith.constant 2 : i32
    %div3A = arith.divsi %sub3A_49, %jit3A_50 : i32
    %sign3A = arith.constant 0 : i32
    %sign3A_51 = arith.cmpi sgt, %sub3A_49, %sign3A : i32
    %sign3A_52 = arith.extui %sign3A_51 : i1 to i32
    %sign3A_53 = arith.constant 0 : i32
    %sign3A_54 = arith.cmpi slt, %sub3A_49, %sign3A_53 : i32
    %sign3A_55 = arith.extui %sign3A_54 : i1 to i32
    %sign3A_56 = arith.subi %sign3A_52, %sign3A_55 : i32
    %sign3A_57 = arith.constant 0 : i32
    %sign3A_58 = arith.cmpi sgt, %jit3A_50, %sign3A_57 : i32
    %sign3A_59 = arith.extui %sign3A_58 : i1 to i32
    %sign3A_60 = arith.constant 0 : i32
    %sign3A_61 = arith.cmpi slt, %jit3A_50, %sign3A_60 : i32
    %sign3A_62 = arith.extui %sign3A_61 : i1 to i32
    %sign3A_63 = arith.subi %sign3A_59, %sign3A_62 : i32
    %ne3A = arith.cmpi ne, %sign3A_56, %sign3A_63 : i32
    %rem3A = arith.remsi %sub3A_49, %jit3A_50 : i32
    %ne3A_64 = arith.constant 0 : i32
    %ne3A_65 = arith.cmpi ne, %rem3A, %ne3A_64 : i32
    %and3A = arith.andi %ne3A, %ne3A_65 : i1
    %sub3A_66 = arith.constant 1 : i32
    %sub3A_67 = arith.subi %div3A, %sub3A_66 : i32
    %select_n3A_68 = arith.select %and3A, %sub3A_67, %div3A : i32
    %while3A = arith.constant 0 : i32
    %while3A_69 = arith.constant 0 : i32
    %while3A_70 = arith.subi %select_n3A_68, %while3A_69 : i32
    %while3A_71 = arith.addi %while3A_69, %while3A_70 : i32
    %while3A_72 = arith.constant 1 : i32
    %while3A_73 = arith.divsi %while3A_70, %while3A_72 : i32
    %while3A_74 = arith.muli %while3A_73, %while3A_72 : i32
    %while3A_75 = arith.addi %while3A_69, %while3A_74 : i32
    %while3A_76 = arith.constant 1 : i32
    scf.for %while3A_107 = %while3A_69 to %while3A_75 step %while3A_76  : i32 {
      %mul3A_108 = arith.constant 2 : i32
      %mul3A_109 = arith.muli %while3A_107, %mul3A_108 : i32
      %add3A_110 = arith.addi %select_n3A_12, %mul3A_109 : i32
      %add3A_111 = arith.constant 0 : i32
      %add3A_112 = arith.addi %add3A_110, %add3A_111 : i32
      %dma_wait3A_113 = arith.constant 0 : i32
      %dma_wait3A_114 = arith.constant 0 : i32
      %dma_wait3A_115 = tpu.memref_slice %arg2[%dma_wait3A_113, %dma_wait3A_114] : memref<10000x128xf32, #tpu.memory_space<hbm>> -> memref<10000x128xf32, #tpu.memory_space<hbm>>
      tpu.wait_indirect_dma semaphore(%arg14 : memref<!tpu.dma_semaphore, #tpu.memory_space<semaphore_mem>>) src(%dma_wait3A_115 : memref<10000x128xf32, #tpu.memory_space<hbm>>) dst(%arg12 : memref<128x128xf32, #tpu.memory_space<vmem>>)
      %add3A_116 = arith.constant 2 : i32
      %add3A_117 = arith.addi %add3A_112, %add3A_116 : i32
      %mul3A_118 = arith.constant 128 : i32
      %mul3A_119 = arith.muli %add3A_117, %mul3A_118 : i32
      %dma_start3A_120 = tpu.memref_slice %arg3[%mul3A_119] : memref<327680xi32, #tpu.memory_space<hbm>> -> memref<128xi32, #tpu.memory_space<hbm>>
      %dma_start3A_121 = tpu.memref_slice %arg3[%mul3A_119] : memref<327680xi32, #tpu.memory_space<hbm>> -> memref<128xi32, #tpu.memory_space<hbm>>
      tpu.enqueue_dma source(%dma_start3A_121 : memref<128xi32, #tpu.memory_space<hbm>>) target(%arg8 : memref<128xi32, #tpu.memory_space<vmem>>) target_semaphore(%arg16 : memref<!tpu.dma_semaphore, #tpu.memory_space<semaphore_mem>>)
      %mul3A_122 = arith.constant 128 : i32
      %mul3A_123 = arith.muli %add3A_112, %mul3A_122 : i32
      %dma_wait3A_124 = tpu.memref_slice %arg4[%mul3A_123] : memref<327680xi32, #tpu.memory_space<hbm>> -> memref<128xi32, #tpu.memory_space<hbm>>
      %dma_wait3A_125 = tpu.memref_slice %arg4[%mul3A_123] : memref<327680xi32, #tpu.memory_space<hbm>> -> memref<128xi32, #tpu.memory_space<hbm>>
      tpu.wait_dma2 semaphore(%arg18 : memref<!tpu.dma_semaphore, #tpu.memory_space<semaphore_mem>>) src(%dma_wait3A_125 : memref<128xi32, #tpu.memory_space<hbm>>) dst(%arg10 : memref<128xi32, #tpu.memory_space<vmem>>)
      "tpu.region"() ({
        %run_scoped3A = tpu.sem_alloc : memref<!tpu.dma_semaphore, #tpu.memory_space<semaphore_mem>>
        %dma_start3A_174 = arith.constant 0 : i32
        %dma_start3A_175 = arith.constant 0 : i32
        %dma_start3A_176 = tpu.memref_slice %arg7[%dma_start3A_174, %dma_start3A_175] : memref<10240x128xf32, #tpu.memory_space<vmem_shared>> -> memref<10240x128xf32, #tpu.memory_space<vmem_shared>>
        tpu.enqueue_indirect_dma source(%arg12 : memref<128x128xf32, #tpu.memory_space<vmem>>) target(%dma_start3A_176 : memref<10240x128xf32, #tpu.memory_space<vmem_shared>>) offsets(%arg10 : memref<128xi32, #tpu.memory_space<vmem>>) semaphore(%run_scoped3A : memref<!tpu.dma_semaphore, #tpu.memory_space<semaphore_mem>>) {add = true}
        %dma_wait3A_177 = arith.constant 0 : i32
        %dma_wait3A_178 = arith.constant 0 : i32
        %dma_wait3A_179 = tpu.memref_slice %arg7[%dma_wait3A_177, %dma_wait3A_178] : memref<10240x128xf32, #tpu.memory_space<vmem_shared>> -> memref<10240x128xf32, #tpu.memory_space<vmem_shared>>
        tpu.wait_indirect_dma semaphore(%run_scoped3A : memref<!tpu.dma_semaphore, #tpu.memory_space<semaphore_mem>>) src(%arg12 : memref<128x128xf32, #tpu.memory_space<vmem>>) dst(%dma_wait3A_179 : memref<10240x128xf32, #tpu.memory_space<vmem_shared>>)
        tpu.yield
      }) : () -> ()
      %add3A_126 = arith.constant 2 : i32
      %add3A_127 = arith.addi %add3A_112, %add3A_126 : i32
      %mul3A_128 = arith.constant 128 : i32
      %mul3A_129 = arith.muli %add3A_127, %mul3A_128 : i32
      %dma_start3A_130 = tpu.memref_slice %arg4[%mul3A_129] : memref<327680xi32, #tpu.memory_space<hbm>> -> memref<128xi32, #tpu.memory_space<hbm>>
      %dma_start3A_131 = tpu.memref_slice %arg4[%mul3A_129] : memref<327680xi32, #tpu.memory_space<hbm>> -> memref<128xi32, #tpu.memory_space<hbm>>
      tpu.enqueue_dma source(%dma_start3A_131 : memref<128xi32, #tpu.memory_space<hbm>>) target(%arg10 : memref<128xi32, #tpu.memory_space<vmem>>) target_semaphore(%arg18 : memref<!tpu.dma_semaphore, #tpu.memory_space<semaphore_mem>>)
      %add3A_132 = arith.constant 2 : i32
      %add3A_133 = arith.addi %add3A_112, %add3A_132 : i32
      %mul3A_134 = arith.constant 128 : i32
      %mul3A_135 = arith.muli %add3A_133, %mul3A_134 : i32
      %dma_wait3A_136 = tpu.memref_slice %arg3[%mul3A_135] : memref<327680xi32, #tpu.memory_space<hbm>> -> memref<128xi32, #tpu.memory_space<hbm>>
      %dma_wait3A_137 = tpu.memref_slice %arg3[%mul3A_135] : memref<327680xi32, #tpu.memory_space<hbm>> -> memref<128xi32, #tpu.memory_space<hbm>>
      tpu.wait_dma2 semaphore(%arg16 : memref<!tpu.dma_semaphore, #tpu.memory_space<semaphore_mem>>) src(%dma_wait3A_137 : memref<128xi32, #tpu.memory_space<hbm>>) dst(%arg8 : memref<128xi32, #tpu.memory_space<vmem>>)
      %dma_start3A_138 = arith.constant 0 : i32
      %dma_start3A_139 = arith.constant 0 : i32
      %dma_start3A_140 = tpu.memref_slice %arg2[%dma_start3A_138, %dma_start3A_139] : memref<10000x128xf32, #tpu.memory_space<hbm>> -> memref<10000x128xf32, #tpu.memory_space<hbm>>
      tpu.enqueue_indirect_dma source(%dma_start3A_140 : memref<10000x128xf32, #tpu.memory_space<hbm>>) target(%arg12 : memref<128x128xf32, #tpu.memory_space<vmem>>) offsets(%arg8 : memref<128xi32, #tpu.memory_space<vmem>>) semaphore(%arg14 : memref<!tpu.dma_semaphore, #tpu.memory_space<semaphore_mem>>)
      %mul3A_141 = arith.constant 2 : i32
      %mul3A_142 = arith.muli %while3A_107, %mul3A_141 : i32
      %add3A_143 = arith.addi %select_n3A_12, %mul3A_142 : i32
      %add3A_144 = arith.constant 1 : i32
      %add3A_145 = arith.addi %add3A_143, %add3A_144 : i32
      %dma_wait3A_146 = arith.constant 0 : i32
      %dma_wait3A_147 = arith.constant 0 : i32
      %dma_wait3A_148 = tpu.memref_slice %arg2[%dma_wait3A_146, %dma_wait3A_147] : memref<10000x128xf32, #tpu.memory_space<hbm>> -> memref<10000x128xf32, #tpu.memory_space<hbm>>
      tpu.wait_indirect_dma semaphore(%arg15 : memref<!tpu.dma_semaphore, #tpu.memory_space<semaphore_mem>>) src(%dma_wait3A_148 : memref<10000x128xf32, #tpu.memory_space<hbm>>) dst(%arg13 : memref<128x128xf32, #tpu.memory_space<vmem>>)
      %add3A_149 = arith.constant 2 : i32
      %add3A_150 = arith.addi %add3A_145, %add3A_149 : i32
      %mul3A_151 = arith.constant 128 : i32
      %mul3A_152 = arith.muli %add3A_150, %mul3A_151 : i32
      %dma_start3A_153 = tpu.memref_slice %arg3[%mul3A_152] : memref<327680xi32, #tpu.memory_space<hbm>> -> memref<128xi32, #tpu.memory_space<hbm>>
      %dma_start3A_154 = tpu.memref_slice %arg3[%mul3A_152] : memref<327680xi32, #tpu.memory_space<hbm>> -> memref<128xi32, #tpu.memory_space<hbm>>
      tpu.enqueue_dma source(%dma_start3A_154 : memref<128xi32, #tpu.memory_space<hbm>>) target(%arg9 : memref<128xi32, #tpu.memory_space<vmem>>) target_semaphore(%arg17 : memref<!tpu.dma_semaphore, #tpu.memory_space<semaphore_mem>>)
      %mul3A_155 = arith.constant 128 : i32
      %mul3A_156 = arith.muli %add3A_145, %mul3A_155 : i32
      %dma_wait3A_157 = tpu.memref_slice %arg4[%mul3A_156] : memref<327680xi32, #tpu.memory_space<hbm>> -> memref<128xi32, #tpu.memory_space<hbm>>
      %dma_wait3A_158 = tpu.memref_slice %arg4[%mul3A_156] : memref<327680xi32, #tpu.memory_space<hbm>> -> memref<128xi32, #tpu.memory_space<hbm>>
      tpu.wait_dma2 semaphore(%arg19 : memref<!tpu.dma_semaphore, #tpu.memory_space<semaphore_mem>>) src(%dma_wait3A_158 : memref<128xi32, #tpu.memory_space<hbm>>) dst(%arg11 : memref<128xi32, #tpu.memory_space<vmem>>)
      "tpu.region"() ({
        %run_scoped3A = tpu.sem_alloc : memref<!tpu.dma_semaphore, #tpu.memory_space<semaphore_mem>>
        %dma_start3A_174 = arith.constant 0 : i32
        %dma_start3A_175 = arith.constant 0 : i32
        %dma_start3A_176 = tpu.memref_slice %arg7[%dma_start3A_174, %dma_start3A_175] : memref<10240x128xf32, #tpu.memory_space<vmem_shared>> -> memref<10240x128xf32, #tpu.memory_space<vmem_shared>>
        tpu.enqueue_indirect_dma source(%arg13 : memref<128x128xf32, #tpu.memory_space<vmem>>) target(%dma_start3A_176 : memref<10240x128xf32, #tpu.memory_space<vmem_shared>>) offsets(%arg11 : memref<128xi32, #tpu.memory_space<vmem>>) semaphore(%run_scoped3A : memref<!tpu.dma_semaphore, #tpu.memory_space<semaphore_mem>>) {add = true}
        %dma_wait3A_177 = arith.constant 0 : i32
        %dma_wait3A_178 = arith.constant 0 : i32
        %dma_wait3A_179 = tpu.memref_slice %arg7[%dma_wait3A_177, %dma_wait3A_178] : memref<10240x128xf32, #tpu.memory_space<vmem_shared>> -> memref<10240x128xf32, #tpu.memory_space<vmem_shared>>
        tpu.wait_indirect_dma semaphore(%run_scoped3A : memref<!tpu.dma_semaphore, #tpu.memory_space<semaphore_mem>>) src(%arg13 : memref<128x128xf32, #tpu.memory_space<vmem>>) dst(%dma_wait3A_179 : memref<10240x128xf32, #tpu.memory_space<vmem_shared>>)
        tpu.yield
      }) : () -> ()
      %add3A_159 = arith.constant 2 : i32
      %add3A_160 = arith.addi %add3A_145, %add3A_159 : i32
      %mul3A_161 = arith.constant 128 : i32
      %mul3A_162 = arith.muli %add3A_160, %mul3A_161 : i32
      %dma_start3A_163 = tpu.memref_slice %arg4[%mul3A_162] : memref<327680xi32, #tpu.memory_space<hbm>> -> memref<128xi32, #tpu.memory_space<hbm>>
      %dma_start3A_164 = tpu.memref_slice %arg4[%mul3A_162] : memref<327680xi32, #tpu.memory_space<hbm>> -> memref<128xi32, #tpu.memory_space<hbm>>
      tpu.enqueue_dma source(%dma_start3A_164 : memref<128xi32, #tpu.memory_space<hbm>>) target(%arg11 : memref<128xi32, #tpu.memory_space<vmem>>) target_semaphore(%arg19 : memref<!tpu.dma_semaphore, #tpu.memory_space<semaphore_mem>>)
      %add3A_165 = arith.constant 2 : i32
      %add3A_166 = arith.addi %add3A_145, %add3A_165 : i32
      %mul3A_167 = arith.constant 128 : i32
      %mul3A_168 = arith.muli %add3A_166, %mul3A_167 : i32
      %dma_wait3A_169 = tpu.memref_slice %arg3[%mul3A_168] : memref<327680xi32, #tpu.memory_space<hbm>> -> memref<128xi32, #tpu.memory_space<hbm>>
      %dma_wait3A_170 = tpu.memref_slice %arg3[%mul3A_168] : memref<327680xi32, #tpu.memory_space<hbm>> -> memref<128xi32, #tpu.memory_space<hbm>>
      tpu.wait_dma2 semaphore(%arg17 : memref<!tpu.dma_semaphore, #tpu.memory_space<semaphore_mem>>) src(%dma_wait3A_170 : memref<128xi32, #tpu.memory_space<hbm>>) dst(%arg9 : memref<128xi32, #tpu.memory_space<vmem>>)
      %dma_start3A_171 = arith.constant 0 : i32
      %dma_start3A_172 = arith.constant 0 : i32
      %dma_start3A_173 = tpu.memref_slice %arg2[%dma_start3A_171, %dma_start3A_172] : memref<10000x128xf32, #tpu.memory_space<hbm>> -> memref<10000x128xf32, #tpu.memory_space<hbm>>
      tpu.enqueue_indirect_dma source(%dma_start3A_173 : memref<10000x128xf32, #tpu.memory_space<hbm>>) target(%arg13 : memref<128x128xf32, #tpu.memory_space<vmem>>) offsets(%arg9 : memref<128xi32, #tpu.memory_space<vmem>>) semaphore(%arg15 : memref<!tpu.dma_semaphore, #tpu.memory_space<semaphore_mem>>)
    }
    %while3A_77 = arith.constant 1 : i32
    scf.for %while3A_107 = %while3A_75 to %while3A_71 step %while3A_77  : i32 {
      %mul3A_108 = arith.constant 2 : i32
      %mul3A_109 = arith.muli %while3A_107, %mul3A_108 : i32
      %add3A_110 = arith.addi %select_n3A_12, %mul3A_109 : i32
      %add3A_111 = arith.constant 0 : i32
      %add3A_112 = arith.addi %add3A_110, %add3A_111 : i32
      %dma_wait3A_113 = arith.constant 0 : i32
      %dma_wait3A_114 = arith.constant 0 : i32
      %dma_wait3A_115 = tpu.memref_slice %arg2[%dma_wait3A_113, %dma_wait3A_114] : memref<10000x128xf32, #tpu.memory_space<hbm>> -> memref<10000x128xf32, #tpu.memory_space<hbm>>
      tpu.wait_indirect_dma semaphore(%arg14 : memref<!tpu.dma_semaphore, #tpu.memory_space<semaphore_mem>>) src(%dma_wait3A_115 : memref<10000x128xf32, #tpu.memory_space<hbm>>) dst(%arg12 : memref<128x128xf32, #tpu.memory_space<vmem>>)
      %add3A_116 = arith.constant 2 : i32
      %add3A_117 = arith.addi %add3A_112, %add3A_116 : i32
      %mul3A_118 = arith.constant 128 : i32
      %mul3A_119 = arith.muli %add3A_117, %mul3A_118 : i32
      %dma_start3A_120 = tpu.memref_slice %arg3[%mul3A_119] : memref<327680xi32, #tpu.memory_space<hbm>> -> memref<128xi32, #tpu.memory_space<hbm>>
      %dma_start3A_121 = tpu.memref_slice %arg3[%mul3A_119] : memref<327680xi32, #tpu.memory_space<hbm>> -> memref<128xi32, #tpu.memory_space<hbm>>
      tpu.enqueue_dma source(%dma_start3A_121 : memref<128xi32, #tpu.memory_space<hbm>>) target(%arg8 : memref<128xi32, #tpu.memory_space<vmem>>) target_semaphore(%arg16 : memref<!tpu.dma_semaphore, #tpu.memory_space<semaphore_mem>>)
      %mul3A_122 = arith.constant 128 : i32
      %mul3A_123 = arith.muli %add3A_112, %mul3A_122 : i32
      %dma_wait3A_124 = tpu.memref_slice %arg4[%mul3A_123] : memref<327680xi32, #tpu.memory_space<hbm>> -> memref<128xi32, #tpu.memory_space<hbm>>
      %dma_wait3A_125 = tpu.memref_slice %arg4[%mul3A_123] : memref<327680xi32, #tpu.memory_space<hbm>> -> memref<128xi32, #tpu.memory_space<hbm>>
      tpu.wait_dma2 semaphore(%arg18 : memref<!tpu.dma_semaphore, #tpu.memory_space<semaphore_mem>>) src(%dma_wait3A_125 : memref<128xi32, #tpu.memory_space<hbm>>) dst(%arg10 : memref<128xi32, #tpu.memory_space<vmem>>)
      "tpu.region"() ({
        %run_scoped3A = tpu.sem_alloc : memref<!tpu.dma_semaphore, #tpu.memory_space<semaphore_mem>>
        %dma_start3A_174 = arith.constant 0 : i32
        %dma_start3A_175 = arith.constant 0 : i32
        %dma_start3A_176 = tpu.memref_slice %arg7[%dma_start3A_174, %dma_start3A_175] : memref<10240x128xf32, #tpu.memory_space<vmem_shared>> -> memref<10240x128xf32, #tpu.memory_space<vmem_shared>>
        tpu.enqueue_indirect_dma source(%arg12 : memref<128x128xf32, #tpu.memory_space<vmem>>) target(%dma_start3A_176 : memref<10240x128xf32, #tpu.memory_space<vmem_shared>>) offsets(%arg10 : memref<128xi32, #tpu.memory_space<vmem>>) semaphore(%run_scoped3A : memref<!tpu.dma_semaphore, #tpu.memory_space<semaphore_mem>>) {add = true}
        %dma_wait3A_177 = arith.constant 0 : i32
        %dma_wait3A_178 = arith.constant 0 : i32
        %dma_wait3A_179 = tpu.memref_slice %arg7[%dma_wait3A_177, %dma_wait3A_178] : memref<10240x128xf32, #tpu.memory_space<vmem_shared>> -> memref<10240x128xf32, #tpu.memory_space<vmem_shared>>
        tpu.wait_indirect_dma semaphore(%run_scoped3A : memref<!tpu.dma_semaphore, #tpu.memory_space<semaphore_mem>>) src(%arg12 : memref<128x128xf32, #tpu.memory_space<vmem>>) dst(%dma_wait3A_179 : memref<10240x128xf32, #tpu.memory_space<vmem_shared>>)
        tpu.yield
      }) : () -> ()
      %add3A_126 = arith.constant 2 : i32
      %add3A_127 = arith.addi %add3A_112, %add3A_126 : i32
      %mul3A_128 = arith.constant 128 : i32
      %mul3A_129 = arith.muli %add3A_127, %mul3A_128 : i32
      %dma_start3A_130 = tpu.memref_slice %arg4[%mul3A_129] : memref<327680xi32, #tpu.memory_space<hbm>> -> memref<128xi32, #tpu.memory_space<hbm>>
      %dma_start3A_131 = tpu.memref_slice %arg4[%mul3A_129] : memref<327680xi32, #tpu.memory_space<hbm>> -> memref<128xi32, #tpu.memory_space<hbm>>
      tpu.enqueue_dma source(%dma_start3A_131 : memref<128xi32, #tpu.memory_space<hbm>>) target(%arg10 : memref<128xi32, #tpu.memory_space<vmem>>) target_semaphore(%arg18 : memref<!tpu.dma_semaphore, #tpu.memory_space<semaphore_mem>>)
      %add3A_132 = arith.constant 2 : i32
      %add3A_133 = arith.addi %add3A_112, %add3A_132 : i32
      %mul3A_134 = arith.constant 128 : i32
      %mul3A_135 = arith.muli %add3A_133, %mul3A_134 : i32
      %dma_wait3A_136 = tpu.memref_slice %arg3[%mul3A_135] : memref<327680xi32, #tpu.memory_space<hbm>> -> memref<128xi32, #tpu.memory_space<hbm>>
      %dma_wait3A_137 = tpu.memref_slice %arg3[%mul3A_135] : memref<327680xi32, #tpu.memory_space<hbm>> -> memref<128xi32, #tpu.memory_space<hbm>>
      tpu.wait_dma2 semaphore(%arg16 : memref<!tpu.dma_semaphore, #tpu.memory_space<semaphore_mem>>) src(%dma_wait3A_137 : memref<128xi32, #tpu.memory_space<hbm>>) dst(%arg8 : memref<128xi32, #tpu.memory_space<vmem>>)
      %dma_start3A_138 = arith.constant 0 : i32
      %dma_start3A_139 = arith.constant 0 : i32
      %dma_start3A_140 = tpu.memref_slice %arg2[%dma_start3A_138, %dma_start3A_139] : memref<10000x128xf32, #tpu.memory_space<hbm>> -> memref<10000x128xf32, #tpu.memory_space<hbm>>
      tpu.enqueue_indirect_dma source(%dma_start3A_140 : memref<10000x128xf32, #tpu.memory_space<hbm>>) target(%arg12 : memref<128x128xf32, #tpu.memory_space<vmem>>) offsets(%arg8 : memref<128xi32, #tpu.memory_space<vmem>>) semaphore(%arg14 : memref<!tpu.dma_semaphore, #tpu.memory_space<semaphore_mem>>)
      %mul3A_141 = arith.constant 2 : i32
      %mul3A_142 = arith.muli %while3A_107, %mul3A_141 : i32
      %add3A_143 = arith.addi %select_n3A_12, %mul3A_142 : i32
      %add3A_144 = arith.constant 1 : i32
      %add3A_145 = arith.addi %add3A_143, %add3A_144 : i32
      %dma_wait3A_146 = arith.constant 0 : i32
      %dma_wait3A_147 = arith.constant 0 : i32
      %dma_wait3A_148 = tpu.memref_slice %arg2[%dma_wait3A_146, %dma_wait3A_147] : memref<10000x128xf32, #tpu.memory_space<hbm>> -> memref<10000x128xf32, #tpu.memory_space<hbm>>
      tpu.wait_indirect_dma semaphore(%arg15 : memref<!tpu.dma_semaphore, #tpu.memory_space<semaphore_mem>>) src(%dma_wait3A_148 : memref<10000x128xf32, #tpu.memory_space<hbm>>) dst(%arg13 : memref<128x128xf32, #tpu.memory_space<vmem>>)
      %add3A_149 = arith.constant 2 : i32
      %add3A_150 = arith.addi %add3A_145, %add3A_149 : i32
      %mul3A_151 = arith.constant 128 : i32
      %mul3A_152 = arith.muli %add3A_150, %mul3A_151 : i32
      %dma_start3A_153 = tpu.memref_slice %arg3[%mul3A_152] : memref<327680xi32, #tpu.memory_space<hbm>> -> memref<128xi32, #tpu.memory_space<hbm>>
      %dma_start3A_154 = tpu.memref_slice %arg3[%mul3A_152] : memref<327680xi32, #tpu.memory_space<hbm>> -> memref<128xi32, #tpu.memory_space<hbm>>
      tpu.enqueue_dma source(%dma_start3A_154 : memref<128xi32, #tpu.memory_space<hbm>>) target(%arg9 : memref<128xi32, #tpu.memory_space<vmem>>) target_semaphore(%arg17 : memref<!tpu.dma_semaphore, #tpu.memory_space<semaphore_mem>>)
      %mul3A_155 = arith.constant 128 : i32
      %mul3A_156 = arith.muli %add3A_145, %mul3A_155 : i32
      %dma_wait3A_157 = tpu.memref_slice %arg4[%mul3A_156] : memref<327680xi32, #tpu.memory_space<hbm>> -> memref<128xi32, #tpu.memory_space<hbm>>
      %dma_wait3A_158 = tpu.memref_slice %arg4[%mul3A_156] : memref<327680xi32, #tpu.memory_space<hbm>> -> memref<128xi32, #tpu.memory_space<hbm>>
      tpu.wait_dma2 semaphore(%arg19 : memref<!tpu.dma_semaphore, #tpu.memory_space<semaphore_mem>>) src(%dma_wait3A_158 : memref<128xi32, #tpu.memory_space<hbm>>) dst(%arg11 : memref<128xi32, #tpu.memory_space<vmem>>)
      "tpu.region"() ({
        %run_scoped3A = tpu.sem_alloc : memref<!tpu.dma_semaphore, #tpu.memory_space<semaphore_mem>>
        %dma_start3A_174 = arith.constant 0 : i32
        %dma_start3A_175 = arith.constant 0 : i32
        %dma_start3A_176 = tpu.memref_slice %arg7[%dma_start3A_174, %dma_start3A_175] : memref<10240x128xf32, #tpu.memory_space<vmem_shared>> -> memref<10240x128xf32, #tpu.memory_space<vmem_shared>>
        tpu.enqueue_indirect_dma source(%arg13 : memref<128x128xf32, #tpu.memory_space<vmem>>) target(%dma_start3A_176 : memref<10240x128xf32, #tpu.memory_space<vmem_shared>>) offsets(%arg11 : memref<128xi32, #tpu.memory_space<vmem>>) semaphore(%run_scoped3A : memref<!tpu.dma_semaphore, #tpu.memory_space<semaphore_mem>>) {add = true}
        %dma_wait3A_177 = arith.constant 0 : i32
        %dma_wait3A_178 = arith.constant 0 : i32
        %dma_wait3A_179 = tpu.memref_slice %arg7[%dma_wait3A_177, %dma_wait3A_178] : memref<10240x128xf32, #tpu.memory_space<vmem_shared>> -> memref<10240x128xf32, #tpu.memory_space<vmem_shared>>
        tpu.wait_indirect_dma semaphore(%run_scoped3A : memref<!tpu.dma_semaphore, #tpu.memory_space<semaphore_mem>>) src(%arg13 : memref<128x128xf32, #tpu.memory_space<vmem>>) dst(%dma_wait3A_179 : memref<10240x128xf32, #tpu.memory_space<vmem_shared>>)
        tpu.yield
      }) : () -> ()
      %add3A_159 = arith.constant 2 : i32
      %add3A_160 = arith.addi %add3A_145, %add3A_159 : i32
      %mul3A_161 = arith.constant 128 : i32
      %mul3A_162 = arith.muli %add3A_160, %mul3A_161 : i32
      %dma_start3A_163 = tpu.memref_slice %arg4[%mul3A_162] : memref<327680xi32, #tpu.memory_space<hbm>> -> memref<128xi32, #tpu.memory_space<hbm>>
      %dma_start3A_164 = tpu.memref_slice %arg4[%mul3A_162] : memref<327680xi32, #tpu.memory_space<hbm>> -> memref<128xi32, #tpu.memory_space<hbm>>
      tpu.enqueue_dma source(%dma_start3A_164 : memref<128xi32, #tpu.memory_space<hbm>>) target(%arg11 : memref<128xi32, #tpu.memory_space<vmem>>) target_semaphore(%arg19 : memref<!tpu.dma_semaphore, #tpu.memory_space<semaphore_mem>>)
      %add3A_165 = arith.constant 2 : i32
      %add3A_166 = arith.addi %add3A_145, %add3A_165 : i32
      %mul3A_167 = arith.constant 128 : i32
      %mul3A_168 = arith.muli %add3A_166, %mul3A_167 : i32
      %dma_wait3A_169 = tpu.memref_slice %arg3[%mul3A_168] : memref<327680xi32, #tpu.memory_space<hbm>> -> memref<128xi32, #tpu.memory_space<hbm>>
      %dma_wait3A_170 = tpu.memref_slice %arg3[%mul3A_168] : memref<327680xi32, #tpu.memory_space<hbm>> -> memref<128xi32, #tpu.memory_space<hbm>>
      tpu.wait_dma2 semaphore(%arg17 : memref<!tpu.dma_semaphore, #tpu.memory_space<semaphore_mem>>) src(%dma_wait3A_170 : memref<128xi32, #tpu.memory_space<hbm>>) dst(%arg9 : memref<128xi32, #tpu.memory_space<vmem>>)
      %dma_start3A_171 = arith.constant 0 : i32
      %dma_start3A_172 = arith.constant 0 : i32
      %dma_start3A_173 = tpu.memref_slice %arg2[%dma_start3A_171, %dma_start3A_172] : memref<10000x128xf32, #tpu.memory_space<hbm>> -> memref<10000x128xf32, #tpu.memory_space<hbm>>
      tpu.enqueue_indirect_dma source(%dma_start3A_173 : memref<10000x128xf32, #tpu.memory_space<hbm>>) target(%arg13 : memref<128x128xf32, #tpu.memory_space<vmem>>) offsets(%arg9 : memref<128xi32, #tpu.memory_space<vmem>>) semaphore(%arg15 : memref<!tpu.dma_semaphore, #tpu.memory_space<semaphore_mem>>)
    }
    %dma_wait3A_78 = arith.constant 0 : i32
    %dma_wait3A_79 = arith.constant 0 : i32
    %dma_wait3A_80 = tpu.memref_slice %arg2[%dma_wait3A_78, %dma_wait3A_79] : memref<10000x128xf32, #tpu.memory_space<hbm>> -> memref<10000x128xf32, #tpu.memory_space<hbm>>
    tpu.wait_indirect_dma semaphore(%arg14 : memref<!tpu.dma_semaphore, #tpu.memory_space<semaphore_mem>>) src(%dma_wait3A_80 : memref<10000x128xf32, #tpu.memory_space<hbm>>) dst(%arg12 : memref<128x128xf32, #tpu.memory_space<vmem>>)
    %add3A_81 = arith.addi %select_n3A_12, %select_n3A : i32
    %sub3A_82 = arith.constant 2 : i32
    %sub3A_83 = arith.subi %add3A_81, %sub3A_82 : i32
    %add3A_84 = arith.constant 0 : i32
    %add3A_85 = arith.addi %sub3A_83, %add3A_84 : i32
    %mul3A_86 = arith.constant 128 : i32
    %mul3A_87 = arith.muli %add3A_85, %mul3A_86 : i32
    %dma_wait3A_88 = tpu.memref_slice %arg4[%mul3A_87] : memref<327680xi32, #tpu.memory_space<hbm>> -> memref<128xi32, #tpu.memory_space<hbm>>
    %dma_wait3A_89 = tpu.memref_slice %arg4[%mul3A_87] : memref<327680xi32, #tpu.memory_space<hbm>> -> memref<128xi32, #tpu.memory_space<hbm>>
    tpu.wait_dma2 semaphore(%arg18 : memref<!tpu.dma_semaphore, #tpu.memory_space<semaphore_mem>>) src(%dma_wait3A_89 : memref<128xi32, #tpu.memory_space<hbm>>) dst(%arg10 : memref<128xi32, #tpu.memory_space<vmem>>)
    "tpu.region"() ({
      %run_scoped3A = tpu.sem_alloc : memref<!tpu.dma_semaphore, #tpu.memory_space<semaphore_mem>>
      %dma_start3A_107 = arith.constant 0 : i32
      %dma_start3A_108 = arith.constant 0 : i32
      %dma_start3A_109 = tpu.memref_slice %arg7[%dma_start3A_107, %dma_start3A_108] : memref<10240x128xf32, #tpu.memory_space<vmem_shared>> -> memref<10240x128xf32, #tpu.memory_space<vmem_shared>>
      tpu.enqueue_indirect_dma source(%arg12 : memref<128x128xf32, #tpu.memory_space<vmem>>) target(%dma_start3A_109 : memref<10240x128xf32, #tpu.memory_space<vmem_shared>>) offsets(%arg10 : memref<128xi32, #tpu.memory_space<vmem>>) semaphore(%run_scoped3A : memref<!tpu.dma_semaphore, #tpu.memory_space<semaphore_mem>>) {add = true}
      %dma_wait3A_110 = arith.constant 0 : i32
      %dma_wait3A_111 = arith.constant 0 : i32
      %dma_wait3A_112 = tpu.memref_slice %arg7[%dma_wait3A_110, %dma_wait3A_111] : memref<10240x128xf32, #tpu.memory_space<vmem_shared>> -> memref<10240x128xf32, #tpu.memory_space<vmem_shared>>
      tpu.wait_indirect_dma semaphore(%run_scoped3A : memref<!tpu.dma_semaphore, #tpu.memory_space<semaphore_mem>>) src(%arg12 : memref<128x128xf32, #tpu.memory_space<vmem>>) dst(%dma_wait3A_112 : memref<10240x128xf32, #tpu.memory_space<vmem_shared>>)
      tpu.yield
    }) : () -> ()
    %dma_wait3A_90 = arith.constant 0 : i32
    %dma_wait3A_91 = arith.constant 0 : i32
    %dma_wait3A_92 = tpu.memref_slice %arg2[%dma_wait3A_90, %dma_wait3A_91] : memref<10000x128xf32, #tpu.memory_space<hbm>> -> memref<10000x128xf32, #tpu.memory_space<hbm>>
    tpu.wait_indirect_dma semaphore(%arg15 : memref<!tpu.dma_semaphore, #tpu.memory_space<semaphore_mem>>) src(%dma_wait3A_92 : memref<10000x128xf32, #tpu.memory_space<hbm>>) dst(%arg13 : memref<128x128xf32, #tpu.memory_space<vmem>>)
    %add3A_93 = arith.addi %select_n3A_12, %select_n3A : i32
    %sub3A_94 = arith.constant 2 : i32
    %sub3A_95 = arith.subi %add3A_93, %sub3A_94 : i32
    %add3A_96 = arith.constant 1 : i32
    %add3A_97 = arith.addi %sub3A_95, %add3A_96 : i32
    %mul3A_98 = arith.constant 128 : i32
    %mul3A_99 = arith.muli %add3A_97, %mul3A_98 : i32
    %dma_wait3A_100 = tpu.memref_slice %arg4[%mul3A_99] : memref<327680xi32, #tpu.memory_space<hbm>> -> memref<128xi32, #tpu.memory_space<hbm>>
    %dma_wait3A_101 = tpu.memref_slice %arg4[%mul3A_99] : memref<327680xi32, #tpu.memory_space<hbm>> -> memref<128xi32, #tpu.memory_space<hbm>>
    tpu.wait_dma2 semaphore(%arg19 : memref<!tpu.dma_semaphore, #tpu.memory_space<semaphore_mem>>) src(%dma_wait3A_101 : memref<128xi32, #tpu.memory_space<hbm>>) dst(%arg11 : memref<128xi32, #tpu.memory_space<vmem>>)
    "tpu.region"() ({
      %run_scoped3A = tpu.sem_alloc : memref<!tpu.dma_semaphore, #tpu.memory_space<semaphore_mem>>
      %dma_start3A_107 = arith.constant 0 : i32
      %dma_start3A_108 = arith.constant 0 : i32
      %dma_start3A_109 = tpu.memref_slice %arg7[%dma_start3A_107, %dma_start3A_108] : memref<10240x128xf32, #tpu.memory_space<vmem_shared>> -> memref<10240x128xf32, #tpu.memory_space<vmem_shared>>
      tpu.enqueue_indirect_dma source(%arg13 : memref<128x128xf32, #tpu.memory_space<vmem>>) target(%dma_start3A_109 : memref<10240x128xf32, #tpu.memory_space<vmem_shared>>) offsets(%arg11 : memref<128xi32, #tpu.memory_space<vmem>>) semaphore(%run_scoped3A : memref<!tpu.dma_semaphore, #tpu.memory_space<semaphore_mem>>) {add = true}
      %dma_wait3A_110 = arith.constant 0 : i32
      %dma_wait3A_111 = arith.constant 0 : i32
      %dma_wait3A_112 = tpu.memref_slice %arg7[%dma_wait3A_110, %dma_wait3A_111] : memref<10240x128xf32, #tpu.memory_space<vmem_shared>> -> memref<10240x128xf32, #tpu.memory_space<vmem_shared>>
      tpu.wait_indirect_dma semaphore(%run_scoped3A : memref<!tpu.dma_semaphore, #tpu.memory_space<semaphore_mem>>) src(%arg13 : memref<128x128xf32, #tpu.memory_space<vmem>>) dst(%dma_wait3A_112 : memref<10240x128xf32, #tpu.memory_space<vmem_shared>>)
      tpu.yield
    }) : () -> ()
    %barrier3A_102 = arith.constant 0 : index
    tpu.barrier barrier_id(%barrier3A_102)
    %mul3A_103 = arith.constant 640 : i32
    %mul3A_104 = arith.muli %arg1, %mul3A_103 : i32
    %mul3A_105 = arith.constant 640 : i32
    %mul3A_106 = arith.muli %arg1, %mul3A_105 : i32
    "tpu.region"() ({
      %run_scoped3A = tpu.sem_alloc : memref<!tpu.dma_semaphore, #tpu.memory_space<semaphore_mem>>
      %dma_start3A_107 = arith.constant 0 : i32
      %dma_start3A_108 = tpu.memref_slice %arg6[%arg0, %mul3A_106, %dma_start3A_107] : memref<2x10240x128xf32, #tpu.memory_space<hbm>> -> memref<1x640x128xf32, #tpu.memory_space<hbm>>
      %dma_start3A_109 = tpu.memref_squeeze %dma_start3A_108 : memref<1x640x128xf32, #tpu.memory_space<hbm>> -> memref<640x128xf32, #tpu.memory_space<hbm>>
      %dma_start3A_110 = arith.constant 0 : i32
      %dma_start3A_111 = tpu.memref_slice %arg7[%mul3A_104, %dma_start3A_110] : memref<10240x128xf32, #tpu.memory_space<vmem_shared>> -> memref<640x128xf32, #tpu.memory_space<vmem_shared>>
      tpu.enqueue_dma source(%dma_start3A_111 : memref<640x128xf32, #tpu.memory_space<vmem_shared>>) target(%dma_start3A_109 : memref<640x128xf32, #tpu.memory_space<hbm>>) target_semaphore(%run_scoped3A : memref<!tpu.dma_semaphore, #tpu.memory_space<semaphore_mem>>)
      %dma_wait3A_112 = arith.constant 0 : i32
      %dma_wait3A_113 = tpu.memref_slice %arg6[%arg0, %mul3A_106, %dma_wait3A_112] : memref<2x10240x128xf32, #tpu.memory_space<hbm>> -> memref<1x640x128xf32, #tpu.memory_space<hbm>>
      %dma_wait3A_114 = tpu.memref_squeeze %dma_wait3A_113 : memref<1x640x128xf32, #tpu.memory_space<hbm>> -> memref<640x128xf32, #tpu.memory_space<hbm>>
      %dma_wait3A_115 = arith.constant 0 : i32
      %dma_wait3A_116 = tpu.memref_slice %arg7[%mul3A_104, %dma_wait3A_115] : memref<10240x128xf32, #tpu.memory_space<vmem_shared>> -> memref<640x128xf32, #tpu.memory_space<vmem_shared>>
      tpu.wait_dma2 semaphore(%run_scoped3A : memref<!tpu.dma_semaphore, #tpu.memory_space<semaphore_mem>>) src(%dma_wait3A_116 : memref<640x128xf32, #tpu.memory_space<vmem_shared>>) dst(%dma_wait3A_114 : memref<640x128xf32, #tpu.memory_space<hbm>>)
      tpu.yield
    }) : () -> ()
    return
  }
}

module attributes {stable_mosaic.version = 14 : i64} {
  func.func @_tc_pre_body(%arg0: memref<2x10240xf32, #tpu.memory_space<vmem>>, %arg1: memref<10000x128xf32, #tpu.memory_space<vmem>>, %arg2: memref<128x128xf32, #tpu.memory_space<vmem>>, %arg3: memref<10000x128xf32, #tpu.memory_space<vmem>>, %arg4: memref<10000x1xf32, #tpu.memory_space<vmem>>) attributes {dimension_semantics = [], scalar_prefetch = 0 : i64, scratch_operands = 0 : i64, tpu.core_type = #tpu.core_type<tc>} {
    %get3A = arith.constant 0 : index
    %get3A_0 = arith.constant 0 : index
    %get3A_1 = vector.load %arg0[%get3A, %get3A_0] : memref<2x10240xf32, #tpu.memory_space<vmem>>, vector<1x10240xf32>
    %get3A_2 = vector.shape_cast %get3A_1 : vector<1x10240xf32> to vector<10240xf32>
    %get3A_3 = arith.constant 1 : index
    %get3A_4 = arith.constant 0 : index
    %get3A_5 = vector.load %arg0[%get3A_3, %get3A_4] : memref<2x10240xf32, #tpu.memory_space<vmem>>, vector<1x10240xf32>
    %get3A_6 = vector.shape_cast %get3A_5 : vector<1x10240xf32> to vector<10240xf32>
    %add3A = arith.addf %get3A_2, %get3A_6 : vector<10240xf32>
    %add3A_7 = arith.constant 1.000000e+00 : f32
    %add3A_8 = vector.broadcast %add3A_7 : f32 to vector<10240xf32>
    %add3A_9 = arith.addf %add3A, %add3A_8 : vector<10240xf32>
    %rsqrt3A = math.rsqrt %add3A_9 : vector<10240xf32>
    %slice3A = vector.extract_strided_slice %rsqrt3A {offsets = [0], sizes = [10000], strides = [1]} : vector<10240xf32> to vector<10000xf32>
    %broadcast_in_dim3A = vector.shape_cast %slice3A : vector<10000xf32> to vector<10000x1xf32>
    %swap3A = arith.constant 0 : index
    %swap3A_10 = arith.constant 0 : index
    %swap3A_11 = vector.load %arg4[%swap3A, %swap3A_10] : memref<10000x1xf32, #tpu.memory_space<vmem>>, vector<10000x1xf32>
    tpu.vector_store %arg4[%swap3A, %swap3A_10], %broadcast_in_dim3A {strides = array<i32>} : memref<10000x1xf32, #tpu.memory_space<vmem>>, vector<10000x1xf32>,
    %get3A_12 = arith.constant 0 : index
    %get3A_13 = arith.constant 0 : index
    %get3A_14 = vector.load %arg1[%get3A_12, %get3A_13] : memref<10000x128xf32, #tpu.memory_space<vmem>>, vector<10000x128xf32>
    %get3A_15 = arith.constant 0 : index
    %get3A_16 = arith.constant 0 : index
    %get3A_17 = vector.load %arg2[%get3A_15, %get3A_16] : memref<128x128xf32, #tpu.memory_space<vmem>>, vector<128x128xf32>
    %dot_general3A = arith.constant dense<0.000000e+00> : vector<10000x128xf32>
    %dot_general3A_18 = tpu.matmul %get3A_14, %get3A_17, %dot_general3A {dimension_numbers = #tpu.dot_dimension_numbers<[1], [0], [0], [1], [0, 0, 1, 1], [], []>, transpose_lhs_hint = false} : vector<10000x128xf32>, vector<128x128xf32>, vector<10000x128xf32> -> vector<10000x128xf32>
    %mul3A = vector.broadcast %broadcast_in_dim3A : vector<10000x1xf32> to vector<10000x128xf32>
    %mul3A_19 = arith.mulf %dot_general3A_18, %mul3A : vector<10000x128xf32>
    %swap3A_20 = arith.constant 0 : index
    %swap3A_21 = arith.constant 0 : index
    %swap3A_22 = vector.load %arg3[%swap3A_20, %swap3A_21] : memref<10000x128xf32, #tpu.memory_space<vmem>>, vector<10000x128xf32>
    tpu.vector_store %arg3[%swap3A_20, %swap3A_21], %mul3A_19 {strides = array<i32>} : memref<10000x128xf32, #tpu.memory_space<vmem>>, vector<10000x128xf32>,
    return
  }
}

module attributes {stable_mosaic.version = 14 : i64} {
  func.func @_tc_layer_body(%arg0: memref<2x10240x128xf32, #tpu.memory_space<vmem>>, %arg1: memref<10000x128xf32, #tpu.memory_space<vmem>>, %arg2: memref<10000x1xf32, #tpu.memory_space<vmem>>, %arg3: memref<10000x1xi32, #tpu.memory_space<vmem>>, %arg4: memref<128xf32, #tpu.memory_space<vmem>>, %arg5: memref<128xf32, #tpu.memory_space<vmem>>, %arg6: memref<128xf32, #tpu.memory_space<vmem>>, %arg7: memref<128xf32, #tpu.memory_space<vmem>>, %arg8: memref<128x128xf32, #tpu.memory_space<vmem>>, %arg9: memref<10000x128xf32, #tpu.memory_space<vmem>>, %arg10: memref<10000x128xf32, #tpu.memory_space<vmem>>, %arg11: memref<10000x128xf32, #tpu.memory_space<vmem>>) attributes {dimension_semantics = [], scalar_prefetch = 0 : i64, scratch_operands = 1 : i64, tpu.core_type = #tpu.core_type<tc>} {
    %iota3A = tpu.iota {dimensions = array<i32: 0>} : vector<16x1xi32>
    %broadcast_in_dim3A = arith.constant 0.000000e+00 : f32
    %broadcast_in_dim3A_0 = vector.broadcast %broadcast_in_dim3A : f32 to vector<16x128xf32>
    %broadcast_in_dim3A_1 = arith.constant 0.000000e+00 : f32
    %broadcast_in_dim3A_2 = vector.broadcast %broadcast_in_dim3A_1 : f32 to vector<16x1xf32>
    %scan3A = arith.constant 0 : i32
    %scan3A_3 = arith.constant 10 : i32
    %scan3A_4 = arith.addi %scan3A, %scan3A_3 : i32
    %scan3A_5 = arith.constant 1 : i32
    %scan3A_6:2 = scf.for %scan3A_28 = %scan3A to %scan3A_4 step %scan3A_5 iter_args(%scan3A_29 = %broadcast_in_dim3A_0, %scan3A_30 = %broadcast_in_dim3A_2) -> (vector<16x128xf32>, vector<16x1xf32>)  : i32 {
      %mul3A = arith.constant 1000 : i32
      %mul3A_31 = arith.muli %scan3A_28, %mul3A : i32
      %get3A = arith.index_cast %mul3A_31 : i32 to index
      %get3A_32 = arith.constant 0 : index
      %get3A_33 = vector.load %arg2[%get3A, %get3A_32] : memref<10000x1xf32, #tpu.memory_space<vmem>>, vector<1000x1xf32>
      %get3A_34 = arith.constant 0 : index
      %get3A_35 = arith.index_cast %mul3A_31 : i32 to index
      %get3A_36 = arith.constant 0 : index
      %get3A_37 = vector.load %arg0[%get3A_34, %get3A_35, %get3A_36] : memref<2x10240x128xf32, #tpu.memory_space<vmem>>, vector<1x1000x128xf32>
      %get3A_38 = vector.shape_cast %get3A_37 : vector<1x1000x128xf32> to vector<1000x128xf32>
      %get3A_39 = arith.constant 1 : index
      %get3A_40 = arith.index_cast %mul3A_31 : i32 to index
      %get3A_41 = arith.constant 0 : index
      %get3A_42 = vector.load %arg0[%get3A_39, %get3A_40, %get3A_41] : memref<2x10240x128xf32, #tpu.memory_space<vmem>>, vector<1x1000x128xf32>
      %get3A_43 = vector.shape_cast %get3A_42 : vector<1x1000x128xf32> to vector<1000x128xf32>
      %add3A_44 = arith.addf %get3A_38, %get3A_43 : vector<1000x128xf32>
      %get3A_45 = arith.index_cast %mul3A_31 : i32 to index
      %get3A_46 = arith.constant 0 : index
      %get3A_47 = vector.load %arg1[%get3A_45, %get3A_46] : memref<10000x128xf32, #tpu.memory_space<vmem>>, vector<1000x128xf32>
      %add3A_48 = arith.addf %add3A_44, %get3A_47 : vector<1000x128xf32>
      %mul3A_49 = vector.broadcast %get3A_33 : vector<1000x1xf32> to vector<1000x128xf32>
      %mul3A_50 = arith.mulf %mul3A_49, %add3A_48 : vector<1000x128xf32>
      %get3A_51 = arith.constant 0 : index
      %get3A_52 = vector.load %arg4[%get3A_51] : memref<128xf32, #tpu.memory_space<vmem>>, vector<128xf32>
      %broadcast_in_dim3A_53 = vector.shape_cast %get3A_52 : vector<128xf32> to vector<1x128xf32>
      %add3A_54 = vector.broadcast %broadcast_in_dim3A_53 : vector<1x128xf32> to vector<1000x128xf32>
      %add3A_55 = arith.addf %mul3A_50, %add3A_54 : vector<1000x128xf32>
      %swap3A = arith.index_cast %mul3A_31 : i32 to index
      %swap3A_56 = arith.constant 0 : index
      %swap3A_57 = vector.load %arg11[%swap3A, %swap3A_56] : memref<10000x128xf32, #tpu.memory_space<vmem>>, vector<1000x128xf32>
      tpu.vector_store %arg11[%swap3A, %swap3A_56], %add3A_55 {strides = array<i32>} : memref<10000x128xf32, #tpu.memory_space<vmem>>, vector<1000x128xf32>,
      %get3A_58 = arith.index_cast %mul3A_31 : i32 to index
      %get3A_59 = arith.constant 0 : index
      %get3A_60 = vector.load %arg3[%get3A_58, %get3A_59] : memref<10000x1xi32, #tpu.memory_space<vmem>>, vector<1000x1xi32>
      %eq3A = arith.constant 0 : i32
      %eq3A_61 = vector.broadcast %eq3A : i32 to vector<1000x1xi32>
      %eq3A_62 = arith.cmpi eq, %get3A_60, %eq3A_61 : vector<1000x1xi32>
      %eq3A_63 = arith.constant 0 : i32
      %eq3A_64 = vector.broadcast %eq3A_63 : i32 to vector<16x1xi32>
      %eq3A_65 = arith.cmpi eq, %iota3A, %eq3A_64 : vector<16x1xi32>
      %convert_element_type3A = arith.extui %eq3A_65 : vector<16x1xi1> to vector<16x1xi32>
      %convert_element_type3A_66 = arith.sitofp %convert_element_type3A : vector<16x1xi32> to vector<16x1xf32>
      %jit3A = arith.constant 0.000000e+00 : f32
      %broadcast_in_dim3A_67 = vector.shape_cast %eq3A_62 : vector<1000x1xi1> to vector<1000x1xi1>
      %broadcast_in_dim3A_68 = vector.broadcast %broadcast_in_dim3A_67 : vector<1000x1xi1> to vector<1000x128xi1>
      %broadcast_in_dim3A_69 = vector.broadcast %jit3A : f32 to vector<1000x128xf32>
      %select_n3A = arith.select %broadcast_in_dim3A_68, %add3A_55, %broadcast_in_dim3A_69 : vector<1000x128xi1>, vector<1000x128xf32>
      %reduce_sum3A = arith.constant dense<0.000000e+00> : vector<128xf32>
      %reduce_sum3A_70 = vector.multi_reduction <add>, %select_n3A, %reduce_sum3A [0] : vector<1000x128xf32> to vector<128xf32>
      %broadcast_in_dim3A_71 = vector.shape_cast %reduce_sum3A_70 : vector<128xf32> to vector<1x128xf32>
      %mul3A_72 = vector.broadcast %convert_element_type3A_66 : vector<16x1xf32> to vector<16x128xf32>
      %mul3A_73 = vector.broadcast %broadcast_in_dim3A_71 : vector<1x128xf32> to vector<16x128xf32>
      %mul3A_74 = arith.mulf %mul3A_72, %mul3A_73 : vector<16x128xf32>
      %add3A_75 = arith.addf %scan3A_29, %mul3A_74 : vector<16x128xf32>
      %convert_element_type3A_76 = arith.extui %eq3A_62 : vector<1000x1xi1> to vector<1000x1xi32>
      %convert_element_type3A_77 = arith.sitofp %convert_element_type3A_76 : vector<1000x1xi32> to vector<1000x1xf32>
      %reduce_sum3A_78 = vector.shape_cast %convert_element_type3A_77 : vector<1000x1xf32> to vector<1x1000x1xf32>
      %reduce_sum3A_79 = arith.constant dense<0.000000e+00> : vector<1xf32>
      %reduce_sum3A_80 = vector.multi_reduction <add>, %reduce_sum3A_78, %reduce_sum3A_79 [1, 2] : vector<1x1000x1xf32> to vector<1xf32>
      %reduce_sum3A_81 = vector.shape_cast %reduce_sum3A_80 : vector<1xf32> to vector<1x1x1xf32>
      %reduce_sum3A_82 = vector.extract %reduce_sum3A_81[0, 0, 0] : f32 from vector<1x1x1xf32>
      %mul3A_83 = vector.broadcast %reduce_sum3A_82 : f32 to vector<16x1xf32>
      %mul3A_84 = arith.mulf %convert_element_type3A_66, %mul3A_83 : vector<16x1xf32>
      %add3A_85 = arith.addf %scan3A_30, %mul3A_84 : vector<16x1xf32>
      %eq3A_86 = arith.constant 1 : i32
      %eq3A_87 = vector.broadcast %eq3A_86 : i32 to vector<1000x1xi32>
      %eq3A_88 = arith.cmpi eq, %get3A_60, %eq3A_87 : vector<1000x1xi32>
      %eq3A_89 = arith.constant 1 : i32
      %eq3A_90 = vector.broadcast %eq3A_89 : i32 to vector<16x1xi32>
      %eq3A_91 = arith.cmpi eq, %iota3A, %eq3A_90 : vector<16x1xi32>
      %convert_element_type3A_92 = arith.extui %eq3A_91 : vector<16x1xi1> to vector<16x1xi32>
      %convert_element_type3A_93 = arith.sitofp %convert_element_type3A_92 : vector<16x1xi32> to vector<16x1xf32>
      %jit3A_94 = arith.constant 0.000000e+00 : f32
      %broadcast_in_dim3A_95 = vector.shape_cast %eq3A_88 : vector<1000x1xi1> to vector<1000x1xi1>
      %broadcast_in_dim3A_96 = vector.broadcast %broadcast_in_dim3A_95 : vector<1000x1xi1> to vector<1000x128xi1>
      %broadcast_in_dim3A_97 = vector.broadcast %jit3A_94 : f32 to vector<1000x128xf32>
      %select_n3A_98 = arith.select %broadcast_in_dim3A_96, %add3A_55, %broadcast_in_dim3A_97 : vector<1000x128xi1>, vector<1000x128xf32>
      %reduce_sum3A_99 = arith.constant dense<0.000000e+00> : vector<128xf32>
      %reduce_sum3A_100 = vector.multi_reduction <add>, %select_n3A_98, %reduce_sum3A_99 [0] : vector<1000x128xf32> to vector<128xf32>
      %broadcast_in_dim3A_101 = vector.shape_cast %reduce_sum3A_100 : vector<128xf32> to vector<1x128xf32>
      %mul3A_102 = vector.broadcast %convert_element_type3A_93 : vector<16x1xf32> to vector<16x128xf32>
      %mul3A_103 = vector.broadcast %broadcast_in_dim3A_101 : vector<1x128xf32> to vector<16x128xf32>
      %mul3A_104 = arith.mulf %mul3A_102, %mul3A_103 : vector<16x128xf32>
      %add3A_105 = arith.addf %add3A_75, %mul3A_104 : vector<16x128xf32>
      %convert_element_type3A_106 = arith.extui %eq3A_88 : vector<1000x1xi1> to vector<1000x1xi32>
      %convert_element_type3A_107 = arith.sitofp %convert_element_type3A_106 : vector<1000x1xi32> to vector<1000x1xf32>
      %reduce_sum3A_108 = vector.shape_cast %convert_element_type3A_107 : vector<1000x1xf32> to vector<1x1000x1xf32>
      %reduce_sum3A_109 = arith.constant dense<0.000000e+00> : vector<1xf32>
      %reduce_sum3A_110 = vector.multi_reduction <add>, %reduce_sum3A_108, %reduce_sum3A_109 [1, 2] : vector<1x1000x1xf32> to vector<1xf32>
      %reduce_sum3A_111 = vector.shape_cast %reduce_sum3A_110 : vector<1xf32> to vector<1x1x1xf32>
      %reduce_sum3A_112 = vector.extract %reduce_sum3A_111[0, 0, 0] : f32 from vector<1x1x1xf32>
      %mul3A_113 = vector.broadcast %reduce_sum3A_112 : f32 to vector<16x1xf32>
      %mul3A_114 = arith.mulf %convert_element_type3A_93, %mul3A_113 : vector<16x1xf32>
      %add3A_115 = arith.addf %add3A_85, %mul3A_114 : vector<16x1xf32>
      %eq3A_116 = arith.constant 2 : i32
      %eq3A_117 = vector.broadcast %eq3A_116 : i32 to vector<1000x1xi32>
      %eq3A_118 = arith.cmpi eq, %get3A_60, %eq3A_117 : vector<1000x1xi32>
      %eq3A_119 = arith.constant 2 : i32
      %eq3A_120 = vector.broadcast %eq3A_119 : i32 to vector<16x1xi32>
      %eq3A_121 = arith.cmpi eq, %iota3A, %eq3A_120 : vector<16x1xi32>
      %convert_element_type3A_122 = arith.extui %eq3A_121 : vector<16x1xi1> to vector<16x1xi32>
      %convert_element_type3A_123 = arith.sitofp %convert_element_type3A_122 : vector<16x1xi32> to vector<16x1xf32>
      %jit3A_124 = arith.constant 0.000000e+00 : f32
      %broadcast_in_dim3A_125 = vector.shape_cast %eq3A_118 : vector<1000x1xi1> to vector<1000x1xi1>
      %broadcast_in_dim3A_126 = vector.broadcast %broadcast_in_dim3A_125 : vector<1000x1xi1> to vector<1000x128xi1>
      %broadcast_in_dim3A_127 = vector.broadcast %jit3A_124 : f32 to vector<1000x128xf32>
      %select_n3A_128 = arith.select %broadcast_in_dim3A_126, %add3A_55, %broadcast_in_dim3A_127 : vector<1000x128xi1>, vector<1000x128xf32>
      %reduce_sum3A_129 = arith.constant dense<0.000000e+00> : vector<128xf32>
      %reduce_sum3A_130 = vector.multi_reduction <add>, %select_n3A_128, %reduce_sum3A_129 [0] : vector<1000x128xf32> to vector<128xf32>
      %broadcast_in_dim3A_131 = vector.shape_cast %reduce_sum3A_130 : vector<128xf32> to vector<1x128xf32>
      %mul3A_132 = vector.broadcast %convert_element_type3A_123 : vector<16x1xf32> to vector<16x128xf32>
      %mul3A_133 = vector.broadcast %broadcast_in_dim3A_131 : vector<1x128xf32> to vector<16x128xf32>
      %mul3A_134 = arith.mulf %mul3A_132, %mul3A_133 : vector<16x128xf32>
      %add3A_135 = arith.addf %add3A_105, %mul3A_134 : vector<16x128xf32>
      %convert_element_type3A_136 = arith.extui %eq3A_118 : vector<1000x1xi1> to vector<1000x1xi32>
      %convert_element_type3A_137 = arith.sitofp %convert_element_type3A_136 : vector<1000x1xi32> to vector<1000x1xf32>
      %reduce_sum3A_138 = vector.shape_cast %convert_element_type3A_137 : vector<1000x1xf32> to vector<1x1000x1xf32>
      %reduce_sum3A_139 = arith.constant dense<0.000000e+00> : vector<1xf32>
      %reduce_sum3A_140 = vector.multi_reduction <add>, %reduce_sum3A_138, %reduce_sum3A_139 [1, 2] : vector<1x1000x1xf32> to vector<1xf32>
      %reduce_sum3A_141 = vector.shape_cast %reduce_sum3A_140 : vector<1xf32> to vector<1x1x1xf32>
      %reduce_sum3A_142 = vector.extract %reduce_sum3A_141[0, 0, 0] : f32 from vector<1x1x1xf32>
      %mul3A_143 = vector.broadcast %reduce_sum3A_142 : f32 to vector<16x1xf32>
      %mul3A_144 = arith.mulf %convert_element_type3A_123, %mul3A_143 : vector<16x1xf32>
      %add3A_145 = arith.addf %add3A_115, %mul3A_144 : vector<16x1xf32>
      %eq3A_146 = arith.constant 3 : i32
      %eq3A_147 = vector.broadcast %eq3A_146 : i32 to vector<1000x1xi32>
      %eq3A_148 = arith.cmpi eq, %get3A_60, %eq3A_147 : vector<1000x1xi32>
      %eq3A_149 = arith.constant 3 : i32
      %eq3A_150 = vector.broadcast %eq3A_149 : i32 to vector<16x1xi32>
      %eq3A_151 = arith.cmpi eq, %iota3A, %eq3A_150 : vector<16x1xi32>
      %convert_element_type3A_152 = arith.extui %eq3A_151 : vector<16x1xi1> to vector<16x1xi32>
      %convert_element_type3A_153 = arith.sitofp %convert_element_type3A_152 : vector<16x1xi32> to vector<16x1xf32>
      %jit3A_154 = arith.constant 0.000000e+00 : f32
      %broadcast_in_dim3A_155 = vector.shape_cast %eq3A_148 : vector<1000x1xi1> to vector<1000x1xi1>
      %broadcast_in_dim3A_156 = vector.broadcast %broadcast_in_dim3A_155 : vector<1000x1xi1> to vector<1000x128xi1>
      %broadcast_in_dim3A_157 = vector.broadcast %jit3A_154 : f32 to vector<1000x128xf32>
      %select_n3A_158 = arith.select %broadcast_in_dim3A_156, %add3A_55, %broadcast_in_dim3A_157 : vector<1000x128xi1>, vector<1000x128xf32>
      %reduce_sum3A_159 = arith.constant dense<0.000000e+00> : vector<128xf32>
      %reduce_sum3A_160 = vector.multi_reduction <add>, %select_n3A_158, %reduce_sum3A_159 [0] : vector<1000x128xf32> to vector<128xf32>
      %broadcast_in_dim3A_161 = vector.shape_cast %reduce_sum3A_160 : vector<128xf32> to vector<1x128xf32>
      %mul3A_162 = vector.broadcast %convert_element_type3A_153 : vector<16x1xf32> to vector<16x128xf32>
      %mul3A_163 = vector.broadcast %broadcast_in_dim3A_161 : vector<1x128xf32> to vector<16x128xf32>
      %mul3A_164 = arith.mulf %mul3A_162, %mul3A_163 : vector<16x128xf32>
      %add3A_165 = arith.addf %add3A_135, %mul3A_164 : vector<16x128xf32>
      %convert_element_type3A_166 = arith.extui %eq3A_148 : vector<1000x1xi1> to vector<1000x1xi32>
      %convert_element_type3A_167 = arith.sitofp %convert_element_type3A_166 : vector<1000x1xi32> to vector<1000x1xf32>
      %reduce_sum3A_168 = vector.shape_cast %convert_element_type3A_167 : vector<1000x1xf32> to vector<1x1000x1xf32>
      %reduce_sum3A_169 = arith.constant dense<0.000000e+00> : vector<1xf32>
      %reduce_sum3A_170 = vector.multi_reduction <add>, %reduce_sum3A_168, %reduce_sum3A_169 [1, 2] : vector<1x1000x1xf32> to vector<1xf32>
      %reduce_sum3A_171 = vector.shape_cast %reduce_sum3A_170 : vector<1xf32> to vector<1x1x1xf32>
      %reduce_sum3A_172 = vector.extract %reduce_sum3A_171[0, 0, 0] : f32 from vector<1x1x1xf32>
      %mul3A_173 = vector.broadcast %reduce_sum3A_172 : f32 to vector<16x1xf32>
      %mul3A_174 = arith.mulf %convert_element_type3A_153, %mul3A_173 : vector<16x1xf32>
      %add3A_175 = arith.addf %add3A_145, %mul3A_174 : vector<16x1xf32>
      %eq3A_176 = arith.constant 4 : i32
      %eq3A_177 = vector.broadcast %eq3A_176 : i32 to vector<1000x1xi32>
      %eq3A_178 = arith.cmpi eq, %get3A_60, %eq3A_177 : vector<1000x1xi32>
      %eq3A_179 = arith.constant 4 : i32
      %eq3A_180 = vector.broadcast %eq3A_179 : i32 to vector<16x1xi32>
      %eq3A_181 = arith.cmpi eq, %iota3A, %eq3A_180 : vector<16x1xi32>
      %convert_element_type3A_182 = arith.extui %eq3A_181 : vector<16x1xi1> to vector<16x1xi32>
      %convert_element_type3A_183 = arith.sitofp %convert_element_type3A_182 : vector<16x1xi32> to vector<16x1xf32>
      %jit3A_184 = arith.constant 0.000000e+00 : f32
      %broadcast_in_dim3A_185 = vector.shape_cast %eq3A_178 : vector<1000x1xi1> to vector<1000x1xi1>
      %broadcast_in_dim3A_186 = vector.broadcast %broadcast_in_dim3A_185 : vector<1000x1xi1> to vector<1000x128xi1>
      %broadcast_in_dim3A_187 = vector.broadcast %jit3A_184 : f32 to vector<1000x128xf32>
      %select_n3A_188 = arith.select %broadcast_in_dim3A_186, %add3A_55, %broadcast_in_dim3A_187 : vector<1000x128xi1>, vector<1000x128xf32>
      %reduce_sum3A_189 = arith.constant dense<0.000000e+00> : vector<128xf32>
      %reduce_sum3A_190 = vector.multi_reduction <add>, %select_n3A_188, %reduce_sum3A_189 [0] : vector<1000x128xf32> to vector<128xf32>
      %broadcast_in_dim3A_191 = vector.shape_cast %reduce_sum3A_190 : vector<128xf32> to vector<1x128xf32>
      %mul3A_192 = vector.broadcast %convert_element_type3A_183 : vector<16x1xf32> to vector<16x128xf32>
      %mul3A_193 = vector.broadcast %broadcast_in_dim3A_191 : vector<1x128xf32> to vector<16x128xf32>
      %mul3A_194 = arith.mulf %mul3A_192, %mul3A_193 : vector<16x128xf32>
      %add3A_195 = arith.addf %add3A_165, %mul3A_194 : vector<16x128xf32>
      %convert_element_type3A_196 = arith.extui %eq3A_178 : vector<1000x1xi1> to vector<1000x1xi32>
      %convert_element_type3A_197 = arith.sitofp %convert_element_type3A_196 : vector<1000x1xi32> to vector<1000x1xf32>
      %reduce_sum3A_198 = vector.shape_cast %convert_element_type3A_197 : vector<1000x1xf32> to vector<1x1000x1xf32>
      %reduce_sum3A_199 = arith.constant dense<0.000000e+00> : vector<1xf32>
      %reduce_sum3A_200 = vector.multi_reduction <add>, %reduce_sum3A_198, %reduce_sum3A_199 [1, 2] : vector<1x1000x1xf32> to vector<1xf32>
      %reduce_sum3A_201 = vector.shape_cast %reduce_sum3A_200 : vector<1xf32> to vector<1x1x1xf32>
      %reduce_sum3A_202 = vector.extract %reduce_sum3A_201[0, 0, 0] : f32 from vector<1x1x1xf32>
      %mul3A_203 = vector.broadcast %reduce_sum3A_202 : f32 to vector<16x1xf32>
      %mul3A_204 = arith.mulf %convert_element_type3A_183, %mul3A_203 : vector<16x1xf32>
      %add3A_205 = arith.addf %add3A_175, %mul3A_204 : vector<16x1xf32>
      %eq3A_206 = arith.constant 5 : i32
      %eq3A_207 = vector.broadcast %eq3A_206 : i32 to vector<1000x1xi32>
      %eq3A_208 = arith.cmpi eq, %get3A_60, %eq3A_207 : vector<1000x1xi32>
      %eq3A_209 = arith.constant 5 : i32
      %eq3A_210 = vector.broadcast %eq3A_209 : i32 to vector<16x1xi32>
      %eq3A_211 = arith.cmpi eq, %iota3A, %eq3A_210 : vector<16x1xi32>
      %convert_element_type3A_212 = arith.extui %eq3A_211 : vector<16x1xi1> to vector<16x1xi32>
      %convert_element_type3A_213 = arith.sitofp %convert_element_type3A_212 : vector<16x1xi32> to vector<16x1xf32>
      %jit3A_214 = arith.constant 0.000000e+00 : f32
      %broadcast_in_dim3A_215 = vector.shape_cast %eq3A_208 : vector<1000x1xi1> to vector<1000x1xi1>
      %broadcast_in_dim3A_216 = vector.broadcast %broadcast_in_dim3A_215 : vector<1000x1xi1> to vector<1000x128xi1>
      %broadcast_in_dim3A_217 = vector.broadcast %jit3A_214 : f32 to vector<1000x128xf32>
      %select_n3A_218 = arith.select %broadcast_in_dim3A_216, %add3A_55, %broadcast_in_dim3A_217 : vector<1000x128xi1>, vector<1000x128xf32>
      %reduce_sum3A_219 = arith.constant dense<0.000000e+00> : vector<128xf32>
      %reduce_sum3A_220 = vector.multi_reduction <add>, %select_n3A_218, %reduce_sum3A_219 [0] : vector<1000x128xf32> to vector<128xf32>
      %broadcast_in_dim3A_221 = vector.shape_cast %reduce_sum3A_220 : vector<128xf32> to vector<1x128xf32>
      %mul3A_222 = vector.broadcast %convert_element_type3A_213 : vector<16x1xf32> to vector<16x128xf32>
      %mul3A_223 = vector.broadcast %broadcast_in_dim3A_221 : vector<1x128xf32> to vector<16x128xf32>
      %mul3A_224 = arith.mulf %mul3A_222, %mul3A_223 : vector<16x128xf32>
      %add3A_225 = arith.addf %add3A_195, %mul3A_224 : vector<16x128xf32>
      %convert_element_type3A_226 = arith.extui %eq3A_208 : vector<1000x1xi1> to vector<1000x1xi32>
      %convert_element_type3A_227 = arith.sitofp %convert_element_type3A_226 : vector<1000x1xi32> to vector<1000x1xf32>
      %reduce_sum3A_228 = vector.shape_cast %convert_element_type3A_227 : vector<1000x1xf32> to vector<1x1000x1xf32>
      %reduce_sum3A_229 = arith.constant dense<0.000000e+00> : vector<1xf32>
      %reduce_sum3A_230 = vector.multi_reduction <add>, %reduce_sum3A_228, %reduce_sum3A_229 [1, 2] : vector<1x1000x1xf32> to vector<1xf32>
      %reduce_sum3A_231 = vector.shape_cast %reduce_sum3A_230 : vector<1xf32> to vector<1x1x1xf32>
      %reduce_sum3A_232 = vector.extract %reduce_sum3A_231[0, 0, 0] : f32 from vector<1x1x1xf32>
      %mul3A_233 = vector.broadcast %reduce_sum3A_232 : f32 to vector<16x1xf32>
      %mul3A_234 = arith.mulf %convert_element_type3A_213, %mul3A_233 : vector<16x1xf32>
      %add3A_235 = arith.addf %add3A_205, %mul3A_234 : vector<16x1xf32>
      %eq3A_236 = arith.constant 6 : i32
      %eq3A_237 = vector.broadcast %eq3A_236 : i32 to vector<1000x1xi32>
      %eq3A_238 = arith.cmpi eq, %get3A_60, %eq3A_237 : vector<1000x1xi32>
      %eq3A_239 = arith.constant 6 : i32
      %eq3A_240 = vector.broadcast %eq3A_239 : i32 to vector<16x1xi32>
      %eq3A_241 = arith.cmpi eq, %iota3A, %eq3A_240 : vector<16x1xi32>
      %convert_element_type3A_242 = arith.extui %eq3A_241 : vector<16x1xi1> to vector<16x1xi32>
      %convert_element_type3A_243 = arith.sitofp %convert_element_type3A_242 : vector<16x1xi32> to vector<16x1xf32>
      %jit3A_244 = arith.constant 0.000000e+00 : f32
      %broadcast_in_dim3A_245 = vector.shape_cast %eq3A_238 : vector<1000x1xi1> to vector<1000x1xi1>
      %broadcast_in_dim3A_246 = vector.broadcast %broadcast_in_dim3A_245 : vector<1000x1xi1> to vector<1000x128xi1>
      %broadcast_in_dim3A_247 = vector.broadcast %jit3A_244 : f32 to vector<1000x128xf32>
      %select_n3A_248 = arith.select %broadcast_in_dim3A_246, %add3A_55, %broadcast_in_dim3A_247 : vector<1000x128xi1>, vector<1000x128xf32>
      %reduce_sum3A_249 = arith.constant dense<0.000000e+00> : vector<128xf32>
      %reduce_sum3A_250 = vector.multi_reduction <add>, %select_n3A_248, %reduce_sum3A_249 [0] : vector<1000x128xf32> to vector<128xf32>
      %broadcast_in_dim3A_251 = vector.shape_cast %reduce_sum3A_250 : vector<128xf32> to vector<1x128xf32>
      %mul3A_252 = vector.broadcast %convert_element_type3A_243 : vector<16x1xf32> to vector<16x128xf32>
      %mul3A_253 = vector.broadcast %broadcast_in_dim3A_251 : vector<1x128xf32> to vector<16x128xf32>
      %mul3A_254 = arith.mulf %mul3A_252, %mul3A_253 : vector<16x128xf32>
      %add3A_255 = arith.addf %add3A_225, %mul3A_254 : vector<16x128xf32>
      %convert_element_type3A_256 = arith.extui %eq3A_238 : vector<1000x1xi1> to vector<1000x1xi32>
      %convert_element_type3A_257 = arith.sitofp %convert_element_type3A_256 : vector<1000x1xi32> to vector<1000x1xf32>
      %reduce_sum3A_258 = vector.shape_cast %convert_element_type3A_257 : vector<1000x1xf32> to vector<1x1000x1xf32>
      %reduce_sum3A_259 = arith.constant dense<0.000000e+00> : vector<1xf32>
      %reduce_sum3A_260 = vector.multi_reduction <add>, %reduce_sum3A_258, %reduce_sum3A_259 [1, 2] : vector<1x1000x1xf32> to vector<1xf32>
      %reduce_sum3A_261 = vector.shape_cast %reduce_sum3A_260 : vector<1xf32> to vector<1x1x1xf32>
      %reduce_sum3A_262 = vector.extract %reduce_sum3A_261[0, 0, 0] : f32 from vector<1x1x1xf32>
      %mul3A_263 = vector.broadcast %reduce_sum3A_262 : f32 to vector<16x1xf32>
      %mul3A_264 = arith.mulf %convert_element_type3A_243, %mul3A_263 : vector<16x1xf32>
      %add3A_265 = arith.addf %add3A_235, %mul3A_264 : vector<16x1xf32>
      %eq3A_266 = arith.constant 7 : i32
      %eq3A_267 = vector.broadcast %eq3A_266 : i32 to vector<1000x1xi32>
      %eq3A_268 = arith.cmpi eq, %get3A_60, %eq3A_267 : vector<1000x1xi32>
      %eq3A_269 = arith.constant 7 : i32
      %eq3A_270 = vector.broadcast %eq3A_269 : i32 to vector<16x1xi32>
      %eq3A_271 = arith.cmpi eq, %iota3A, %eq3A_270 : vector<16x1xi32>
      %convert_element_type3A_272 = arith.extui %eq3A_271 : vector<16x1xi1> to vector<16x1xi32>
      %convert_element_type3A_273 = arith.sitofp %convert_element_type3A_272 : vector<16x1xi32> to vector<16x1xf32>
      %jit3A_274 = arith.constant 0.000000e+00 : f32
      %broadcast_in_dim3A_275 = vector.shape_cast %eq3A_268 : vector<1000x1xi1> to vector<1000x1xi1>
      %broadcast_in_dim3A_276 = vector.broadcast %broadcast_in_dim3A_275 : vector<1000x1xi1> to vector<1000x128xi1>
      %broadcast_in_dim3A_277 = vector.broadcast %jit3A_274 : f32 to vector<1000x128xf32>
      %select_n3A_278 = arith.select %broadcast_in_dim3A_276, %add3A_55, %broadcast_in_dim3A_277 : vector<1000x128xi1>, vector<1000x128xf32>
      %reduce_sum3A_279 = arith.constant dense<0.000000e+00> : vector<128xf32>
      %reduce_sum3A_280 = vector.multi_reduction <add>, %select_n3A_278, %reduce_sum3A_279 [0] : vector<1000x128xf32> to vector<128xf32>
      %broadcast_in_dim3A_281 = vector.shape_cast %reduce_sum3A_280 : vector<128xf32> to vector<1x128xf32>
      %mul3A_282 = vector.broadcast %convert_element_type3A_273 : vector<16x1xf32> to vector<16x128xf32>
      %mul3A_283 = vector.broadcast %broadcast_in_dim3A_281 : vector<1x128xf32> to vector<16x128xf32>
      %mul3A_284 = arith.mulf %mul3A_282, %mul3A_283 : vector<16x128xf32>
      %add3A_285 = arith.addf %add3A_255, %mul3A_284 : vector<16x128xf32>
      %convert_element_type3A_286 = arith.extui %eq3A_268 : vector<1000x1xi1> to vector<1000x1xi32>
      %convert_element_type3A_287 = arith.sitofp %convert_element_type3A_286 : vector<1000x1xi32> to vector<1000x1xf32>
      %reduce_sum3A_288 = vector.shape_cast %convert_element_type3A_287 : vector<1000x1xf32> to vector<1x1000x1xf32>
      %reduce_sum3A_289 = arith.constant dense<0.000000e+00> : vector<1xf32>
      %reduce_sum3A_290 = vector.multi_reduction <add>, %reduce_sum3A_288, %reduce_sum3A_289 [1, 2] : vector<1x1000x1xf32> to vector<1xf32>
      %reduce_sum3A_291 = vector.shape_cast %reduce_sum3A_290 : vector<1xf32> to vector<1x1x1xf32>
      %reduce_sum3A_292 = vector.extract %reduce_sum3A_291[0, 0, 0] : f32 from vector<1x1x1xf32>
      %mul3A_293 = vector.broadcast %reduce_sum3A_292 : f32 to vector<16x1xf32>
      %mul3A_294 = arith.mulf %convert_element_type3A_273, %mul3A_293 : vector<16x1xf32>
      %add3A_295 = arith.addf %add3A_265, %mul3A_294 : vector<16x1xf32>
      %eq3A_296 = arith.constant 8 : i32
      %eq3A_297 = vector.broadcast %eq3A_296 : i32 to vector<1000x1xi32>
      %eq3A_298 = arith.cmpi eq, %get3A_60, %eq3A_297 : vector<1000x1xi32>
      %eq3A_299 = arith.constant 8 : i32
      %eq3A_300 = vector.broadcast %eq3A_299 : i32 to vector<16x1xi32>
      %eq3A_301 = arith.cmpi eq, %iota3A, %eq3A_300 : vector<16x1xi32>
      %convert_element_type3A_302 = arith.extui %eq3A_301 : vector<16x1xi1> to vector<16x1xi32>
      %convert_element_type3A_303 = arith.sitofp %convert_element_type3A_302 : vector<16x1xi32> to vector<16x1xf32>
      %jit3A_304 = arith.constant 0.000000e+00 : f32
      %broadcast_in_dim3A_305 = vector.shape_cast %eq3A_298 : vector<1000x1xi1> to vector<1000x1xi1>
      %broadcast_in_dim3A_306 = vector.broadcast %broadcast_in_dim3A_305 : vector<1000x1xi1> to vector<1000x128xi1>
      %broadcast_in_dim3A_307 = vector.broadcast %jit3A_304 : f32 to vector<1000x128xf32>
      %select_n3A_308 = arith.select %broadcast_in_dim3A_306, %add3A_55, %broadcast_in_dim3A_307 : vector<1000x128xi1>, vector<1000x128xf32>
      %reduce_sum3A_309 = arith.constant dense<0.000000e+00> : vector<128xf32>
      %reduce_sum3A_310 = vector.multi_reduction <add>, %select_n3A_308, %reduce_sum3A_309 [0] : vector<1000x128xf32> to vector<128xf32>
      %broadcast_in_dim3A_311 = vector.shape_cast %reduce_sum3A_310 : vector<128xf32> to vector<1x128xf32>
      %mul3A_312 = vector.broadcast %convert_element_type3A_303 : vector<16x1xf32> to vector<16x128xf32>
      %mul3A_313 = vector.broadcast %broadcast_in_dim3A_311 : vector<1x128xf32> to vector<16x128xf32>
      %mul3A_314 = arith.mulf %mul3A_312, %mul3A_313 : vector<16x128xf32>
      %add3A_315 = arith.addf %add3A_285, %mul3A_314 : vector<16x128xf32>
      %convert_element_type3A_316 = arith.extui %eq3A_298 : vector<1000x1xi1> to vector<1000x1xi32>
      %convert_element_type3A_317 = arith.sitofp %convert_element_type3A_316 : vector<1000x1xi32> to vector<1000x1xf32>
      %reduce_sum3A_318 = vector.shape_cast %convert_element_type3A_317 : vector<1000x1xf32> to vector<1x1000x1xf32>
      %reduce_sum3A_319 = arith.constant dense<0.000000e+00> : vector<1xf32>
      %reduce_sum3A_320 = vector.multi_reduction <add>, %reduce_sum3A_318, %reduce_sum3A_319 [1, 2] : vector<1x1000x1xf32> to vector<1xf32>
      %reduce_sum3A_321 = vector.shape_cast %reduce_sum3A_320 : vector<1xf32> to vector<1x1x1xf32>
      %reduce_sum3A_322 = vector.extract %reduce_sum3A_321[0, 0, 0] : f32 from vector<1x1x1xf32>
      %mul3A_323 = vector.broadcast %reduce_sum3A_322 : f32 to vector<16x1xf32>
      %mul3A_324 = arith.mulf %convert_element_type3A_303, %mul3A_323 : vector<16x1xf32>
      %add3A_325 = arith.addf %add3A_295, %mul3A_324 : vector<16x1xf32>
      %eq3A_326 = arith.constant 9 : i32
      %eq3A_327 = vector.broadcast %eq3A_326 : i32 to vector<1000x1xi32>
      %eq3A_328 = arith.cmpi eq, %get3A_60, %eq3A_327 : vector<1000x1xi32>
      %eq3A_329 = arith.constant 9 : i32
      %eq3A_330 = vector.broadcast %eq3A_329 : i32 to vector<16x1xi32>
      %eq3A_331 = arith.cmpi eq, %iota3A, %eq3A_330 : vector<16x1xi32>
      %convert_element_type3A_332 = arith.extui %eq3A_331 : vector<16x1xi1> to vector<16x1xi32>
      %convert_element_type3A_333 = arith.sitofp %convert_element_type3A_332 : vector<16x1xi32> to vector<16x1xf32>
      %jit3A_334 = arith.constant 0.000000e+00 : f32
      %broadcast_in_dim3A_335 = vector.shape_cast %eq3A_328 : vector<1000x1xi1> to vector<1000x1xi1>
      %broadcast_in_dim3A_336 = vector.broadcast %broadcast_in_dim3A_335 : vector<1000x1xi1> to vector<1000x128xi1>
      %broadcast_in_dim3A_337 = vector.broadcast %jit3A_334 : f32 to vector<1000x128xf32>
      %select_n3A_338 = arith.select %broadcast_in_dim3A_336, %add3A_55, %broadcast_in_dim3A_337 : vector<1000x128xi1>, vector<1000x128xf32>
      %reduce_sum3A_339 = arith.constant dense<0.000000e+00> : vector<128xf32>
      %reduce_sum3A_340 = vector.multi_reduction <add>, %select_n3A_338, %reduce_sum3A_339 [0] : vector<1000x128xf32> to vector<128xf32>
      %broadcast_in_dim3A_341 = vector.shape_cast %reduce_sum3A_340 : vector<128xf32> to vector<1x128xf32>
      %mul3A_342 = vector.broadcast %convert_element_type3A_333 : vector<16x1xf32> to vector<16x128xf32>
      %mul3A_343 = vector.broadcast %broadcast_in_dim3A_341 : vector<1x128xf32> to vector<16x128xf32>
      %mul3A_344 = arith.mulf %mul3A_342, %mul3A_343 : vector<16x128xf32>
      %add3A_345 = arith.addf %add3A_315, %mul3A_344 : vector<16x128xf32>
      %convert_element_type3A_346 = arith.extui %eq3A_328 : vector<1000x1xi1> to vector<1000x1xi32>
      %convert_element_type3A_347 = arith.sitofp %convert_element_type3A_346 : vector<1000x1xi32> to vector<1000x1xf32>
      %reduce_sum3A_348 = vector.shape_cast %convert_element_type3A_347 : vector<1000x1xf32> to vector<1x1000x1xf32>
      %reduce_sum3A_349 = arith.constant dense<0.000000e+00> : vector<1xf32>
      %reduce_sum3A_350 = vector.multi_reduction <add>, %reduce_sum3A_348, %reduce_sum3A_349 [1, 2] : vector<1x1000x1xf32> to vector<1xf32>
      %reduce_sum3A_351 = vector.shape_cast %reduce_sum3A_350 : vector<1xf32> to vector<1x1x1xf32>
      %reduce_sum3A_352 = vector.extract %reduce_sum3A_351[0, 0, 0] : f32 from vector<1x1x1xf32>
      %mul3A_353 = vector.broadcast %reduce_sum3A_352 : f32 to vector<16x1xf32>
      %mul3A_354 = arith.mulf %convert_element_type3A_333, %mul3A_353 : vector<16x1xf32>
      %add3A_355 = arith.addf %add3A_325, %mul3A_354 : vector<16x1xf32>
      %eq3A_356 = arith.constant 10 : i32
      %eq3A_357 = vector.broadcast %eq3A_356 : i32 to vector<1000x1xi32>
      %eq3A_358 = arith.cmpi eq, %get3A_60, %eq3A_357 : vector<1000x1xi32>
      %eq3A_359 = arith.constant 10 : i32
      %eq3A_360 = vector.broadcast %eq3A_359 : i32 to vector<16x1xi32>
      %eq3A_361 = arith.cmpi eq, %iota3A, %eq3A_360 : vector<16x1xi32>
      %convert_element_type3A_362 = arith.extui %eq3A_361 : vector<16x1xi1> to vector<16x1xi32>
      %convert_element_type3A_363 = arith.sitofp %convert_element_type3A_362 : vector<16x1xi32> to vector<16x1xf32>
      %jit3A_364 = arith.constant 0.000000e+00 : f32
      %broadcast_in_dim3A_365 = vector.shape_cast %eq3A_358 : vector<1000x1xi1> to vector<1000x1xi1>
      %broadcast_in_dim3A_366 = vector.broadcast %broadcast_in_dim3A_365 : vector<1000x1xi1> to vector<1000x128xi1>
      %broadcast_in_dim3A_367 = vector.broadcast %jit3A_364 : f32 to vector<1000x128xf32>
      %select_n3A_368 = arith.select %broadcast_in_dim3A_366, %add3A_55, %broadcast_in_dim3A_367 : vector<1000x128xi1>, vector<1000x128xf32>
      %reduce_sum3A_369 = arith.constant dense<0.000000e+00> : vector<128xf32>
      %reduce_sum3A_370 = vector.multi_reduction <add>, %select_n3A_368, %reduce_sum3A_369 [0] : vector<1000x128xf32> to vector<128xf32>
      %broadcast_in_dim3A_371 = vector.shape_cast %reduce_sum3A_370 : vector<128xf32> to vector<1x128xf32>
      %mul3A_372 = vector.broadcast %convert_element_type3A_363 : vector<16x1xf32> to vector<16x128xf32>
      %mul3A_373 = vector.broadcast %broadcast_in_dim3A_371 : vector<1x128xf32> to vector<16x128xf32>
      %mul3A_374 = arith.mulf %mul3A_372, %mul3A_373 : vector<16x128xf32>
      %add3A_375 = arith.addf %add3A_345, %mul3A_374 : vector<16x128xf32>
      %convert_element_type3A_376 = arith.extui %eq3A_358 : vector<1000x1xi1> to vector<1000x1xi32>
      %convert_element_type3A_377 = arith.sitofp %convert_element_type3A_376 : vector<1000x1xi32> to vector<1000x1xf32>
      %reduce_sum3A_378 = vector.shape_cast %convert_element_type3A_377 : vector<1000x1xf32> to vector<1x1000x1xf32>
      %reduce_sum3A_379 = arith.constant dense<0.000000e+00> : vector<1xf32>
      %reduce_sum3A_380 = vector.multi_reduction <add>, %reduce_sum3A_378, %reduce_sum3A_379 [1, 2] : vector<1x1000x1xf32> to vector<1xf32>
      %reduce_sum3A_381 = vector.shape_cast %reduce_sum3A_380 : vector<1xf32> to vector<1x1x1xf32>
      %reduce_sum3A_382 = vector.extract %reduce_sum3A_381[0, 0, 0] : f32 from vector<1x1x1xf32>
      %mul3A_383 = vector.broadcast %reduce_sum3A_382 : f32 to vector<16x1xf32>
      %mul3A_384 = arith.mulf %convert_element_type3A_363, %mul3A_383 : vector<16x1xf32>
      %add3A_385 = arith.addf %add3A_355, %mul3A_384 : vector<16x1xf32>
      %eq3A_386 = arith.constant 11 : i32
      %eq3A_387 = vector.broadcast %eq3A_386 : i32 to vector<1000x1xi32>
      %eq3A_388 = arith.cmpi eq, %get3A_60, %eq3A_387 : vector<1000x1xi32>
      %eq3A_389 = arith.constant 11 : i32
      %eq3A_390 = vector.broadcast %eq3A_389 : i32 to vector<16x1xi32>
      %eq3A_391 = arith.cmpi eq, %iota3A, %eq3A_390 : vector<16x1xi32>
      %convert_element_type3A_392 = arith.extui %eq3A_391 : vector<16x1xi1> to vector<16x1xi32>
      %convert_element_type3A_393 = arith.sitofp %convert_element_type3A_392 : vector<16x1xi32> to vector<16x1xf32>
      %jit3A_394 = arith.constant 0.000000e+00 : f32
      %broadcast_in_dim3A_395 = vector.shape_cast %eq3A_388 : vector<1000x1xi1> to vector<1000x1xi1>
      %broadcast_in_dim3A_396 = vector.broadcast %broadcast_in_dim3A_395 : vector<1000x1xi1> to vector<1000x128xi1>
      %broadcast_in_dim3A_397 = vector.broadcast %jit3A_394 : f32 to vector<1000x128xf32>
      %select_n3A_398 = arith.select %broadcast_in_dim3A_396, %add3A_55, %broadcast_in_dim3A_397 : vector<1000x128xi1>, vector<1000x128xf32>
      %reduce_sum3A_399 = arith.constant dense<0.000000e+00> : vector<128xf32>
      %reduce_sum3A_400 = vector.multi_reduction <add>, %select_n3A_398, %reduce_sum3A_399 [0] : vector<1000x128xf32> to vector<128xf32>
      %broadcast_in_dim3A_401 = vector.shape_cast %reduce_sum3A_400 : vector<128xf32> to vector<1x128xf32>
      %mul3A_402 = vector.broadcast %convert_element_type3A_393 : vector<16x1xf32> to vector<16x128xf32>
      %mul3A_403 = vector.broadcast %broadcast_in_dim3A_401 : vector<1x128xf32> to vector<16x128xf32>
      %mul3A_404 = arith.mulf %mul3A_402, %mul3A_403 : vector<16x128xf32>
      %add3A_405 = arith.addf %add3A_375, %mul3A_404 : vector<16x128xf32>
      %convert_element_type3A_406 = arith.extui %eq3A_388 : vector<1000x1xi1> to vector<1000x1xi32>
      %convert_element_type3A_407 = arith.sitofp %convert_element_type3A_406 : vector<1000x1xi32> to vector<1000x1xf32>
      %reduce_sum3A_408 = vector.shape_cast %convert_element_type3A_407 : vector<1000x1xf32> to vector<1x1000x1xf32>
      %reduce_sum3A_409 = arith.constant dense<0.000000e+00> : vector<1xf32>
      %reduce_sum3A_410 = vector.multi_reduction <add>, %reduce_sum3A_408, %reduce_sum3A_409 [1, 2] : vector<1x1000x1xf32> to vector<1xf32>
      %reduce_sum3A_411 = vector.shape_cast %reduce_sum3A_410 : vector<1xf32> to vector<1x1x1xf32>
      %reduce_sum3A_412 = vector.extract %reduce_sum3A_411[0, 0, 0] : f32 from vector<1x1x1xf32>
      %mul3A_413 = vector.broadcast %reduce_sum3A_412 : f32 to vector<16x1xf32>
      %mul3A_414 = arith.mulf %convert_element_type3A_393, %mul3A_413 : vector<16x1xf32>
      %add3A_415 = arith.addf %add3A_385, %mul3A_414 : vector<16x1xf32>
      %eq3A_416 = arith.constant 12 : i32
      %eq3A_417 = vector.broadcast %eq3A_416 : i32 to vector<1000x1xi32>
      %eq3A_418 = arith.cmpi eq, %get3A_60, %eq3A_417 : vector<1000x1xi32>
      %eq3A_419 = arith.constant 12 : i32
      %eq3A_420 = vector.broadcast %eq3A_419 : i32 to vector<16x1xi32>
      %eq3A_421 = arith.cmpi eq, %iota3A, %eq3A_420 : vector<16x1xi32>
      %convert_element_type3A_422 = arith.extui %eq3A_421 : vector<16x1xi1> to vector<16x1xi32>
      %convert_element_type3A_423 = arith.sitofp %convert_element_type3A_422 : vector<16x1xi32> to vector<16x1xf32>
      %jit3A_424 = arith.constant 0.000000e+00 : f32
      %broadcast_in_dim3A_425 = vector.shape_cast %eq3A_418 : vector<1000x1xi1> to vector<1000x1xi1>
      %broadcast_in_dim3A_426 = vector.broadcast %broadcast_in_dim3A_425 : vector<1000x1xi1> to vector<1000x128xi1>
      %broadcast_in_dim3A_427 = vector.broadcast %jit3A_424 : f32 to vector<1000x128xf32>
      %select_n3A_428 = arith.select %broadcast_in_dim3A_426, %add3A_55, %broadcast_in_dim3A_427 : vector<1000x128xi1>, vector<1000x128xf32>
      %reduce_sum3A_429 = arith.constant dense<0.000000e+00> : vector<128xf32>
      %reduce_sum3A_430 = vector.multi_reduction <add>, %select_n3A_428, %reduce_sum3A_429 [0] : vector<1000x128xf32> to vector<128xf32>
      %broadcast_in_dim3A_431 = vector.shape_cast %reduce_sum3A_430 : vector<128xf32> to vector<1x128xf32>
      %mul3A_432 = vector.broadcast %convert_element_type3A_423 : vector<16x1xf32> to vector<16x128xf32>
      %mul3A_433 = vector.broadcast %broadcast_in_dim3A_431 : vector<1x128xf32> to vector<16x128xf32>
      %mul3A_434 = arith.mulf %mul3A_432, %mul3A_433 : vector<16x128xf32>
      %add3A_435 = arith.addf %add3A_405, %mul3A_434 : vector<16x128xf32>
      %convert_element_type3A_436 = arith.extui %eq3A_418 : vector<1000x1xi1> to vector<1000x1xi32>
      %convert_element_type3A_437 = arith.sitofp %convert_element_type3A_436 : vector<1000x1xi32> to vector<1000x1xf32>
      %reduce_sum3A_438 = vector.shape_cast %convert_element_type3A_437 : vector<1000x1xf32> to vector<1x1000x1xf32>
      %reduce_sum3A_439 = arith.constant dense<0.000000e+00> : vector<1xf32>
      %reduce_sum3A_440 = vector.multi_reduction <add>, %reduce_sum3A_438, %reduce_sum3A_439 [1, 2] : vector<1x1000x1xf32> to vector<1xf32>
      %reduce_sum3A_441 = vector.shape_cast %reduce_sum3A_440 : vector<1xf32> to vector<1x1x1xf32>
      %reduce_sum3A_442 = vector.extract %reduce_sum3A_441[0, 0, 0] : f32 from vector<1x1x1xf32>
      %mul3A_443 = vector.broadcast %reduce_sum3A_442 : f32 to vector<16x1xf32>
      %mul3A_444 = arith.mulf %convert_element_type3A_423, %mul3A_443 : vector<16x1xf32>
      %add3A_445 = arith.addf %add3A_415, %mul3A_444 : vector<16x1xf32>
      %eq3A_446 = arith.constant 13 : i32
      %eq3A_447 = vector.broadcast %eq3A_446 : i32 to vector<1000x1xi32>
      %eq3A_448 = arith.cmpi eq, %get3A_60, %eq3A_447 : vector<1000x1xi32>
      %eq3A_449 = arith.constant 13 : i32
      %eq3A_450 = vector.broadcast %eq3A_449 : i32 to vector<16x1xi32>
      %eq3A_451 = arith.cmpi eq, %iota3A, %eq3A_450 : vector<16x1xi32>
      %convert_element_type3A_452 = arith.extui %eq3A_451 : vector<16x1xi1> to vector<16x1xi32>
      %convert_element_type3A_453 = arith.sitofp %convert_element_type3A_452 : vector<16x1xi32> to vector<16x1xf32>
      %jit3A_454 = arith.constant 0.000000e+00 : f32
      %broadcast_in_dim3A_455 = vector.shape_cast %eq3A_448 : vector<1000x1xi1> to vector<1000x1xi1>
      %broadcast_in_dim3A_456 = vector.broadcast %broadcast_in_dim3A_455 : vector<1000x1xi1> to vector<1000x128xi1>
      %broadcast_in_dim3A_457 = vector.broadcast %jit3A_454 : f32 to vector<1000x128xf32>
      %select_n3A_458 = arith.select %broadcast_in_dim3A_456, %add3A_55, %broadcast_in_dim3A_457 : vector<1000x128xi1>, vector<1000x128xf32>
      %reduce_sum3A_459 = arith.constant dense<0.000000e+00> : vector<128xf32>
      %reduce_sum3A_460 = vector.multi_reduction <add>, %select_n3A_458, %reduce_sum3A_459 [0] : vector<1000x128xf32> to vector<128xf32>
      %broadcast_in_dim3A_461 = vector.shape_cast %reduce_sum3A_460 : vector<128xf32> to vector<1x128xf32>
      %mul3A_462 = vector.broadcast %convert_element_type3A_453 : vector<16x1xf32> to vector<16x128xf32>
      %mul3A_463 = vector.broadcast %broadcast_in_dim3A_461 : vector<1x128xf32> to vector<16x128xf32>
      %mul3A_464 = arith.mulf %mul3A_462, %mul3A_463 : vector<16x128xf32>
      %add3A_465 = arith.addf %add3A_435, %mul3A_464 : vector<16x128xf32>
      %convert_element_type3A_466 = arith.extui %eq3A_448 : vector<1000x1xi1> to vector<1000x1xi32>
      %convert_element_type3A_467 = arith.sitofp %convert_element_type3A_466 : vector<1000x1xi32> to vector<1000x1xf32>
      %reduce_sum3A_468 = vector.shape_cast %convert_element_type3A_467 : vector<1000x1xf32> to vector<1x1000x1xf32>
      %reduce_sum3A_469 = arith.constant dense<0.000000e+00> : vector<1xf32>
      %reduce_sum3A_470 = vector.multi_reduction <add>, %reduce_sum3A_468, %reduce_sum3A_469 [1, 2] : vector<1x1000x1xf32> to vector<1xf32>
      %reduce_sum3A_471 = vector.shape_cast %reduce_sum3A_470 : vector<1xf32> to vector<1x1x1xf32>
      %reduce_sum3A_472 = vector.extract %reduce_sum3A_471[0, 0, 0] : f32 from vector<1x1x1xf32>
      %mul3A_473 = vector.broadcast %reduce_sum3A_472 : f32 to vector<16x1xf32>
      %mul3A_474 = arith.mulf %convert_element_type3A_453, %mul3A_473 : vector<16x1xf32>
      %add3A_475 = arith.addf %add3A_445, %mul3A_474 : vector<16x1xf32>
      %eq3A_476 = arith.constant 14 : i32
      %eq3A_477 = vector.broadcast %eq3A_476 : i32 to vector<1000x1xi32>
      %eq3A_478 = arith.cmpi eq, %get3A_60, %eq3A_477 : vector<1000x1xi32>
      %eq3A_479 = arith.constant 14 : i32
      %eq3A_480 = vector.broadcast %eq3A_479 : i32 to vector<16x1xi32>
      %eq3A_481 = arith.cmpi eq, %iota3A, %eq3A_480 : vector<16x1xi32>
      %convert_element_type3A_482 = arith.extui %eq3A_481 : vector<16x1xi1> to vector<16x1xi32>
      %convert_element_type3A_483 = arith.sitofp %convert_element_type3A_482 : vector<16x1xi32> to vector<16x1xf32>
      %jit3A_484 = arith.constant 0.000000e+00 : f32
      %broadcast_in_dim3A_485 = vector.shape_cast %eq3A_478 : vector<1000x1xi1> to vector<1000x1xi1>
      %broadcast_in_dim3A_486 = vector.broadcast %broadcast_in_dim3A_485 : vector<1000x1xi1> to vector<1000x128xi1>
      %broadcast_in_dim3A_487 = vector.broadcast %jit3A_484 : f32 to vector<1000x128xf32>
      %select_n3A_488 = arith.select %broadcast_in_dim3A_486, %add3A_55, %broadcast_in_dim3A_487 : vector<1000x128xi1>, vector<1000x128xf32>
      %reduce_sum3A_489 = arith.constant dense<0.000000e+00> : vector<128xf32>
      %reduce_sum3A_490 = vector.multi_reduction <add>, %select_n3A_488, %reduce_sum3A_489 [0] : vector<1000x128xf32> to vector<128xf32>
      %broadcast_in_dim3A_491 = vector.shape_cast %reduce_sum3A_490 : vector<128xf32> to vector<1x128xf32>
      %mul3A_492 = vector.broadcast %convert_element_type3A_483 : vector<16x1xf32> to vector<16x128xf32>
      %mul3A_493 = vector.broadcast %broadcast_in_dim3A_491 : vector<1x128xf32> to vector<16x128xf32>
      %mul3A_494 = arith.mulf %mul3A_492, %mul3A_493 : vector<16x128xf32>
      %add3A_495 = arith.addf %add3A_465, %mul3A_494 : vector<16x128xf32>
      %convert_element_type3A_496 = arith.extui %eq3A_478 : vector<1000x1xi1> to vector<1000x1xi32>
      %convert_element_type3A_497 = arith.sitofp %convert_element_type3A_496 : vector<1000x1xi32> to vector<1000x1xf32>
      %reduce_sum3A_498 = vector.shape_cast %convert_element_type3A_497 : vector<1000x1xf32> to vector<1x1000x1xf32>
      %reduce_sum3A_499 = arith.constant dense<0.000000e+00> : vector<1xf32>
      %reduce_sum3A_500 = vector.multi_reduction <add>, %reduce_sum3A_498, %reduce_sum3A_499 [1, 2] : vector<1x1000x1xf32> to vector<1xf32>
      %reduce_sum3A_501 = vector.shape_cast %reduce_sum3A_500 : vector<1xf32> to vector<1x1x1xf32>
      %reduce_sum3A_502 = vector.extract %reduce_sum3A_501[0, 0, 0] : f32 from vector<1x1x1xf32>
      %mul3A_503 = vector.broadcast %reduce_sum3A_502 : f32 to vector<16x1xf32>
      %mul3A_504 = arith.mulf %convert_element_type3A_483, %mul3A_503 : vector<16x1xf32>
      %add3A_505 = arith.addf %add3A_475, %mul3A_504 : vector<16x1xf32>
      %eq3A_506 = arith.constant 15 : i32
      %eq3A_507 = vector.broadcast %eq3A_506 : i32 to vector<1000x1xi32>
      %eq3A_508 = arith.cmpi eq, %get3A_60, %eq3A_507 : vector<1000x1xi32>
      %eq3A_509 = arith.constant 15 : i32
      %eq3A_510 = vector.broadcast %eq3A_509 : i32 to vector<16x1xi32>
      %eq3A_511 = arith.cmpi eq, %iota3A, %eq3A_510 : vector<16x1xi32>
      %convert_element_type3A_512 = arith.extui %eq3A_511 : vector<16x1xi1> to vector<16x1xi32>
      %convert_element_type3A_513 = arith.sitofp %convert_element_type3A_512 : vector<16x1xi32> to vector<16x1xf32>
      %jit3A_514 = arith.constant 0.000000e+00 : f32
      %broadcast_in_dim3A_515 = vector.shape_cast %eq3A_508 : vector<1000x1xi1> to vector<1000x1xi1>
      %broadcast_in_dim3A_516 = vector.broadcast %broadcast_in_dim3A_515 : vector<1000x1xi1> to vector<1000x128xi1>
      %broadcast_in_dim3A_517 = vector.broadcast %jit3A_514 : f32 to vector<1000x128xf32>
      %select_n3A_518 = arith.select %broadcast_in_dim3A_516, %add3A_55, %broadcast_in_dim3A_517 : vector<1000x128xi1>, vector<1000x128xf32>
      %reduce_sum3A_519 = arith.constant dense<0.000000e+00> : vector<128xf32>
      %reduce_sum3A_520 = vector.multi_reduction <add>, %select_n3A_518, %reduce_sum3A_519 [0] : vector<1000x128xf32> to vector<128xf32>
      %broadcast_in_dim3A_521 = vector.shape_cast %reduce_sum3A_520 : vector<128xf32> to vector<1x128xf32>
      %mul3A_522 = vector.broadcast %convert_element_type3A_513 : vector<16x1xf32> to vector<16x128xf32>
      %mul3A_523 = vector.broadcast %broadcast_in_dim3A_521 : vector<1x128xf32> to vector<16x128xf32>
      %mul3A_524 = arith.mulf %mul3A_522, %mul3A_523 : vector<16x128xf32>
      %add3A_525 = arith.addf %add3A_495, %mul3A_524 : vector<16x128xf32>
      %convert_element_type3A_526 = arith.extui %eq3A_508 : vector<1000x1xi1> to vector<1000x1xi32>
      %convert_element_type3A_527 = arith.sitofp %convert_element_type3A_526 : vector<1000x1xi32> to vector<1000x1xf32>
      %reduce_sum3A_528 = vector.shape_cast %convert_element_type3A_527 : vector<1000x1xf32> to vector<1x1000x1xf32>
      %reduce_sum3A_529 = arith.constant dense<0.000000e+00> : vector<1xf32>
      %reduce_sum3A_530 = vector.multi_reduction <add>, %reduce_sum3A_528, %reduce_sum3A_529 [1, 2] : vector<1x1000x1xf32> to vector<1xf32>
      %reduce_sum3A_531 = vector.shape_cast %reduce_sum3A_530 : vector<1xf32> to vector<1x1x1xf32>
      %reduce_sum3A_532 = vector.extract %reduce_sum3A_531[0, 0, 0] : f32 from vector<1x1x1xf32>
      %mul3A_533 = vector.broadcast %reduce_sum3A_532 : f32 to vector<16x1xf32>
      %mul3A_534 = arith.mulf %convert_element_type3A_513, %mul3A_533 : vector<16x1xf32>
      %add3A_535 = arith.addf %add3A_505, %mul3A_534 : vector<16x1xf32>
      scf.yield %add3A_525, %add3A_535 : vector<16x128xf32>, vector<16x1xf32>
    }
    %scan3A_7 = arith.constant 10 : i32
    %max3A = arith.constant 1.000000e+00 : f32
    %max3A_8 = vector.broadcast %max3A : f32 to vector<16x1xf32>
    %max3A_9 = arith.maximumf %scan3A_6#1, %max3A_8 : vector<16x1xf32>
    %div3A = vector.broadcast %max3A_9 : vector<16x1xf32> to vector<16x128xf32>
    %div3A_10 = arith.divf %scan3A_6#0, %div3A : vector<16x128xf32>
    %broadcast_in_dim3A_11 = arith.constant 0.000000e+00 : f32
    %broadcast_in_dim3A_12 = vector.broadcast %broadcast_in_dim3A_11 : f32 to vector<16x128xf32>
    %scan3A_13 = arith.constant 0 : i32
    %scan3A_14 = arith.constant 10 : i32
    %scan3A_15 = arith.addi %scan3A_13, %scan3A_14 : i32
    %scan3A_16 = arith.constant 1 : i32
    %scan3A_17 = scf.for %scan3A_28 = %scan3A_13 to %scan3A_15 step %scan3A_16 iter_args(%scan3A_29 = %broadcast_in_dim3A_12) -> (vector<16x128xf32>)  : i32 {
      %mul3A = arith.constant 1000 : i32
      %mul3A_30 = arith.muli %scan3A_28, %mul3A : i32
      %get3A = arith.index_cast %mul3A_30 : i32 to index
      %get3A_31 = arith.constant 0 : index
      %get3A_32 = vector.load %arg3[%get3A, %get3A_31] : memref<10000x1xi32, #tpu.memory_space<vmem>>, vector<1000x1xi32>
      %broadcast_in_dim3A_33 = arith.constant 0.000000e+00 : f32
      %broadcast_in_dim3A_34 = vector.broadcast %broadcast_in_dim3A_33 : f32 to vector<1000x128xf32>
      %eq3A = arith.constant 0 : i32
      %eq3A_35 = vector.broadcast %eq3A : i32 to vector<1000x1xi32>
      %eq3A_36 = arith.cmpi eq, %get3A_32, %eq3A_35 : vector<1000x1xi32>
      %slice3A = vector.extract_strided_slice %div3A_10 {offsets = [0, 0], sizes = [1, 128], strides = [1, 1]} : vector<16x128xf32> to vector<1x128xf32>
      %squeeze3A = vector.shape_cast %slice3A : vector<1x128xf32> to vector<128xf32>
      %broadcast_in_dim3A_37 = vector.shape_cast %squeeze3A : vector<128xf32> to vector<1x128xf32>
      %broadcast_in_dim3A_38 = vector.shape_cast %eq3A_36 : vector<1000x1xi1> to vector<1000x1xi1>
      %broadcast_in_dim3A_39 = vector.broadcast %broadcast_in_dim3A_38 : vector<1000x1xi1> to vector<1000x128xi1>
      %broadcast_in_dim3A_40 = vector.shape_cast %broadcast_in_dim3A_37 : vector<1x128xf32> to vector<1x128xf32>
      %broadcast_in_dim3A_41 = vector.broadcast %broadcast_in_dim3A_40 : vector<1x128xf32> to vector<1000x128xf32>
      %select_n3A = arith.select %broadcast_in_dim3A_39, %broadcast_in_dim3A_41, %broadcast_in_dim3A_34 : vector<1000x128xi1>, vector<1000x128xf32>
      %eq3A_42 = arith.constant 1 : i32
      %eq3A_43 = vector.broadcast %eq3A_42 : i32 to vector<1000x1xi32>
      %eq3A_44 = arith.cmpi eq, %get3A_32, %eq3A_43 : vector<1000x1xi32>
      %slice3A_45 = vector.extract_strided_slice %div3A_10 {offsets = [1, 0], sizes = [1, 128], strides = [1, 1]} : vector<16x128xf32> to vector<1x128xf32>
      %squeeze3A_46 = vector.shape_cast %slice3A_45 : vector<1x128xf32> to vector<128xf32>
      %broadcast_in_dim3A_47 = vector.shape_cast %squeeze3A_46 : vector<128xf32> to vector<1x128xf32>
      %broadcast_in_dim3A_48 = vector.shape_cast %eq3A_44 : vector<1000x1xi1> to vector<1000x1xi1>
      %broadcast_in_dim3A_49 = vector.broadcast %broadcast_in_dim3A_48 : vector<1000x1xi1> to vector<1000x128xi1>
      %broadcast_in_dim3A_50 = vector.shape_cast %broadcast_in_dim3A_47 : vector<1x128xf32> to vector<1x128xf32>
      %broadcast_in_dim3A_51 = vector.broadcast %broadcast_in_dim3A_50 : vector<1x128xf32> to vector<1000x128xf32>
      %select_n3A_52 = arith.select %broadcast_in_dim3A_49, %broadcast_in_dim3A_51, %select_n3A : vector<1000x128xi1>, vector<1000x128xf32>
      %eq3A_53 = arith.constant 2 : i32
      %eq3A_54 = vector.broadcast %eq3A_53 : i32 to vector<1000x1xi32>
      %eq3A_55 = arith.cmpi eq, %get3A_32, %eq3A_54 : vector<1000x1xi32>
      %slice3A_56 = vector.extract_strided_slice %div3A_10 {offsets = [2, 0], sizes = [1, 128], strides = [1, 1]} : vector<16x128xf32> to vector<1x128xf32>
      %squeeze3A_57 = vector.shape_cast %slice3A_56 : vector<1x128xf32> to vector<128xf32>
      %broadcast_in_dim3A_58 = vector.shape_cast %squeeze3A_57 : vector<128xf32> to vector<1x128xf32>
      %broadcast_in_dim3A_59 = vector.shape_cast %eq3A_55 : vector<1000x1xi1> to vector<1000x1xi1>
      %broadcast_in_dim3A_60 = vector.broadcast %broadcast_in_dim3A_59 : vector<1000x1xi1> to vector<1000x128xi1>
      %broadcast_in_dim3A_61 = vector.shape_cast %broadcast_in_dim3A_58 : vector<1x128xf32> to vector<1x128xf32>
      %broadcast_in_dim3A_62 = vector.broadcast %broadcast_in_dim3A_61 : vector<1x128xf32> to vector<1000x128xf32>
      %select_n3A_63 = arith.select %broadcast_in_dim3A_60, %broadcast_in_dim3A_62, %select_n3A_52 : vector<1000x128xi1>, vector<1000x128xf32>
      %eq3A_64 = arith.constant 3 : i32
      %eq3A_65 = vector.broadcast %eq3A_64 : i32 to vector<1000x1xi32>
      %eq3A_66 = arith.cmpi eq, %get3A_32, %eq3A_65 : vector<1000x1xi32>
      %slice3A_67 = vector.extract_strided_slice %div3A_10 {offsets = [3, 0], sizes = [1, 128], strides = [1, 1]} : vector<16x128xf32> to vector<1x128xf32>
      %squeeze3A_68 = vector.shape_cast %slice3A_67 : vector<1x128xf32> to vector<128xf32>
      %broadcast_in_dim3A_69 = vector.shape_cast %squeeze3A_68 : vector<128xf32> to vector<1x128xf32>
      %broadcast_in_dim3A_70 = vector.shape_cast %eq3A_66 : vector<1000x1xi1> to vector<1000x1xi1>
      %broadcast_in_dim3A_71 = vector.broadcast %broadcast_in_dim3A_70 : vector<1000x1xi1> to vector<1000x128xi1>
      %broadcast_in_dim3A_72 = vector.shape_cast %broadcast_in_dim3A_69 : vector<1x128xf32> to vector<1x128xf32>
      %broadcast_in_dim3A_73 = vector.broadcast %broadcast_in_dim3A_72 : vector<1x128xf32> to vector<1000x128xf32>
      %select_n3A_74 = arith.select %broadcast_in_dim3A_71, %broadcast_in_dim3A_73, %select_n3A_63 : vector<1000x128xi1>, vector<1000x128xf32>
      %eq3A_75 = arith.constant 4 : i32
      %eq3A_76 = vector.broadcast %eq3A_75 : i32 to vector<1000x1xi32>
      %eq3A_77 = arith.cmpi eq, %get3A_32, %eq3A_76 : vector<1000x1xi32>
      %slice3A_78 = vector.extract_strided_slice %div3A_10 {offsets = [4, 0], sizes = [1, 128], strides = [1, 1]} : vector<16x128xf32> to vector<1x128xf32>
      %squeeze3A_79 = vector.shape_cast %slice3A_78 : vector<1x128xf32> to vector<128xf32>
      %broadcast_in_dim3A_80 = vector.shape_cast %squeeze3A_79 : vector<128xf32> to vector<1x128xf32>
      %broadcast_in_dim3A_81 = vector.shape_cast %eq3A_77 : vector<1000x1xi1> to vector<1000x1xi1>
      %broadcast_in_dim3A_82 = vector.broadcast %broadcast_in_dim3A_81 : vector<1000x1xi1> to vector<1000x128xi1>
      %broadcast_in_dim3A_83 = vector.shape_cast %broadcast_in_dim3A_80 : vector<1x128xf32> to vector<1x128xf32>
      %broadcast_in_dim3A_84 = vector.broadcast %broadcast_in_dim3A_83 : vector<1x128xf32> to vector<1000x128xf32>
      %select_n3A_85 = arith.select %broadcast_in_dim3A_82, %broadcast_in_dim3A_84, %select_n3A_74 : vector<1000x128xi1>, vector<1000x128xf32>
      %eq3A_86 = arith.constant 5 : i32
      %eq3A_87 = vector.broadcast %eq3A_86 : i32 to vector<1000x1xi32>
      %eq3A_88 = arith.cmpi eq, %get3A_32, %eq3A_87 : vector<1000x1xi32>
      %slice3A_89 = vector.extract_strided_slice %div3A_10 {offsets = [5, 0], sizes = [1, 128], strides = [1, 1]} : vector<16x128xf32> to vector<1x128xf32>
      %squeeze3A_90 = vector.shape_cast %slice3A_89 : vector<1x128xf32> to vector<128xf32>
      %broadcast_in_dim3A_91 = vector.shape_cast %squeeze3A_90 : vector<128xf32> to vector<1x128xf32>
      %broadcast_in_dim3A_92 = vector.shape_cast %eq3A_88 : vector<1000x1xi1> to vector<1000x1xi1>
      %broadcast_in_dim3A_93 = vector.broadcast %broadcast_in_dim3A_92 : vector<1000x1xi1> to vector<1000x128xi1>
      %broadcast_in_dim3A_94 = vector.shape_cast %broadcast_in_dim3A_91 : vector<1x128xf32> to vector<1x128xf32>
      %broadcast_in_dim3A_95 = vector.broadcast %broadcast_in_dim3A_94 : vector<1x128xf32> to vector<1000x128xf32>
      %select_n3A_96 = arith.select %broadcast_in_dim3A_93, %broadcast_in_dim3A_95, %select_n3A_85 : vector<1000x128xi1>, vector<1000x128xf32>
      %eq3A_97 = arith.constant 6 : i32
      %eq3A_98 = vector.broadcast %eq3A_97 : i32 to vector<1000x1xi32>
      %eq3A_99 = arith.cmpi eq, %get3A_32, %eq3A_98 : vector<1000x1xi32>
      %slice3A_100 = vector.extract_strided_slice %div3A_10 {offsets = [6, 0], sizes = [1, 128], strides = [1, 1]} : vector<16x128xf32> to vector<1x128xf32>
      %squeeze3A_101 = vector.shape_cast %slice3A_100 : vector<1x128xf32> to vector<128xf32>
      %broadcast_in_dim3A_102 = vector.shape_cast %squeeze3A_101 : vector<128xf32> to vector<1x128xf32>
      %broadcast_in_dim3A_103 = vector.shape_cast %eq3A_99 : vector<1000x1xi1> to vector<1000x1xi1>
      %broadcast_in_dim3A_104 = vector.broadcast %broadcast_in_dim3A_103 : vector<1000x1xi1> to vector<1000x128xi1>
      %broadcast_in_dim3A_105 = vector.shape_cast %broadcast_in_dim3A_102 : vector<1x128xf32> to vector<1x128xf32>
      %broadcast_in_dim3A_106 = vector.broadcast %broadcast_in_dim3A_105 : vector<1x128xf32> to vector<1000x128xf32>
      %select_n3A_107 = arith.select %broadcast_in_dim3A_104, %broadcast_in_dim3A_106, %select_n3A_96 : vector<1000x128xi1>, vector<1000x128xf32>
      %eq3A_108 = arith.constant 7 : i32
      %eq3A_109 = vector.broadcast %eq3A_108 : i32 to vector<1000x1xi32>
      %eq3A_110 = arith.cmpi eq, %get3A_32, %eq3A_109 : vector<1000x1xi32>
      %slice3A_111 = vector.extract_strided_slice %div3A_10 {offsets = [7, 0], sizes = [1, 128], strides = [1, 1]} : vector<16x128xf32> to vector<1x128xf32>
      %squeeze3A_112 = vector.shape_cast %slice3A_111 : vector<1x128xf32> to vector<128xf32>
      %broadcast_in_dim3A_113 = vector.shape_cast %squeeze3A_112 : vector<128xf32> to vector<1x128xf32>
      %broadcast_in_dim3A_114 = vector.shape_cast %eq3A_110 : vector<1000x1xi1> to vector<1000x1xi1>
      %broadcast_in_dim3A_115 = vector.broadcast %broadcast_in_dim3A_114 : vector<1000x1xi1> to vector<1000x128xi1>
      %broadcast_in_dim3A_116 = vector.shape_cast %broadcast_in_dim3A_113 : vector<1x128xf32> to vector<1x128xf32>
      %broadcast_in_dim3A_117 = vector.broadcast %broadcast_in_dim3A_116 : vector<1x128xf32> to vector<1000x128xf32>
      %select_n3A_118 = arith.select %broadcast_in_dim3A_115, %broadcast_in_dim3A_117, %select_n3A_107 : vector<1000x128xi1>, vector<1000x128xf32>
      %eq3A_119 = arith.constant 8 : i32
      %eq3A_120 = vector.broadcast %eq3A_119 : i32 to vector<1000x1xi32>
      %eq3A_121 = arith.cmpi eq, %get3A_32, %eq3A_120 : vector<1000x1xi32>
      %slice3A_122 = vector.extract_strided_slice %div3A_10 {offsets = [8, 0], sizes = [1, 128], strides = [1, 1]} : vector<16x128xf32> to vector<1x128xf32>
      %squeeze3A_123 = vector.shape_cast %slice3A_122 : vector<1x128xf32> to vector<128xf32>
      %broadcast_in_dim3A_124 = vector.shape_cast %squeeze3A_123 : vector<128xf32> to vector<1x128xf32>
      %broadcast_in_dim3A_125 = vector.shape_cast %eq3A_121 : vector<1000x1xi1> to vector<1000x1xi1>
      %broadcast_in_dim3A_126 = vector.broadcast %broadcast_in_dim3A_125 : vector<1000x1xi1> to vector<1000x128xi1>
      %broadcast_in_dim3A_127 = vector.shape_cast %broadcast_in_dim3A_124 : vector<1x128xf32> to vector<1x128xf32>
      %broadcast_in_dim3A_128 = vector.broadcast %broadcast_in_dim3A_127 : vector<1x128xf32> to vector<1000x128xf32>
      %select_n3A_129 = arith.select %broadcast_in_dim3A_126, %broadcast_in_dim3A_128, %select_n3A_118 : vector<1000x128xi1>, vector<1000x128xf32>
      %eq3A_130 = arith.constant 9 : i32
      %eq3A_131 = vector.broadcast %eq3A_130 : i32 to vector<1000x1xi32>
      %eq3A_132 = arith.cmpi eq, %get3A_32, %eq3A_131 : vector<1000x1xi32>
      %slice3A_133 = vector.extract_strided_slice %div3A_10 {offsets = [9, 0], sizes = [1, 128], strides = [1, 1]} : vector<16x128xf32> to vector<1x128xf32>
      %squeeze3A_134 = vector.shape_cast %slice3A_133 : vector<1x128xf32> to vector<128xf32>
      %broadcast_in_dim3A_135 = vector.shape_cast %squeeze3A_134 : vector<128xf32> to vector<1x128xf32>
      %broadcast_in_dim3A_136 = vector.shape_cast %eq3A_132 : vector<1000x1xi1> to vector<1000x1xi1>
      %broadcast_in_dim3A_137 = vector.broadcast %broadcast_in_dim3A_136 : vector<1000x1xi1> to vector<1000x128xi1>
      %broadcast_in_dim3A_138 = vector.shape_cast %broadcast_in_dim3A_135 : vector<1x128xf32> to vector<1x128xf32>
      %broadcast_in_dim3A_139 = vector.broadcast %broadcast_in_dim3A_138 : vector<1x128xf32> to vector<1000x128xf32>
      %select_n3A_140 = arith.select %broadcast_in_dim3A_137, %broadcast_in_dim3A_139, %select_n3A_129 : vector<1000x128xi1>, vector<1000x128xf32>
      %eq3A_141 = arith.constant 10 : i32
      %eq3A_142 = vector.broadcast %eq3A_141 : i32 to vector<1000x1xi32>
      %eq3A_143 = arith.cmpi eq, %get3A_32, %eq3A_142 : vector<1000x1xi32>
      %slice3A_144 = vector.extract_strided_slice %div3A_10 {offsets = [10, 0], sizes = [1, 128], strides = [1, 1]} : vector<16x128xf32> to vector<1x128xf32>
      %squeeze3A_145 = vector.shape_cast %slice3A_144 : vector<1x128xf32> to vector<128xf32>
      %broadcast_in_dim3A_146 = vector.shape_cast %squeeze3A_145 : vector<128xf32> to vector<1x128xf32>
      %broadcast_in_dim3A_147 = vector.shape_cast %eq3A_143 : vector<1000x1xi1> to vector<1000x1xi1>
      %broadcast_in_dim3A_148 = vector.broadcast %broadcast_in_dim3A_147 : vector<1000x1xi1> to vector<1000x128xi1>
      %broadcast_in_dim3A_149 = vector.shape_cast %broadcast_in_dim3A_146 : vector<1x128xf32> to vector<1x128xf32>
      %broadcast_in_dim3A_150 = vector.broadcast %broadcast_in_dim3A_149 : vector<1x128xf32> to vector<1000x128xf32>
      %select_n3A_151 = arith.select %broadcast_in_dim3A_148, %broadcast_in_dim3A_150, %select_n3A_140 : vector<1000x128xi1>, vector<1000x128xf32>
      %eq3A_152 = arith.constant 11 : i32
      %eq3A_153 = vector.broadcast %eq3A_152 : i32 to vector<1000x1xi32>
      %eq3A_154 = arith.cmpi eq, %get3A_32, %eq3A_153 : vector<1000x1xi32>
      %slice3A_155 = vector.extract_strided_slice %div3A_10 {offsets = [11, 0], sizes = [1, 128], strides = [1, 1]} : vector<16x128xf32> to vector<1x128xf32>
      %squeeze3A_156 = vector.shape_cast %slice3A_155 : vector<1x128xf32> to vector<128xf32>
      %broadcast_in_dim3A_157 = vector.shape_cast %squeeze3A_156 : vector<128xf32> to vector<1x128xf32>
      %broadcast_in_dim3A_158 = vector.shape_cast %eq3A_154 : vector<1000x1xi1> to vector<1000x1xi1>
      %broadcast_in_dim3A_159 = vector.broadcast %broadcast_in_dim3A_158 : vector<1000x1xi1> to vector<1000x128xi1>
      %broadcast_in_dim3A_160 = vector.shape_cast %broadcast_in_dim3A_157 : vector<1x128xf32> to vector<1x128xf32>
      %broadcast_in_dim3A_161 = vector.broadcast %broadcast_in_dim3A_160 : vector<1x128xf32> to vector<1000x128xf32>
      %select_n3A_162 = arith.select %broadcast_in_dim3A_159, %broadcast_in_dim3A_161, %select_n3A_151 : vector<1000x128xi1>, vector<1000x128xf32>
      %eq3A_163 = arith.constant 12 : i32
      %eq3A_164 = vector.broadcast %eq3A_163 : i32 to vector<1000x1xi32>
      %eq3A_165 = arith.cmpi eq, %get3A_32, %eq3A_164 : vector<1000x1xi32>
      %slice3A_166 = vector.extract_strided_slice %div3A_10 {offsets = [12, 0], sizes = [1, 128], strides = [1, 1]} : vector<16x128xf32> to vector<1x128xf32>
      %squeeze3A_167 = vector.shape_cast %slice3A_166 : vector<1x128xf32> to vector<128xf32>
      %broadcast_in_dim3A_168 = vector.shape_cast %squeeze3A_167 : vector<128xf32> to vector<1x128xf32>
      %broadcast_in_dim3A_169 = vector.shape_cast %eq3A_165 : vector<1000x1xi1> to vector<1000x1xi1>
      %broadcast_in_dim3A_170 = vector.broadcast %broadcast_in_dim3A_169 : vector<1000x1xi1> to vector<1000x128xi1>
      %broadcast_in_dim3A_171 = vector.shape_cast %broadcast_in_dim3A_168 : vector<1x128xf32> to vector<1x128xf32>
      %broadcast_in_dim3A_172 = vector.broadcast %broadcast_in_dim3A_171 : vector<1x128xf32> to vector<1000x128xf32>
      %select_n3A_173 = arith.select %broadcast_in_dim3A_170, %broadcast_in_dim3A_172, %select_n3A_162 : vector<1000x128xi1>, vector<1000x128xf32>
      %eq3A_174 = arith.constant 13 : i32
      %eq3A_175 = vector.broadcast %eq3A_174 : i32 to vector<1000x1xi32>
      %eq3A_176 = arith.cmpi eq, %get3A_32, %eq3A_175 : vector<1000x1xi32>
      %slice3A_177 = vector.extract_strided_slice %div3A_10 {offsets = [13, 0], sizes = [1, 128], strides = [1, 1]} : vector<16x128xf32> to vector<1x128xf32>
      %squeeze3A_178 = vector.shape_cast %slice3A_177 : vector<1x128xf32> to vector<128xf32>
      %broadcast_in_dim3A_179 = vector.shape_cast %squeeze3A_178 : vector<128xf32> to vector<1x128xf32>
      %broadcast_in_dim3A_180 = vector.shape_cast %eq3A_176 : vector<1000x1xi1> to vector<1000x1xi1>
      %broadcast_in_dim3A_181 = vector.broadcast %broadcast_in_dim3A_180 : vector<1000x1xi1> to vector<1000x128xi1>
      %broadcast_in_dim3A_182 = vector.shape_cast %broadcast_in_dim3A_179 : vector<1x128xf32> to vector<1x128xf32>
      %broadcast_in_dim3A_183 = vector.broadcast %broadcast_in_dim3A_182 : vector<1x128xf32> to vector<1000x128xf32>
      %select_n3A_184 = arith.select %broadcast_in_dim3A_181, %broadcast_in_dim3A_183, %select_n3A_173 : vector<1000x128xi1>, vector<1000x128xf32>
      %eq3A_185 = arith.constant 14 : i32
      %eq3A_186 = vector.broadcast %eq3A_185 : i32 to vector<1000x1xi32>
      %eq3A_187 = arith.cmpi eq, %get3A_32, %eq3A_186 : vector<1000x1xi32>
      %slice3A_188 = vector.extract_strided_slice %div3A_10 {offsets = [14, 0], sizes = [1, 128], strides = [1, 1]} : vector<16x128xf32> to vector<1x128xf32>
      %squeeze3A_189 = vector.shape_cast %slice3A_188 : vector<1x128xf32> to vector<128xf32>
      %broadcast_in_dim3A_190 = vector.shape_cast %squeeze3A_189 : vector<128xf32> to vector<1x128xf32>
      %broadcast_in_dim3A_191 = vector.shape_cast %eq3A_187 : vector<1000x1xi1> to vector<1000x1xi1>
      %broadcast_in_dim3A_192 = vector.broadcast %broadcast_in_dim3A_191 : vector<1000x1xi1> to vector<1000x128xi1>
      %broadcast_in_dim3A_193 = vector.shape_cast %broadcast_in_dim3A_190 : vector<1x128xf32> to vector<1x128xf32>
      %broadcast_in_dim3A_194 = vector.broadcast %broadcast_in_dim3A_193 : vector<1x128xf32> to vector<1000x128xf32>
      %select_n3A_195 = arith.select %broadcast_in_dim3A_192, %broadcast_in_dim3A_194, %select_n3A_184 : vector<1000x128xi1>, vector<1000x128xf32>
      %eq3A_196 = arith.constant 15 : i32
      %eq3A_197 = vector.broadcast %eq3A_196 : i32 to vector<1000x1xi32>
      %eq3A_198 = arith.cmpi eq, %get3A_32, %eq3A_197 : vector<1000x1xi32>
      %slice3A_199 = vector.extract_strided_slice %div3A_10 {offsets = [15, 0], sizes = [1, 128], strides = [1, 1]} : vector<16x128xf32> to vector<1x128xf32>
      %squeeze3A_200 = vector.shape_cast %slice3A_199 : vector<1x128xf32> to vector<128xf32>
      %broadcast_in_dim3A_201 = vector.shape_cast %squeeze3A_200 : vector<128xf32> to vector<1x128xf32>
      %broadcast_in_dim3A_202 = vector.shape_cast %eq3A_198 : vector<1000x1xi1> to vector<1000x1xi1>
      %broadcast_in_dim3A_203 = vector.broadcast %broadcast_in_dim3A_202 : vector<1000x1xi1> to vector<1000x128xi1>
      %broadcast_in_dim3A_204 = vector.shape_cast %broadcast_in_dim3A_201 : vector<1x128xf32> to vector<1x128xf32>
      %broadcast_in_dim3A_205 = vector.broadcast %broadcast_in_dim3A_204 : vector<1x128xf32> to vector<1000x128xf32>
      %select_n3A_206 = arith.select %broadcast_in_dim3A_203, %broadcast_in_dim3A_205, %select_n3A_195 : vector<1000x128xi1>, vector<1000x128xf32>
      %get3A_207 = arith.index_cast %mul3A_30 : i32 to index
      %get3A_208 = arith.constant 0 : index
      %get3A_209 = vector.load %arg11[%get3A_207, %get3A_208] : memref<10000x128xf32, #tpu.memory_space<vmem>>, vector<1000x128xf32>
      %get3A_210 = arith.constant 0 : index
      %get3A_211 = vector.load %arg7[%get3A_210] : memref<128xf32, #tpu.memory_space<vmem>>, vector<128xf32>
      %broadcast_in_dim3A_212 = vector.shape_cast %get3A_211 : vector<128xf32> to vector<1x128xf32>
      %mul3A_213 = vector.broadcast %broadcast_in_dim3A_212 : vector<1x128xf32> to vector<1000x128xf32>
      %mul3A_214 = arith.mulf %select_n3A_206, %mul3A_213 : vector<1000x128xf32>
      %sub3A = arith.subf %get3A_209, %mul3A_214 : vector<1000x128xf32>
      %swap3A = arith.index_cast %mul3A_30 : i32 to index
      %swap3A_215 = arith.constant 0 : index
      %swap3A_216 = vector.load %arg11[%swap3A, %swap3A_215] : memref<10000x128xf32, #tpu.memory_space<vmem>>, vector<1000x128xf32>
      tpu.vector_store %arg11[%swap3A, %swap3A_215], %sub3A {strides = array<i32>} : memref<10000x128xf32, #tpu.memory_space<vmem>>, vector<1000x128xf32>,
      %eq3A_217 = arith.constant 0 : i32
      %eq3A_218 = vector.broadcast %eq3A_217 : i32 to vector<16x1xi32>
      %eq3A_219 = arith.cmpi eq, %iota3A, %eq3A_218 : vector<16x1xi32>
      %convert_element_type3A = arith.extui %eq3A_219 : vector<16x1xi1> to vector<16x1xi32>
      %convert_element_type3A_220 = arith.sitofp %convert_element_type3A : vector<16x1xi32> to vector<16x1xf32>
      %eq3A_221 = arith.constant 0 : i32
      %eq3A_222 = vector.broadcast %eq3A_221 : i32 to vector<1000x1xi32>
      %eq3A_223 = arith.cmpi eq, %get3A_32, %eq3A_222 : vector<1000x1xi32>
      %mul3A_224 = arith.mulf %sub3A, %sub3A : vector<1000x128xf32>
      %jit3A = arith.constant 0.000000e+00 : f32
      %broadcast_in_dim3A_225 = vector.shape_cast %eq3A_223 : vector<1000x1xi1> to vector<1000x1xi1>
      %broadcast_in_dim3A_226 = vector.broadcast %broadcast_in_dim3A_225 : vector<1000x1xi1> to vector<1000x128xi1>
      %broadcast_in_dim3A_227 = vector.broadcast %jit3A : f32 to vector<1000x128xf32>
      %select_n3A_228 = arith.select %broadcast_in_dim3A_226, %mul3A_224, %broadcast_in_dim3A_227 : vector<1000x128xi1>, vector<1000x128xf32>
      %reduce_sum3A = arith.constant dense<0.000000e+00> : vector<128xf32>
      %reduce_sum3A_229 = vector.multi_reduction <add>, %select_n3A_228, %reduce_sum3A [0] : vector<1000x128xf32> to vector<128xf32>
      %broadcast_in_dim3A_230 = vector.shape_cast %reduce_sum3A_229 : vector<128xf32> to vector<1x128xf32>
      %mul3A_231 = vector.broadcast %convert_element_type3A_220 : vector<16x1xf32> to vector<16x128xf32>
      %mul3A_232 = vector.broadcast %broadcast_in_dim3A_230 : vector<1x128xf32> to vector<16x128xf32>
      %mul3A_233 = arith.mulf %mul3A_231, %mul3A_232 : vector<16x128xf32>
      %add3A_234 = arith.addf %scan3A_29, %mul3A_233 : vector<16x128xf32>
      %eq3A_235 = arith.constant 1 : i32
      %eq3A_236 = vector.broadcast %eq3A_235 : i32 to vector<16x1xi32>
      %eq3A_237 = arith.cmpi eq, %iota3A, %eq3A_236 : vector<16x1xi32>
      %convert_element_type3A_238 = arith.extui %eq3A_237 : vector<16x1xi1> to vector<16x1xi32>
      %convert_element_type3A_239 = arith.sitofp %convert_element_type3A_238 : vector<16x1xi32> to vector<16x1xf32>
      %eq3A_240 = arith.constant 1 : i32
      %eq3A_241 = vector.broadcast %eq3A_240 : i32 to vector<1000x1xi32>
      %eq3A_242 = arith.cmpi eq, %get3A_32, %eq3A_241 : vector<1000x1xi32>
      %mul3A_243 = arith.mulf %sub3A, %sub3A : vector<1000x128xf32>
      %jit3A_244 = arith.constant 0.000000e+00 : f32
      %broadcast_in_dim3A_245 = vector.shape_cast %eq3A_242 : vector<1000x1xi1> to vector<1000x1xi1>
      %broadcast_in_dim3A_246 = vector.broadcast %broadcast_in_dim3A_245 : vector<1000x1xi1> to vector<1000x128xi1>
      %broadcast_in_dim3A_247 = vector.broadcast %jit3A_244 : f32 to vector<1000x128xf32>
      %select_n3A_248 = arith.select %broadcast_in_dim3A_246, %mul3A_243, %broadcast_in_dim3A_247 : vector<1000x128xi1>, vector<1000x128xf32>
      %reduce_sum3A_249 = arith.constant dense<0.000000e+00> : vector<128xf32>
      %reduce_sum3A_250 = vector.multi_reduction <add>, %select_n3A_248, %reduce_sum3A_249 [0] : vector<1000x128xf32> to vector<128xf32>
      %broadcast_in_dim3A_251 = vector.shape_cast %reduce_sum3A_250 : vector<128xf32> to vector<1x128xf32>
      %mul3A_252 = vector.broadcast %convert_element_type3A_239 : vector<16x1xf32> to vector<16x128xf32>
      %mul3A_253 = vector.broadcast %broadcast_in_dim3A_251 : vector<1x128xf32> to vector<16x128xf32>
      %mul3A_254 = arith.mulf %mul3A_252, %mul3A_253 : vector<16x128xf32>
      %add3A_255 = arith.addf %add3A_234, %mul3A_254 : vector<16x128xf32>
      %eq3A_256 = arith.constant 2 : i32
      %eq3A_257 = vector.broadcast %eq3A_256 : i32 to vector<16x1xi32>
      %eq3A_258 = arith.cmpi eq, %iota3A, %eq3A_257 : vector<16x1xi32>
      %convert_element_type3A_259 = arith.extui %eq3A_258 : vector<16x1xi1> to vector<16x1xi32>
      %convert_element_type3A_260 = arith.sitofp %convert_element_type3A_259 : vector<16x1xi32> to vector<16x1xf32>
      %eq3A_261 = arith.constant 2 : i32
      %eq3A_262 = vector.broadcast %eq3A_261 : i32 to vector<1000x1xi32>
      %eq3A_263 = arith.cmpi eq, %get3A_32, %eq3A_262 : vector<1000x1xi32>
      %mul3A_264 = arith.mulf %sub3A, %sub3A : vector<1000x128xf32>
      %jit3A_265 = arith.constant 0.000000e+00 : f32
      %broadcast_in_dim3A_266 = vector.shape_cast %eq3A_263 : vector<1000x1xi1> to vector<1000x1xi1>
      %broadcast_in_dim3A_267 = vector.broadcast %broadcast_in_dim3A_266 : vector<1000x1xi1> to vector<1000x128xi1>
      %broadcast_in_dim3A_268 = vector.broadcast %jit3A_265 : f32 to vector<1000x128xf32>
      %select_n3A_269 = arith.select %broadcast_in_dim3A_267, %mul3A_264, %broadcast_in_dim3A_268 : vector<1000x128xi1>, vector<1000x128xf32>
      %reduce_sum3A_270 = arith.constant dense<0.000000e+00> : vector<128xf32>
      %reduce_sum3A_271 = vector.multi_reduction <add>, %select_n3A_269, %reduce_sum3A_270 [0] : vector<1000x128xf32> to vector<128xf32>
      %broadcast_in_dim3A_272 = vector.shape_cast %reduce_sum3A_271 : vector<128xf32> to vector<1x128xf32>
      %mul3A_273 = vector.broadcast %convert_element_type3A_260 : vector<16x1xf32> to vector<16x128xf32>
      %mul3A_274 = vector.broadcast %broadcast_in_dim3A_272 : vector<1x128xf32> to vector<16x128xf32>
      %mul3A_275 = arith.mulf %mul3A_273, %mul3A_274 : vector<16x128xf32>
      %add3A_276 = arith.addf %add3A_255, %mul3A_275 : vector<16x128xf32>
      %eq3A_277 = arith.constant 3 : i32
      %eq3A_278 = vector.broadcast %eq3A_277 : i32 to vector<16x1xi32>
      %eq3A_279 = arith.cmpi eq, %iota3A, %eq3A_278 : vector<16x1xi32>
      %convert_element_type3A_280 = arith.extui %eq3A_279 : vector<16x1xi1> to vector<16x1xi32>
      %convert_element_type3A_281 = arith.sitofp %convert_element_type3A_280 : vector<16x1xi32> to vector<16x1xf32>
      %eq3A_282 = arith.constant 3 : i32
      %eq3A_283 = vector.broadcast %eq3A_282 : i32 to vector<1000x1xi32>
      %eq3A_284 = arith.cmpi eq, %get3A_32, %eq3A_283 : vector<1000x1xi32>
      %mul3A_285 = arith.mulf %sub3A, %sub3A : vector<1000x128xf32>
      %jit3A_286 = arith.constant 0.000000e+00 : f32
      %broadcast_in_dim3A_287 = vector.shape_cast %eq3A_284 : vector<1000x1xi1> to vector<1000x1xi1>
      %broadcast_in_dim3A_288 = vector.broadcast %broadcast_in_dim3A_287 : vector<1000x1xi1> to vector<1000x128xi1>
      %broadcast_in_dim3A_289 = vector.broadcast %jit3A_286 : f32 to vector<1000x128xf32>
      %select_n3A_290 = arith.select %broadcast_in_dim3A_288, %mul3A_285, %broadcast_in_dim3A_289 : vector<1000x128xi1>, vector<1000x128xf32>
      %reduce_sum3A_291 = arith.constant dense<0.000000e+00> : vector<128xf32>
      %reduce_sum3A_292 = vector.multi_reduction <add>, %select_n3A_290, %reduce_sum3A_291 [0] : vector<1000x128xf32> to vector<128xf32>
      %broadcast_in_dim3A_293 = vector.shape_cast %reduce_sum3A_292 : vector<128xf32> to vector<1x128xf32>
      %mul3A_294 = vector.broadcast %convert_element_type3A_281 : vector<16x1xf32> to vector<16x128xf32>
      %mul3A_295 = vector.broadcast %broadcast_in_dim3A_293 : vector<1x128xf32> to vector<16x128xf32>
      %mul3A_296 = arith.mulf %mul3A_294, %mul3A_295 : vector<16x128xf32>
      %add3A_297 = arith.addf %add3A_276, %mul3A_296 : vector<16x128xf32>
      %eq3A_298 = arith.constant 4 : i32
      %eq3A_299 = vector.broadcast %eq3A_298 : i32 to vector<16x1xi32>
      %eq3A_300 = arith.cmpi eq, %iota3A, %eq3A_299 : vector<16x1xi32>
      %convert_element_type3A_301 = arith.extui %eq3A_300 : vector<16x1xi1> to vector<16x1xi32>
      %convert_element_type3A_302 = arith.sitofp %convert_element_type3A_301 : vector<16x1xi32> to vector<16x1xf32>
      %eq3A_303 = arith.constant 4 : i32
      %eq3A_304 = vector.broadcast %eq3A_303 : i32 to vector<1000x1xi32>
      %eq3A_305 = arith.cmpi eq, %get3A_32, %eq3A_304 : vector<1000x1xi32>
      %mul3A_306 = arith.mulf %sub3A, %sub3A : vector<1000x128xf32>
      %jit3A_307 = arith.constant 0.000000e+00 : f32
      %broadcast_in_dim3A_308 = vector.shape_cast %eq3A_305 : vector<1000x1xi1> to vector<1000x1xi1>
      %broadcast_in_dim3A_309 = vector.broadcast %broadcast_in_dim3A_308 : vector<1000x1xi1> to vector<1000x128xi1>
      %broadcast_in_dim3A_310 = vector.broadcast %jit3A_307 : f32 to vector<1000x128xf32>
      %select_n3A_311 = arith.select %broadcast_in_dim3A_309, %mul3A_306, %broadcast_in_dim3A_310 : vector<1000x128xi1>, vector<1000x128xf32>
      %reduce_sum3A_312 = arith.constant dense<0.000000e+00> : vector<128xf32>
      %reduce_sum3A_313 = vector.multi_reduction <add>, %select_n3A_311, %reduce_sum3A_312 [0] : vector<1000x128xf32> to vector<128xf32>
      %broadcast_in_dim3A_314 = vector.shape_cast %reduce_sum3A_313 : vector<128xf32> to vector<1x128xf32>
      %mul3A_315 = vector.broadcast %convert_element_type3A_302 : vector<16x1xf32> to vector<16x128xf32>
      %mul3A_316 = vector.broadcast %broadcast_in_dim3A_314 : vector<1x128xf32> to vector<16x128xf32>
      %mul3A_317 = arith.mulf %mul3A_315, %mul3A_316 : vector<16x128xf32>
      %add3A_318 = arith.addf %add3A_297, %mul3A_317 : vector<16x128xf32>
      %eq3A_319 = arith.constant 5 : i32
      %eq3A_320 = vector.broadcast %eq3A_319 : i32 to vector<16x1xi32>
      %eq3A_321 = arith.cmpi eq, %iota3A, %eq3A_320 : vector<16x1xi32>
      %convert_element_type3A_322 = arith.extui %eq3A_321 : vector<16x1xi1> to vector<16x1xi32>
      %convert_element_type3A_323 = arith.sitofp %convert_element_type3A_322 : vector<16x1xi32> to vector<16x1xf32>
      %eq3A_324 = arith.constant 5 : i32
      %eq3A_325 = vector.broadcast %eq3A_324 : i32 to vector<1000x1xi32>
      %eq3A_326 = arith.cmpi eq, %get3A_32, %eq3A_325 : vector<1000x1xi32>
      %mul3A_327 = arith.mulf %sub3A, %sub3A : vector<1000x128xf32>
      %jit3A_328 = arith.constant 0.000000e+00 : f32
      %broadcast_in_dim3A_329 = vector.shape_cast %eq3A_326 : vector<1000x1xi1> to vector<1000x1xi1>
      %broadcast_in_dim3A_330 = vector.broadcast %broadcast_in_dim3A_329 : vector<1000x1xi1> to vector<1000x128xi1>
      %broadcast_in_dim3A_331 = vector.broadcast %jit3A_328 : f32 to vector<1000x128xf32>
      %select_n3A_332 = arith.select %broadcast_in_dim3A_330, %mul3A_327, %broadcast_in_dim3A_331 : vector<1000x128xi1>, vector<1000x128xf32>
      %reduce_sum3A_333 = arith.constant dense<0.000000e+00> : vector<128xf32>
      %reduce_sum3A_334 = vector.multi_reduction <add>, %select_n3A_332, %reduce_sum3A_333 [0] : vector<1000x128xf32> to vector<128xf32>
      %broadcast_in_dim3A_335 = vector.shape_cast %reduce_sum3A_334 : vector<128xf32> to vector<1x128xf32>
      %mul3A_336 = vector.broadcast %convert_element_type3A_323 : vector<16x1xf32> to vector<16x128xf32>
      %mul3A_337 = vector.broadcast %broadcast_in_dim3A_335 : vector<1x128xf32> to vector<16x128xf32>
      %mul3A_338 = arith.mulf %mul3A_336, %mul3A_337 : vector<16x128xf32>
      %add3A_339 = arith.addf %add3A_318, %mul3A_338 : vector<16x128xf32>
      %eq3A_340 = arith.constant 6 : i32
      %eq3A_341 = vector.broadcast %eq3A_340 : i32 to vector<16x1xi32>
      %eq3A_342 = arith.cmpi eq, %iota3A, %eq3A_341 : vector<16x1xi32>
      %convert_element_type3A_343 = arith.extui %eq3A_342 : vector<16x1xi1> to vector<16x1xi32>
      %convert_element_type3A_344 = arith.sitofp %convert_element_type3A_343 : vector<16x1xi32> to vector<16x1xf32>
      %eq3A_345 = arith.constant 6 : i32
      %eq3A_346 = vector.broadcast %eq3A_345 : i32 to vector<1000x1xi32>
      %eq3A_347 = arith.cmpi eq, %get3A_32, %eq3A_346 : vector<1000x1xi32>
      %mul3A_348 = arith.mulf %sub3A, %sub3A : vector<1000x128xf32>
      %jit3A_349 = arith.constant 0.000000e+00 : f32
      %broadcast_in_dim3A_350 = vector.shape_cast %eq3A_347 : vector<1000x1xi1> to vector<1000x1xi1>
      %broadcast_in_dim3A_351 = vector.broadcast %broadcast_in_dim3A_350 : vector<1000x1xi1> to vector<1000x128xi1>
      %broadcast_in_dim3A_352 = vector.broadcast %jit3A_349 : f32 to vector<1000x128xf32>
      %select_n3A_353 = arith.select %broadcast_in_dim3A_351, %mul3A_348, %broadcast_in_dim3A_352 : vector<1000x128xi1>, vector<1000x128xf32>
      %reduce_sum3A_354 = arith.constant dense<0.000000e+00> : vector<128xf32>
      %reduce_sum3A_355 = vector.multi_reduction <add>, %select_n3A_353, %reduce_sum3A_354 [0] : vector<1000x128xf32> to vector<128xf32>
      %broadcast_in_dim3A_356 = vector.shape_cast %reduce_sum3A_355 : vector<128xf32> to vector<1x128xf32>
      %mul3A_357 = vector.broadcast %convert_element_type3A_344 : vector<16x1xf32> to vector<16x128xf32>
      %mul3A_358 = vector.broadcast %broadcast_in_dim3A_356 : vector<1x128xf32> to vector<16x128xf32>
      %mul3A_359 = arith.mulf %mul3A_357, %mul3A_358 : vector<16x128xf32>
      %add3A_360 = arith.addf %add3A_339, %mul3A_359 : vector<16x128xf32>
      %eq3A_361 = arith.constant 7 : i32
      %eq3A_362 = vector.broadcast %eq3A_361 : i32 to vector<16x1xi32>
      %eq3A_363 = arith.cmpi eq, %iota3A, %eq3A_362 : vector<16x1xi32>
      %convert_element_type3A_364 = arith.extui %eq3A_363 : vector<16x1xi1> to vector<16x1xi32>
      %convert_element_type3A_365 = arith.sitofp %convert_element_type3A_364 : vector<16x1xi32> to vector<16x1xf32>
      %eq3A_366 = arith.constant 7 : i32
      %eq3A_367 = vector.broadcast %eq3A_366 : i32 to vector<1000x1xi32>
      %eq3A_368 = arith.cmpi eq, %get3A_32, %eq3A_367 : vector<1000x1xi32>
      %mul3A_369 = arith.mulf %sub3A, %sub3A : vector<1000x128xf32>
      %jit3A_370 = arith.constant 0.000000e+00 : f32
      %broadcast_in_dim3A_371 = vector.shape_cast %eq3A_368 : vector<1000x1xi1> to vector<1000x1xi1>
      %broadcast_in_dim3A_372 = vector.broadcast %broadcast_in_dim3A_371 : vector<1000x1xi1> to vector<1000x128xi1>
      %broadcast_in_dim3A_373 = vector.broadcast %jit3A_370 : f32 to vector<1000x128xf32>
      %select_n3A_374 = arith.select %broadcast_in_dim3A_372, %mul3A_369, %broadcast_in_dim3A_373 : vector<1000x128xi1>, vector<1000x128xf32>
      %reduce_sum3A_375 = arith.constant dense<0.000000e+00> : vector<128xf32>
      %reduce_sum3A_376 = vector.multi_reduction <add>, %select_n3A_374, %reduce_sum3A_375 [0] : vector<1000x128xf32> to vector<128xf32>
      %broadcast_in_dim3A_377 = vector.shape_cast %reduce_sum3A_376 : vector<128xf32> to vector<1x128xf32>
      %mul3A_378 = vector.broadcast %convert_element_type3A_365 : vector<16x1xf32> to vector<16x128xf32>
      %mul3A_379 = vector.broadcast %broadcast_in_dim3A_377 : vector<1x128xf32> to vector<16x128xf32>
      %mul3A_380 = arith.mulf %mul3A_378, %mul3A_379 : vector<16x128xf32>
      %add3A_381 = arith.addf %add3A_360, %mul3A_380 : vector<16x128xf32>
      %eq3A_382 = arith.constant 8 : i32
      %eq3A_383 = vector.broadcast %eq3A_382 : i32 to vector<16x1xi32>
      %eq3A_384 = arith.cmpi eq, %iota3A, %eq3A_383 : vector<16x1xi32>
      %convert_element_type3A_385 = arith.extui %eq3A_384 : vector<16x1xi1> to vector<16x1xi32>
      %convert_element_type3A_386 = arith.sitofp %convert_element_type3A_385 : vector<16x1xi32> to vector<16x1xf32>
      %eq3A_387 = arith.constant 8 : i32
      %eq3A_388 = vector.broadcast %eq3A_387 : i32 to vector<1000x1xi32>
      %eq3A_389 = arith.cmpi eq, %get3A_32, %eq3A_388 : vector<1000x1xi32>
      %mul3A_390 = arith.mulf %sub3A, %sub3A : vector<1000x128xf32>
      %jit3A_391 = arith.constant 0.000000e+00 : f32
      %broadcast_in_dim3A_392 = vector.shape_cast %eq3A_389 : vector<1000x1xi1> to vector<1000x1xi1>
      %broadcast_in_dim3A_393 = vector.broadcast %broadcast_in_dim3A_392 : vector<1000x1xi1> to vector<1000x128xi1>
      %broadcast_in_dim3A_394 = vector.broadcast %jit3A_391 : f32 to vector<1000x128xf32>
      %select_n3A_395 = arith.select %broadcast_in_dim3A_393, %mul3A_390, %broadcast_in_dim3A_394 : vector<1000x128xi1>, vector<1000x128xf32>
      %reduce_sum3A_396 = arith.constant dense<0.000000e+00> : vector<128xf32>
      %reduce_sum3A_397 = vector.multi_reduction <add>, %select_n3A_395, %reduce_sum3A_396 [0] : vector<1000x128xf32> to vector<128xf32>
      %broadcast_in_dim3A_398 = vector.shape_cast %reduce_sum3A_397 : vector<128xf32> to vector<1x128xf32>
      %mul3A_399 = vector.broadcast %convert_element_type3A_386 : vector<16x1xf32> to vector<16x128xf32>
      %mul3A_400 = vector.broadcast %broadcast_in_dim3A_398 : vector<1x128xf32> to vector<16x128xf32>
      %mul3A_401 = arith.mulf %mul3A_399, %mul3A_400 : vector<16x128xf32>
      %add3A_402 = arith.addf %add3A_381, %mul3A_401 : vector<16x128xf32>
      %eq3A_403 = arith.constant 9 : i32
      %eq3A_404 = vector.broadcast %eq3A_403 : i32 to vector<16x1xi32>
      %eq3A_405 = arith.cmpi eq, %iota3A, %eq3A_404 : vector<16x1xi32>
      %convert_element_type3A_406 = arith.extui %eq3A_405 : vector<16x1xi1> to vector<16x1xi32>
      %convert_element_type3A_407 = arith.sitofp %convert_element_type3A_406 : vector<16x1xi32> to vector<16x1xf32>
      %eq3A_408 = arith.constant 9 : i32
      %eq3A_409 = vector.broadcast %eq3A_408 : i32 to vector<1000x1xi32>
      %eq3A_410 = arith.cmpi eq, %get3A_32, %eq3A_409 : vector<1000x1xi32>
      %mul3A_411 = arith.mulf %sub3A, %sub3A : vector<1000x128xf32>
      %jit3A_412 = arith.constant 0.000000e+00 : f32
      %broadcast_in_dim3A_413 = vector.shape_cast %eq3A_410 : vector<1000x1xi1> to vector<1000x1xi1>
      %broadcast_in_dim3A_414 = vector.broadcast %broadcast_in_dim3A_413 : vector<1000x1xi1> to vector<1000x128xi1>
      %broadcast_in_dim3A_415 = vector.broadcast %jit3A_412 : f32 to vector<1000x128xf32>
      %select_n3A_416 = arith.select %broadcast_in_dim3A_414, %mul3A_411, %broadcast_in_dim3A_415 : vector<1000x128xi1>, vector<1000x128xf32>
      %reduce_sum3A_417 = arith.constant dense<0.000000e+00> : vector<128xf32>
      %reduce_sum3A_418 = vector.multi_reduction <add>, %select_n3A_416, %reduce_sum3A_417 [0] : vector<1000x128xf32> to vector<128xf32>
      %broadcast_in_dim3A_419 = vector.shape_cast %reduce_sum3A_418 : vector<128xf32> to vector<1x128xf32>
      %mul3A_420 = vector.broadcast %convert_element_type3A_407 : vector<16x1xf32> to vector<16x128xf32>
      %mul3A_421 = vector.broadcast %broadcast_in_dim3A_419 : vector<1x128xf32> to vector<16x128xf32>
      %mul3A_422 = arith.mulf %mul3A_420, %mul3A_421 : vector<16x128xf32>
      %add3A_423 = arith.addf %add3A_402, %mul3A_422 : vector<16x128xf32>
      %eq3A_424 = arith.constant 10 : i32
      %eq3A_425 = vector.broadcast %eq3A_424 : i32 to vector<16x1xi32>
      %eq3A_426 = arith.cmpi eq, %iota3A, %eq3A_425 : vector<16x1xi32>
      %convert_element_type3A_427 = arith.extui %eq3A_426 : vector<16x1xi1> to vector<16x1xi32>
      %convert_element_type3A_428 = arith.sitofp %convert_element_type3A_427 : vector<16x1xi32> to vector<16x1xf32>
      %eq3A_429 = arith.constant 10 : i32
      %eq3A_430 = vector.broadcast %eq3A_429 : i32 to vector<1000x1xi32>
      %eq3A_431 = arith.cmpi eq, %get3A_32, %eq3A_430 : vector<1000x1xi32>
      %mul3A_432 = arith.mulf %sub3A, %sub3A : vector<1000x128xf32>
      %jit3A_433 = arith.constant 0.000000e+00 : f32
      %broadcast_in_dim3A_434 = vector.shape_cast %eq3A_431 : vector<1000x1xi1> to vector<1000x1xi1>
      %broadcast_in_dim3A_435 = vector.broadcast %broadcast_in_dim3A_434 : vector<1000x1xi1> to vector<1000x128xi1>
      %broadcast_in_dim3A_436 = vector.broadcast %jit3A_433 : f32 to vector<1000x128xf32>
      %select_n3A_437 = arith.select %broadcast_in_dim3A_435, %mul3A_432, %broadcast_in_dim3A_436 : vector<1000x128xi1>, vector<1000x128xf32>
      %reduce_sum3A_438 = arith.constant dense<0.000000e+00> : vector<128xf32>
      %reduce_sum3A_439 = vector.multi_reduction <add>, %select_n3A_437, %reduce_sum3A_438 [0] : vector<1000x128xf32> to vector<128xf32>
      %broadcast_in_dim3A_440 = vector.shape_cast %reduce_sum3A_439 : vector<128xf32> to vector<1x128xf32>
      %mul3A_441 = vector.broadcast %convert_element_type3A_428 : vector<16x1xf32> to vector<16x128xf32>
      %mul3A_442 = vector.broadcast %broadcast_in_dim3A_440 : vector<1x128xf32> to vector<16x128xf32>
      %mul3A_443 = arith.mulf %mul3A_441, %mul3A_442 : vector<16x128xf32>
      %add3A_444 = arith.addf %add3A_423, %mul3A_443 : vector<16x128xf32>
      %eq3A_445 = arith.constant 11 : i32
      %eq3A_446 = vector.broadcast %eq3A_445 : i32 to vector<16x1xi32>
      %eq3A_447 = arith.cmpi eq, %iota3A, %eq3A_446 : vector<16x1xi32>
      %convert_element_type3A_448 = arith.extui %eq3A_447 : vector<16x1xi1> to vector<16x1xi32>
      %convert_element_type3A_449 = arith.sitofp %convert_element_type3A_448 : vector<16x1xi32> to vector<16x1xf32>
      %eq3A_450 = arith.constant 11 : i32
      %eq3A_451 = vector.broadcast %eq3A_450 : i32 to vector<1000x1xi32>
      %eq3A_452 = arith.cmpi eq, %get3A_32, %eq3A_451 : vector<1000x1xi32>
      %mul3A_453 = arith.mulf %sub3A, %sub3A : vector<1000x128xf32>
      %jit3A_454 = arith.constant 0.000000e+00 : f32
      %broadcast_in_dim3A_455 = vector.shape_cast %eq3A_452 : vector<1000x1xi1> to vector<1000x1xi1>
      %broadcast_in_dim3A_456 = vector.broadcast %broadcast_in_dim3A_455 : vector<1000x1xi1> to vector<1000x128xi1>
      %broadcast_in_dim3A_457 = vector.broadcast %jit3A_454 : f32 to vector<1000x128xf32>
      %select_n3A_458 = arith.select %broadcast_in_dim3A_456, %mul3A_453, %broadcast_in_dim3A_457 : vector<1000x128xi1>, vector<1000x128xf32>
      %reduce_sum3A_459 = arith.constant dense<0.000000e+00> : vector<128xf32>
      %reduce_sum3A_460 = vector.multi_reduction <add>, %select_n3A_458, %reduce_sum3A_459 [0] : vector<1000x128xf32> to vector<128xf32>
      %broadcast_in_dim3A_461 = vector.shape_cast %reduce_sum3A_460 : vector<128xf32> to vector<1x128xf32>
      %mul3A_462 = vector.broadcast %convert_element_type3A_449 : vector<16x1xf32> to vector<16x128xf32>
      %mul3A_463 = vector.broadcast %broadcast_in_dim3A_461 : vector<1x128xf32> to vector<16x128xf32>
      %mul3A_464 = arith.mulf %mul3A_462, %mul3A_463 : vector<16x128xf32>
      %add3A_465 = arith.addf %add3A_444, %mul3A_464 : vector<16x128xf32>
      %eq3A_466 = arith.constant 12 : i32
      %eq3A_467 = vector.broadcast %eq3A_466 : i32 to vector<16x1xi32>
      %eq3A_468 = arith.cmpi eq, %iota3A, %eq3A_467 : vector<16x1xi32>
      %convert_element_type3A_469 = arith.extui %eq3A_468 : vector<16x1xi1> to vector<16x1xi32>
      %convert_element_type3A_470 = arith.sitofp %convert_element_type3A_469 : vector<16x1xi32> to vector<16x1xf32>
      %eq3A_471 = arith.constant 12 : i32
      %eq3A_472 = vector.broadcast %eq3A_471 : i32 to vector<1000x1xi32>
      %eq3A_473 = arith.cmpi eq, %get3A_32, %eq3A_472 : vector<1000x1xi32>
      %mul3A_474 = arith.mulf %sub3A, %sub3A : vector<1000x128xf32>
      %jit3A_475 = arith.constant 0.000000e+00 : f32
      %broadcast_in_dim3A_476 = vector.shape_cast %eq3A_473 : vector<1000x1xi1> to vector<1000x1xi1>
      %broadcast_in_dim3A_477 = vector.broadcast %broadcast_in_dim3A_476 : vector<1000x1xi1> to vector<1000x128xi1>
      %broadcast_in_dim3A_478 = vector.broadcast %jit3A_475 : f32 to vector<1000x128xf32>
      %select_n3A_479 = arith.select %broadcast_in_dim3A_477, %mul3A_474, %broadcast_in_dim3A_478 : vector<1000x128xi1>, vector<1000x128xf32>
      %reduce_sum3A_480 = arith.constant dense<0.000000e+00> : vector<128xf32>
      %reduce_sum3A_481 = vector.multi_reduction <add>, %select_n3A_479, %reduce_sum3A_480 [0] : vector<1000x128xf32> to vector<128xf32>
      %broadcast_in_dim3A_482 = vector.shape_cast %reduce_sum3A_481 : vector<128xf32> to vector<1x128xf32>
      %mul3A_483 = vector.broadcast %convert_element_type3A_470 : vector<16x1xf32> to vector<16x128xf32>
      %mul3A_484 = vector.broadcast %broadcast_in_dim3A_482 : vector<1x128xf32> to vector<16x128xf32>
      %mul3A_485 = arith.mulf %mul3A_483, %mul3A_484 : vector<16x128xf32>
      %add3A_486 = arith.addf %add3A_465, %mul3A_485 : vector<16x128xf32>
      %eq3A_487 = arith.constant 13 : i32
      %eq3A_488 = vector.broadcast %eq3A_487 : i32 to vector<16x1xi32>
      %eq3A_489 = arith.cmpi eq, %iota3A, %eq3A_488 : vector<16x1xi32>
      %convert_element_type3A_490 = arith.extui %eq3A_489 : vector<16x1xi1> to vector<16x1xi32>
      %convert_element_type3A_491 = arith.sitofp %convert_element_type3A_490 : vector<16x1xi32> to vector<16x1xf32>
      %eq3A_492 = arith.constant 13 : i32
      %eq3A_493 = vector.broadcast %eq3A_492 : i32 to vector<1000x1xi32>
      %eq3A_494 = arith.cmpi eq, %get3A_32, %eq3A_493 : vector<1000x1xi32>
      %mul3A_495 = arith.mulf %sub3A, %sub3A : vector<1000x128xf32>
      %jit3A_496 = arith.constant 0.000000e+00 : f32
      %broadcast_in_dim3A_497 = vector.shape_cast %eq3A_494 : vector<1000x1xi1> to vector<1000x1xi1>
      %broadcast_in_dim3A_498 = vector.broadcast %broadcast_in_dim3A_497 : vector<1000x1xi1> to vector<1000x128xi1>
      %broadcast_in_dim3A_499 = vector.broadcast %jit3A_496 : f32 to vector<1000x128xf32>
      %select_n3A_500 = arith.select %broadcast_in_dim3A_498, %mul3A_495, %broadcast_in_dim3A_499 : vector<1000x128xi1>, vector<1000x128xf32>
      %reduce_sum3A_501 = arith.constant dense<0.000000e+00> : vector<128xf32>
      %reduce_sum3A_502 = vector.multi_reduction <add>, %select_n3A_500, %reduce_sum3A_501 [0] : vector<1000x128xf32> to vector<128xf32>
      %broadcast_in_dim3A_503 = vector.shape_cast %reduce_sum3A_502 : vector<128xf32> to vector<1x128xf32>
      %mul3A_504 = vector.broadcast %convert_element_type3A_491 : vector<16x1xf32> to vector<16x128xf32>
      %mul3A_505 = vector.broadcast %broadcast_in_dim3A_503 : vector<1x128xf32> to vector<16x128xf32>
      %mul3A_506 = arith.mulf %mul3A_504, %mul3A_505 : vector<16x128xf32>
      %add3A_507 = arith.addf %add3A_486, %mul3A_506 : vector<16x128xf32>
      %eq3A_508 = arith.constant 14 : i32
      %eq3A_509 = vector.broadcast %eq3A_508 : i32 to vector<16x1xi32>
      %eq3A_510 = arith.cmpi eq, %iota3A, %eq3A_509 : vector<16x1xi32>
      %convert_element_type3A_511 = arith.extui %eq3A_510 : vector<16x1xi1> to vector<16x1xi32>
      %convert_element_type3A_512 = arith.sitofp %convert_element_type3A_511 : vector<16x1xi32> to vector<16x1xf32>
      %eq3A_513 = arith.constant 14 : i32
      %eq3A_514 = vector.broadcast %eq3A_513 : i32 to vector<1000x1xi32>
      %eq3A_515 = arith.cmpi eq, %get3A_32, %eq3A_514 : vector<1000x1xi32>
      %mul3A_516 = arith.mulf %sub3A, %sub3A : vector<1000x128xf32>
      %jit3A_517 = arith.constant 0.000000e+00 : f32
      %broadcast_in_dim3A_518 = vector.shape_cast %eq3A_515 : vector<1000x1xi1> to vector<1000x1xi1>
      %broadcast_in_dim3A_519 = vector.broadcast %broadcast_in_dim3A_518 : vector<1000x1xi1> to vector<1000x128xi1>
      %broadcast_in_dim3A_520 = vector.broadcast %jit3A_517 : f32 to vector<1000x128xf32>
      %select_n3A_521 = arith.select %broadcast_in_dim3A_519, %mul3A_516, %broadcast_in_dim3A_520 : vector<1000x128xi1>, vector<1000x128xf32>
      %reduce_sum3A_522 = arith.constant dense<0.000000e+00> : vector<128xf32>
      %reduce_sum3A_523 = vector.multi_reduction <add>, %select_n3A_521, %reduce_sum3A_522 [0] : vector<1000x128xf32> to vector<128xf32>
      %broadcast_in_dim3A_524 = vector.shape_cast %reduce_sum3A_523 : vector<128xf32> to vector<1x128xf32>
      %mul3A_525 = vector.broadcast %convert_element_type3A_512 : vector<16x1xf32> to vector<16x128xf32>
      %mul3A_526 = vector.broadcast %broadcast_in_dim3A_524 : vector<1x128xf32> to vector<16x128xf32>
      %mul3A_527 = arith.mulf %mul3A_525, %mul3A_526 : vector<16x128xf32>
      %add3A_528 = arith.addf %add3A_507, %mul3A_527 : vector<16x128xf32>
      %eq3A_529 = arith.constant 15 : i32
      %eq3A_530 = vector.broadcast %eq3A_529 : i32 to vector<16x1xi32>
      %eq3A_531 = arith.cmpi eq, %iota3A, %eq3A_530 : vector<16x1xi32>
      %convert_element_type3A_532 = arith.extui %eq3A_531 : vector<16x1xi1> to vector<16x1xi32>
      %convert_element_type3A_533 = arith.sitofp %convert_element_type3A_532 : vector<16x1xi32> to vector<16x1xf32>
      %eq3A_534 = arith.constant 15 : i32
      %eq3A_535 = vector.broadcast %eq3A_534 : i32 to vector<1000x1xi32>
      %eq3A_536 = arith.cmpi eq, %get3A_32, %eq3A_535 : vector<1000x1xi32>
      %mul3A_537 = arith.mulf %sub3A, %sub3A : vector<1000x128xf32>
      %jit3A_538 = arith.constant 0.000000e+00 : f32
      %broadcast_in_dim3A_539 = vector.shape_cast %eq3A_536 : vector<1000x1xi1> to vector<1000x1xi1>
      %broadcast_in_dim3A_540 = vector.broadcast %broadcast_in_dim3A_539 : vector<1000x1xi1> to vector<1000x128xi1>
      %broadcast_in_dim3A_541 = vector.broadcast %jit3A_538 : f32 to vector<1000x128xf32>
      %select_n3A_542 = arith.select %broadcast_in_dim3A_540, %mul3A_537, %broadcast_in_dim3A_541 : vector<1000x128xi1>, vector<1000x128xf32>
      %reduce_sum3A_543 = arith.constant dense<0.000000e+00> : vector<128xf32>
      %reduce_sum3A_544 = vector.multi_reduction <add>, %select_n3A_542, %reduce_sum3A_543 [0] : vector<1000x128xf32> to vector<128xf32>
      %broadcast_in_dim3A_545 = vector.shape_cast %reduce_sum3A_544 : vector<128xf32> to vector<1x128xf32>
      %mul3A_546 = vector.broadcast %convert_element_type3A_533 : vector<16x1xf32> to vector<16x128xf32>
      %mul3A_547 = vector.broadcast %broadcast_in_dim3A_545 : vector<1x128xf32> to vector<16x128xf32>
      %mul3A_548 = arith.mulf %mul3A_546, %mul3A_547 : vector<16x128xf32>
      %add3A_549 = arith.addf %add3A_528, %mul3A_548 : vector<16x128xf32>
      scf.yield %add3A_549 : vector<16x128xf32>
    }
    %scan3A_18 = arith.constant 10 : i32
    %div3A_19 = vector.broadcast %max3A_9 : vector<16x1xf32> to vector<16x128xf32>
    %div3A_20 = arith.divf %scan3A_17, %div3A_19 : vector<16x128xf32>
    %add3A = arith.constant 9.99999974E-6 : f32
    %add3A_21 = vector.broadcast %add3A : f32 to vector<16x128xf32>
    %add3A_22 = arith.addf %div3A_20, %add3A_21 : vector<16x128xf32>
    %rsqrt3A = math.rsqrt %add3A_22 : vector<16x128xf32>
    %scan3A_23 = arith.constant 0 : i32
    %scan3A_24 = arith.constant 10 : i32
    %scan3A_25 = arith.addi %scan3A_23, %scan3A_24 : i32
    %scan3A_26 = arith.constant 1 : i32
    scf.for %scan3A_28 = %scan3A_23 to %scan3A_25 step %scan3A_26  : i32 {
      %mul3A = arith.constant 1000 : i32
      %mul3A_29 = arith.muli %scan3A_28, %mul3A : i32
      %get3A = arith.index_cast %mul3A_29 : i32 to index
      %get3A_30 = arith.constant 0 : index
      %get3A_31 = vector.load %arg3[%get3A, %get3A_30] : memref<10000x1xi32, #tpu.memory_space<vmem>>, vector<1000x1xi32>
      %broadcast_in_dim3A_32 = arith.constant 0.000000e+00 : f32
      %broadcast_in_dim3A_33 = vector.broadcast %broadcast_in_dim3A_32 : f32 to vector<1000x128xf32>
      %eq3A = arith.constant 0 : i32
      %eq3A_34 = vector.broadcast %eq3A : i32 to vector<1000x1xi32>
      %eq3A_35 = arith.cmpi eq, %get3A_31, %eq3A_34 : vector<1000x1xi32>
      %slice3A = vector.extract_strided_slice %rsqrt3A {offsets = [0, 0], sizes = [1, 128], strides = [1, 1]} : vector<16x128xf32> to vector<1x128xf32>
      %squeeze3A = vector.shape_cast %slice3A : vector<1x128xf32> to vector<128xf32>
      %broadcast_in_dim3A_36 = vector.shape_cast %squeeze3A : vector<128xf32> to vector<1x128xf32>
      %broadcast_in_dim3A_37 = vector.shape_cast %eq3A_35 : vector<1000x1xi1> to vector<1000x1xi1>
      %broadcast_in_dim3A_38 = vector.broadcast %broadcast_in_dim3A_37 : vector<1000x1xi1> to vector<1000x128xi1>
      %broadcast_in_dim3A_39 = vector.shape_cast %broadcast_in_dim3A_36 : vector<1x128xf32> to vector<1x128xf32>
      %broadcast_in_dim3A_40 = vector.broadcast %broadcast_in_dim3A_39 : vector<1x128xf32> to vector<1000x128xf32>
      %select_n3A = arith.select %broadcast_in_dim3A_38, %broadcast_in_dim3A_40, %broadcast_in_dim3A_33 : vector<1000x128xi1>, vector<1000x128xf32>
      %eq3A_41 = arith.constant 1 : i32
      %eq3A_42 = vector.broadcast %eq3A_41 : i32 to vector<1000x1xi32>
      %eq3A_43 = arith.cmpi eq, %get3A_31, %eq3A_42 : vector<1000x1xi32>
      %slice3A_44 = vector.extract_strided_slice %rsqrt3A {offsets = [1, 0], sizes = [1, 128], strides = [1, 1]} : vector<16x128xf32> to vector<1x128xf32>
      %squeeze3A_45 = vector.shape_cast %slice3A_44 : vector<1x128xf32> to vector<128xf32>
      %broadcast_in_dim3A_46 = vector.shape_cast %squeeze3A_45 : vector<128xf32> to vector<1x128xf32>
      %broadcast_in_dim3A_47 = vector.shape_cast %eq3A_43 : vector<1000x1xi1> to vector<1000x1xi1>
      %broadcast_in_dim3A_48 = vector.broadcast %broadcast_in_dim3A_47 : vector<1000x1xi1> to vector<1000x128xi1>
      %broadcast_in_dim3A_49 = vector.shape_cast %broadcast_in_dim3A_46 : vector<1x128xf32> to vector<1x128xf32>
      %broadcast_in_dim3A_50 = vector.broadcast %broadcast_in_dim3A_49 : vector<1x128xf32> to vector<1000x128xf32>
      %select_n3A_51 = arith.select %broadcast_in_dim3A_48, %broadcast_in_dim3A_50, %select_n3A : vector<1000x128xi1>, vector<1000x128xf32>
      %eq3A_52 = arith.constant 2 : i32
      %eq3A_53 = vector.broadcast %eq3A_52 : i32 to vector<1000x1xi32>
      %eq3A_54 = arith.cmpi eq, %get3A_31, %eq3A_53 : vector<1000x1xi32>
      %slice3A_55 = vector.extract_strided_slice %rsqrt3A {offsets = [2, 0], sizes = [1, 128], strides = [1, 1]} : vector<16x128xf32> to vector<1x128xf32>
      %squeeze3A_56 = vector.shape_cast %slice3A_55 : vector<1x128xf32> to vector<128xf32>
      %broadcast_in_dim3A_57 = vector.shape_cast %squeeze3A_56 : vector<128xf32> to vector<1x128xf32>
      %broadcast_in_dim3A_58 = vector.shape_cast %eq3A_54 : vector<1000x1xi1> to vector<1000x1xi1>
      %broadcast_in_dim3A_59 = vector.broadcast %broadcast_in_dim3A_58 : vector<1000x1xi1> to vector<1000x128xi1>
      %broadcast_in_dim3A_60 = vector.shape_cast %broadcast_in_dim3A_57 : vector<1x128xf32> to vector<1x128xf32>
      %broadcast_in_dim3A_61 = vector.broadcast %broadcast_in_dim3A_60 : vector<1x128xf32> to vector<1000x128xf32>
      %select_n3A_62 = arith.select %broadcast_in_dim3A_59, %broadcast_in_dim3A_61, %select_n3A_51 : vector<1000x128xi1>, vector<1000x128xf32>
      %eq3A_63 = arith.constant 3 : i32
      %eq3A_64 = vector.broadcast %eq3A_63 : i32 to vector<1000x1xi32>
      %eq3A_65 = arith.cmpi eq, %get3A_31, %eq3A_64 : vector<1000x1xi32>
      %slice3A_66 = vector.extract_strided_slice %rsqrt3A {offsets = [3, 0], sizes = [1, 128], strides = [1, 1]} : vector<16x128xf32> to vector<1x128xf32>
      %squeeze3A_67 = vector.shape_cast %slice3A_66 : vector<1x128xf32> to vector<128xf32>
      %broadcast_in_dim3A_68 = vector.shape_cast %squeeze3A_67 : vector<128xf32> to vector<1x128xf32>
      %broadcast_in_dim3A_69 = vector.shape_cast %eq3A_65 : vector<1000x1xi1> to vector<1000x1xi1>
      %broadcast_in_dim3A_70 = vector.broadcast %broadcast_in_dim3A_69 : vector<1000x1xi1> to vector<1000x128xi1>
      %broadcast_in_dim3A_71 = vector.shape_cast %broadcast_in_dim3A_68 : vector<1x128xf32> to vector<1x128xf32>
      %broadcast_in_dim3A_72 = vector.broadcast %broadcast_in_dim3A_71 : vector<1x128xf32> to vector<1000x128xf32>
      %select_n3A_73 = arith.select %broadcast_in_dim3A_70, %broadcast_in_dim3A_72, %select_n3A_62 : vector<1000x128xi1>, vector<1000x128xf32>
      %eq3A_74 = arith.constant 4 : i32
      %eq3A_75 = vector.broadcast %eq3A_74 : i32 to vector<1000x1xi32>
      %eq3A_76 = arith.cmpi eq, %get3A_31, %eq3A_75 : vector<1000x1xi32>
      %slice3A_77 = vector.extract_strided_slice %rsqrt3A {offsets = [4, 0], sizes = [1, 128], strides = [1, 1]} : vector<16x128xf32> to vector<1x128xf32>
      %squeeze3A_78 = vector.shape_cast %slice3A_77 : vector<1x128xf32> to vector<128xf32>
      %broadcast_in_dim3A_79 = vector.shape_cast %squeeze3A_78 : vector<128xf32> to vector<1x128xf32>
      %broadcast_in_dim3A_80 = vector.shape_cast %eq3A_76 : vector<1000x1xi1> to vector<1000x1xi1>
      %broadcast_in_dim3A_81 = vector.broadcast %broadcast_in_dim3A_80 : vector<1000x1xi1> to vector<1000x128xi1>
      %broadcast_in_dim3A_82 = vector.shape_cast %broadcast_in_dim3A_79 : vector<1x128xf32> to vector<1x128xf32>
      %broadcast_in_dim3A_83 = vector.broadcast %broadcast_in_dim3A_82 : vector<1x128xf32> to vector<1000x128xf32>
      %select_n3A_84 = arith.select %broadcast_in_dim3A_81, %broadcast_in_dim3A_83, %select_n3A_73 : vector<1000x128xi1>, vector<1000x128xf32>
      %eq3A_85 = arith.constant 5 : i32
      %eq3A_86 = vector.broadcast %eq3A_85 : i32 to vector<1000x1xi32>
      %eq3A_87 = arith.cmpi eq, %get3A_31, %eq3A_86 : vector<1000x1xi32>
      %slice3A_88 = vector.extract_strided_slice %rsqrt3A {offsets = [5, 0], sizes = [1, 128], strides = [1, 1]} : vector<16x128xf32> to vector<1x128xf32>
      %squeeze3A_89 = vector.shape_cast %slice3A_88 : vector<1x128xf32> to vector<128xf32>
      %broadcast_in_dim3A_90 = vector.shape_cast %squeeze3A_89 : vector<128xf32> to vector<1x128xf32>
      %broadcast_in_dim3A_91 = vector.shape_cast %eq3A_87 : vector<1000x1xi1> to vector<1000x1xi1>
      %broadcast_in_dim3A_92 = vector.broadcast %broadcast_in_dim3A_91 : vector<1000x1xi1> to vector<1000x128xi1>
      %broadcast_in_dim3A_93 = vector.shape_cast %broadcast_in_dim3A_90 : vector<1x128xf32> to vector<1x128xf32>
      %broadcast_in_dim3A_94 = vector.broadcast %broadcast_in_dim3A_93 : vector<1x128xf32> to vector<1000x128xf32>
      %select_n3A_95 = arith.select %broadcast_in_dim3A_92, %broadcast_in_dim3A_94, %select_n3A_84 : vector<1000x128xi1>, vector<1000x128xf32>
      %eq3A_96 = arith.constant 6 : i32
      %eq3A_97 = vector.broadcast %eq3A_96 : i32 to vector<1000x1xi32>
      %eq3A_98 = arith.cmpi eq, %get3A_31, %eq3A_97 : vector<1000x1xi32>
      %slice3A_99 = vector.extract_strided_slice %rsqrt3A {offsets = [6, 0], sizes = [1, 128], strides = [1, 1]} : vector<16x128xf32> to vector<1x128xf32>
      %squeeze3A_100 = vector.shape_cast %slice3A_99 : vector<1x128xf32> to vector<128xf32>
      %broadcast_in_dim3A_101 = vector.shape_cast %squeeze3A_100 : vector<128xf32> to vector<1x128xf32>
      %broadcast_in_dim3A_102 = vector.shape_cast %eq3A_98 : vector<1000x1xi1> to vector<1000x1xi1>
      %broadcast_in_dim3A_103 = vector.broadcast %broadcast_in_dim3A_102 : vector<1000x1xi1> to vector<1000x128xi1>
      %broadcast_in_dim3A_104 = vector.shape_cast %broadcast_in_dim3A_101 : vector<1x128xf32> to vector<1x128xf32>
      %broadcast_in_dim3A_105 = vector.broadcast %broadcast_in_dim3A_104 : vector<1x128xf32> to vector<1000x128xf32>
      %select_n3A_106 = arith.select %broadcast_in_dim3A_103, %broadcast_in_dim3A_105, %select_n3A_95 : vector<1000x128xi1>, vector<1000x128xf32>
      %eq3A_107 = arith.constant 7 : i32
      %eq3A_108 = vector.broadcast %eq3A_107 : i32 to vector<1000x1xi32>
      %eq3A_109 = arith.cmpi eq, %get3A_31, %eq3A_108 : vector<1000x1xi32>
      %slice3A_110 = vector.extract_strided_slice %rsqrt3A {offsets = [7, 0], sizes = [1, 128], strides = [1, 1]} : vector<16x128xf32> to vector<1x128xf32>
      %squeeze3A_111 = vector.shape_cast %slice3A_110 : vector<1x128xf32> to vector<128xf32>
      %broadcast_in_dim3A_112 = vector.shape_cast %squeeze3A_111 : vector<128xf32> to vector<1x128xf32>
      %broadcast_in_dim3A_113 = vector.shape_cast %eq3A_109 : vector<1000x1xi1> to vector<1000x1xi1>
      %broadcast_in_dim3A_114 = vector.broadcast %broadcast_in_dim3A_113 : vector<1000x1xi1> to vector<1000x128xi1>
      %broadcast_in_dim3A_115 = vector.shape_cast %broadcast_in_dim3A_112 : vector<1x128xf32> to vector<1x128xf32>
      %broadcast_in_dim3A_116 = vector.broadcast %broadcast_in_dim3A_115 : vector<1x128xf32> to vector<1000x128xf32>
      %select_n3A_117 = arith.select %broadcast_in_dim3A_114, %broadcast_in_dim3A_116, %select_n3A_106 : vector<1000x128xi1>, vector<1000x128xf32>
      %eq3A_118 = arith.constant 8 : i32
      %eq3A_119 = vector.broadcast %eq3A_118 : i32 to vector<1000x1xi32>
      %eq3A_120 = arith.cmpi eq, %get3A_31, %eq3A_119 : vector<1000x1xi32>
      %slice3A_121 = vector.extract_strided_slice %rsqrt3A {offsets = [8, 0], sizes = [1, 128], strides = [1, 1]} : vector<16x128xf32> to vector<1x128xf32>
      %squeeze3A_122 = vector.shape_cast %slice3A_121 : vector<1x128xf32> to vector<128xf32>
      %broadcast_in_dim3A_123 = vector.shape_cast %squeeze3A_122 : vector<128xf32> to vector<1x128xf32>
      %broadcast_in_dim3A_124 = vector.shape_cast %eq3A_120 : vector<1000x1xi1> to vector<1000x1xi1>
      %broadcast_in_dim3A_125 = vector.broadcast %broadcast_in_dim3A_124 : vector<1000x1xi1> to vector<1000x128xi1>
      %broadcast_in_dim3A_126 = vector.shape_cast %broadcast_in_dim3A_123 : vector<1x128xf32> to vector<1x128xf32>
      %broadcast_in_dim3A_127 = vector.broadcast %broadcast_in_dim3A_126 : vector<1x128xf32> to vector<1000x128xf32>
      %select_n3A_128 = arith.select %broadcast_in_dim3A_125, %broadcast_in_dim3A_127, %select_n3A_117 : vector<1000x128xi1>, vector<1000x128xf32>
      %eq3A_129 = arith.constant 9 : i32
      %eq3A_130 = vector.broadcast %eq3A_129 : i32 to vector<1000x1xi32>
      %eq3A_131 = arith.cmpi eq, %get3A_31, %eq3A_130 : vector<1000x1xi32>
      %slice3A_132 = vector.extract_strided_slice %rsqrt3A {offsets = [9, 0], sizes = [1, 128], strides = [1, 1]} : vector<16x128xf32> to vector<1x128xf32>
      %squeeze3A_133 = vector.shape_cast %slice3A_132 : vector<1x128xf32> to vector<128xf32>
      %broadcast_in_dim3A_134 = vector.shape_cast %squeeze3A_133 : vector<128xf32> to vector<1x128xf32>
      %broadcast_in_dim3A_135 = vector.shape_cast %eq3A_131 : vector<1000x1xi1> to vector<1000x1xi1>
      %broadcast_in_dim3A_136 = vector.broadcast %broadcast_in_dim3A_135 : vector<1000x1xi1> to vector<1000x128xi1>
      %broadcast_in_dim3A_137 = vector.shape_cast %broadcast_in_dim3A_134 : vector<1x128xf32> to vector<1x128xf32>
      %broadcast_in_dim3A_138 = vector.broadcast %broadcast_in_dim3A_137 : vector<1x128xf32> to vector<1000x128xf32>
      %select_n3A_139 = arith.select %broadcast_in_dim3A_136, %broadcast_in_dim3A_138, %select_n3A_128 : vector<1000x128xi1>, vector<1000x128xf32>
      %eq3A_140 = arith.constant 10 : i32
      %eq3A_141 = vector.broadcast %eq3A_140 : i32 to vector<1000x1xi32>
      %eq3A_142 = arith.cmpi eq, %get3A_31, %eq3A_141 : vector<1000x1xi32>
      %slice3A_143 = vector.extract_strided_slice %rsqrt3A {offsets = [10, 0], sizes = [1, 128], strides = [1, 1]} : vector<16x128xf32> to vector<1x128xf32>
      %squeeze3A_144 = vector.shape_cast %slice3A_143 : vector<1x128xf32> to vector<128xf32>
      %broadcast_in_dim3A_145 = vector.shape_cast %squeeze3A_144 : vector<128xf32> to vector<1x128xf32>
      %broadcast_in_dim3A_146 = vector.shape_cast %eq3A_142 : vector<1000x1xi1> to vector<1000x1xi1>
      %broadcast_in_dim3A_147 = vector.broadcast %broadcast_in_dim3A_146 : vector<1000x1xi1> to vector<1000x128xi1>
      %broadcast_in_dim3A_148 = vector.shape_cast %broadcast_in_dim3A_145 : vector<1x128xf32> to vector<1x128xf32>
      %broadcast_in_dim3A_149 = vector.broadcast %broadcast_in_dim3A_148 : vector<1x128xf32> to vector<1000x128xf32>
      %select_n3A_150 = arith.select %broadcast_in_dim3A_147, %broadcast_in_dim3A_149, %select_n3A_139 : vector<1000x128xi1>, vector<1000x128xf32>
      %eq3A_151 = arith.constant 11 : i32
      %eq3A_152 = vector.broadcast %eq3A_151 : i32 to vector<1000x1xi32>
      %eq3A_153 = arith.cmpi eq, %get3A_31, %eq3A_152 : vector<1000x1xi32>
      %slice3A_154 = vector.extract_strided_slice %rsqrt3A {offsets = [11, 0], sizes = [1, 128], strides = [1, 1]} : vector<16x128xf32> to vector<1x128xf32>
      %squeeze3A_155 = vector.shape_cast %slice3A_154 : vector<1x128xf32> to vector<128xf32>
      %broadcast_in_dim3A_156 = vector.shape_cast %squeeze3A_155 : vector<128xf32> to vector<1x128xf32>
      %broadcast_in_dim3A_157 = vector.shape_cast %eq3A_153 : vector<1000x1xi1> to vector<1000x1xi1>
      %broadcast_in_dim3A_158 = vector.broadcast %broadcast_in_dim3A_157 : vector<1000x1xi1> to vector<1000x128xi1>
      %broadcast_in_dim3A_159 = vector.shape_cast %broadcast_in_dim3A_156 : vector<1x128xf32> to vector<1x128xf32>
      %broadcast_in_dim3A_160 = vector.broadcast %broadcast_in_dim3A_159 : vector<1x128xf32> to vector<1000x128xf32>
      %select_n3A_161 = arith.select %broadcast_in_dim3A_158, %broadcast_in_dim3A_160, %select_n3A_150 : vector<1000x128xi1>, vector<1000x128xf32>
      %eq3A_162 = arith.constant 12 : i32
      %eq3A_163 = vector.broadcast %eq3A_162 : i32 to vector<1000x1xi32>
      %eq3A_164 = arith.cmpi eq, %get3A_31, %eq3A_163 : vector<1000x1xi32>
      %slice3A_165 = vector.extract_strided_slice %rsqrt3A {offsets = [12, 0], sizes = [1, 128], strides = [1, 1]} : vector<16x128xf32> to vector<1x128xf32>
      %squeeze3A_166 = vector.shape_cast %slice3A_165 : vector<1x128xf32> to vector<128xf32>
      %broadcast_in_dim3A_167 = vector.shape_cast %squeeze3A_166 : vector<128xf32> to vector<1x128xf32>
      %broadcast_in_dim3A_168 = vector.shape_cast %eq3A_164 : vector<1000x1xi1> to vector<1000x1xi1>
      %broadcast_in_dim3A_169 = vector.broadcast %broadcast_in_dim3A_168 : vector<1000x1xi1> to vector<1000x128xi1>
      %broadcast_in_dim3A_170 = vector.shape_cast %broadcast_in_dim3A_167 : vector<1x128xf32> to vector<1x128xf32>
      %broadcast_in_dim3A_171 = vector.broadcast %broadcast_in_dim3A_170 : vector<1x128xf32> to vector<1000x128xf32>
      %select_n3A_172 = arith.select %broadcast_in_dim3A_169, %broadcast_in_dim3A_171, %select_n3A_161 : vector<1000x128xi1>, vector<1000x128xf32>
      %eq3A_173 = arith.constant 13 : i32
      %eq3A_174 = vector.broadcast %eq3A_173 : i32 to vector<1000x1xi32>
      %eq3A_175 = arith.cmpi eq, %get3A_31, %eq3A_174 : vector<1000x1xi32>
      %slice3A_176 = vector.extract_strided_slice %rsqrt3A {offsets = [13, 0], sizes = [1, 128], strides = [1, 1]} : vector<16x128xf32> to vector<1x128xf32>
      %squeeze3A_177 = vector.shape_cast %slice3A_176 : vector<1x128xf32> to vector<128xf32>
      %broadcast_in_dim3A_178 = vector.shape_cast %squeeze3A_177 : vector<128xf32> to vector<1x128xf32>
      %broadcast_in_dim3A_179 = vector.shape_cast %eq3A_175 : vector<1000x1xi1> to vector<1000x1xi1>
      %broadcast_in_dim3A_180 = vector.broadcast %broadcast_in_dim3A_179 : vector<1000x1xi1> to vector<1000x128xi1>
      %broadcast_in_dim3A_181 = vector.shape_cast %broadcast_in_dim3A_178 : vector<1x128xf32> to vector<1x128xf32>
      %broadcast_in_dim3A_182 = vector.broadcast %broadcast_in_dim3A_181 : vector<1x128xf32> to vector<1000x128xf32>
      %select_n3A_183 = arith.select %broadcast_in_dim3A_180, %broadcast_in_dim3A_182, %select_n3A_172 : vector<1000x128xi1>, vector<1000x128xf32>
      %eq3A_184 = arith.constant 14 : i32
      %eq3A_185 = vector.broadcast %eq3A_184 : i32 to vector<1000x1xi32>
      %eq3A_186 = arith.cmpi eq, %get3A_31, %eq3A_185 : vector<1000x1xi32>
      %slice3A_187 = vector.extract_strided_slice %rsqrt3A {offsets = [14, 0], sizes = [1, 128], strides = [1, 1]} : vector<16x128xf32> to vector<1x128xf32>
      %squeeze3A_188 = vector.shape_cast %slice3A_187 : vector<1x128xf32> to vector<128xf32>
      %broadcast_in_dim3A_189 = vector.shape_cast %squeeze3A_188 : vector<128xf32> to vector<1x128xf32>
      %broadcast_in_dim3A_190 = vector.shape_cast %eq3A_186 : vector<1000x1xi1> to vector<1000x1xi1>
      %broadcast_in_dim3A_191 = vector.broadcast %broadcast_in_dim3A_190 : vector<1000x1xi1> to vector<1000x128xi1>
      %broadcast_in_dim3A_192 = vector.shape_cast %broadcast_in_dim3A_189 : vector<1x128xf32> to vector<1x128xf32>
      %broadcast_in_dim3A_193 = vector.broadcast %broadcast_in_dim3A_192 : vector<1x128xf32> to vector<1000x128xf32>
      %select_n3A_194 = arith.select %broadcast_in_dim3A_191, %broadcast_in_dim3A_193, %select_n3A_183 : vector<1000x128xi1>, vector<1000x128xf32>
      %eq3A_195 = arith.constant 15 : i32
      %eq3A_196 = vector.broadcast %eq3A_195 : i32 to vector<1000x1xi32>
      %eq3A_197 = arith.cmpi eq, %get3A_31, %eq3A_196 : vector<1000x1xi32>
      %slice3A_198 = vector.extract_strided_slice %rsqrt3A {offsets = [15, 0], sizes = [1, 128], strides = [1, 1]} : vector<16x128xf32> to vector<1x128xf32>
      %squeeze3A_199 = vector.shape_cast %slice3A_198 : vector<1x128xf32> to vector<128xf32>
      %broadcast_in_dim3A_200 = vector.shape_cast %squeeze3A_199 : vector<128xf32> to vector<1x128xf32>
      %broadcast_in_dim3A_201 = vector.shape_cast %eq3A_197 : vector<1000x1xi1> to vector<1000x1xi1>
      %broadcast_in_dim3A_202 = vector.broadcast %broadcast_in_dim3A_201 : vector<1000x1xi1> to vector<1000x128xi1>
      %broadcast_in_dim3A_203 = vector.shape_cast %broadcast_in_dim3A_200 : vector<1x128xf32> to vector<1x128xf32>
      %broadcast_in_dim3A_204 = vector.broadcast %broadcast_in_dim3A_203 : vector<1x128xf32> to vector<1000x128xf32>
      %select_n3A_205 = arith.select %broadcast_in_dim3A_202, %broadcast_in_dim3A_204, %select_n3A_194 : vector<1000x128xi1>, vector<1000x128xf32>
      %get3A_206 = arith.index_cast %mul3A_29 : i32 to index
      %get3A_207 = arith.constant 0 : index
      %get3A_208 = vector.load %arg11[%get3A_206, %get3A_207] : memref<10000x128xf32, #tpu.memory_space<vmem>>, vector<1000x128xf32>
      %get3A_209 = arith.constant 0 : index
      %get3A_210 = vector.load %arg5[%get3A_209] : memref<128xf32, #tpu.memory_space<vmem>>, vector<128xf32>
      %broadcast_in_dim3A_211 = vector.shape_cast %get3A_210 : vector<128xf32> to vector<1x128xf32>
      %mul3A_212 = vector.broadcast %broadcast_in_dim3A_211 : vector<1x128xf32> to vector<1000x128xf32>
      %mul3A_213 = arith.mulf %mul3A_212, %get3A_208 : vector<1000x128xf32>
      %mul3A_214 = arith.mulf %mul3A_213, %select_n3A_205 : vector<1000x128xf32>
      %get3A_215 = arith.constant 0 : index
      %get3A_216 = vector.load %arg6[%get3A_215] : memref<128xf32, #tpu.memory_space<vmem>>, vector<128xf32>
      %broadcast_in_dim3A_217 = vector.shape_cast %get3A_216 : vector<128xf32> to vector<1x128xf32>
      %add3A_218 = vector.broadcast %broadcast_in_dim3A_217 : vector<1x128xf32> to vector<1000x128xf32>
      %add3A_219 = arith.addf %mul3A_214, %add3A_218 : vector<1000x128xf32>
      %ge3A = arith.constant 0.000000e+00 : f32
      %ge3A_220 = vector.broadcast %ge3A : f32 to vector<1000x128xf32>
      %ge3A_221 = arith.cmpf oge, %add3A_219, %ge3A_220 : vector<1000x128xf32>
      %mul3A_222 = arith.constant 0.00999999977 : f32
      %mul3A_223 = vector.broadcast %mul3A_222 : f32 to vector<1000x128xf32>
      %mul3A_224 = arith.mulf %mul3A_223, %add3A_219 : vector<1000x128xf32>
      %select_n3A_225 = arith.select %ge3A_221, %add3A_219, %mul3A_224 : vector<1000x128xi1>, vector<1000x128xf32>
      %swap3A = arith.index_cast %mul3A_29 : i32 to index
      %swap3A_226 = arith.constant 0 : index
      %swap3A_227 = vector.load %arg9[%swap3A, %swap3A_226] : memref<10000x128xf32, #tpu.memory_space<vmem>>, vector<1000x128xf32>
      tpu.vector_store %arg9[%swap3A, %swap3A_226], %select_n3A_225 {strides = array<i32>} : memref<10000x128xf32, #tpu.memory_space<vmem>>, vector<1000x128xf32>,
      %get3A_228 = arith.constant 0 : index
      %get3A_229 = arith.constant 0 : index
      %get3A_230 = vector.load %arg8[%get3A_228, %get3A_229] : memref<128x128xf32, #tpu.memory_space<vmem>>, vector<128x128xf32>
      %dot_general3A = arith.constant dense<0.000000e+00> : vector<1000x128xf32>
      %dot_general3A_231 = tpu.matmul %select_n3A_225, %get3A_230, %dot_general3A {dimension_numbers = #tpu.dot_dimension_numbers<[1], [0], [0], [1], [0, 0, 1, 1], [], []>, transpose_lhs_hint = false} : vector<1000x128xf32>, vector<128x128xf32>, vector<1000x128xf32> -> vector<1000x128xf32>
      %get3A_232 = arith.index_cast %mul3A_29 : i32 to index
      %get3A_233 = arith.constant 0 : index
      %get3A_234 = vector.load %arg2[%get3A_232, %get3A_233] : memref<10000x1xf32, #tpu.memory_space<vmem>>, vector<1000x1xf32>
      %mul3A_235 = vector.broadcast %get3A_234 : vector<1000x1xf32> to vector<1000x128xf32>
      %mul3A_236 = arith.mulf %dot_general3A_231, %mul3A_235 : vector<1000x128xf32>
      %swap3A_237 = arith.index_cast %mul3A_29 : i32 to index
      %swap3A_238 = arith.constant 0 : index
      %swap3A_239 = vector.load %arg10[%swap3A_237, %swap3A_238] : memref<10000x128xf32, #tpu.memory_space<vmem>>, vector<1000x128xf32>
      tpu.vector_store %arg10[%swap3A_237, %swap3A_238], %mul3A_236 {strides = array<i32>} : memref<10000x128xf32, #tpu.memory_space<vmem>>, vector<1000x128xf32>,
    }
    %scan3A_27 = arith.constant 10 : i32
    return
  }
}

module attributes {stable_mosaic.version = 14 : i64} {
  func.func @_tc_last_body(%arg0: memref<2x10240x128xf32, #tpu.memory_space<vmem>>, %arg1: memref<10000x128xf32, #tpu.memory_space<vmem>>, %arg2: memref<10000x1xf32, #tpu.memory_space<vmem>>, %arg3: memref<10000x1xi32, #tpu.memory_space<vmem>>, %arg4: memref<128xf32, #tpu.memory_space<vmem>>, %arg5: memref<128xf32, #tpu.memory_space<vmem>>, %arg6: memref<128xf32, #tpu.memory_space<vmem>>, %arg7: memref<128xf32, #tpu.memory_space<vmem>>, %arg8: memref<10000x128xf32, #tpu.memory_space<vmem>>, %arg9: memref<10000x128xf32, #tpu.memory_space<vmem>>) attributes {dimension_semantics = [], scalar_prefetch = 0 : i64, scratch_operands = 1 : i64, tpu.core_type = #tpu.core_type<tc>} {
    %iota3A = tpu.iota {dimensions = array<i32: 0>} : vector<16x1xi32>
    %broadcast_in_dim3A = arith.constant 0.000000e+00 : f32
    %broadcast_in_dim3A_0 = vector.broadcast %broadcast_in_dim3A : f32 to vector<16x128xf32>
    %broadcast_in_dim3A_1 = arith.constant 0.000000e+00 : f32
    %broadcast_in_dim3A_2 = vector.broadcast %broadcast_in_dim3A_1 : f32 to vector<16x1xf32>
    %scan3A = arith.constant 0 : i32
    %scan3A_3 = arith.constant 10 : i32
    %scan3A_4 = arith.addi %scan3A, %scan3A_3 : i32
    %scan3A_5 = arith.constant 1 : i32
    %scan3A_6:2 = scf.for %scan3A_28 = %scan3A to %scan3A_4 step %scan3A_5 iter_args(%scan3A_29 = %broadcast_in_dim3A_0, %scan3A_30 = %broadcast_in_dim3A_2) -> (vector<16x128xf32>, vector<16x1xf32>)  : i32 {
      %mul3A = arith.constant 1000 : i32
      %mul3A_31 = arith.muli %scan3A_28, %mul3A : i32
      %get3A = arith.index_cast %mul3A_31 : i32 to index
      %get3A_32 = arith.constant 0 : index
      %get3A_33 = vector.load %arg2[%get3A, %get3A_32] : memref<10000x1xf32, #tpu.memory_space<vmem>>, vector<1000x1xf32>
      %get3A_34 = arith.constant 0 : index
      %get3A_35 = arith.index_cast %mul3A_31 : i32 to index
      %get3A_36 = arith.constant 0 : index
      %get3A_37 = vector.load %arg0[%get3A_34, %get3A_35, %get3A_36] : memref<2x10240x128xf32, #tpu.memory_space<vmem>>, vector<1x1000x128xf32>
      %get3A_38 = vector.shape_cast %get3A_37 : vector<1x1000x128xf32> to vector<1000x128xf32>
      %get3A_39 = arith.constant 1 : index
      %get3A_40 = arith.index_cast %mul3A_31 : i32 to index
      %get3A_41 = arith.constant 0 : index
      %get3A_42 = vector.load %arg0[%get3A_39, %get3A_40, %get3A_41] : memref<2x10240x128xf32, #tpu.memory_space<vmem>>, vector<1x1000x128xf32>
      %get3A_43 = vector.shape_cast %get3A_42 : vector<1x1000x128xf32> to vector<1000x128xf32>
      %add3A_44 = arith.addf %get3A_38, %get3A_43 : vector<1000x128xf32>
      %get3A_45 = arith.index_cast %mul3A_31 : i32 to index
      %get3A_46 = arith.constant 0 : index
      %get3A_47 = vector.load %arg1[%get3A_45, %get3A_46] : memref<10000x128xf32, #tpu.memory_space<vmem>>, vector<1000x128xf32>
      %add3A_48 = arith.addf %add3A_44, %get3A_47 : vector<1000x128xf32>
      %mul3A_49 = vector.broadcast %get3A_33 : vector<1000x1xf32> to vector<1000x128xf32>
      %mul3A_50 = arith.mulf %mul3A_49, %add3A_48 : vector<1000x128xf32>
      %get3A_51 = arith.constant 0 : index
      %get3A_52 = vector.load %arg4[%get3A_51] : memref<128xf32, #tpu.memory_space<vmem>>, vector<128xf32>
      %broadcast_in_dim3A_53 = vector.shape_cast %get3A_52 : vector<128xf32> to vector<1x128xf32>
      %add3A_54 = vector.broadcast %broadcast_in_dim3A_53 : vector<1x128xf32> to vector<1000x128xf32>
      %add3A_55 = arith.addf %mul3A_50, %add3A_54 : vector<1000x128xf32>
      %swap3A = arith.index_cast %mul3A_31 : i32 to index
      %swap3A_56 = arith.constant 0 : index
      %swap3A_57 = vector.load %arg9[%swap3A, %swap3A_56] : memref<10000x128xf32, #tpu.memory_space<vmem>>, vector<1000x128xf32>
      tpu.vector_store %arg9[%swap3A, %swap3A_56], %add3A_55 {strides = array<i32>} : memref<10000x128xf32, #tpu.memory_space<vmem>>, vector<1000x128xf32>,
      %get3A_58 = arith.index_cast %mul3A_31 : i32 to index
      %get3A_59 = arith.constant 0 : index
      %get3A_60 = vector.load %arg3[%get3A_58, %get3A_59] : memref<10000x1xi32, #tpu.memory_space<vmem>>, vector<1000x1xi32>
      %eq3A = arith.constant 0 : i32
      %eq3A_61 = vector.broadcast %eq3A : i32 to vector<1000x1xi32>
      %eq3A_62 = arith.cmpi eq, %get3A_60, %eq3A_61 : vector<1000x1xi32>
      %eq3A_63 = arith.constant 0 : i32
      %eq3A_64 = vector.broadcast %eq3A_63 : i32 to vector<16x1xi32>
      %eq3A_65 = arith.cmpi eq, %iota3A, %eq3A_64 : vector<16x1xi32>
      %convert_element_type3A = arith.extui %eq3A_65 : vector<16x1xi1> to vector<16x1xi32>
      %convert_element_type3A_66 = arith.sitofp %convert_element_type3A : vector<16x1xi32> to vector<16x1xf32>
      %jit3A = arith.constant 0.000000e+00 : f32
      %broadcast_in_dim3A_67 = vector.shape_cast %eq3A_62 : vector<1000x1xi1> to vector<1000x1xi1>
      %broadcast_in_dim3A_68 = vector.broadcast %broadcast_in_dim3A_67 : vector<1000x1xi1> to vector<1000x128xi1>
      %broadcast_in_dim3A_69 = vector.broadcast %jit3A : f32 to vector<1000x128xf32>
      %select_n3A = arith.select %broadcast_in_dim3A_68, %add3A_55, %broadcast_in_dim3A_69 : vector<1000x128xi1>, vector<1000x128xf32>
      %reduce_sum3A = arith.constant dense<0.000000e+00> : vector<128xf32>
      %reduce_sum3A_70 = vector.multi_reduction <add>, %select_n3A, %reduce_sum3A [0] : vector<1000x128xf32> to vector<128xf32>
      %broadcast_in_dim3A_71 = vector.shape_cast %reduce_sum3A_70 : vector<128xf32> to vector<1x128xf32>
      %mul3A_72 = vector.broadcast %convert_element_type3A_66 : vector<16x1xf32> to vector<16x128xf32>
      %mul3A_73 = vector.broadcast %broadcast_in_dim3A_71 : vector<1x128xf32> to vector<16x128xf32>
      %mul3A_74 = arith.mulf %mul3A_72, %mul3A_73 : vector<16x128xf32>
      %add3A_75 = arith.addf %scan3A_29, %mul3A_74 : vector<16x128xf32>
      %convert_element_type3A_76 = arith.extui %eq3A_62 : vector<1000x1xi1> to vector<1000x1xi32>
      %convert_element_type3A_77 = arith.sitofp %convert_element_type3A_76 : vector<1000x1xi32> to vector<1000x1xf32>
      %reduce_sum3A_78 = vector.shape_cast %convert_element_type3A_77 : vector<1000x1xf32> to vector<1x1000x1xf32>
      %reduce_sum3A_79 = arith.constant dense<0.000000e+00> : vector<1xf32>
      %reduce_sum3A_80 = vector.multi_reduction <add>, %reduce_sum3A_78, %reduce_sum3A_79 [1, 2] : vector<1x1000x1xf32> to vector<1xf32>
      %reduce_sum3A_81 = vector.shape_cast %reduce_sum3A_80 : vector<1xf32> to vector<1x1x1xf32>
      %reduce_sum3A_82 = vector.extract %reduce_sum3A_81[0, 0, 0] : f32 from vector<1x1x1xf32>
      %mul3A_83 = vector.broadcast %reduce_sum3A_82 : f32 to vector<16x1xf32>
      %mul3A_84 = arith.mulf %convert_element_type3A_66, %mul3A_83 : vector<16x1xf32>
      %add3A_85 = arith.addf %scan3A_30, %mul3A_84 : vector<16x1xf32>
      %eq3A_86 = arith.constant 1 : i32
      %eq3A_87 = vector.broadcast %eq3A_86 : i32 to vector<1000x1xi32>
      %eq3A_88 = arith.cmpi eq, %get3A_60, %eq3A_87 : vector<1000x1xi32>
      %eq3A_89 = arith.constant 1 : i32
      %eq3A_90 = vector.broadcast %eq3A_89 : i32 to vector<16x1xi32>
      %eq3A_91 = arith.cmpi eq, %iota3A, %eq3A_90 : vector<16x1xi32>
      %convert_element_type3A_92 = arith.extui %eq3A_91 : vector<16x1xi1> to vector<16x1xi32>
      %convert_element_type3A_93 = arith.sitofp %convert_element_type3A_92 : vector<16x1xi32> to vector<16x1xf32>
      %jit3A_94 = arith.constant 0.000000e+00 : f32
      %broadcast_in_dim3A_95 = vector.shape_cast %eq3A_88 : vector<1000x1xi1> to vector<1000x1xi1>
      %broadcast_in_dim3A_96 = vector.broadcast %broadcast_in_dim3A_95 : vector<1000x1xi1> to vector<1000x128xi1>
      %broadcast_in_dim3A_97 = vector.broadcast %jit3A_94 : f32 to vector<1000x128xf32>
      %select_n3A_98 = arith.select %broadcast_in_dim3A_96, %add3A_55, %broadcast_in_dim3A_97 : vector<1000x128xi1>, vector<1000x128xf32>
      %reduce_sum3A_99 = arith.constant dense<0.000000e+00> : vector<128xf32>
      %reduce_sum3A_100 = vector.multi_reduction <add>, %select_n3A_98, %reduce_sum3A_99 [0] : vector<1000x128xf32> to vector<128xf32>
      %broadcast_in_dim3A_101 = vector.shape_cast %reduce_sum3A_100 : vector<128xf32> to vector<1x128xf32>
      %mul3A_102 = vector.broadcast %convert_element_type3A_93 : vector<16x1xf32> to vector<16x128xf32>
      %mul3A_103 = vector.broadcast %broadcast_in_dim3A_101 : vector<1x128xf32> to vector<16x128xf32>
      %mul3A_104 = arith.mulf %mul3A_102, %mul3A_103 : vector<16x128xf32>
      %add3A_105 = arith.addf %add3A_75, %mul3A_104 : vector<16x128xf32>
      %convert_element_type3A_106 = arith.extui %eq3A_88 : vector<1000x1xi1> to vector<1000x1xi32>
      %convert_element_type3A_107 = arith.sitofp %convert_element_type3A_106 : vector<1000x1xi32> to vector<1000x1xf32>
      %reduce_sum3A_108 = vector.shape_cast %convert_element_type3A_107 : vector<1000x1xf32> to vector<1x1000x1xf32>
      %reduce_sum3A_109 = arith.constant dense<0.000000e+00> : vector<1xf32>
      %reduce_sum3A_110 = vector.multi_reduction <add>, %reduce_sum3A_108, %reduce_sum3A_109 [1, 2] : vector<1x1000x1xf32> to vector<1xf32>
      %reduce_sum3A_111 = vector.shape_cast %reduce_sum3A_110 : vector<1xf32> to vector<1x1x1xf32>
      %reduce_sum3A_112 = vector.extract %reduce_sum3A_111[0, 0, 0] : f32 from vector<1x1x1xf32>
      %mul3A_113 = vector.broadcast %reduce_sum3A_112 : f32 to vector<16x1xf32>
      %mul3A_114 = arith.mulf %convert_element_type3A_93, %mul3A_113 : vector<16x1xf32>
      %add3A_115 = arith.addf %add3A_85, %mul3A_114 : vector<16x1xf32>
      %eq3A_116 = arith.constant 2 : i32
      %eq3A_117 = vector.broadcast %eq3A_116 : i32 to vector<1000x1xi32>
      %eq3A_118 = arith.cmpi eq, %get3A_60, %eq3A_117 : vector<1000x1xi32>
      %eq3A_119 = arith.constant 2 : i32
      %eq3A_120 = vector.broadcast %eq3A_119 : i32 to vector<16x1xi32>
      %eq3A_121 = arith.cmpi eq, %iota3A, %eq3A_120 : vector<16x1xi32>
      %convert_element_type3A_122 = arith.extui %eq3A_121 : vector<16x1xi1> to vector<16x1xi32>
      %convert_element_type3A_123 = arith.sitofp %convert_element_type3A_122 : vector<16x1xi32> to vector<16x1xf32>
      %jit3A_124 = arith.constant 0.000000e+00 : f32
      %broadcast_in_dim3A_125 = vector.shape_cast %eq3A_118 : vector<1000x1xi1> to vector<1000x1xi1>
      %broadcast_in_dim3A_126 = vector.broadcast %broadcast_in_dim3A_125 : vector<1000x1xi1> to vector<1000x128xi1>
      %broadcast_in_dim3A_127 = vector.broadcast %jit3A_124 : f32 to vector<1000x128xf32>
      %select_n3A_128 = arith.select %broadcast_in_dim3A_126, %add3A_55, %broadcast_in_dim3A_127 : vector<1000x128xi1>, vector<1000x128xf32>
      %reduce_sum3A_129 = arith.constant dense<0.000000e+00> : vector<128xf32>
      %reduce_sum3A_130 = vector.multi_reduction <add>, %select_n3A_128, %reduce_sum3A_129 [0] : vector<1000x128xf32> to vector<128xf32>
      %broadcast_in_dim3A_131 = vector.shape_cast %reduce_sum3A_130 : vector<128xf32> to vector<1x128xf32>
      %mul3A_132 = vector.broadcast %convert_element_type3A_123 : vector<16x1xf32> to vector<16x128xf32>
      %mul3A_133 = vector.broadcast %broadcast_in_dim3A_131 : vector<1x128xf32> to vector<16x128xf32>
      %mul3A_134 = arith.mulf %mul3A_132, %mul3A_133 : vector<16x128xf32>
      %add3A_135 = arith.addf %add3A_105, %mul3A_134 : vector<16x128xf32>
      %convert_element_type3A_136 = arith.extui %eq3A_118 : vector<1000x1xi1> to vector<1000x1xi32>
      %convert_element_type3A_137 = arith.sitofp %convert_element_type3A_136 : vector<1000x1xi32> to vector<1000x1xf32>
      %reduce_sum3A_138 = vector.shape_cast %convert_element_type3A_137 : vector<1000x1xf32> to vector<1x1000x1xf32>
      %reduce_sum3A_139 = arith.constant dense<0.000000e+00> : vector<1xf32>
      %reduce_sum3A_140 = vector.multi_reduction <add>, %reduce_sum3A_138, %reduce_sum3A_139 [1, 2] : vector<1x1000x1xf32> to vector<1xf32>
      %reduce_sum3A_141 = vector.shape_cast %reduce_sum3A_140 : vector<1xf32> to vector<1x1x1xf32>
      %reduce_sum3A_142 = vector.extract %reduce_sum3A_141[0, 0, 0] : f32 from vector<1x1x1xf32>
      %mul3A_143 = vector.broadcast %reduce_sum3A_142 : f32 to vector<16x1xf32>
      %mul3A_144 = arith.mulf %convert_element_type3A_123, %mul3A_143 : vector<16x1xf32>
      %add3A_145 = arith.addf %add3A_115, %mul3A_144 : vector<16x1xf32>
      %eq3A_146 = arith.constant 3 : i32
      %eq3A_147 = vector.broadcast %eq3A_146 : i32 to vector<1000x1xi32>
      %eq3A_148 = arith.cmpi eq, %get3A_60, %eq3A_147 : vector<1000x1xi32>
      %eq3A_149 = arith.constant 3 : i32
      %eq3A_150 = vector.broadcast %eq3A_149 : i32 to vector<16x1xi32>
      %eq3A_151 = arith.cmpi eq, %iota3A, %eq3A_150 : vector<16x1xi32>
      %convert_element_type3A_152 = arith.extui %eq3A_151 : vector<16x1xi1> to vector<16x1xi32>
      %convert_element_type3A_153 = arith.sitofp %convert_element_type3A_152 : vector<16x1xi32> to vector<16x1xf32>
      %jit3A_154 = arith.constant 0.000000e+00 : f32
      %broadcast_in_dim3A_155 = vector.shape_cast %eq3A_148 : vector<1000x1xi1> to vector<1000x1xi1>
      %broadcast_in_dim3A_156 = vector.broadcast %broadcast_in_dim3A_155 : vector<1000x1xi1> to vector<1000x128xi1>
      %broadcast_in_dim3A_157 = vector.broadcast %jit3A_154 : f32 to vector<1000x128xf32>
      %select_n3A_158 = arith.select %broadcast_in_dim3A_156, %add3A_55, %broadcast_in_dim3A_157 : vector<1000x128xi1>, vector<1000x128xf32>
      %reduce_sum3A_159 = arith.constant dense<0.000000e+00> : vector<128xf32>
      %reduce_sum3A_160 = vector.multi_reduction <add>, %select_n3A_158, %reduce_sum3A_159 [0] : vector<1000x128xf32> to vector<128xf32>
      %broadcast_in_dim3A_161 = vector.shape_cast %reduce_sum3A_160 : vector<128xf32> to vector<1x128xf32>
      %mul3A_162 = vector.broadcast %convert_element_type3A_153 : vector<16x1xf32> to vector<16x128xf32>
      %mul3A_163 = vector.broadcast %broadcast_in_dim3A_161 : vector<1x128xf32> to vector<16x128xf32>
      %mul3A_164 = arith.mulf %mul3A_162, %mul3A_163 : vector<16x128xf32>
      %add3A_165 = arith.addf %add3A_135, %mul3A_164 : vector<16x128xf32>
      %convert_element_type3A_166 = arith.extui %eq3A_148 : vector<1000x1xi1> to vector<1000x1xi32>
      %convert_element_type3A_167 = arith.sitofp %convert_element_type3A_166 : vector<1000x1xi32> to vector<1000x1xf32>
      %reduce_sum3A_168 = vector.shape_cast %convert_element_type3A_167 : vector<1000x1xf32> to vector<1x1000x1xf32>
      %reduce_sum3A_169 = arith.constant dense<0.000000e+00> : vector<1xf32>
      %reduce_sum3A_170 = vector.multi_reduction <add>, %reduce_sum3A_168, %reduce_sum3A_169 [1, 2] : vector<1x1000x1xf32> to vector<1xf32>
      %reduce_sum3A_171 = vector.shape_cast %reduce_sum3A_170 : vector<1xf32> to vector<1x1x1xf32>
      %reduce_sum3A_172 = vector.extract %reduce_sum3A_171[0, 0, 0] : f32 from vector<1x1x1xf32>
      %mul3A_173 = vector.broadcast %reduce_sum3A_172 : f32 to vector<16x1xf32>
      %mul3A_174 = arith.mulf %convert_element_type3A_153, %mul3A_173 : vector<16x1xf32>
      %add3A_175 = arith.addf %add3A_145, %mul3A_174 : vector<16x1xf32>
      %eq3A_176 = arith.constant 4 : i32
      %eq3A_177 = vector.broadcast %eq3A_176 : i32 to vector<1000x1xi32>
      %eq3A_178 = arith.cmpi eq, %get3A_60, %eq3A_177 : vector<1000x1xi32>
      %eq3A_179 = arith.constant 4 : i32
      %eq3A_180 = vector.broadcast %eq3A_179 : i32 to vector<16x1xi32>
      %eq3A_181 = arith.cmpi eq, %iota3A, %eq3A_180 : vector<16x1xi32>
      %convert_element_type3A_182 = arith.extui %eq3A_181 : vector<16x1xi1> to vector<16x1xi32>
      %convert_element_type3A_183 = arith.sitofp %convert_element_type3A_182 : vector<16x1xi32> to vector<16x1xf32>
      %jit3A_184 = arith.constant 0.000000e+00 : f32
      %broadcast_in_dim3A_185 = vector.shape_cast %eq3A_178 : vector<1000x1xi1> to vector<1000x1xi1>
      %broadcast_in_dim3A_186 = vector.broadcast %broadcast_in_dim3A_185 : vector<1000x1xi1> to vector<1000x128xi1>
      %broadcast_in_dim3A_187 = vector.broadcast %jit3A_184 : f32 to vector<1000x128xf32>
      %select_n3A_188 = arith.select %broadcast_in_dim3A_186, %add3A_55, %broadcast_in_dim3A_187 : vector<1000x128xi1>, vector<1000x128xf32>
      %reduce_sum3A_189 = arith.constant dense<0.000000e+00> : vector<128xf32>
      %reduce_sum3A_190 = vector.multi_reduction <add>, %select_n3A_188, %reduce_sum3A_189 [0] : vector<1000x128xf32> to vector<128xf32>
      %broadcast_in_dim3A_191 = vector.shape_cast %reduce_sum3A_190 : vector<128xf32> to vector<1x128xf32>
      %mul3A_192 = vector.broadcast %convert_element_type3A_183 : vector<16x1xf32> to vector<16x128xf32>
      %mul3A_193 = vector.broadcast %broadcast_in_dim3A_191 : vector<1x128xf32> to vector<16x128xf32>
      %mul3A_194 = arith.mulf %mul3A_192, %mul3A_193 : vector<16x128xf32>
      %add3A_195 = arith.addf %add3A_165, %mul3A_194 : vector<16x128xf32>
      %convert_element_type3A_196 = arith.extui %eq3A_178 : vector<1000x1xi1> to vector<1000x1xi32>
      %convert_element_type3A_197 = arith.sitofp %convert_element_type3A_196 : vector<1000x1xi32> to vector<1000x1xf32>
      %reduce_sum3A_198 = vector.shape_cast %convert_element_type3A_197 : vector<1000x1xf32> to vector<1x1000x1xf32>
      %reduce_sum3A_199 = arith.constant dense<0.000000e+00> : vector<1xf32>
      %reduce_sum3A_200 = vector.multi_reduction <add>, %reduce_sum3A_198, %reduce_sum3A_199 [1, 2] : vector<1x1000x1xf32> to vector<1xf32>
      %reduce_sum3A_201 = vector.shape_cast %reduce_sum3A_200 : vector<1xf32> to vector<1x1x1xf32>
      %reduce_sum3A_202 = vector.extract %reduce_sum3A_201[0, 0, 0] : f32 from vector<1x1x1xf32>
      %mul3A_203 = vector.broadcast %reduce_sum3A_202 : f32 to vector<16x1xf32>
      %mul3A_204 = arith.mulf %convert_element_type3A_183, %mul3A_203 : vector<16x1xf32>
      %add3A_205 = arith.addf %add3A_175, %mul3A_204 : vector<16x1xf32>
      %eq3A_206 = arith.constant 5 : i32
      %eq3A_207 = vector.broadcast %eq3A_206 : i32 to vector<1000x1xi32>
      %eq3A_208 = arith.cmpi eq, %get3A_60, %eq3A_207 : vector<1000x1xi32>
      %eq3A_209 = arith.constant 5 : i32
      %eq3A_210 = vector.broadcast %eq3A_209 : i32 to vector<16x1xi32>
      %eq3A_211 = arith.cmpi eq, %iota3A, %eq3A_210 : vector<16x1xi32>
      %convert_element_type3A_212 = arith.extui %eq3A_211 : vector<16x1xi1> to vector<16x1xi32>
      %convert_element_type3A_213 = arith.sitofp %convert_element_type3A_212 : vector<16x1xi32> to vector<16x1xf32>
      %jit3A_214 = arith.constant 0.000000e+00 : f32
      %broadcast_in_dim3A_215 = vector.shape_cast %eq3A_208 : vector<1000x1xi1> to vector<1000x1xi1>
      %broadcast_in_dim3A_216 = vector.broadcast %broadcast_in_dim3A_215 : vector<1000x1xi1> to vector<1000x128xi1>
      %broadcast_in_dim3A_217 = vector.broadcast %jit3A_214 : f32 to vector<1000x128xf32>
      %select_n3A_218 = arith.select %broadcast_in_dim3A_216, %add3A_55, %broadcast_in_dim3A_217 : vector<1000x128xi1>, vector<1000x128xf32>
      %reduce_sum3A_219 = arith.constant dense<0.000000e+00> : vector<128xf32>
      %reduce_sum3A_220 = vector.multi_reduction <add>, %select_n3A_218, %reduce_sum3A_219 [0] : vector<1000x128xf32> to vector<128xf32>
      %broadcast_in_dim3A_221 = vector.shape_cast %reduce_sum3A_220 : vector<128xf32> to vector<1x128xf32>
      %mul3A_222 = vector.broadcast %convert_element_type3A_213 : vector<16x1xf32> to vector<16x128xf32>
      %mul3A_223 = vector.broadcast %broadcast_in_dim3A_221 : vector<1x128xf32> to vector<16x128xf32>
      %mul3A_224 = arith.mulf %mul3A_222, %mul3A_223 : vector<16x128xf32>
      %add3A_225 = arith.addf %add3A_195, %mul3A_224 : vector<16x128xf32>
      %convert_element_type3A_226 = arith.extui %eq3A_208 : vector<1000x1xi1> to vector<1000x1xi32>
      %convert_element_type3A_227 = arith.sitofp %convert_element_type3A_226 : vector<1000x1xi32> to vector<1000x1xf32>
      %reduce_sum3A_228 = vector.shape_cast %convert_element_type3A_227 : vector<1000x1xf32> to vector<1x1000x1xf32>
      %reduce_sum3A_229 = arith.constant dense<0.000000e+00> : vector<1xf32>
      %reduce_sum3A_230 = vector.multi_reduction <add>, %reduce_sum3A_228, %reduce_sum3A_229 [1, 2] : vector<1x1000x1xf32> to vector<1xf32>
      %reduce_sum3A_231 = vector.shape_cast %reduce_sum3A_230 : vector<1xf32> to vector<1x1x1xf32>
      %reduce_sum3A_232 = vector.extract %reduce_sum3A_231[0, 0, 0] : f32 from vector<1x1x1xf32>
      %mul3A_233 = vector.broadcast %reduce_sum3A_232 : f32 to vector<16x1xf32>
      %mul3A_234 = arith.mulf %convert_element_type3A_213, %mul3A_233 : vector<16x1xf32>
      %add3A_235 = arith.addf %add3A_205, %mul3A_234 : vector<16x1xf32>
      %eq3A_236 = arith.constant 6 : i32
      %eq3A_237 = vector.broadcast %eq3A_236 : i32 to vector<1000x1xi32>
      %eq3A_238 = arith.cmpi eq, %get3A_60, %eq3A_237 : vector<1000x1xi32>
      %eq3A_239 = arith.constant 6 : i32
      %eq3A_240 = vector.broadcast %eq3A_239 : i32 to vector<16x1xi32>
      %eq3A_241 = arith.cmpi eq, %iota3A, %eq3A_240 : vector<16x1xi32>
      %convert_element_type3A_242 = arith.extui %eq3A_241 : vector<16x1xi1> to vector<16x1xi32>
      %convert_element_type3A_243 = arith.sitofp %convert_element_type3A_242 : vector<16x1xi32> to vector<16x1xf32>
      %jit3A_244 = arith.constant 0.000000e+00 : f32
      %broadcast_in_dim3A_245 = vector.shape_cast %eq3A_238 : vector<1000x1xi1> to vector<1000x1xi1>
      %broadcast_in_dim3A_246 = vector.broadcast %broadcast_in_dim3A_245 : vector<1000x1xi1> to vector<1000x128xi1>
      %broadcast_in_dim3A_247 = vector.broadcast %jit3A_244 : f32 to vector<1000x128xf32>
      %select_n3A_248 = arith.select %broadcast_in_dim3A_246, %add3A_55, %broadcast_in_dim3A_247 : vector<1000x128xi1>, vector<1000x128xf32>
      %reduce_sum3A_249 = arith.constant dense<0.000000e+00> : vector<128xf32>
      %reduce_sum3A_250 = vector.multi_reduction <add>, %select_n3A_248, %reduce_sum3A_249 [0] : vector<1000x128xf32> to vector<128xf32>
      %broadcast_in_dim3A_251 = vector.shape_cast %reduce_sum3A_250 : vector<128xf32> to vector<1x128xf32>
      %mul3A_252 = vector.broadcast %convert_element_type3A_243 : vector<16x1xf32> to vector<16x128xf32>
      %mul3A_253 = vector.broadcast %broadcast_in_dim3A_251 : vector<1x128xf32> to vector<16x128xf32>
      %mul3A_254 = arith.mulf %mul3A_252, %mul3A_253 : vector<16x128xf32>
      %add3A_255 = arith.addf %add3A_225, %mul3A_254 : vector<16x128xf32>
      %convert_element_type3A_256 = arith.extui %eq3A_238 : vector<1000x1xi1> to vector<1000x1xi32>
      %convert_element_type3A_257 = arith.sitofp %convert_element_type3A_256 : vector<1000x1xi32> to vector<1000x1xf32>
      %reduce_sum3A_258 = vector.shape_cast %convert_element_type3A_257 : vector<1000x1xf32> to vector<1x1000x1xf32>
      %reduce_sum3A_259 = arith.constant dense<0.000000e+00> : vector<1xf32>
      %reduce_sum3A_260 = vector.multi_reduction <add>, %reduce_sum3A_258, %reduce_sum3A_259 [1, 2] : vector<1x1000x1xf32> to vector<1xf32>
      %reduce_sum3A_261 = vector.shape_cast %reduce_sum3A_260 : vector<1xf32> to vector<1x1x1xf32>
      %reduce_sum3A_262 = vector.extract %reduce_sum3A_261[0, 0, 0] : f32 from vector<1x1x1xf32>
      %mul3A_263 = vector.broadcast %reduce_sum3A_262 : f32 to vector<16x1xf32>
      %mul3A_264 = arith.mulf %convert_element_type3A_243, %mul3A_263 : vector<16x1xf32>
      %add3A_265 = arith.addf %add3A_235, %mul3A_264 : vector<16x1xf32>
      %eq3A_266 = arith.constant 7 : i32
      %eq3A_267 = vector.broadcast %eq3A_266 : i32 to vector<1000x1xi32>
      %eq3A_268 = arith.cmpi eq, %get3A_60, %eq3A_267 : vector<1000x1xi32>
      %eq3A_269 = arith.constant 7 : i32
      %eq3A_270 = vector.broadcast %eq3A_269 : i32 to vector<16x1xi32>
      %eq3A_271 = arith.cmpi eq, %iota3A, %eq3A_270 : vector<16x1xi32>
      %convert_element_type3A_272 = arith.extui %eq3A_271 : vector<16x1xi1> to vector<16x1xi32>
      %convert_element_type3A_273 = arith.sitofp %convert_element_type3A_272 : vector<16x1xi32> to vector<16x1xf32>
      %jit3A_274 = arith.constant 0.000000e+00 : f32
      %broadcast_in_dim3A_275 = vector.shape_cast %eq3A_268 : vector<1000x1xi1> to vector<1000x1xi1>
      %broadcast_in_dim3A_276 = vector.broadcast %broadcast_in_dim3A_275 : vector<1000x1xi1> to vector<1000x128xi1>
      %broadcast_in_dim3A_277 = vector.broadcast %jit3A_274 : f32 to vector<1000x128xf32>
      %select_n3A_278 = arith.select %broadcast_in_dim3A_276, %add3A_55, %broadcast_in_dim3A_277 : vector<1000x128xi1>, vector<1000x128xf32>
      %reduce_sum3A_279 = arith.constant dense<0.000000e+00> : vector<128xf32>
      %reduce_sum3A_280 = vector.multi_reduction <add>, %select_n3A_278, %reduce_sum3A_279 [0] : vector<1000x128xf32> to vector<128xf32>
      %broadcast_in_dim3A_281 = vector.shape_cast %reduce_sum3A_280 : vector<128xf32> to vector<1x128xf32>
      %mul3A_282 = vector.broadcast %convert_element_type3A_273 : vector<16x1xf32> to vector<16x128xf32>
      %mul3A_283 = vector.broadcast %broadcast_in_dim3A_281 : vector<1x128xf32> to vector<16x128xf32>
      %mul3A_284 = arith.mulf %mul3A_282, %mul3A_283 : vector<16x128xf32>
      %add3A_285 = arith.addf %add3A_255, %mul3A_284 : vector<16x128xf32>
      %convert_element_type3A_286 = arith.extui %eq3A_268 : vector<1000x1xi1> to vector<1000x1xi32>
      %convert_element_type3A_287 = arith.sitofp %convert_element_type3A_286 : vector<1000x1xi32> to vector<1000x1xf32>
      %reduce_sum3A_288 = vector.shape_cast %convert_element_type3A_287 : vector<1000x1xf32> to vector<1x1000x1xf32>
      %reduce_sum3A_289 = arith.constant dense<0.000000e+00> : vector<1xf32>
      %reduce_sum3A_290 = vector.multi_reduction <add>, %reduce_sum3A_288, %reduce_sum3A_289 [1, 2] : vector<1x1000x1xf32> to vector<1xf32>
      %reduce_sum3A_291 = vector.shape_cast %reduce_sum3A_290 : vector<1xf32> to vector<1x1x1xf32>
      %reduce_sum3A_292 = vector.extract %reduce_sum3A_291[0, 0, 0] : f32 from vector<1x1x1xf32>
      %mul3A_293 = vector.broadcast %reduce_sum3A_292 : f32 to vector<16x1xf32>
      %mul3A_294 = arith.mulf %convert_element_type3A_273, %mul3A_293 : vector<16x1xf32>
      %add3A_295 = arith.addf %add3A_265, %mul3A_294 : vector<16x1xf32>
      %eq3A_296 = arith.constant 8 : i32
      %eq3A_297 = vector.broadcast %eq3A_296 : i32 to vector<1000x1xi32>
      %eq3A_298 = arith.cmpi eq, %get3A_60, %eq3A_297 : vector<1000x1xi32>
      %eq3A_299 = arith.constant 8 : i32
      %eq3A_300 = vector.broadcast %eq3A_299 : i32 to vector<16x1xi32>
      %eq3A_301 = arith.cmpi eq, %iota3A, %eq3A_300 : vector<16x1xi32>
      %convert_element_type3A_302 = arith.extui %eq3A_301 : vector<16x1xi1> to vector<16x1xi32>
      %convert_element_type3A_303 = arith.sitofp %convert_element_type3A_302 : vector<16x1xi32> to vector<16x1xf32>
      %jit3A_304 = arith.constant 0.000000e+00 : f32
      %broadcast_in_dim3A_305 = vector.shape_cast %eq3A_298 : vector<1000x1xi1> to vector<1000x1xi1>
      %broadcast_in_dim3A_306 = vector.broadcast %broadcast_in_dim3A_305 : vector<1000x1xi1> to vector<1000x128xi1>
      %broadcast_in_dim3A_307 = vector.broadcast %jit3A_304 : f32 to vector<1000x128xf32>
      %select_n3A_308 = arith.select %broadcast_in_dim3A_306, %add3A_55, %broadcast_in_dim3A_307 : vector<1000x128xi1>, vector<1000x128xf32>
      %reduce_sum3A_309 = arith.constant dense<0.000000e+00> : vector<128xf32>
      %reduce_sum3A_310 = vector.multi_reduction <add>, %select_n3A_308, %reduce_sum3A_309 [0] : vector<1000x128xf32> to vector<128xf32>
      %broadcast_in_dim3A_311 = vector.shape_cast %reduce_sum3A_310 : vector<128xf32> to vector<1x128xf32>
      %mul3A_312 = vector.broadcast %convert_element_type3A_303 : vector<16x1xf32> to vector<16x128xf32>
      %mul3A_313 = vector.broadcast %broadcast_in_dim3A_311 : vector<1x128xf32> to vector<16x128xf32>
      %mul3A_314 = arith.mulf %mul3A_312, %mul3A_313 : vector<16x128xf32>
      %add3A_315 = arith.addf %add3A_285, %mul3A_314 : vector<16x128xf32>
      %convert_element_type3A_316 = arith.extui %eq3A_298 : vector<1000x1xi1> to vector<1000x1xi32>
      %convert_element_type3A_317 = arith.sitofp %convert_element_type3A_316 : vector<1000x1xi32> to vector<1000x1xf32>
      %reduce_sum3A_318 = vector.shape_cast %convert_element_type3A_317 : vector<1000x1xf32> to vector<1x1000x1xf32>
      %reduce_sum3A_319 = arith.constant dense<0.000000e+00> : vector<1xf32>
      %reduce_sum3A_320 = vector.multi_reduction <add>, %reduce_sum3A_318, %reduce_sum3A_319 [1, 2] : vector<1x1000x1xf32> to vector<1xf32>
      %reduce_sum3A_321 = vector.shape_cast %reduce_sum3A_320 : vector<1xf32> to vector<1x1x1xf32>
      %reduce_sum3A_322 = vector.extract %reduce_sum3A_321[0, 0, 0] : f32 from vector<1x1x1xf32>
      %mul3A_323 = vector.broadcast %reduce_sum3A_322 : f32 to vector<16x1xf32>
      %mul3A_324 = arith.mulf %convert_element_type3A_303, %mul3A_323 : vector<16x1xf32>
      %add3A_325 = arith.addf %add3A_295, %mul3A_324 : vector<16x1xf32>
      %eq3A_326 = arith.constant 9 : i32
      %eq3A_327 = vector.broadcast %eq3A_326 : i32 to vector<1000x1xi32>
      %eq3A_328 = arith.cmpi eq, %get3A_60, %eq3A_327 : vector<1000x1xi32>
      %eq3A_329 = arith.constant 9 : i32
      %eq3A_330 = vector.broadcast %eq3A_329 : i32 to vector<16x1xi32>
      %eq3A_331 = arith.cmpi eq, %iota3A, %eq3A_330 : vector<16x1xi32>
      %convert_element_type3A_332 = arith.extui %eq3A_331 : vector<16x1xi1> to vector<16x1xi32>
      %convert_element_type3A_333 = arith.sitofp %convert_element_type3A_332 : vector<16x1xi32> to vector<16x1xf32>
      %jit3A_334 = arith.constant 0.000000e+00 : f32
      %broadcast_in_dim3A_335 = vector.shape_cast %eq3A_328 : vector<1000x1xi1> to vector<1000x1xi1>
      %broadcast_in_dim3A_336 = vector.broadcast %broadcast_in_dim3A_335 : vector<1000x1xi1> to vector<1000x128xi1>
      %broadcast_in_dim3A_337 = vector.broadcast %jit3A_334 : f32 to vector<1000x128xf32>
      %select_n3A_338 = arith.select %broadcast_in_dim3A_336, %add3A_55, %broadcast_in_dim3A_337 : vector<1000x128xi1>, vector<1000x128xf32>
      %reduce_sum3A_339 = arith.constant dense<0.000000e+00> : vector<128xf32>
      %reduce_sum3A_340 = vector.multi_reduction <add>, %select_n3A_338, %reduce_sum3A_339 [0] : vector<1000x128xf32> to vector<128xf32>
      %broadcast_in_dim3A_341 = vector.shape_cast %reduce_sum3A_340 : vector<128xf32> to vector<1x128xf32>
      %mul3A_342 = vector.broadcast %convert_element_type3A_333 : vector<16x1xf32> to vector<16x128xf32>
      %mul3A_343 = vector.broadcast %broadcast_in_dim3A_341 : vector<1x128xf32> to vector<16x128xf32>
      %mul3A_344 = arith.mulf %mul3A_342, %mul3A_343 : vector<16x128xf32>
      %add3A_345 = arith.addf %add3A_315, %mul3A_344 : vector<16x128xf32>
      %convert_element_type3A_346 = arith.extui %eq3A_328 : vector<1000x1xi1> to vector<1000x1xi32>
      %convert_element_type3A_347 = arith.sitofp %convert_element_type3A_346 : vector<1000x1xi32> to vector<1000x1xf32>
      %reduce_sum3A_348 = vector.shape_cast %convert_element_type3A_347 : vector<1000x1xf32> to vector<1x1000x1xf32>
      %reduce_sum3A_349 = arith.constant dense<0.000000e+00> : vector<1xf32>
      %reduce_sum3A_350 = vector.multi_reduction <add>, %reduce_sum3A_348, %reduce_sum3A_349 [1, 2] : vector<1x1000x1xf32> to vector<1xf32>
      %reduce_sum3A_351 = vector.shape_cast %reduce_sum3A_350 : vector<1xf32> to vector<1x1x1xf32>
      %reduce_sum3A_352 = vector.extract %reduce_sum3A_351[0, 0, 0] : f32 from vector<1x1x1xf32>
      %mul3A_353 = vector.broadcast %reduce_sum3A_352 : f32 to vector<16x1xf32>
      %mul3A_354 = arith.mulf %convert_element_type3A_333, %mul3A_353 : vector<16x1xf32>
      %add3A_355 = arith.addf %add3A_325, %mul3A_354 : vector<16x1xf32>
      %eq3A_356 = arith.constant 10 : i32
      %eq3A_357 = vector.broadcast %eq3A_356 : i32 to vector<1000x1xi32>
      %eq3A_358 = arith.cmpi eq, %get3A_60, %eq3A_357 : vector<1000x1xi32>
      %eq3A_359 = arith.constant 10 : i32
      %eq3A_360 = vector.broadcast %eq3A_359 : i32 to vector<16x1xi32>
      %eq3A_361 = arith.cmpi eq, %iota3A, %eq3A_360 : vector<16x1xi32>
      %convert_element_type3A_362 = arith.extui %eq3A_361 : vector<16x1xi1> to vector<16x1xi32>
      %convert_element_type3A_363 = arith.sitofp %convert_element_type3A_362 : vector<16x1xi32> to vector<16x1xf32>
      %jit3A_364 = arith.constant 0.000000e+00 : f32
      %broadcast_in_dim3A_365 = vector.shape_cast %eq3A_358 : vector<1000x1xi1> to vector<1000x1xi1>
      %broadcast_in_dim3A_366 = vector.broadcast %broadcast_in_dim3A_365 : vector<1000x1xi1> to vector<1000x128xi1>
      %broadcast_in_dim3A_367 = vector.broadcast %jit3A_364 : f32 to vector<1000x128xf32>
      %select_n3A_368 = arith.select %broadcast_in_dim3A_366, %add3A_55, %broadcast_in_dim3A_367 : vector<1000x128xi1>, vector<1000x128xf32>
      %reduce_sum3A_369 = arith.constant dense<0.000000e+00> : vector<128xf32>
      %reduce_sum3A_370 = vector.multi_reduction <add>, %select_n3A_368, %reduce_sum3A_369 [0] : vector<1000x128xf32> to vector<128xf32>
      %broadcast_in_dim3A_371 = vector.shape_cast %reduce_sum3A_370 : vector<128xf32> to vector<1x128xf32>
      %mul3A_372 = vector.broadcast %convert_element_type3A_363 : vector<16x1xf32> to vector<16x128xf32>
      %mul3A_373 = vector.broadcast %broadcast_in_dim3A_371 : vector<1x128xf32> to vector<16x128xf32>
      %mul3A_374 = arith.mulf %mul3A_372, %mul3A_373 : vector<16x128xf32>
      %add3A_375 = arith.addf %add3A_345, %mul3A_374 : vector<16x128xf32>
      %convert_element_type3A_376 = arith.extui %eq3A_358 : vector<1000x1xi1> to vector<1000x1xi32>
      %convert_element_type3A_377 = arith.sitofp %convert_element_type3A_376 : vector<1000x1xi32> to vector<1000x1xf32>
      %reduce_sum3A_378 = vector.shape_cast %convert_element_type3A_377 : vector<1000x1xf32> to vector<1x1000x1xf32>
      %reduce_sum3A_379 = arith.constant dense<0.000000e+00> : vector<1xf32>
      %reduce_sum3A_380 = vector.multi_reduction <add>, %reduce_sum3A_378, %reduce_sum3A_379 [1, 2] : vector<1x1000x1xf32> to vector<1xf32>
      %reduce_sum3A_381 = vector.shape_cast %reduce_sum3A_380 : vector<1xf32> to vector<1x1x1xf32>
      %reduce_sum3A_382 = vector.extract %reduce_sum3A_381[0, 0, 0] : f32 from vector<1x1x1xf32>
      %mul3A_383 = vector.broadcast %reduce_sum3A_382 : f32 to vector<16x1xf32>
      %mul3A_384 = arith.mulf %convert_element_type3A_363, %mul3A_383 : vector<16x1xf32>
      %add3A_385 = arith.addf %add3A_355, %mul3A_384 : vector<16x1xf32>
      %eq3A_386 = arith.constant 11 : i32
      %eq3A_387 = vector.broadcast %eq3A_386 : i32 to vector<1000x1xi32>
      %eq3A_388 = arith.cmpi eq, %get3A_60, %eq3A_387 : vector<1000x1xi32>
      %eq3A_389 = arith.constant 11 : i32
      %eq3A_390 = vector.broadcast %eq3A_389 : i32 to vector<16x1xi32>
      %eq3A_391 = arith.cmpi eq, %iota3A, %eq3A_390 : vector<16x1xi32>
      %convert_element_type3A_392 = arith.extui %eq3A_391 : vector<16x1xi1> to vector<16x1xi32>
      %convert_element_type3A_393 = arith.sitofp %convert_element_type3A_392 : vector<16x1xi32> to vector<16x1xf32>
      %jit3A_394 = arith.constant 0.000000e+00 : f32
      %broadcast_in_dim3A_395 = vector.shape_cast %eq3A_388 : vector<1000x1xi1> to vector<1000x1xi1>
      %broadcast_in_dim3A_396 = vector.broadcast %broadcast_in_dim3A_395 : vector<1000x1xi1> to vector<1000x128xi1>
      %broadcast_in_dim3A_397 = vector.broadcast %jit3A_394 : f32 to vector<1000x128xf32>
      %select_n3A_398 = arith.select %broadcast_in_dim3A_396, %add3A_55, %broadcast_in_dim3A_397 : vector<1000x128xi1>, vector<1000x128xf32>
      %reduce_sum3A_399 = arith.constant dense<0.000000e+00> : vector<128xf32>
      %reduce_sum3A_400 = vector.multi_reduction <add>, %select_n3A_398, %reduce_sum3A_399 [0] : vector<1000x128xf32> to vector<128xf32>
      %broadcast_in_dim3A_401 = vector.shape_cast %reduce_sum3A_400 : vector<128xf32> to vector<1x128xf32>
      %mul3A_402 = vector.broadcast %convert_element_type3A_393 : vector<16x1xf32> to vector<16x128xf32>
      %mul3A_403 = vector.broadcast %broadcast_in_dim3A_401 : vector<1x128xf32> to vector<16x128xf32>
      %mul3A_404 = arith.mulf %mul3A_402, %mul3A_403 : vector<16x128xf32>
      %add3A_405 = arith.addf %add3A_375, %mul3A_404 : vector<16x128xf32>
      %convert_element_type3A_406 = arith.extui %eq3A_388 : vector<1000x1xi1> to vector<1000x1xi32>
      %convert_element_type3A_407 = arith.sitofp %convert_element_type3A_406 : vector<1000x1xi32> to vector<1000x1xf32>
      %reduce_sum3A_408 = vector.shape_cast %convert_element_type3A_407 : vector<1000x1xf32> to vector<1x1000x1xf32>
      %reduce_sum3A_409 = arith.constant dense<0.000000e+00> : vector<1xf32>
      %reduce_sum3A_410 = vector.multi_reduction <add>, %reduce_sum3A_408, %reduce_sum3A_409 [1, 2] : vector<1x1000x1xf32> to vector<1xf32>
      %reduce_sum3A_411 = vector.shape_cast %reduce_sum3A_410 : vector<1xf32> to vector<1x1x1xf32>
      %reduce_sum3A_412 = vector.extract %reduce_sum3A_411[0, 0, 0] : f32 from vector<1x1x1xf32>
      %mul3A_413 = vector.broadcast %reduce_sum3A_412 : f32 to vector<16x1xf32>
      %mul3A_414 = arith.mulf %convert_element_type3A_393, %mul3A_413 : vector<16x1xf32>
      %add3A_415 = arith.addf %add3A_385, %mul3A_414 : vector<16x1xf32>
      %eq3A_416 = arith.constant 12 : i32
      %eq3A_417 = vector.broadcast %eq3A_416 : i32 to vector<1000x1xi32>
      %eq3A_418 = arith.cmpi eq, %get3A_60, %eq3A_417 : vector<1000x1xi32>
      %eq3A_419 = arith.constant 12 : i32
      %eq3A_420 = vector.broadcast %eq3A_419 : i32 to vector<16x1xi32>
      %eq3A_421 = arith.cmpi eq, %iota3A, %eq3A_420 : vector<16x1xi32>
      %convert_element_type3A_422 = arith.extui %eq3A_421 : vector<16x1xi1> to vector<16x1xi32>
      %convert_element_type3A_423 = arith.sitofp %convert_element_type3A_422 : vector<16x1xi32> to vector<16x1xf32>
      %jit3A_424 = arith.constant 0.000000e+00 : f32
      %broadcast_in_dim3A_425 = vector.shape_cast %eq3A_418 : vector<1000x1xi1> to vector<1000x1xi1>
      %broadcast_in_dim3A_426 = vector.broadcast %broadcast_in_dim3A_425 : vector<1000x1xi1> to vector<1000x128xi1>
      %broadcast_in_dim3A_427 = vector.broadcast %jit3A_424 : f32 to vector<1000x128xf32>
      %select_n3A_428 = arith.select %broadcast_in_dim3A_426, %add3A_55, %broadcast_in_dim3A_427 : vector<1000x128xi1>, vector<1000x128xf32>
      %reduce_sum3A_429 = arith.constant dense<0.000000e+00> : vector<128xf32>
      %reduce_sum3A_430 = vector.multi_reduction <add>, %select_n3A_428, %reduce_sum3A_429 [0] : vector<1000x128xf32> to vector<128xf32>
      %broadcast_in_dim3A_431 = vector.shape_cast %reduce_sum3A_430 : vector<128xf32> to vector<1x128xf32>
      %mul3A_432 = vector.broadcast %convert_element_type3A_423 : vector<16x1xf32> to vector<16x128xf32>
      %mul3A_433 = vector.broadcast %broadcast_in_dim3A_431 : vector<1x128xf32> to vector<16x128xf32>
      %mul3A_434 = arith.mulf %mul3A_432, %mul3A_433 : vector<16x128xf32>
      %add3A_435 = arith.addf %add3A_405, %mul3A_434 : vector<16x128xf32>
      %convert_element_type3A_436 = arith.extui %eq3A_418 : vector<1000x1xi1> to vector<1000x1xi32>
      %convert_element_type3A_437 = arith.sitofp %convert_element_type3A_436 : vector<1000x1xi32> to vector<1000x1xf32>
      %reduce_sum3A_438 = vector.shape_cast %convert_element_type3A_437 : vector<1000x1xf32> to vector<1x1000x1xf32>
      %reduce_sum3A_439 = arith.constant dense<0.000000e+00> : vector<1xf32>
      %reduce_sum3A_440 = vector.multi_reduction <add>, %reduce_sum3A_438, %reduce_sum3A_439 [1, 2] : vector<1x1000x1xf32> to vector<1xf32>
      %reduce_sum3A_441 = vector.shape_cast %reduce_sum3A_440 : vector<1xf32> to vector<1x1x1xf32>
      %reduce_sum3A_442 = vector.extract %reduce_sum3A_441[0, 0, 0] : f32 from vector<1x1x1xf32>
      %mul3A_443 = vector.broadcast %reduce_sum3A_442 : f32 to vector<16x1xf32>
      %mul3A_444 = arith.mulf %convert_element_type3A_423, %mul3A_443 : vector<16x1xf32>
      %add3A_445 = arith.addf %add3A_415, %mul3A_444 : vector<16x1xf32>
      %eq3A_446 = arith.constant 13 : i32
      %eq3A_447 = vector.broadcast %eq3A_446 : i32 to vector<1000x1xi32>
      %eq3A_448 = arith.cmpi eq, %get3A_60, %eq3A_447 : vector<1000x1xi32>
      %eq3A_449 = arith.constant 13 : i32
      %eq3A_450 = vector.broadcast %eq3A_449 : i32 to vector<16x1xi32>
      %eq3A_451 = arith.cmpi eq, %iota3A, %eq3A_450 : vector<16x1xi32>
      %convert_element_type3A_452 = arith.extui %eq3A_451 : vector<16x1xi1> to vector<16x1xi32>
      %convert_element_type3A_453 = arith.sitofp %convert_element_type3A_452 : vector<16x1xi32> to vector<16x1xf32>
      %jit3A_454 = arith.constant 0.000000e+00 : f32
      %broadcast_in_dim3A_455 = vector.shape_cast %eq3A_448 : vector<1000x1xi1> to vector<1000x1xi1>
      %broadcast_in_dim3A_456 = vector.broadcast %broadcast_in_dim3A_455 : vector<1000x1xi1> to vector<1000x128xi1>
      %broadcast_in_dim3A_457 = vector.broadcast %jit3A_454 : f32 to vector<1000x128xf32>
      %select_n3A_458 = arith.select %broadcast_in_dim3A_456, %add3A_55, %broadcast_in_dim3A_457 : vector<1000x128xi1>, vector<1000x128xf32>
      %reduce_sum3A_459 = arith.constant dense<0.000000e+00> : vector<128xf32>
      %reduce_sum3A_460 = vector.multi_reduction <add>, %select_n3A_458, %reduce_sum3A_459 [0] : vector<1000x128xf32> to vector<128xf32>
      %broadcast_in_dim3A_461 = vector.shape_cast %reduce_sum3A_460 : vector<128xf32> to vector<1x128xf32>
      %mul3A_462 = vector.broadcast %convert_element_type3A_453 : vector<16x1xf32> to vector<16x128xf32>
      %mul3A_463 = vector.broadcast %broadcast_in_dim3A_461 : vector<1x128xf32> to vector<16x128xf32>
      %mul3A_464 = arith.mulf %mul3A_462, %mul3A_463 : vector<16x128xf32>
      %add3A_465 = arith.addf %add3A_435, %mul3A_464 : vector<16x128xf32>
      %convert_element_type3A_466 = arith.extui %eq3A_448 : vector<1000x1xi1> to vector<1000x1xi32>
      %convert_element_type3A_467 = arith.sitofp %convert_element_type3A_466 : vector<1000x1xi32> to vector<1000x1xf32>
      %reduce_sum3A_468 = vector.shape_cast %convert_element_type3A_467 : vector<1000x1xf32> to vector<1x1000x1xf32>
      %reduce_sum3A_469 = arith.constant dense<0.000000e+00> : vector<1xf32>
      %reduce_sum3A_470 = vector.multi_reduction <add>, %reduce_sum3A_468, %reduce_sum3A_469 [1, 2] : vector<1x1000x1xf32> to vector<1xf32>
      %reduce_sum3A_471 = vector.shape_cast %reduce_sum3A_470 : vector<1xf32> to vector<1x1x1xf32>
      %reduce_sum3A_472 = vector.extract %reduce_sum3A_471[0, 0, 0] : f32 from vector<1x1x1xf32>
      %mul3A_473 = vector.broadcast %reduce_sum3A_472 : f32 to vector<16x1xf32>
      %mul3A_474 = arith.mulf %convert_element_type3A_453, %mul3A_473 : vector<16x1xf32>
      %add3A_475 = arith.addf %add3A_445, %mul3A_474 : vector<16x1xf32>
      %eq3A_476 = arith.constant 14 : i32
      %eq3A_477 = vector.broadcast %eq3A_476 : i32 to vector<1000x1xi32>
      %eq3A_478 = arith.cmpi eq, %get3A_60, %eq3A_477 : vector<1000x1xi32>
      %eq3A_479 = arith.constant 14 : i32
      %eq3A_480 = vector.broadcast %eq3A_479 : i32 to vector<16x1xi32>
      %eq3A_481 = arith.cmpi eq, %iota3A, %eq3A_480 : vector<16x1xi32>
      %convert_element_type3A_482 = arith.extui %eq3A_481 : vector<16x1xi1> to vector<16x1xi32>
      %convert_element_type3A_483 = arith.sitofp %convert_element_type3A_482 : vector<16x1xi32> to vector<16x1xf32>
      %jit3A_484 = arith.constant 0.000000e+00 : f32
      %broadcast_in_dim3A_485 = vector.shape_cast %eq3A_478 : vector<1000x1xi1> to vector<1000x1xi1>
      %broadcast_in_dim3A_486 = vector.broadcast %broadcast_in_dim3A_485 : vector<1000x1xi1> to vector<1000x128xi1>
      %broadcast_in_dim3A_487 = vector.broadcast %jit3A_484 : f32 to vector<1000x128xf32>
      %select_n3A_488 = arith.select %broadcast_in_dim3A_486, %add3A_55, %broadcast_in_dim3A_487 : vector<1000x128xi1>, vector<1000x128xf32>
      %reduce_sum3A_489 = arith.constant dense<0.000000e+00> : vector<128xf32>
      %reduce_sum3A_490 = vector.multi_reduction <add>, %select_n3A_488, %reduce_sum3A_489 [0] : vector<1000x128xf32> to vector<128xf32>
      %broadcast_in_dim3A_491 = vector.shape_cast %reduce_sum3A_490 : vector<128xf32> to vector<1x128xf32>
      %mul3A_492 = vector.broadcast %convert_element_type3A_483 : vector<16x1xf32> to vector<16x128xf32>
      %mul3A_493 = vector.broadcast %broadcast_in_dim3A_491 : vector<1x128xf32> to vector<16x128xf32>
      %mul3A_494 = arith.mulf %mul3A_492, %mul3A_493 : vector<16x128xf32>
      %add3A_495 = arith.addf %add3A_465, %mul3A_494 : vector<16x128xf32>
      %convert_element_type3A_496 = arith.extui %eq3A_478 : vector<1000x1xi1> to vector<1000x1xi32>
      %convert_element_type3A_497 = arith.sitofp %convert_element_type3A_496 : vector<1000x1xi32> to vector<1000x1xf32>
      %reduce_sum3A_498 = vector.shape_cast %convert_element_type3A_497 : vector<1000x1xf32> to vector<1x1000x1xf32>
      %reduce_sum3A_499 = arith.constant dense<0.000000e+00> : vector<1xf32>
      %reduce_sum3A_500 = vector.multi_reduction <add>, %reduce_sum3A_498, %reduce_sum3A_499 [1, 2] : vector<1x1000x1xf32> to vector<1xf32>
      %reduce_sum3A_501 = vector.shape_cast %reduce_sum3A_500 : vector<1xf32> to vector<1x1x1xf32>
      %reduce_sum3A_502 = vector.extract %reduce_sum3A_501[0, 0, 0] : f32 from vector<1x1x1xf32>
      %mul3A_503 = vector.broadcast %reduce_sum3A_502 : f32 to vector<16x1xf32>
      %mul3A_504 = arith.mulf %convert_element_type3A_483, %mul3A_503 : vector<16x1xf32>
      %add3A_505 = arith.addf %add3A_475, %mul3A_504 : vector<16x1xf32>
      %eq3A_506 = arith.constant 15 : i32
      %eq3A_507 = vector.broadcast %eq3A_506 : i32 to vector<1000x1xi32>
      %eq3A_508 = arith.cmpi eq, %get3A_60, %eq3A_507 : vector<1000x1xi32>
      %eq3A_509 = arith.constant 15 : i32
      %eq3A_510 = vector.broadcast %eq3A_509 : i32 to vector<16x1xi32>
      %eq3A_511 = arith.cmpi eq, %iota3A, %eq3A_510 : vector<16x1xi32>
      %convert_element_type3A_512 = arith.extui %eq3A_511 : vector<16x1xi1> to vector<16x1xi32>
      %convert_element_type3A_513 = arith.sitofp %convert_element_type3A_512 : vector<16x1xi32> to vector<16x1xf32>
      %jit3A_514 = arith.constant 0.000000e+00 : f32
      %broadcast_in_dim3A_515 = vector.shape_cast %eq3A_508 : vector<1000x1xi1> to vector<1000x1xi1>
      %broadcast_in_dim3A_516 = vector.broadcast %broadcast_in_dim3A_515 : vector<1000x1xi1> to vector<1000x128xi1>
      %broadcast_in_dim3A_517 = vector.broadcast %jit3A_514 : f32 to vector<1000x128xf32>
      %select_n3A_518 = arith.select %broadcast_in_dim3A_516, %add3A_55, %broadcast_in_dim3A_517 : vector<1000x128xi1>, vector<1000x128xf32>
      %reduce_sum3A_519 = arith.constant dense<0.000000e+00> : vector<128xf32>
      %reduce_sum3A_520 = vector.multi_reduction <add>, %select_n3A_518, %reduce_sum3A_519 [0] : vector<1000x128xf32> to vector<128xf32>
      %broadcast_in_dim3A_521 = vector.shape_cast %reduce_sum3A_520 : vector<128xf32> to vector<1x128xf32>
      %mul3A_522 = vector.broadcast %convert_element_type3A_513 : vector<16x1xf32> to vector<16x128xf32>
      %mul3A_523 = vector.broadcast %broadcast_in_dim3A_521 : vector<1x128xf32> to vector<16x128xf32>
      %mul3A_524 = arith.mulf %mul3A_522, %mul3A_523 : vector<16x128xf32>
      %add3A_525 = arith.addf %add3A_495, %mul3A_524 : vector<16x128xf32>
      %convert_element_type3A_526 = arith.extui %eq3A_508 : vector<1000x1xi1> to vector<1000x1xi32>
      %convert_element_type3A_527 = arith.sitofp %convert_element_type3A_526 : vector<1000x1xi32> to vector<1000x1xf32>
      %reduce_sum3A_528 = vector.shape_cast %convert_element_type3A_527 : vector<1000x1xf32> to vector<1x1000x1xf32>
      %reduce_sum3A_529 = arith.constant dense<0.000000e+00> : vector<1xf32>
      %reduce_sum3A_530 = vector.multi_reduction <add>, %reduce_sum3A_528, %reduce_sum3A_529 [1, 2] : vector<1x1000x1xf32> to vector<1xf32>
      %reduce_sum3A_531 = vector.shape_cast %reduce_sum3A_530 : vector<1xf32> to vector<1x1x1xf32>
      %reduce_sum3A_532 = vector.extract %reduce_sum3A_531[0, 0, 0] : f32 from vector<1x1x1xf32>
      %mul3A_533 = vector.broadcast %reduce_sum3A_532 : f32 to vector<16x1xf32>
      %mul3A_534 = arith.mulf %convert_element_type3A_513, %mul3A_533 : vector<16x1xf32>
      %add3A_535 = arith.addf %add3A_505, %mul3A_534 : vector<16x1xf32>
      scf.yield %add3A_525, %add3A_535 : vector<16x128xf32>, vector<16x1xf32>
    }
    %scan3A_7 = arith.constant 10 : i32
    %max3A = arith.constant 1.000000e+00 : f32
    %max3A_8 = vector.broadcast %max3A : f32 to vector<16x1xf32>
    %max3A_9 = arith.maximumf %scan3A_6#1, %max3A_8 : vector<16x1xf32>
    %div3A = vector.broadcast %max3A_9 : vector<16x1xf32> to vector<16x128xf32>
    %div3A_10 = arith.divf %scan3A_6#0, %div3A : vector<16x128xf32>
    %broadcast_in_dim3A_11 = arith.constant 0.000000e+00 : f32
    %broadcast_in_dim3A_12 = vector.broadcast %broadcast_in_dim3A_11 : f32 to vector<16x128xf32>
    %scan3A_13 = arith.constant 0 : i32
    %scan3A_14 = arith.constant 10 : i32
    %scan3A_15 = arith.addi %scan3A_13, %scan3A_14 : i32
    %scan3A_16 = arith.constant 1 : i32
    %scan3A_17 = scf.for %scan3A_28 = %scan3A_13 to %scan3A_15 step %scan3A_16 iter_args(%scan3A_29 = %broadcast_in_dim3A_12) -> (vector<16x128xf32>)  : i32 {
      %mul3A = arith.constant 1000 : i32
      %mul3A_30 = arith.muli %scan3A_28, %mul3A : i32
      %get3A = arith.index_cast %mul3A_30 : i32 to index
      %get3A_31 = arith.constant 0 : index
      %get3A_32 = vector.load %arg3[%get3A, %get3A_31] : memref<10000x1xi32, #tpu.memory_space<vmem>>, vector<1000x1xi32>
      %broadcast_in_dim3A_33 = arith.constant 0.000000e+00 : f32
      %broadcast_in_dim3A_34 = vector.broadcast %broadcast_in_dim3A_33 : f32 to vector<1000x128xf32>
      %eq3A = arith.constant 0 : i32
      %eq3A_35 = vector.broadcast %eq3A : i32 to vector<1000x1xi32>
      %eq3A_36 = arith.cmpi eq, %get3A_32, %eq3A_35 : vector<1000x1xi32>
      %slice3A = vector.extract_strided_slice %div3A_10 {offsets = [0, 0], sizes = [1, 128], strides = [1, 1]} : vector<16x128xf32> to vector<1x128xf32>
      %squeeze3A = vector.shape_cast %slice3A : vector<1x128xf32> to vector<128xf32>
      %broadcast_in_dim3A_37 = vector.shape_cast %squeeze3A : vector<128xf32> to vector<1x128xf32>
      %broadcast_in_dim3A_38 = vector.shape_cast %eq3A_36 : vector<1000x1xi1> to vector<1000x1xi1>
      %broadcast_in_dim3A_39 = vector.broadcast %broadcast_in_dim3A_38 : vector<1000x1xi1> to vector<1000x128xi1>
      %broadcast_in_dim3A_40 = vector.shape_cast %broadcast_in_dim3A_37 : vector<1x128xf32> to vector<1x128xf32>
      %broadcast_in_dim3A_41 = vector.broadcast %broadcast_in_dim3A_40 : vector<1x128xf32> to vector<1000x128xf32>
      %select_n3A = arith.select %broadcast_in_dim3A_39, %broadcast_in_dim3A_41, %broadcast_in_dim3A_34 : vector<1000x128xi1>, vector<1000x128xf32>
      %eq3A_42 = arith.constant 1 : i32
      %eq3A_43 = vector.broadcast %eq3A_42 : i32 to vector<1000x1xi32>
      %eq3A_44 = arith.cmpi eq, %get3A_32, %eq3A_43 : vector<1000x1xi32>
      %slice3A_45 = vector.extract_strided_slice %div3A_10 {offsets = [1, 0], sizes = [1, 128], strides = [1, 1]} : vector<16x128xf32> to vector<1x128xf32>
      %squeeze3A_46 = vector.shape_cast %slice3A_45 : vector<1x128xf32> to vector<128xf32>
      %broadcast_in_dim3A_47 = vector.shape_cast %squeeze3A_46 : vector<128xf32> to vector<1x128xf32>
      %broadcast_in_dim3A_48 = vector.shape_cast %eq3A_44 : vector<1000x1xi1> to vector<1000x1xi1>
      %broadcast_in_dim3A_49 = vector.broadcast %broadcast_in_dim3A_48 : vector<1000x1xi1> to vector<1000x128xi1>
      %broadcast_in_dim3A_50 = vector.shape_cast %broadcast_in_dim3A_47 : vector<1x128xf32> to vector<1x128xf32>
      %broadcast_in_dim3A_51 = vector.broadcast %broadcast_in_dim3A_50 : vector<1x128xf32> to vector<1000x128xf32>
      %select_n3A_52 = arith.select %broadcast_in_dim3A_49, %broadcast_in_dim3A_51, %select_n3A : vector<1000x128xi1>, vector<1000x128xf32>
      %eq3A_53 = arith.constant 2 : i32
      %eq3A_54 = vector.broadcast %eq3A_53 : i32 to vector<1000x1xi32>
      %eq3A_55 = arith.cmpi eq, %get3A_32, %eq3A_54 : vector<1000x1xi32>
      %slice3A_56 = vector.extract_strided_slice %div3A_10 {offsets = [2, 0], sizes = [1, 128], strides = [1, 1]} : vector<16x128xf32> to vector<1x128xf32>
      %squeeze3A_57 = vector.shape_cast %slice3A_56 : vector<1x128xf32> to vector<128xf32>
      %broadcast_in_dim3A_58 = vector.shape_cast %squeeze3A_57 : vector<128xf32> to vector<1x128xf32>
      %broadcast_in_dim3A_59 = vector.shape_cast %eq3A_55 : vector<1000x1xi1> to vector<1000x1xi1>
      %broadcast_in_dim3A_60 = vector.broadcast %broadcast_in_dim3A_59 : vector<1000x1xi1> to vector<1000x128xi1>
      %broadcast_in_dim3A_61 = vector.shape_cast %broadcast_in_dim3A_58 : vector<1x128xf32> to vector<1x128xf32>
      %broadcast_in_dim3A_62 = vector.broadcast %broadcast_in_dim3A_61 : vector<1x128xf32> to vector<1000x128xf32>
      %select_n3A_63 = arith.select %broadcast_in_dim3A_60, %broadcast_in_dim3A_62, %select_n3A_52 : vector<1000x128xi1>, vector<1000x128xf32>
      %eq3A_64 = arith.constant 3 : i32
      %eq3A_65 = vector.broadcast %eq3A_64 : i32 to vector<1000x1xi32>
      %eq3A_66 = arith.cmpi eq, %get3A_32, %eq3A_65 : vector<1000x1xi32>
      %slice3A_67 = vector.extract_strided_slice %div3A_10 {offsets = [3, 0], sizes = [1, 128], strides = [1, 1]} : vector<16x128xf32> to vector<1x128xf32>
      %squeeze3A_68 = vector.shape_cast %slice3A_67 : vector<1x128xf32> to vector<128xf32>
      %broadcast_in_dim3A_69 = vector.shape_cast %squeeze3A_68 : vector<128xf32> to vector<1x128xf32>
      %broadcast_in_dim3A_70 = vector.shape_cast %eq3A_66 : vector<1000x1xi1> to vector<1000x1xi1>
      %broadcast_in_dim3A_71 = vector.broadcast %broadcast_in_dim3A_70 : vector<1000x1xi1> to vector<1000x128xi1>
      %broadcast_in_dim3A_72 = vector.shape_cast %broadcast_in_dim3A_69 : vector<1x128xf32> to vector<1x128xf32>
      %broadcast_in_dim3A_73 = vector.broadcast %broadcast_in_dim3A_72 : vector<1x128xf32> to vector<1000x128xf32>
      %select_n3A_74 = arith.select %broadcast_in_dim3A_71, %broadcast_in_dim3A_73, %select_n3A_63 : vector<1000x128xi1>, vector<1000x128xf32>
      %eq3A_75 = arith.constant 4 : i32
      %eq3A_76 = vector.broadcast %eq3A_75 : i32 to vector<1000x1xi32>
      %eq3A_77 = arith.cmpi eq, %get3A_32, %eq3A_76 : vector<1000x1xi32>
      %slice3A_78 = vector.extract_strided_slice %div3A_10 {offsets = [4, 0], sizes = [1, 128], strides = [1, 1]} : vector<16x128xf32> to vector<1x128xf32>
      %squeeze3A_79 = vector.shape_cast %slice3A_78 : vector<1x128xf32> to vector<128xf32>
      %broadcast_in_dim3A_80 = vector.shape_cast %squeeze3A_79 : vector<128xf32> to vector<1x128xf32>
      %broadcast_in_dim3A_81 = vector.shape_cast %eq3A_77 : vector<1000x1xi1> to vector<1000x1xi1>
      %broadcast_in_dim3A_82 = vector.broadcast %broadcast_in_dim3A_81 : vector<1000x1xi1> to vector<1000x128xi1>
      %broadcast_in_dim3A_83 = vector.shape_cast %broadcast_in_dim3A_80 : vector<1x128xf32> to vector<1x128xf32>
      %broadcast_in_dim3A_84 = vector.broadcast %broadcast_in_dim3A_83 : vector<1x128xf32> to vector<1000x128xf32>
      %select_n3A_85 = arith.select %broadcast_in_dim3A_82, %broadcast_in_dim3A_84, %select_n3A_74 : vector<1000x128xi1>, vector<1000x128xf32>
      %eq3A_86 = arith.constant 5 : i32
      %eq3A_87 = vector.broadcast %eq3A_86 : i32 to vector<1000x1xi32>
      %eq3A_88 = arith.cmpi eq, %get3A_32, %eq3A_87 : vector<1000x1xi32>
      %slice3A_89 = vector.extract_strided_slice %div3A_10 {offsets = [5, 0], sizes = [1, 128], strides = [1, 1]} : vector<16x128xf32> to vector<1x128xf32>
      %squeeze3A_90 = vector.shape_cast %slice3A_89 : vector<1x128xf32> to vector<128xf32>
      %broadcast_in_dim3A_91 = vector.shape_cast %squeeze3A_90 : vector<128xf32> to vector<1x128xf32>
      %broadcast_in_dim3A_92 = vector.shape_cast %eq3A_88 : vector<1000x1xi1> to vector<1000x1xi1>
      %broadcast_in_dim3A_93 = vector.broadcast %broadcast_in_dim3A_92 : vector<1000x1xi1> to vector<1000x128xi1>
      %broadcast_in_dim3A_94 = vector.shape_cast %broadcast_in_dim3A_91 : vector<1x128xf32> to vector<1x128xf32>
      %broadcast_in_dim3A_95 = vector.broadcast %broadcast_in_dim3A_94 : vector<1x128xf32> to vector<1000x128xf32>
      %select_n3A_96 = arith.select %broadcast_in_dim3A_93, %broadcast_in_dim3A_95, %select_n3A_85 : vector<1000x128xi1>, vector<1000x128xf32>
      %eq3A_97 = arith.constant 6 : i32
      %eq3A_98 = vector.broadcast %eq3A_97 : i32 to vector<1000x1xi32>
      %eq3A_99 = arith.cmpi eq, %get3A_32, %eq3A_98 : vector<1000x1xi32>
      %slice3A_100 = vector.extract_strided_slice %div3A_10 {offsets = [6, 0], sizes = [1, 128], strides = [1, 1]} : vector<16x128xf32> to vector<1x128xf32>
      %squeeze3A_101 = vector.shape_cast %slice3A_100 : vector<1x128xf32> to vector<128xf32>
      %broadcast_in_dim3A_102 = vector.shape_cast %squeeze3A_101 : vector<128xf32> to vector<1x128xf32>
      %broadcast_in_dim3A_103 = vector.shape_cast %eq3A_99 : vector<1000x1xi1> to vector<1000x1xi1>
      %broadcast_in_dim3A_104 = vector.broadcast %broadcast_in_dim3A_103 : vector<1000x1xi1> to vector<1000x128xi1>
      %broadcast_in_dim3A_105 = vector.shape_cast %broadcast_in_dim3A_102 : vector<1x128xf32> to vector<1x128xf32>
      %broadcast_in_dim3A_106 = vector.broadcast %broadcast_in_dim3A_105 : vector<1x128xf32> to vector<1000x128xf32>
      %select_n3A_107 = arith.select %broadcast_in_dim3A_104, %broadcast_in_dim3A_106, %select_n3A_96 : vector<1000x128xi1>, vector<1000x128xf32>
      %eq3A_108 = arith.constant 7 : i32
      %eq3A_109 = vector.broadcast %eq3A_108 : i32 to vector<1000x1xi32>
      %eq3A_110 = arith.cmpi eq, %get3A_32, %eq3A_109 : vector<1000x1xi32>
      %slice3A_111 = vector.extract_strided_slice %div3A_10 {offsets = [7, 0], sizes = [1, 128], strides = [1, 1]} : vector<16x128xf32> to vector<1x128xf32>
      %squeeze3A_112 = vector.shape_cast %slice3A_111 : vector<1x128xf32> to vector<128xf32>
      %broadcast_in_dim3A_113 = vector.shape_cast %squeeze3A_112 : vector<128xf32> to vector<1x128xf32>
      %broadcast_in_dim3A_114 = vector.shape_cast %eq3A_110 : vector<1000x1xi1> to vector<1000x1xi1>
      %broadcast_in_dim3A_115 = vector.broadcast %broadcast_in_dim3A_114 : vector<1000x1xi1> to vector<1000x128xi1>
      %broadcast_in_dim3A_116 = vector.shape_cast %broadcast_in_dim3A_113 : vector<1x128xf32> to vector<1x128xf32>
      %broadcast_in_dim3A_117 = vector.broadcast %broadcast_in_dim3A_116 : vector<1x128xf32> to vector<1000x128xf32>
      %select_n3A_118 = arith.select %broadcast_in_dim3A_115, %broadcast_in_dim3A_117, %select_n3A_107 : vector<1000x128xi1>, vector<1000x128xf32>
      %eq3A_119 = arith.constant 8 : i32
      %eq3A_120 = vector.broadcast %eq3A_119 : i32 to vector<1000x1xi32>
      %eq3A_121 = arith.cmpi eq, %get3A_32, %eq3A_120 : vector<1000x1xi32>
      %slice3A_122 = vector.extract_strided_slice %div3A_10 {offsets = [8, 0], sizes = [1, 128], strides = [1, 1]} : vector<16x128xf32> to vector<1x128xf32>
      %squeeze3A_123 = vector.shape_cast %slice3A_122 : vector<1x128xf32> to vector<128xf32>
      %broadcast_in_dim3A_124 = vector.shape_cast %squeeze3A_123 : vector<128xf32> to vector<1x128xf32>
      %broadcast_in_dim3A_125 = vector.shape_cast %eq3A_121 : vector<1000x1xi1> to vector<1000x1xi1>
      %broadcast_in_dim3A_126 = vector.broadcast %broadcast_in_dim3A_125 : vector<1000x1xi1> to vector<1000x128xi1>
      %broadcast_in_dim3A_127 = vector.shape_cast %broadcast_in_dim3A_124 : vector<1x128xf32> to vector<1x128xf32>
      %broadcast_in_dim3A_128 = vector.broadcast %broadcast_in_dim3A_127 : vector<1x128xf32> to vector<1000x128xf32>
      %select_n3A_129 = arith.select %broadcast_in_dim3A_126, %broadcast_in_dim3A_128, %select_n3A_118 : vector<1000x128xi1>, vector<1000x128xf32>
      %eq3A_130 = arith.constant 9 : i32
      %eq3A_131 = vector.broadcast %eq3A_130 : i32 to vector<1000x1xi32>
      %eq3A_132 = arith.cmpi eq, %get3A_32, %eq3A_131 : vector<1000x1xi32>
      %slice3A_133 = vector.extract_strided_slice %div3A_10 {offsets = [9, 0], sizes = [1, 128], strides = [1, 1]} : vector<16x128xf32> to vector<1x128xf32>
      %squeeze3A_134 = vector.shape_cast %slice3A_133 : vector<1x128xf32> to vector<128xf32>
      %broadcast_in_dim3A_135 = vector.shape_cast %squeeze3A_134 : vector<128xf32> to vector<1x128xf32>
      %broadcast_in_dim3A_136 = vector.shape_cast %eq3A_132 : vector<1000x1xi1> to vector<1000x1xi1>
      %broadcast_in_dim3A_137 = vector.broadcast %broadcast_in_dim3A_136 : vector<1000x1xi1> to vector<1000x128xi1>
      %broadcast_in_dim3A_138 = vector.shape_cast %broadcast_in_dim3A_135 : vector<1x128xf32> to vector<1x128xf32>
      %broadcast_in_dim3A_139 = vector.broadcast %broadcast_in_dim3A_138 : vector<1x128xf32> to vector<1000x128xf32>
      %select_n3A_140 = arith.select %broadcast_in_dim3A_137, %broadcast_in_dim3A_139, %select_n3A_129 : vector<1000x128xi1>, vector<1000x128xf32>
      %eq3A_141 = arith.constant 10 : i32
      %eq3A_142 = vector.broadcast %eq3A_141 : i32 to vector<1000x1xi32>
      %eq3A_143 = arith.cmpi eq, %get3A_32, %eq3A_142 : vector<1000x1xi32>
      %slice3A_144 = vector.extract_strided_slice %div3A_10 {offsets = [10, 0], sizes = [1, 128], strides = [1, 1]} : vector<16x128xf32> to vector<1x128xf32>
      %squeeze3A_145 = vector.shape_cast %slice3A_144 : vector<1x128xf32> to vector<128xf32>
      %broadcast_in_dim3A_146 = vector.shape_cast %squeeze3A_145 : vector<128xf32> to vector<1x128xf32>
      %broadcast_in_dim3A_147 = vector.shape_cast %eq3A_143 : vector<1000x1xi1> to vector<1000x1xi1>
      %broadcast_in_dim3A_148 = vector.broadcast %broadcast_in_dim3A_147 : vector<1000x1xi1> to vector<1000x128xi1>
      %broadcast_in_dim3A_149 = vector.shape_cast %broadcast_in_dim3A_146 : vector<1x128xf32> to vector<1x128xf32>
      %broadcast_in_dim3A_150 = vector.broadcast %broadcast_in_dim3A_149 : vector<1x128xf32> to vector<1000x128xf32>
      %select_n3A_151 = arith.select %broadcast_in_dim3A_148, %broadcast_in_dim3A_150, %select_n3A_140 : vector<1000x128xi1>, vector<1000x128xf32>
      %eq3A_152 = arith.constant 11 : i32
      %eq3A_153 = vector.broadcast %eq3A_152 : i32 to vector<1000x1xi32>
      %eq3A_154 = arith.cmpi eq, %get3A_32, %eq3A_153 : vector<1000x1xi32>
      %slice3A_155 = vector.extract_strided_slice %div3A_10 {offsets = [11, 0], sizes = [1, 128], strides = [1, 1]} : vector<16x128xf32> to vector<1x128xf32>
      %squeeze3A_156 = vector.shape_cast %slice3A_155 : vector<1x128xf32> to vector<128xf32>
      %broadcast_in_dim3A_157 = vector.shape_cast %squeeze3A_156 : vector<128xf32> to vector<1x128xf32>
      %broadcast_in_dim3A_158 = vector.shape_cast %eq3A_154 : vector<1000x1xi1> to vector<1000x1xi1>
      %broadcast_in_dim3A_159 = vector.broadcast %broadcast_in_dim3A_158 : vector<1000x1xi1> to vector<1000x128xi1>
      %broadcast_in_dim3A_160 = vector.shape_cast %broadcast_in_dim3A_157 : vector<1x128xf32> to vector<1x128xf32>
      %broadcast_in_dim3A_161 = vector.broadcast %broadcast_in_dim3A_160 : vector<1x128xf32> to vector<1000x128xf32>
      %select_n3A_162 = arith.select %broadcast_in_dim3A_159, %broadcast_in_dim3A_161, %select_n3A_151 : vector<1000x128xi1>, vector<1000x128xf32>
      %eq3A_163 = arith.constant 12 : i32
      %eq3A_164 = vector.broadcast %eq3A_163 : i32 to vector<1000x1xi32>
      %eq3A_165 = arith.cmpi eq, %get3A_32, %eq3A_164 : vector<1000x1xi32>
      %slice3A_166 = vector.extract_strided_slice %div3A_10 {offsets = [12, 0], sizes = [1, 128], strides = [1, 1]} : vector<16x128xf32> to vector<1x128xf32>
      %squeeze3A_167 = vector.shape_cast %slice3A_166 : vector<1x128xf32> to vector<128xf32>
      %broadcast_in_dim3A_168 = vector.shape_cast %squeeze3A_167 : vector<128xf32> to vector<1x128xf32>
      %broadcast_in_dim3A_169 = vector.shape_cast %eq3A_165 : vector<1000x1xi1> to vector<1000x1xi1>
      %broadcast_in_dim3A_170 = vector.broadcast %broadcast_in_dim3A_169 : vector<1000x1xi1> to vector<1000x128xi1>
      %broadcast_in_dim3A_171 = vector.shape_cast %broadcast_in_dim3A_168 : vector<1x128xf32> to vector<1x128xf32>
      %broadcast_in_dim3A_172 = vector.broadcast %broadcast_in_dim3A_171 : vector<1x128xf32> to vector<1000x128xf32>
      %select_n3A_173 = arith.select %broadcast_in_dim3A_170, %broadcast_in_dim3A_172, %select_n3A_162 : vector<1000x128xi1>, vector<1000x128xf32>
      %eq3A_174 = arith.constant 13 : i32
      %eq3A_175 = vector.broadcast %eq3A_174 : i32 to vector<1000x1xi32>
      %eq3A_176 = arith.cmpi eq, %get3A_32, %eq3A_175 : vector<1000x1xi32>
      %slice3A_177 = vector.extract_strided_slice %div3A_10 {offsets = [13, 0], sizes = [1, 128], strides = [1, 1]} : vector<16x128xf32> to vector<1x128xf32>
      %squeeze3A_178 = vector.shape_cast %slice3A_177 : vector<1x128xf32> to vector<128xf32>
      %broadcast_in_dim3A_179 = vector.shape_cast %squeeze3A_178 : vector<128xf32> to vector<1x128xf32>
      %broadcast_in_dim3A_180 = vector.shape_cast %eq3A_176 : vector<1000x1xi1> to vector<1000x1xi1>
      %broadcast_in_dim3A_181 = vector.broadcast %broadcast_in_dim3A_180 : vector<1000x1xi1> to vector<1000x128xi1>
      %broadcast_in_dim3A_182 = vector.shape_cast %broadcast_in_dim3A_179 : vector<1x128xf32> to vector<1x128xf32>
      %broadcast_in_dim3A_183 = vector.broadcast %broadcast_in_dim3A_182 : vector<1x128xf32> to vector<1000x128xf32>
      %select_n3A_184 = arith.select %broadcast_in_dim3A_181, %broadcast_in_dim3A_183, %select_n3A_173 : vector<1000x128xi1>, vector<1000x128xf32>
      %eq3A_185 = arith.constant 14 : i32
      %eq3A_186 = vector.broadcast %eq3A_185 : i32 to vector<1000x1xi32>
      %eq3A_187 = arith.cmpi eq, %get3A_32, %eq3A_186 : vector<1000x1xi32>
      %slice3A_188 = vector.extract_strided_slice %div3A_10 {offsets = [14, 0], sizes = [1, 128], strides = [1, 1]} : vector<16x128xf32> to vector<1x128xf32>
      %squeeze3A_189 = vector.shape_cast %slice3A_188 : vector<1x128xf32> to vector<128xf32>
      %broadcast_in_dim3A_190 = vector.shape_cast %squeeze3A_189 : vector<128xf32> to vector<1x128xf32>
      %broadcast_in_dim3A_191 = vector.shape_cast %eq3A_187 : vector<1000x1xi1> to vector<1000x1xi1>
      %broadcast_in_dim3A_192 = vector.broadcast %broadcast_in_dim3A_191 : vector<1000x1xi1> to vector<1000x128xi1>
      %broadcast_in_dim3A_193 = vector.shape_cast %broadcast_in_dim3A_190 : vector<1x128xf32> to vector<1x128xf32>
      %broadcast_in_dim3A_194 = vector.broadcast %broadcast_in_dim3A_193 : vector<1x128xf32> to vector<1000x128xf32>
      %select_n3A_195 = arith.select %broadcast_in_dim3A_192, %broadcast_in_dim3A_194, %select_n3A_184 : vector<1000x128xi1>, vector<1000x128xf32>
      %eq3A_196 = arith.constant 15 : i32
      %eq3A_197 = vector.broadcast %eq3A_196 : i32 to vector<1000x1xi32>
      %eq3A_198 = arith.cmpi eq, %get3A_32, %eq3A_197 : vector<1000x1xi32>
      %slice3A_199 = vector.extract_strided_slice %div3A_10 {offsets = [15, 0], sizes = [1, 128], strides = [1, 1]} : vector<16x128xf32> to vector<1x128xf32>
      %squeeze3A_200 = vector.shape_cast %slice3A_199 : vector<1x128xf32> to vector<128xf32>
      %broadcast_in_dim3A_201 = vector.shape_cast %squeeze3A_200 : vector<128xf32> to vector<1x128xf32>
      %broadcast_in_dim3A_202 = vector.shape_cast %eq3A_198 : vector<1000x1xi1> to vector<1000x1xi1>
      %broadcast_in_dim3A_203 = vector.broadcast %broadcast_in_dim3A_202 : vector<1000x1xi1> to vector<1000x128xi1>
      %broadcast_in_dim3A_204 = vector.shape_cast %broadcast_in_dim3A_201 : vector<1x128xf32> to vector<1x128xf32>
      %broadcast_in_dim3A_205 = vector.broadcast %broadcast_in_dim3A_204 : vector<1x128xf32> to vector<1000x128xf32>
      %select_n3A_206 = arith.select %broadcast_in_dim3A_203, %broadcast_in_dim3A_205, %select_n3A_195 : vector<1000x128xi1>, vector<1000x128xf32>
      %get3A_207 = arith.index_cast %mul3A_30 : i32 to index
      %get3A_208 = arith.constant 0 : index
      %get3A_209 = vector.load %arg9[%get3A_207, %get3A_208] : memref<10000x128xf32, #tpu.memory_space<vmem>>, vector<1000x128xf32>
      %get3A_210 = arith.constant 0 : index
      %get3A_211 = vector.load %arg7[%get3A_210] : memref<128xf32, #tpu.memory_space<vmem>>, vector<128xf32>
      %broadcast_in_dim3A_212 = vector.shape_cast %get3A_211 : vector<128xf32> to vector<1x128xf32>
      %mul3A_213 = vector.broadcast %broadcast_in_dim3A_212 : vector<1x128xf32> to vector<1000x128xf32>
      %mul3A_214 = arith.mulf %select_n3A_206, %mul3A_213 : vector<1000x128xf32>
      %sub3A = arith.subf %get3A_209, %mul3A_214 : vector<1000x128xf32>
      %swap3A = arith.index_cast %mul3A_30 : i32 to index
      %swap3A_215 = arith.constant 0 : index
      %swap3A_216 = vector.load %arg9[%swap3A, %swap3A_215] : memref<10000x128xf32, #tpu.memory_space<vmem>>, vector<1000x128xf32>
      tpu.vector_store %arg9[%swap3A, %swap3A_215], %sub3A {strides = array<i32>} : memref<10000x128xf32, #tpu.memory_space<vmem>>, vector<1000x128xf32>,
      %eq3A_217 = arith.constant 0 : i32
      %eq3A_218 = vector.broadcast %eq3A_217 : i32 to vector<16x1xi32>
      %eq3A_219 = arith.cmpi eq, %iota3A, %eq3A_218 : vector<16x1xi32>
      %convert_element_type3A = arith.extui %eq3A_219 : vector<16x1xi1> to vector<16x1xi32>
      %convert_element_type3A_220 = arith.sitofp %convert_element_type3A : vector<16x1xi32> to vector<16x1xf32>
      %eq3A_221 = arith.constant 0 : i32
      %eq3A_222 = vector.broadcast %eq3A_221 : i32 to vector<1000x1xi32>
      %eq3A_223 = arith.cmpi eq, %get3A_32, %eq3A_222 : vector<1000x1xi32>
      %mul3A_224 = arith.mulf %sub3A, %sub3A : vector<1000x128xf32>
      %jit3A = arith.constant 0.000000e+00 : f32
      %broadcast_in_dim3A_225 = vector.shape_cast %eq3A_223 : vector<1000x1xi1> to vector<1000x1xi1>
      %broadcast_in_dim3A_226 = vector.broadcast %broadcast_in_dim3A_225 : vector<1000x1xi1> to vector<1000x128xi1>
      %broadcast_in_dim3A_227 = vector.broadcast %jit3A : f32 to vector<1000x128xf32>
      %select_n3A_228 = arith.select %broadcast_in_dim3A_226, %mul3A_224, %broadcast_in_dim3A_227 : vector<1000x128xi1>, vector<1000x128xf32>
      %reduce_sum3A = arith.constant dense<0.000000e+00> : vector<128xf32>
      %reduce_sum3A_229 = vector.multi_reduction <add>, %select_n3A_228, %reduce_sum3A [0] : vector<1000x128xf32> to vector<128xf32>
      %broadcast_in_dim3A_230 = vector.shape_cast %reduce_sum3A_229 : vector<128xf32> to vector<1x128xf32>
      %mul3A_231 = vector.broadcast %convert_element_type3A_220 : vector<16x1xf32> to vector<16x128xf32>
      %mul3A_232 = vector.broadcast %broadcast_in_dim3A_230 : vector<1x128xf32> to vector<16x128xf32>
      %mul3A_233 = arith.mulf %mul3A_231, %mul3A_232 : vector<16x128xf32>
      %add3A_234 = arith.addf %scan3A_29, %mul3A_233 : vector<16x128xf32>
      %eq3A_235 = arith.constant 1 : i32
      %eq3A_236 = vector.broadcast %eq3A_235 : i32 to vector<16x1xi32>
      %eq3A_237 = arith.cmpi eq, %iota3A, %eq3A_236 : vector<16x1xi32>
      %convert_element_type3A_238 = arith.extui %eq3A_237 : vector<16x1xi1> to vector<16x1xi32>
      %convert_element_type3A_239 = arith.sitofp %convert_element_type3A_238 : vector<16x1xi32> to vector<16x1xf32>
      %eq3A_240 = arith.constant 1 : i32
      %eq3A_241 = vector.broadcast %eq3A_240 : i32 to vector<1000x1xi32>
      %eq3A_242 = arith.cmpi eq, %get3A_32, %eq3A_241 : vector<1000x1xi32>
      %mul3A_243 = arith.mulf %sub3A, %sub3A : vector<1000x128xf32>
      %jit3A_244 = arith.constant 0.000000e+00 : f32
      %broadcast_in_dim3A_245 = vector.shape_cast %eq3A_242 : vector<1000x1xi1> to vector<1000x1xi1>
      %broadcast_in_dim3A_246 = vector.broadcast %broadcast_in_dim3A_245 : vector<1000x1xi1> to vector<1000x128xi1>
      %broadcast_in_dim3A_247 = vector.broadcast %jit3A_244 : f32 to vector<1000x128xf32>
      %select_n3A_248 = arith.select %broadcast_in_dim3A_246, %mul3A_243, %broadcast_in_dim3A_247 : vector<1000x128xi1>, vector<1000x128xf32>
      %reduce_sum3A_249 = arith.constant dense<0.000000e+00> : vector<128xf32>
      %reduce_sum3A_250 = vector.multi_reduction <add>, %select_n3A_248, %reduce_sum3A_249 [0] : vector<1000x128xf32> to vector<128xf32>
      %broadcast_in_dim3A_251 = vector.shape_cast %reduce_sum3A_250 : vector<128xf32> to vector<1x128xf32>
      %mul3A_252 = vector.broadcast %convert_element_type3A_239 : vector<16x1xf32> to vector<16x128xf32>
      %mul3A_253 = vector.broadcast %broadcast_in_dim3A_251 : vector<1x128xf32> to vector<16x128xf32>
      %mul3A_254 = arith.mulf %mul3A_252, %mul3A_253 : vector<16x128xf32>
      %add3A_255 = arith.addf %add3A_234, %mul3A_254 : vector<16x128xf32>
      %eq3A_256 = arith.constant 2 : i32
      %eq3A_257 = vector.broadcast %eq3A_256 : i32 to vector<16x1xi32>
      %eq3A_258 = arith.cmpi eq, %iota3A, %eq3A_257 : vector<16x1xi32>
      %convert_element_type3A_259 = arith.extui %eq3A_258 : vector<16x1xi1> to vector<16x1xi32>
      %convert_element_type3A_260 = arith.sitofp %convert_element_type3A_259 : vector<16x1xi32> to vector<16x1xf32>
      %eq3A_261 = arith.constant 2 : i32
      %eq3A_262 = vector.broadcast %eq3A_261 : i32 to vector<1000x1xi32>
      %eq3A_263 = arith.cmpi eq, %get3A_32, %eq3A_262 : vector<1000x1xi32>
      %mul3A_264 = arith.mulf %sub3A, %sub3A : vector<1000x128xf32>
      %jit3A_265 = arith.constant 0.000000e+00 : f32
      %broadcast_in_dim3A_266 = vector.shape_cast %eq3A_263 : vector<1000x1xi1> to vector<1000x1xi1>
      %broadcast_in_dim3A_267 = vector.broadcast %broadcast_in_dim3A_266 : vector<1000x1xi1> to vector<1000x128xi1>
      %broadcast_in_dim3A_268 = vector.broadcast %jit3A_265 : f32 to vector<1000x128xf32>
      %select_n3A_269 = arith.select %broadcast_in_dim3A_267, %mul3A_264, %broadcast_in_dim3A_268 : vector<1000x128xi1>, vector<1000x128xf32>
      %reduce_sum3A_270 = arith.constant dense<0.000000e+00> : vector<128xf32>
      %reduce_sum3A_271 = vector.multi_reduction <add>, %select_n3A_269, %reduce_sum3A_270 [0] : vector<1000x128xf32> to vector<128xf32>
      %broadcast_in_dim3A_272 = vector.shape_cast %reduce_sum3A_271 : vector<128xf32> to vector<1x128xf32>
      %mul3A_273 = vector.broadcast %convert_element_type3A_260 : vector<16x1xf32> to vector<16x128xf32>
      %mul3A_274 = vector.broadcast %broadcast_in_dim3A_272 : vector<1x128xf32> to vector<16x128xf32>
      %mul3A_275 = arith.mulf %mul3A_273, %mul3A_274 : vector<16x128xf32>
      %add3A_276 = arith.addf %add3A_255, %mul3A_275 : vector<16x128xf32>
      %eq3A_277 = arith.constant 3 : i32
      %eq3A_278 = vector.broadcast %eq3A_277 : i32 to vector<16x1xi32>
      %eq3A_279 = arith.cmpi eq, %iota3A, %eq3A_278 : vector<16x1xi32>
      %convert_element_type3A_280 = arith.extui %eq3A_279 : vector<16x1xi1> to vector<16x1xi32>
      %convert_element_type3A_281 = arith.sitofp %convert_element_type3A_280 : vector<16x1xi32> to vector<16x1xf32>
      %eq3A_282 = arith.constant 3 : i32
      %eq3A_283 = vector.broadcast %eq3A_282 : i32 to vector<1000x1xi32>
      %eq3A_284 = arith.cmpi eq, %get3A_32, %eq3A_283 : vector<1000x1xi32>
      %mul3A_285 = arith.mulf %sub3A, %sub3A : vector<1000x128xf32>
      %jit3A_286 = arith.constant 0.000000e+00 : f32
      %broadcast_in_dim3A_287 = vector.shape_cast %eq3A_284 : vector<1000x1xi1> to vector<1000x1xi1>
      %broadcast_in_dim3A_288 = vector.broadcast %broadcast_in_dim3A_287 : vector<1000x1xi1> to vector<1000x128xi1>
      %broadcast_in_dim3A_289 = vector.broadcast %jit3A_286 : f32 to vector<1000x128xf32>
      %select_n3A_290 = arith.select %broadcast_in_dim3A_288, %mul3A_285, %broadcast_in_dim3A_289 : vector<1000x128xi1>, vector<1000x128xf32>
      %reduce_sum3A_291 = arith.constant dense<0.000000e+00> : vector<128xf32>
      %reduce_sum3A_292 = vector.multi_reduction <add>, %select_n3A_290, %reduce_sum3A_291 [0] : vector<1000x128xf32> to vector<128xf32>
      %broadcast_in_dim3A_293 = vector.shape_cast %reduce_sum3A_292 : vector<128xf32> to vector<1x128xf32>
      %mul3A_294 = vector.broadcast %convert_element_type3A_281 : vector<16x1xf32> to vector<16x128xf32>
      %mul3A_295 = vector.broadcast %broadcast_in_dim3A_293 : vector<1x128xf32> to vector<16x128xf32>
      %mul3A_296 = arith.mulf %mul3A_294, %mul3A_295 : vector<16x128xf32>
      %add3A_297 = arith.addf %add3A_276, %mul3A_296 : vector<16x128xf32>
      %eq3A_298 = arith.constant 4 : i32
      %eq3A_299 = vector.broadcast %eq3A_298 : i32 to vector<16x1xi32>
      %eq3A_300 = arith.cmpi eq, %iota3A, %eq3A_299 : vector<16x1xi32>
      %convert_element_type3A_301 = arith.extui %eq3A_300 : vector<16x1xi1> to vector<16x1xi32>
      %convert_element_type3A_302 = arith.sitofp %convert_element_type3A_301 : vector<16x1xi32> to vector<16x1xf32>
      %eq3A_303 = arith.constant 4 : i32
      %eq3A_304 = vector.broadcast %eq3A_303 : i32 to vector<1000x1xi32>
      %eq3A_305 = arith.cmpi eq, %get3A_32, %eq3A_304 : vector<1000x1xi32>
      %mul3A_306 = arith.mulf %sub3A, %sub3A : vector<1000x128xf32>
      %jit3A_307 = arith.constant 0.000000e+00 : f32
      %broadcast_in_dim3A_308 = vector.shape_cast %eq3A_305 : vector<1000x1xi1> to vector<1000x1xi1>
      %broadcast_in_dim3A_309 = vector.broadcast %broadcast_in_dim3A_308 : vector<1000x1xi1> to vector<1000x128xi1>
      %broadcast_in_dim3A_310 = vector.broadcast %jit3A_307 : f32 to vector<1000x128xf32>
      %select_n3A_311 = arith.select %broadcast_in_dim3A_309, %mul3A_306, %broadcast_in_dim3A_310 : vector<1000x128xi1>, vector<1000x128xf32>
      %reduce_sum3A_312 = arith.constant dense<0.000000e+00> : vector<128xf32>
      %reduce_sum3A_313 = vector.multi_reduction <add>, %select_n3A_311, %reduce_sum3A_312 [0] : vector<1000x128xf32> to vector<128xf32>
      %broadcast_in_dim3A_314 = vector.shape_cast %reduce_sum3A_313 : vector<128xf32> to vector<1x128xf32>
      %mul3A_315 = vector.broadcast %convert_element_type3A_302 : vector<16x1xf32> to vector<16x128xf32>
      %mul3A_316 = vector.broadcast %broadcast_in_dim3A_314 : vector<1x128xf32> to vector<16x128xf32>
      %mul3A_317 = arith.mulf %mul3A_315, %mul3A_316 : vector<16x128xf32>
      %add3A_318 = arith.addf %add3A_297, %mul3A_317 : vector<16x128xf32>
      %eq3A_319 = arith.constant 5 : i32
      %eq3A_320 = vector.broadcast %eq3A_319 : i32 to vector<16x1xi32>
      %eq3A_321 = arith.cmpi eq, %iota3A, %eq3A_320 : vector<16x1xi32>
      %convert_element_type3A_322 = arith.extui %eq3A_321 : vector<16x1xi1> to vector<16x1xi32>
      %convert_element_type3A_323 = arith.sitofp %convert_element_type3A_322 : vector<16x1xi32> to vector<16x1xf32>
      %eq3A_324 = arith.constant 5 : i32
      %eq3A_325 = vector.broadcast %eq3A_324 : i32 to vector<1000x1xi32>
      %eq3A_326 = arith.cmpi eq, %get3A_32, %eq3A_325 : vector<1000x1xi32>
      %mul3A_327 = arith.mulf %sub3A, %sub3A : vector<1000x128xf32>
      %jit3A_328 = arith.constant 0.000000e+00 : f32
      %broadcast_in_dim3A_329 = vector.shape_cast %eq3A_326 : vector<1000x1xi1> to vector<1000x1xi1>
      %broadcast_in_dim3A_330 = vector.broadcast %broadcast_in_dim3A_329 : vector<1000x1xi1> to vector<1000x128xi1>
      %broadcast_in_dim3A_331 = vector.broadcast %jit3A_328 : f32 to vector<1000x128xf32>
      %select_n3A_332 = arith.select %broadcast_in_dim3A_330, %mul3A_327, %broadcast_in_dim3A_331 : vector<1000x128xi1>, vector<1000x128xf32>
      %reduce_sum3A_333 = arith.constant dense<0.000000e+00> : vector<128xf32>
      %reduce_sum3A_334 = vector.multi_reduction <add>, %select_n3A_332, %reduce_sum3A_333 [0] : vector<1000x128xf32> to vector<128xf32>
      %broadcast_in_dim3A_335 = vector.shape_cast %reduce_sum3A_334 : vector<128xf32> to vector<1x128xf32>
      %mul3A_336 = vector.broadcast %convert_element_type3A_323 : vector<16x1xf32> to vector<16x128xf32>
      %mul3A_337 = vector.broadcast %broadcast_in_dim3A_335 : vector<1x128xf32> to vector<16x128xf32>
      %mul3A_338 = arith.mulf %mul3A_336, %mul3A_337 : vector<16x128xf32>
      %add3A_339 = arith.addf %add3A_318, %mul3A_338 : vector<16x128xf32>
      %eq3A_340 = arith.constant 6 : i32
      %eq3A_341 = vector.broadcast %eq3A_340 : i32 to vector<16x1xi32>
      %eq3A_342 = arith.cmpi eq, %iota3A, %eq3A_341 : vector<16x1xi32>
      %convert_element_type3A_343 = arith.extui %eq3A_342 : vector<16x1xi1> to vector<16x1xi32>
      %convert_element_type3A_344 = arith.sitofp %convert_element_type3A_343 : vector<16x1xi32> to vector<16x1xf32>
      %eq3A_345 = arith.constant 6 : i32
      %eq3A_346 = vector.broadcast %eq3A_345 : i32 to vector<1000x1xi32>
      %eq3A_347 = arith.cmpi eq, %get3A_32, %eq3A_346 : vector<1000x1xi32>
      %mul3A_348 = arith.mulf %sub3A, %sub3A : vector<1000x128xf32>
      %jit3A_349 = arith.constant 0.000000e+00 : f32
      %broadcast_in_dim3A_350 = vector.shape_cast %eq3A_347 : vector<1000x1xi1> to vector<1000x1xi1>
      %broadcast_in_dim3A_351 = vector.broadcast %broadcast_in_dim3A_350 : vector<1000x1xi1> to vector<1000x128xi1>
      %broadcast_in_dim3A_352 = vector.broadcast %jit3A_349 : f32 to vector<1000x128xf32>
      %select_n3A_353 = arith.select %broadcast_in_dim3A_351, %mul3A_348, %broadcast_in_dim3A_352 : vector<1000x128xi1>, vector<1000x128xf32>
      %reduce_sum3A_354 = arith.constant dense<0.000000e+00> : vector<128xf32>
      %reduce_sum3A_355 = vector.multi_reduction <add>, %select_n3A_353, %reduce_sum3A_354 [0] : vector<1000x128xf32> to vector<128xf32>
      %broadcast_in_dim3A_356 = vector.shape_cast %reduce_sum3A_355 : vector<128xf32> to vector<1x128xf32>
      %mul3A_357 = vector.broadcast %convert_element_type3A_344 : vector<16x1xf32> to vector<16x128xf32>
      %mul3A_358 = vector.broadcast %broadcast_in_dim3A_356 : vector<1x128xf32> to vector<16x128xf32>
      %mul3A_359 = arith.mulf %mul3A_357, %mul3A_358 : vector<16x128xf32>
      %add3A_360 = arith.addf %add3A_339, %mul3A_359 : vector<16x128xf32>
      %eq3A_361 = arith.constant 7 : i32
      %eq3A_362 = vector.broadcast %eq3A_361 : i32 to vector<16x1xi32>
      %eq3A_363 = arith.cmpi eq, %iota3A, %eq3A_362 : vector<16x1xi32>
      %convert_element_type3A_364 = arith.extui %eq3A_363 : vector<16x1xi1> to vector<16x1xi32>
      %convert_element_type3A_365 = arith.sitofp %convert_element_type3A_364 : vector<16x1xi32> to vector<16x1xf32>
      %eq3A_366 = arith.constant 7 : i32
      %eq3A_367 = vector.broadcast %eq3A_366 : i32 to vector<1000x1xi32>
      %eq3A_368 = arith.cmpi eq, %get3A_32, %eq3A_367 : vector<1000x1xi32>
      %mul3A_369 = arith.mulf %sub3A, %sub3A : vector<1000x128xf32>
      %jit3A_370 = arith.constant 0.000000e+00 : f32
      %broadcast_in_dim3A_371 = vector.shape_cast %eq3A_368 : vector<1000x1xi1> to vector<1000x1xi1>
      %broadcast_in_dim3A_372 = vector.broadcast %broadcast_in_dim3A_371 : vector<1000x1xi1> to vector<1000x128xi1>
      %broadcast_in_dim3A_373 = vector.broadcast %jit3A_370 : f32 to vector<1000x128xf32>
      %select_n3A_374 = arith.select %broadcast_in_dim3A_372, %mul3A_369, %broadcast_in_dim3A_373 : vector<1000x128xi1>, vector<1000x128xf32>
      %reduce_sum3A_375 = arith.constant dense<0.000000e+00> : vector<128xf32>
      %reduce_sum3A_376 = vector.multi_reduction <add>, %select_n3A_374, %reduce_sum3A_375 [0] : vector<1000x128xf32> to vector<128xf32>
      %broadcast_in_dim3A_377 = vector.shape_cast %reduce_sum3A_376 : vector<128xf32> to vector<1x128xf32>
      %mul3A_378 = vector.broadcast %convert_element_type3A_365 : vector<16x1xf32> to vector<16x128xf32>
      %mul3A_379 = vector.broadcast %broadcast_in_dim3A_377 : vector<1x128xf32> to vector<16x128xf32>
      %mul3A_380 = arith.mulf %mul3A_378, %mul3A_379 : vector<16x128xf32>
      %add3A_381 = arith.addf %add3A_360, %mul3A_380 : vector<16x128xf32>
      %eq3A_382 = arith.constant 8 : i32
      %eq3A_383 = vector.broadcast %eq3A_382 : i32 to vector<16x1xi32>
      %eq3A_384 = arith.cmpi eq, %iota3A, %eq3A_383 : vector<16x1xi32>
      %convert_element_type3A_385 = arith.extui %eq3A_384 : vector<16x1xi1> to vector<16x1xi32>
      %convert_element_type3A_386 = arith.sitofp %convert_element_type3A_385 : vector<16x1xi32> to vector<16x1xf32>
      %eq3A_387 = arith.constant 8 : i32
      %eq3A_388 = vector.broadcast %eq3A_387 : i32 to vector<1000x1xi32>
      %eq3A_389 = arith.cmpi eq, %get3A_32, %eq3A_388 : vector<1000x1xi32>
      %mul3A_390 = arith.mulf %sub3A, %sub3A : vector<1000x128xf32>
      %jit3A_391 = arith.constant 0.000000e+00 : f32
      %broadcast_in_dim3A_392 = vector.shape_cast %eq3A_389 : vector<1000x1xi1> to vector<1000x1xi1>
      %broadcast_in_dim3A_393 = vector.broadcast %broadcast_in_dim3A_392 : vector<1000x1xi1> to vector<1000x128xi1>
      %broadcast_in_dim3A_394 = vector.broadcast %jit3A_391 : f32 to vector<1000x128xf32>
      %select_n3A_395 = arith.select %broadcast_in_dim3A_393, %mul3A_390, %broadcast_in_dim3A_394 : vector<1000x128xi1>, vector<1000x128xf32>
      %reduce_sum3A_396 = arith.constant dense<0.000000e+00> : vector<128xf32>
      %reduce_sum3A_397 = vector.multi_reduction <add>, %select_n3A_395, %reduce_sum3A_396 [0] : vector<1000x128xf32> to vector<128xf32>
      %broadcast_in_dim3A_398 = vector.shape_cast %reduce_sum3A_397 : vector<128xf32> to vector<1x128xf32>
      %mul3A_399 = vector.broadcast %convert_element_type3A_386 : vector<16x1xf32> to vector<16x128xf32>
      %mul3A_400 = vector.broadcast %broadcast_in_dim3A_398 : vector<1x128xf32> to vector<16x128xf32>
      %mul3A_401 = arith.mulf %mul3A_399, %mul3A_400 : vector<16x128xf32>
      %add3A_402 = arith.addf %add3A_381, %mul3A_401 : vector<16x128xf32>
      %eq3A_403 = arith.constant 9 : i32
      %eq3A_404 = vector.broadcast %eq3A_403 : i32 to vector<16x1xi32>
      %eq3A_405 = arith.cmpi eq, %iota3A, %eq3A_404 : vector<16x1xi32>
      %convert_element_type3A_406 = arith.extui %eq3A_405 : vector<16x1xi1> to vector<16x1xi32>
      %convert_element_type3A_407 = arith.sitofp %convert_element_type3A_406 : vector<16x1xi32> to vector<16x1xf32>
      %eq3A_408 = arith.constant 9 : i32
      %eq3A_409 = vector.broadcast %eq3A_408 : i32 to vector<1000x1xi32>
      %eq3A_410 = arith.cmpi eq, %get3A_32, %eq3A_409 : vector<1000x1xi32>
      %mul3A_411 = arith.mulf %sub3A, %sub3A : vector<1000x128xf32>
      %jit3A_412 = arith.constant 0.000000e+00 : f32
      %broadcast_in_dim3A_413 = vector.shape_cast %eq3A_410 : vector<1000x1xi1> to vector<1000x1xi1>
      %broadcast_in_dim3A_414 = vector.broadcast %broadcast_in_dim3A_413 : vector<1000x1xi1> to vector<1000x128xi1>
      %broadcast_in_dim3A_415 = vector.broadcast %jit3A_412 : f32 to vector<1000x128xf32>
      %select_n3A_416 = arith.select %broadcast_in_dim3A_414, %mul3A_411, %broadcast_in_dim3A_415 : vector<1000x128xi1>, vector<1000x128xf32>
      %reduce_sum3A_417 = arith.constant dense<0.000000e+00> : vector<128xf32>
      %reduce_sum3A_418 = vector.multi_reduction <add>, %select_n3A_416, %reduce_sum3A_417 [0] : vector<1000x128xf32> to vector<128xf32>
      %broadcast_in_dim3A_419 = vector.shape_cast %reduce_sum3A_418 : vector<128xf32> to vector<1x128xf32>
      %mul3A_420 = vector.broadcast %convert_element_type3A_407 : vector<16x1xf32> to vector<16x128xf32>
      %mul3A_421 = vector.broadcast %broadcast_in_dim3A_419 : vector<1x128xf32> to vector<16x128xf32>
      %mul3A_422 = arith.mulf %mul3A_420, %mul3A_421 : vector<16x128xf32>
      %add3A_423 = arith.addf %add3A_402, %mul3A_422 : vector<16x128xf32>
      %eq3A_424 = arith.constant 10 : i32
      %eq3A_425 = vector.broadcast %eq3A_424 : i32 to vector<16x1xi32>
      %eq3A_426 = arith.cmpi eq, %iota3A, %eq3A_425 : vector<16x1xi32>
      %convert_element_type3A_427 = arith.extui %eq3A_426 : vector<16x1xi1> to vector<16x1xi32>
      %convert_element_type3A_428 = arith.sitofp %convert_element_type3A_427 : vector<16x1xi32> to vector<16x1xf32>
      %eq3A_429 = arith.constant 10 : i32
      %eq3A_430 = vector.broadcast %eq3A_429 : i32 to vector<1000x1xi32>
      %eq3A_431 = arith.cmpi eq, %get3A_32, %eq3A_430 : vector<1000x1xi32>
      %mul3A_432 = arith.mulf %sub3A, %sub3A : vector<1000x128xf32>
      %jit3A_433 = arith.constant 0.000000e+00 : f32
      %broadcast_in_dim3A_434 = vector.shape_cast %eq3A_431 : vector<1000x1xi1> to vector<1000x1xi1>
      %broadcast_in_dim3A_435 = vector.broadcast %broadcast_in_dim3A_434 : vector<1000x1xi1> to vector<1000x128xi1>
      %broadcast_in_dim3A_436 = vector.broadcast %jit3A_433 : f32 to vector<1000x128xf32>
      %select_n3A_437 = arith.select %broadcast_in_dim3A_435, %mul3A_432, %broadcast_in_dim3A_436 : vector<1000x128xi1>, vector<1000x128xf32>
      %reduce_sum3A_438 = arith.constant dense<0.000000e+00> : vector<128xf32>
      %reduce_sum3A_439 = vector.multi_reduction <add>, %select_n3A_437, %reduce_sum3A_438 [0] : vector<1000x128xf32> to vector<128xf32>
      %broadcast_in_dim3A_440 = vector.shape_cast %reduce_sum3A_439 : vector<128xf32> to vector<1x128xf32>
      %mul3A_441 = vector.broadcast %convert_element_type3A_428 : vector<16x1xf32> to vector<16x128xf32>
      %mul3A_442 = vector.broadcast %broadcast_in_dim3A_440 : vector<1x128xf32> to vector<16x128xf32>
      %mul3A_443 = arith.mulf %mul3A_441, %mul3A_442 : vector<16x128xf32>
      %add3A_444 = arith.addf %add3A_423, %mul3A_443 : vector<16x128xf32>
      %eq3A_445 = arith.constant 11 : i32
      %eq3A_446 = vector.broadcast %eq3A_445 : i32 to vector<16x1xi32>
      %eq3A_447 = arith.cmpi eq, %iota3A, %eq3A_446 : vector<16x1xi32>
      %convert_element_type3A_448 = arith.extui %eq3A_447 : vector<16x1xi1> to vector<16x1xi32>
      %convert_element_type3A_449 = arith.sitofp %convert_element_type3A_448 : vector<16x1xi32> to vector<16x1xf32>
      %eq3A_450 = arith.constant 11 : i32
      %eq3A_451 = vector.broadcast %eq3A_450 : i32 to vector<1000x1xi32>
      %eq3A_452 = arith.cmpi eq, %get3A_32, %eq3A_451 : vector<1000x1xi32>
      %mul3A_453 = arith.mulf %sub3A, %sub3A : vector<1000x128xf32>
      %jit3A_454 = arith.constant 0.000000e+00 : f32
      %broadcast_in_dim3A_455 = vector.shape_cast %eq3A_452 : vector<1000x1xi1> to vector<1000x1xi1>
      %broadcast_in_dim3A_456 = vector.broadcast %broadcast_in_dim3A_455 : vector<1000x1xi1> to vector<1000x128xi1>
      %broadcast_in_dim3A_457 = vector.broadcast %jit3A_454 : f32 to vector<1000x128xf32>
      %select_n3A_458 = arith.select %broadcast_in_dim3A_456, %mul3A_453, %broadcast_in_dim3A_457 : vector<1000x128xi1>, vector<1000x128xf32>
      %reduce_sum3A_459 = arith.constant dense<0.000000e+00> : vector<128xf32>
      %reduce_sum3A_460 = vector.multi_reduction <add>, %select_n3A_458, %reduce_sum3A_459 [0] : vector<1000x128xf32> to vector<128xf32>
      %broadcast_in_dim3A_461 = vector.shape_cast %reduce_sum3A_460 : vector<128xf32> to vector<1x128xf32>
      %mul3A_462 = vector.broadcast %convert_element_type3A_449 : vector<16x1xf32> to vector<16x128xf32>
      %mul3A_463 = vector.broadcast %broadcast_in_dim3A_461 : vector<1x128xf32> to vector<16x128xf32>
      %mul3A_464 = arith.mulf %mul3A_462, %mul3A_463 : vector<16x128xf32>
      %add3A_465 = arith.addf %add3A_444, %mul3A_464 : vector<16x128xf32>
      %eq3A_466 = arith.constant 12 : i32
      %eq3A_467 = vector.broadcast %eq3A_466 : i32 to vector<16x1xi32>
      %eq3A_468 = arith.cmpi eq, %iota3A, %eq3A_467 : vector<16x1xi32>
      %convert_element_type3A_469 = arith.extui %eq3A_468 : vector<16x1xi1> to vector<16x1xi32>
      %convert_element_type3A_470 = arith.sitofp %convert_element_type3A_469 : vector<16x1xi32> to vector<16x1xf32>
      %eq3A_471 = arith.constant 12 : i32
      %eq3A_472 = vector.broadcast %eq3A_471 : i32 to vector<1000x1xi32>
      %eq3A_473 = arith.cmpi eq, %get3A_32, %eq3A_472 : vector<1000x1xi32>
      %mul3A_474 = arith.mulf %sub3A, %sub3A : vector<1000x128xf32>
      %jit3A_475 = arith.constant 0.000000e+00 : f32
      %broadcast_in_dim3A_476 = vector.shape_cast %eq3A_473 : vector<1000x1xi1> to vector<1000x1xi1>
      %broadcast_in_dim3A_477 = vector.broadcast %broadcast_in_dim3A_476 : vector<1000x1xi1> to vector<1000x128xi1>
      %broadcast_in_dim3A_478 = vector.broadcast %jit3A_475 : f32 to vector<1000x128xf32>
      %select_n3A_479 = arith.select %broadcast_in_dim3A_477, %mul3A_474, %broadcast_in_dim3A_478 : vector<1000x128xi1>, vector<1000x128xf32>
      %reduce_sum3A_480 = arith.constant dense<0.000000e+00> : vector<128xf32>
      %reduce_sum3A_481 = vector.multi_reduction <add>, %select_n3A_479, %reduce_sum3A_480 [0] : vector<1000x128xf32> to vector<128xf32>
      %broadcast_in_dim3A_482 = vector.shape_cast %reduce_sum3A_481 : vector<128xf32> to vector<1x128xf32>
      %mul3A_483 = vector.broadcast %convert_element_type3A_470 : vector<16x1xf32> to vector<16x128xf32>
      %mul3A_484 = vector.broadcast %broadcast_in_dim3A_482 : vector<1x128xf32> to vector<16x128xf32>
      %mul3A_485 = arith.mulf %mul3A_483, %mul3A_484 : vector<16x128xf32>
      %add3A_486 = arith.addf %add3A_465, %mul3A_485 : vector<16x128xf32>
      %eq3A_487 = arith.constant 13 : i32
      %eq3A_488 = vector.broadcast %eq3A_487 : i32 to vector<16x1xi32>
      %eq3A_489 = arith.cmpi eq, %iota3A, %eq3A_488 : vector<16x1xi32>
      %convert_element_type3A_490 = arith.extui %eq3A_489 : vector<16x1xi1> to vector<16x1xi32>
      %convert_element_type3A_491 = arith.sitofp %convert_element_type3A_490 : vector<16x1xi32> to vector<16x1xf32>
      %eq3A_492 = arith.constant 13 : i32
      %eq3A_493 = vector.broadcast %eq3A_492 : i32 to vector<1000x1xi32>
      %eq3A_494 = arith.cmpi eq, %get3A_32, %eq3A_493 : vector<1000x1xi32>
      %mul3A_495 = arith.mulf %sub3A, %sub3A : vector<1000x128xf32>
      %jit3A_496 = arith.constant 0.000000e+00 : f32
      %broadcast_in_dim3A_497 = vector.shape_cast %eq3A_494 : vector<1000x1xi1> to vector<1000x1xi1>
      %broadcast_in_dim3A_498 = vector.broadcast %broadcast_in_dim3A_497 : vector<1000x1xi1> to vector<1000x128xi1>
      %broadcast_in_dim3A_499 = vector.broadcast %jit3A_496 : f32 to vector<1000x128xf32>
      %select_n3A_500 = arith.select %broadcast_in_dim3A_498, %mul3A_495, %broadcast_in_dim3A_499 : vector<1000x128xi1>, vector<1000x128xf32>
      %reduce_sum3A_501 = arith.constant dense<0.000000e+00> : vector<128xf32>
      %reduce_sum3A_502 = vector.multi_reduction <add>, %select_n3A_500, %reduce_sum3A_501 [0] : vector<1000x128xf32> to vector<128xf32>
      %broadcast_in_dim3A_503 = vector.shape_cast %reduce_sum3A_502 : vector<128xf32> to vector<1x128xf32>
      %mul3A_504 = vector.broadcast %convert_element_type3A_491 : vector<16x1xf32> to vector<16x128xf32>
      %mul3A_505 = vector.broadcast %broadcast_in_dim3A_503 : vector<1x128xf32> to vector<16x128xf32>
      %mul3A_506 = arith.mulf %mul3A_504, %mul3A_505 : vector<16x128xf32>
      %add3A_507 = arith.addf %add3A_486, %mul3A_506 : vector<16x128xf32>
      %eq3A_508 = arith.constant 14 : i32
      %eq3A_509 = vector.broadcast %eq3A_508 : i32 to vector<16x1xi32>
      %eq3A_510 = arith.cmpi eq, %iota3A, %eq3A_509 : vector<16x1xi32>
      %convert_element_type3A_511 = arith.extui %eq3A_510 : vector<16x1xi1> to vector<16x1xi32>
      %convert_element_type3A_512 = arith.sitofp %convert_element_type3A_511 : vector<16x1xi32> to vector<16x1xf32>
      %eq3A_513 = arith.constant 14 : i32
      %eq3A_514 = vector.broadcast %eq3A_513 : i32 to vector<1000x1xi32>
      %eq3A_515 = arith.cmpi eq, %get3A_32, %eq3A_514 : vector<1000x1xi32>
      %mul3A_516 = arith.mulf %sub3A, %sub3A : vector<1000x128xf32>
      %jit3A_517 = arith.constant 0.000000e+00 : f32
      %broadcast_in_dim3A_518 = vector.shape_cast %eq3A_515 : vector<1000x1xi1> to vector<1000x1xi1>
      %broadcast_in_dim3A_519 = vector.broadcast %broadcast_in_dim3A_518 : vector<1000x1xi1> to vector<1000x128xi1>
      %broadcast_in_dim3A_520 = vector.broadcast %jit3A_517 : f32 to vector<1000x128xf32>
      %select_n3A_521 = arith.select %broadcast_in_dim3A_519, %mul3A_516, %broadcast_in_dim3A_520 : vector<1000x128xi1>, vector<1000x128xf32>
      %reduce_sum3A_522 = arith.constant dense<0.000000e+00> : vector<128xf32>
      %reduce_sum3A_523 = vector.multi_reduction <add>, %select_n3A_521, %reduce_sum3A_522 [0] : vector<1000x128xf32> to vector<128xf32>
      %broadcast_in_dim3A_524 = vector.shape_cast %reduce_sum3A_523 : vector<128xf32> to vector<1x128xf32>
      %mul3A_525 = vector.broadcast %convert_element_type3A_512 : vector<16x1xf32> to vector<16x128xf32>
      %mul3A_526 = vector.broadcast %broadcast_in_dim3A_524 : vector<1x128xf32> to vector<16x128xf32>
      %mul3A_527 = arith.mulf %mul3A_525, %mul3A_526 : vector<16x128xf32>
      %add3A_528 = arith.addf %add3A_507, %mul3A_527 : vector<16x128xf32>
      %eq3A_529 = arith.constant 15 : i32
      %eq3A_530 = vector.broadcast %eq3A_529 : i32 to vector<16x1xi32>
      %eq3A_531 = arith.cmpi eq, %iota3A, %eq3A_530 : vector<16x1xi32>
      %convert_element_type3A_532 = arith.extui %eq3A_531 : vector<16x1xi1> to vector<16x1xi32>
      %convert_element_type3A_533 = arith.sitofp %convert_element_type3A_532 : vector<16x1xi32> to vector<16x1xf32>
      %eq3A_534 = arith.constant 15 : i32
      %eq3A_535 = vector.broadcast %eq3A_534 : i32 to vector<1000x1xi32>
      %eq3A_536 = arith.cmpi eq, %get3A_32, %eq3A_535 : vector<1000x1xi32>
      %mul3A_537 = arith.mulf %sub3A, %sub3A : vector<1000x128xf32>
      %jit3A_538 = arith.constant 0.000000e+00 : f32
      %broadcast_in_dim3A_539 = vector.shape_cast %eq3A_536 : vector<1000x1xi1> to vector<1000x1xi1>
      %broadcast_in_dim3A_540 = vector.broadcast %broadcast_in_dim3A_539 : vector<1000x1xi1> to vector<1000x128xi1>
      %broadcast_in_dim3A_541 = vector.broadcast %jit3A_538 : f32 to vector<1000x128xf32>
      %select_n3A_542 = arith.select %broadcast_in_dim3A_540, %mul3A_537, %broadcast_in_dim3A_541 : vector<1000x128xi1>, vector<1000x128xf32>
      %reduce_sum3A_543 = arith.constant dense<0.000000e+00> : vector<128xf32>
      %reduce_sum3A_544 = vector.multi_reduction <add>, %select_n3A_542, %reduce_sum3A_543 [0] : vector<1000x128xf32> to vector<128xf32>
      %broadcast_in_dim3A_545 = vector.shape_cast %reduce_sum3A_544 : vector<128xf32> to vector<1x128xf32>
      %mul3A_546 = vector.broadcast %convert_element_type3A_533 : vector<16x1xf32> to vector<16x128xf32>
      %mul3A_547 = vector.broadcast %broadcast_in_dim3A_545 : vector<1x128xf32> to vector<16x128xf32>
      %mul3A_548 = arith.mulf %mul3A_546, %mul3A_547 : vector<16x128xf32>
      %add3A_549 = arith.addf %add3A_528, %mul3A_548 : vector<16x128xf32>
      scf.yield %add3A_549 : vector<16x128xf32>
    }
    %scan3A_18 = arith.constant 10 : i32
    %div3A_19 = vector.broadcast %max3A_9 : vector<16x1xf32> to vector<16x128xf32>
    %div3A_20 = arith.divf %scan3A_17, %div3A_19 : vector<16x128xf32>
    %add3A = arith.constant 9.99999974E-6 : f32
    %add3A_21 = vector.broadcast %add3A : f32 to vector<16x128xf32>
    %add3A_22 = arith.addf %div3A_20, %add3A_21 : vector<16x128xf32>
    %rsqrt3A = math.rsqrt %add3A_22 : vector<16x128xf32>
    %scan3A_23 = arith.constant 0 : i32
    %scan3A_24 = arith.constant 10 : i32
    %scan3A_25 = arith.addi %scan3A_23, %scan3A_24 : i32
    %scan3A_26 = arith.constant 1 : i32
    scf.for %scan3A_28 = %scan3A_23 to %scan3A_25 step %scan3A_26  : i32 {
      %mul3A = arith.constant 1000 : i32
      %mul3A_29 = arith.muli %scan3A_28, %mul3A : i32
      %get3A = arith.index_cast %mul3A_29 : i32 to index
      %get3A_30 = arith.constant 0 : index
      %get3A_31 = vector.load %arg3[%get3A, %get3A_30] : memref<10000x1xi32, #tpu.memory_space<vmem>>, vector<1000x1xi32>
      %broadcast_in_dim3A_32 = arith.constant 0.000000e+00 : f32
      %broadcast_in_dim3A_33 = vector.broadcast %broadcast_in_dim3A_32 : f32 to vector<1000x128xf32>
      %eq3A = arith.constant 0 : i32
      %eq3A_34 = vector.broadcast %eq3A : i32 to vector<1000x1xi32>
      %eq3A_35 = arith.cmpi eq, %get3A_31, %eq3A_34 : vector<1000x1xi32>
      %slice3A = vector.extract_strided_slice %rsqrt3A {offsets = [0, 0], sizes = [1, 128], strides = [1, 1]} : vector<16x128xf32> to vector<1x128xf32>
      %squeeze3A = vector.shape_cast %slice3A : vector<1x128xf32> to vector<128xf32>
      %broadcast_in_dim3A_36 = vector.shape_cast %squeeze3A : vector<128xf32> to vector<1x128xf32>
      %broadcast_in_dim3A_37 = vector.shape_cast %eq3A_35 : vector<1000x1xi1> to vector<1000x1xi1>
      %broadcast_in_dim3A_38 = vector.broadcast %broadcast_in_dim3A_37 : vector<1000x1xi1> to vector<1000x128xi1>
      %broadcast_in_dim3A_39 = vector.shape_cast %broadcast_in_dim3A_36 : vector<1x128xf32> to vector<1x128xf32>
      %broadcast_in_dim3A_40 = vector.broadcast %broadcast_in_dim3A_39 : vector<1x128xf32> to vector<1000x128xf32>
      %select_n3A = arith.select %broadcast_in_dim3A_38, %broadcast_in_dim3A_40, %broadcast_in_dim3A_33 : vector<1000x128xi1>, vector<1000x128xf32>
      %eq3A_41 = arith.constant 1 : i32
      %eq3A_42 = vector.broadcast %eq3A_41 : i32 to vector<1000x1xi32>
      %eq3A_43 = arith.cmpi eq, %get3A_31, %eq3A_42 : vector<1000x1xi32>
      %slice3A_44 = vector.extract_strided_slice %rsqrt3A {offsets = [1, 0], sizes = [1, 128], strides = [1, 1]} : vector<16x128xf32> to vector<1x128xf32>
      %squeeze3A_45 = vector.shape_cast %slice3A_44 : vector<1x128xf32> to vector<128xf32>
      %broadcast_in_dim3A_46 = vector.shape_cast %squeeze3A_45 : vector<128xf32> to vector<1x128xf32>
      %broadcast_in_dim3A_47 = vector.shape_cast %eq3A_43 : vector<1000x1xi1> to vector<1000x1xi1>
      %broadcast_in_dim3A_48 = vector.broadcast %broadcast_in_dim3A_47 : vector<1000x1xi1> to vector<1000x128xi1>
      %broadcast_in_dim3A_49 = vector.shape_cast %broadcast_in_dim3A_46 : vector<1x128xf32> to vector<1x128xf32>
      %broadcast_in_dim3A_50 = vector.broadcast %broadcast_in_dim3A_49 : vector<1x128xf32> to vector<1000x128xf32>
      %select_n3A_51 = arith.select %broadcast_in_dim3A_48, %broadcast_in_dim3A_50, %select_n3A : vector<1000x128xi1>, vector<1000x128xf32>
      %eq3A_52 = arith.constant 2 : i32
      %eq3A_53 = vector.broadcast %eq3A_52 : i32 to vector<1000x1xi32>
      %eq3A_54 = arith.cmpi eq, %get3A_31, %eq3A_53 : vector<1000x1xi32>
      %slice3A_55 = vector.extract_strided_slice %rsqrt3A {offsets = [2, 0], sizes = [1, 128], strides = [1, 1]} : vector<16x128xf32> to vector<1x128xf32>
      %squeeze3A_56 = vector.shape_cast %slice3A_55 : vector<1x128xf32> to vector<128xf32>
      %broadcast_in_dim3A_57 = vector.shape_cast %squeeze3A_56 : vector<128xf32> to vector<1x128xf32>
      %broadcast_in_dim3A_58 = vector.shape_cast %eq3A_54 : vector<1000x1xi1> to vector<1000x1xi1>
      %broadcast_in_dim3A_59 = vector.broadcast %broadcast_in_dim3A_58 : vector<1000x1xi1> to vector<1000x128xi1>
      %broadcast_in_dim3A_60 = vector.shape_cast %broadcast_in_dim3A_57 : vector<1x128xf32> to vector<1x128xf32>
      %broadcast_in_dim3A_61 = vector.broadcast %broadcast_in_dim3A_60 : vector<1x128xf32> to vector<1000x128xf32>
      %select_n3A_62 = arith.select %broadcast_in_dim3A_59, %broadcast_in_dim3A_61, %select_n3A_51 : vector<1000x128xi1>, vector<1000x128xf32>
      %eq3A_63 = arith.constant 3 : i32
      %eq3A_64 = vector.broadcast %eq3A_63 : i32 to vector<1000x1xi32>
      %eq3A_65 = arith.cmpi eq, %get3A_31, %eq3A_64 : vector<1000x1xi32>
      %slice3A_66 = vector.extract_strided_slice %rsqrt3A {offsets = [3, 0], sizes = [1, 128], strides = [1, 1]} : vector<16x128xf32> to vector<1x128xf32>
      %squeeze3A_67 = vector.shape_cast %slice3A_66 : vector<1x128xf32> to vector<128xf32>
      %broadcast_in_dim3A_68 = vector.shape_cast %squeeze3A_67 : vector<128xf32> to vector<1x128xf32>
      %broadcast_in_dim3A_69 = vector.shape_cast %eq3A_65 : vector<1000x1xi1> to vector<1000x1xi1>
      %broadcast_in_dim3A_70 = vector.broadcast %broadcast_in_dim3A_69 : vector<1000x1xi1> to vector<1000x128xi1>
      %broadcast_in_dim3A_71 = vector.shape_cast %broadcast_in_dim3A_68 : vector<1x128xf32> to vector<1x128xf32>
      %broadcast_in_dim3A_72 = vector.broadcast %broadcast_in_dim3A_71 : vector<1x128xf32> to vector<1000x128xf32>
      %select_n3A_73 = arith.select %broadcast_in_dim3A_70, %broadcast_in_dim3A_72, %select_n3A_62 : vector<1000x128xi1>, vector<1000x128xf32>
      %eq3A_74 = arith.constant 4 : i32
      %eq3A_75 = vector.broadcast %eq3A_74 : i32 to vector<1000x1xi32>
      %eq3A_76 = arith.cmpi eq, %get3A_31, %eq3A_75 : vector<1000x1xi32>
      %slice3A_77 = vector.extract_strided_slice %rsqrt3A {offsets = [4, 0], sizes = [1, 128], strides = [1, 1]} : vector<16x128xf32> to vector<1x128xf32>
      %squeeze3A_78 = vector.shape_cast %slice3A_77 : vector<1x128xf32> to vector<128xf32>
      %broadcast_in_dim3A_79 = vector.shape_cast %squeeze3A_78 : vector<128xf32> to vector<1x128xf32>
      %broadcast_in_dim3A_80 = vector.shape_cast %eq3A_76 : vector<1000x1xi1> to vector<1000x1xi1>
      %broadcast_in_dim3A_81 = vector.broadcast %broadcast_in_dim3A_80 : vector<1000x1xi1> to vector<1000x128xi1>
      %broadcast_in_dim3A_82 = vector.shape_cast %broadcast_in_dim3A_79 : vector<1x128xf32> to vector<1x128xf32>
      %broadcast_in_dim3A_83 = vector.broadcast %broadcast_in_dim3A_82 : vector<1x128xf32> to vector<1000x128xf32>
      %select_n3A_84 = arith.select %broadcast_in_dim3A_81, %broadcast_in_dim3A_83, %select_n3A_73 : vector<1000x128xi1>, vector<1000x128xf32>
      %eq3A_85 = arith.constant 5 : i32
      %eq3A_86 = vector.broadcast %eq3A_85 : i32 to vector<1000x1xi32>
      %eq3A_87 = arith.cmpi eq, %get3A_31, %eq3A_86 : vector<1000x1xi32>
      %slice3A_88 = vector.extract_strided_slice %rsqrt3A {offsets = [5, 0], sizes = [1, 128], strides = [1, 1]} : vector<16x128xf32> to vector<1x128xf32>
      %squeeze3A_89 = vector.shape_cast %slice3A_88 : vector<1x128xf32> to vector<128xf32>
      %broadcast_in_dim3A_90 = vector.shape_cast %squeeze3A_89 : vector<128xf32> to vector<1x128xf32>
      %broadcast_in_dim3A_91 = vector.shape_cast %eq3A_87 : vector<1000x1xi1> to vector<1000x1xi1>
      %broadcast_in_dim3A_92 = vector.broadcast %broadcast_in_dim3A_91 : vector<1000x1xi1> to vector<1000x128xi1>
      %broadcast_in_dim3A_93 = vector.shape_cast %broadcast_in_dim3A_90 : vector<1x128xf32> to vector<1x128xf32>
      %broadcast_in_dim3A_94 = vector.broadcast %broadcast_in_dim3A_93 : vector<1x128xf32> to vector<1000x128xf32>
      %select_n3A_95 = arith.select %broadcast_in_dim3A_92, %broadcast_in_dim3A_94, %select_n3A_84 : vector<1000x128xi1>, vector<1000x128xf32>
      %eq3A_96 = arith.constant 6 : i32
      %eq3A_97 = vector.broadcast %eq3A_96 : i32 to vector<1000x1xi32>
      %eq3A_98 = arith.cmpi eq, %get3A_31, %eq3A_97 : vector<1000x1xi32>
      %slice3A_99 = vector.extract_strided_slice %rsqrt3A {offsets = [6, 0], sizes = [1, 128], strides = [1, 1]} : vector<16x128xf32> to vector<1x128xf32>
      %squeeze3A_100 = vector.shape_cast %slice3A_99 : vector<1x128xf32> to vector<128xf32>
      %broadcast_in_dim3A_101 = vector.shape_cast %squeeze3A_100 : vector<128xf32> to vector<1x128xf32>
      %broadcast_in_dim3A_102 = vector.shape_cast %eq3A_98 : vector<1000x1xi1> to vector<1000x1xi1>
      %broadcast_in_dim3A_103 = vector.broadcast %broadcast_in_dim3A_102 : vector<1000x1xi1> to vector<1000x128xi1>
      %broadcast_in_dim3A_104 = vector.shape_cast %broadcast_in_dim3A_101 : vector<1x128xf32> to vector<1x128xf32>
      %broadcast_in_dim3A_105 = vector.broadcast %broadcast_in_dim3A_104 : vector<1x128xf32> to vector<1000x128xf32>
      %select_n3A_106 = arith.select %broadcast_in_dim3A_103, %broadcast_in_dim3A_105, %select_n3A_95 : vector<1000x128xi1>, vector<1000x128xf32>
      %eq3A_107 = arith.constant 7 : i32
      %eq3A_108 = vector.broadcast %eq3A_107 : i32 to vector<1000x1xi32>
      %eq3A_109 = arith.cmpi eq, %get3A_31, %eq3A_108 : vector<1000x1xi32>
      %slice3A_110 = vector.extract_strided_slice %rsqrt3A {offsets = [7, 0], sizes = [1, 128], strides = [1, 1]} : vector<16x128xf32> to vector<1x128xf32>
      %squeeze3A_111 = vector.shape_cast %slice3A_110 : vector<1x128xf32> to vector<128xf32>
      %broadcast_in_dim3A_112 = vector.shape_cast %squeeze3A_111 : vector<128xf32> to vector<1x128xf32>
      %broadcast_in_dim3A_113 = vector.shape_cast %eq3A_109 : vector<1000x1xi1> to vector<1000x1xi1>
      %broadcast_in_dim3A_114 = vector.broadcast %broadcast_in_dim3A_113 : vector<1000x1xi1> to vector<1000x128xi1>
      %broadcast_in_dim3A_115 = vector.shape_cast %broadcast_in_dim3A_112 : vector<1x128xf32> to vector<1x128xf32>
      %broadcast_in_dim3A_116 = vector.broadcast %broadcast_in_dim3A_115 : vector<1x128xf32> to vector<1000x128xf32>
      %select_n3A_117 = arith.select %broadcast_in_dim3A_114, %broadcast_in_dim3A_116, %select_n3A_106 : vector<1000x128xi1>, vector<1000x128xf32>
      %eq3A_118 = arith.constant 8 : i32
      %eq3A_119 = vector.broadcast %eq3A_118 : i32 to vector<1000x1xi32>
      %eq3A_120 = arith.cmpi eq, %get3A_31, %eq3A_119 : vector<1000x1xi32>
      %slice3A_121 = vector.extract_strided_slice %rsqrt3A {offsets = [8, 0], sizes = [1, 128], strides = [1, 1]} : vector<16x128xf32> to vector<1x128xf32>
      %squeeze3A_122 = vector.shape_cast %slice3A_121 : vector<1x128xf32> to vector<128xf32>
      %broadcast_in_dim3A_123 = vector.shape_cast %squeeze3A_122 : vector<128xf32> to vector<1x128xf32>
      %broadcast_in_dim3A_124 = vector.shape_cast %eq3A_120 : vector<1000x1xi1> to vector<1000x1xi1>
      %broadcast_in_dim3A_125 = vector.broadcast %broadcast_in_dim3A_124 : vector<1000x1xi1> to vector<1000x128xi1>
      %broadcast_in_dim3A_126 = vector.shape_cast %broadcast_in_dim3A_123 : vector<1x128xf32> to vector<1x128xf32>
      %broadcast_in_dim3A_127 = vector.broadcast %broadcast_in_dim3A_126 : vector<1x128xf32> to vector<1000x128xf32>
      %select_n3A_128 = arith.select %broadcast_in_dim3A_125, %broadcast_in_dim3A_127, %select_n3A_117 : vector<1000x128xi1>, vector<1000x128xf32>
      %eq3A_129 = arith.constant 9 : i32
      %eq3A_130 = vector.broadcast %eq3A_129 : i32 to vector<1000x1xi32>
      %eq3A_131 = arith.cmpi eq, %get3A_31, %eq3A_130 : vector<1000x1xi32>
      %slice3A_132 = vector.extract_strided_slice %rsqrt3A {offsets = [9, 0], sizes = [1, 128], strides = [1, 1]} : vector<16x128xf32> to vector<1x128xf32>
      %squeeze3A_133 = vector.shape_cast %slice3A_132 : vector<1x128xf32> to vector<128xf32>
      %broadcast_in_dim3A_134 = vector.shape_cast %squeeze3A_133 : vector<128xf32> to vector<1x128xf32>
      %broadcast_in_dim3A_135 = vector.shape_cast %eq3A_131 : vector<1000x1xi1> to vector<1000x1xi1>
      %broadcast_in_dim3A_136 = vector.broadcast %broadcast_in_dim3A_135 : vector<1000x1xi1> to vector<1000x128xi1>
      %broadcast_in_dim3A_137 = vector.shape_cast %broadcast_in_dim3A_134 : vector<1x128xf32> to vector<1x128xf32>
      %broadcast_in_dim3A_138 = vector.broadcast %broadcast_in_dim3A_137 : vector<1x128xf32> to vector<1000x128xf32>
      %select_n3A_139 = arith.select %broadcast_in_dim3A_136, %broadcast_in_dim3A_138, %select_n3A_128 : vector<1000x128xi1>, vector<1000x128xf32>
      %eq3A_140 = arith.constant 10 : i32
      %eq3A_141 = vector.broadcast %eq3A_140 : i32 to vector<1000x1xi32>
      %eq3A_142 = arith.cmpi eq, %get3A_31, %eq3A_141 : vector<1000x1xi32>
      %slice3A_143 = vector.extract_strided_slice %rsqrt3A {offsets = [10, 0], sizes = [1, 128], strides = [1, 1]} : vector<16x128xf32> to vector<1x128xf32>
      %squeeze3A_144 = vector.shape_cast %slice3A_143 : vector<1x128xf32> to vector<128xf32>
      %broadcast_in_dim3A_145 = vector.shape_cast %squeeze3A_144 : vector<128xf32> to vector<1x128xf32>
      %broadcast_in_dim3A_146 = vector.shape_cast %eq3A_142 : vector<1000x1xi1> to vector<1000x1xi1>
      %broadcast_in_dim3A_147 = vector.broadcast %broadcast_in_dim3A_146 : vector<1000x1xi1> to vector<1000x128xi1>
      %broadcast_in_dim3A_148 = vector.shape_cast %broadcast_in_dim3A_145 : vector<1x128xf32> to vector<1x128xf32>
      %broadcast_in_dim3A_149 = vector.broadcast %broadcast_in_dim3A_148 : vector<1x128xf32> to vector<1000x128xf32>
      %select_n3A_150 = arith.select %broadcast_in_dim3A_147, %broadcast_in_dim3A_149, %select_n3A_139 : vector<1000x128xi1>, vector<1000x128xf32>
      %eq3A_151 = arith.constant 11 : i32
      %eq3A_152 = vector.broadcast %eq3A_151 : i32 to vector<1000x1xi32>
      %eq3A_153 = arith.cmpi eq, %get3A_31, %eq3A_152 : vector<1000x1xi32>
      %slice3A_154 = vector.extract_strided_slice %rsqrt3A {offsets = [11, 0], sizes = [1, 128], strides = [1, 1]} : vector<16x128xf32> to vector<1x128xf32>
      %squeeze3A_155 = vector.shape_cast %slice3A_154 : vector<1x128xf32> to vector<128xf32>
      %broadcast_in_dim3A_156 = vector.shape_cast %squeeze3A_155 : vector<128xf32> to vector<1x128xf32>
      %broadcast_in_dim3A_157 = vector.shape_cast %eq3A_153 : vector<1000x1xi1> to vector<1000x1xi1>
      %broadcast_in_dim3A_158 = vector.broadcast %broadcast_in_dim3A_157 : vector<1000x1xi1> to vector<1000x128xi1>
      %broadcast_in_dim3A_159 = vector.shape_cast %broadcast_in_dim3A_156 : vector<1x128xf32> to vector<1x128xf32>
      %broadcast_in_dim3A_160 = vector.broadcast %broadcast_in_dim3A_159 : vector<1x128xf32> to vector<1000x128xf32>
      %select_n3A_161 = arith.select %broadcast_in_dim3A_158, %broadcast_in_dim3A_160, %select_n3A_150 : vector<1000x128xi1>, vector<1000x128xf32>
      %eq3A_162 = arith.constant 12 : i32
      %eq3A_163 = vector.broadcast %eq3A_162 : i32 to vector<1000x1xi32>
      %eq3A_164 = arith.cmpi eq, %get3A_31, %eq3A_163 : vector<1000x1xi32>
      %slice3A_165 = vector.extract_strided_slice %rsqrt3A {offsets = [12, 0], sizes = [1, 128], strides = [1, 1]} : vector<16x128xf32> to vector<1x128xf32>
      %squeeze3A_166 = vector.shape_cast %slice3A_165 : vector<1x128xf32> to vector<128xf32>
      %broadcast_in_dim3A_167 = vector.shape_cast %squeeze3A_166 : vector<128xf32> to vector<1x128xf32>
      %broadcast_in_dim3A_168 = vector.shape_cast %eq3A_164 : vector<1000x1xi1> to vector<1000x1xi1>
      %broadcast_in_dim3A_169 = vector.broadcast %broadcast_in_dim3A_168 : vector<1000x1xi1> to vector<1000x128xi1>
      %broadcast_in_dim3A_170 = vector.shape_cast %broadcast_in_dim3A_167 : vector<1x128xf32> to vector<1x128xf32>
      %broadcast_in_dim3A_171 = vector.broadcast %broadcast_in_dim3A_170 : vector<1x128xf32> to vector<1000x128xf32>
      %select_n3A_172 = arith.select %broadcast_in_dim3A_169, %broadcast_in_dim3A_171, %select_n3A_161 : vector<1000x128xi1>, vector<1000x128xf32>
      %eq3A_173 = arith.constant 13 : i32
      %eq3A_174 = vector.broadcast %eq3A_173 : i32 to vector<1000x1xi32>
      %eq3A_175 = arith.cmpi eq, %get3A_31, %eq3A_174 : vector<1000x1xi32>
      %slice3A_176 = vector.extract_strided_slice %rsqrt3A {offsets = [13, 0], sizes = [1, 128], strides = [1, 1]} : vector<16x128xf32> to vector<1x128xf32>
      %squeeze3A_177 = vector.shape_cast %slice3A_176 : vector<1x128xf32> to vector<128xf32>
      %broadcast_in_dim3A_178 = vector.shape_cast %squeeze3A_177 : vector<128xf32> to vector<1x128xf32>
      %broadcast_in_dim3A_179 = vector.shape_cast %eq3A_175 : vector<1000x1xi1> to vector<1000x1xi1>
      %broadcast_in_dim3A_180 = vector.broadcast %broadcast_in_dim3A_179 : vector<1000x1xi1> to vector<1000x128xi1>
      %broadcast_in_dim3A_181 = vector.shape_cast %broadcast_in_dim3A_178 : vector<1x128xf32> to vector<1x128xf32>
      %broadcast_in_dim3A_182 = vector.broadcast %broadcast_in_dim3A_181 : vector<1x128xf32> to vector<1000x128xf32>
      %select_n3A_183 = arith.select %broadcast_in_dim3A_180, %broadcast_in_dim3A_182, %select_n3A_172 : vector<1000x128xi1>, vector<1000x128xf32>
      %eq3A_184 = arith.constant 14 : i32
      %eq3A_185 = vector.broadcast %eq3A_184 : i32 to vector<1000x1xi32>
      %eq3A_186 = arith.cmpi eq, %get3A_31, %eq3A_185 : vector<1000x1xi32>
      %slice3A_187 = vector.extract_strided_slice %rsqrt3A {offsets = [14, 0], sizes = [1, 128], strides = [1, 1]} : vector<16x128xf32> to vector<1x128xf32>
      %squeeze3A_188 = vector.shape_cast %slice3A_187 : vector<1x128xf32> to vector<128xf32>
      %broadcast_in_dim3A_189 = vector.shape_cast %squeeze3A_188 : vector<128xf32> to vector<1x128xf32>
      %broadcast_in_dim3A_190 = vector.shape_cast %eq3A_186 : vector<1000x1xi1> to vector<1000x1xi1>
      %broadcast_in_dim3A_191 = vector.broadcast %broadcast_in_dim3A_190 : vector<1000x1xi1> to vector<1000x128xi1>
      %broadcast_in_dim3A_192 = vector.shape_cast %broadcast_in_dim3A_189 : vector<1x128xf32> to vector<1x128xf32>
      %broadcast_in_dim3A_193 = vector.broadcast %broadcast_in_dim3A_192 : vector<1x128xf32> to vector<1000x128xf32>
      %select_n3A_194 = arith.select %broadcast_in_dim3A_191, %broadcast_in_dim3A_193, %select_n3A_183 : vector<1000x128xi1>, vector<1000x128xf32>
      %eq3A_195 = arith.constant 15 : i32
      %eq3A_196 = vector.broadcast %eq3A_195 : i32 to vector<1000x1xi32>
      %eq3A_197 = arith.cmpi eq, %get3A_31, %eq3A_196 : vector<1000x1xi32>
      %slice3A_198 = vector.extract_strided_slice %rsqrt3A {offsets = [15, 0], sizes = [1, 128], strides = [1, 1]} : vector<16x128xf32> to vector<1x128xf32>
      %squeeze3A_199 = vector.shape_cast %slice3A_198 : vector<1x128xf32> to vector<128xf32>
      %broadcast_in_dim3A_200 = vector.shape_cast %squeeze3A_199 : vector<128xf32> to vector<1x128xf32>
      %broadcast_in_dim3A_201 = vector.shape_cast %eq3A_197 : vector<1000x1xi1> to vector<1000x1xi1>
      %broadcast_in_dim3A_202 = vector.broadcast %broadcast_in_dim3A_201 : vector<1000x1xi1> to vector<1000x128xi1>
      %broadcast_in_dim3A_203 = vector.shape_cast %broadcast_in_dim3A_200 : vector<1x128xf32> to vector<1x128xf32>
      %broadcast_in_dim3A_204 = vector.broadcast %broadcast_in_dim3A_203 : vector<1x128xf32> to vector<1000x128xf32>
      %select_n3A_205 = arith.select %broadcast_in_dim3A_202, %broadcast_in_dim3A_204, %select_n3A_194 : vector<1000x128xi1>, vector<1000x128xf32>
      %get3A_206 = arith.index_cast %mul3A_29 : i32 to index
      %get3A_207 = arith.constant 0 : index
      %get3A_208 = vector.load %arg9[%get3A_206, %get3A_207] : memref<10000x128xf32, #tpu.memory_space<vmem>>, vector<1000x128xf32>
      %get3A_209 = arith.constant 0 : index
      %get3A_210 = vector.load %arg5[%get3A_209] : memref<128xf32, #tpu.memory_space<vmem>>, vector<128xf32>
      %broadcast_in_dim3A_211 = vector.shape_cast %get3A_210 : vector<128xf32> to vector<1x128xf32>
      %mul3A_212 = vector.broadcast %broadcast_in_dim3A_211 : vector<1x128xf32> to vector<1000x128xf32>
      %mul3A_213 = arith.mulf %mul3A_212, %get3A_208 : vector<1000x128xf32>
      %mul3A_214 = arith.mulf %mul3A_213, %select_n3A_205 : vector<1000x128xf32>
      %get3A_215 = arith.constant 0 : index
      %get3A_216 = vector.load %arg6[%get3A_215] : memref<128xf32, #tpu.memory_space<vmem>>, vector<128xf32>
      %broadcast_in_dim3A_217 = vector.shape_cast %get3A_216 : vector<128xf32> to vector<1x128xf32>
      %add3A_218 = vector.broadcast %broadcast_in_dim3A_217 : vector<1x128xf32> to vector<1000x128xf32>
      %add3A_219 = arith.addf %mul3A_214, %add3A_218 : vector<1000x128xf32>
      %ge3A = arith.constant 0.000000e+00 : f32
      %ge3A_220 = vector.broadcast %ge3A : f32 to vector<1000x128xf32>
      %ge3A_221 = arith.cmpf oge, %add3A_219, %ge3A_220 : vector<1000x128xf32>
      %mul3A_222 = arith.constant 0.00999999977 : f32
      %mul3A_223 = vector.broadcast %mul3A_222 : f32 to vector<1000x128xf32>
      %mul3A_224 = arith.mulf %mul3A_223, %add3A_219 : vector<1000x128xf32>
      %select_n3A_225 = arith.select %ge3A_221, %add3A_219, %mul3A_224 : vector<1000x128xi1>, vector<1000x128xf32>
      %swap3A = arith.index_cast %mul3A_29 : i32 to index
      %swap3A_226 = arith.constant 0 : index
      %swap3A_227 = vector.load %arg8[%swap3A, %swap3A_226] : memref<10000x128xf32, #tpu.memory_space<vmem>>, vector<1000x128xf32>
      tpu.vector_store %arg8[%swap3A, %swap3A_226], %select_n3A_225 {strides = array<i32>} : memref<10000x128xf32, #tpu.memory_space<vmem>>, vector<1000x128xf32>,
    }
    %scan3A_27 = arith.constant 10 : i32
    return
  }
}

</mosaic_0001>

<sc_bundles>
// kernel: kernel.10.cloned.1.call-start
scs
__scs_entry_jumppad:
0x0: {  	(pc) =	sbr.rel $0x88, $3  }
0x1: {  	(tag) =	ssettag $0x0;
	lr =	simm.s32 $0x1  }
0x2: {  	[smem:$0x3F8F] =	sst lr;
	_ =	strace $0xD0000000  }
0x3: {  	_ = 	snop  }
0x4: {  	_ = 	snop  }
0x5: {  	_ = 	snop  }
0x6: {  	_ = 	snop  }
0x7: {  	_ = 	snop  }
__scs_overlays_trampoline_lowered:
0x8: {  	[smem:$0x3F9E] =	sst s0  }
0x9: {  	[smem:$0x3F9F] =	sst s1  }
0xa: {  	[smem:$0x3FA0] =	sst s2  }
0xb: {  	[smem:$0x3FA1] =	sst s3  }
0xc: {  	[smem:$0x3FA2] =	sst s4  }
0xd: {  	[smem:$0x3FA3] =	sst s5  }
0xe: {  	[smem:$0x3FA4] =	sst s6  }
0xf: {  	[smem:$0x3FA5] =	sst s7  }
0x10: {  	[smem:$0x3FA6] =	sst s8  }
0x11: {  	[smem:$0x3FA7] =	sst s9;
	s0 =	simm.s32 @!p0 $0x0  }
0x12: {  	s1 =	sld [smem:$0x3F8D];
	s0 =	simm.s32 @p0 $0x1  }
0x13: {  	[smem:$0x3FA8] =	sst s0;
	s0 =	simm.s32 @!p1 $0x0  }
0x14: {  	s2 =	sld [smem:$0x3F8C];
	s0 =	simm.s32 @p1 $0x1  }
0x15: {  	[smem:$0x3FA9] =	sst s0;
	s0 =	simm.s32 @!p2 $0x0  }
0x16: {  	s3 =	sld [smem:$0x3FDB];
	s0 =	simm.s32 @p2 $0x1  }
0x17: {  	s4 =	simm.s32 $0x1BF5;
	[smem:$0x3FAB] =	sst s0  }
0x18: {  	s0 =	sld [smem:$0x3F8E];
	_ =	swait.ge [sflag:s4], $0x0  }
0x19: {  	s7 =	sld [smem:$0x3F8F]  }
0x1a: {  	s8 =	sadd.s32 $0xFFFFE003, lr  }
0x1b: {  	s9 =	sadd.s32 $0xFFFFFEF7, lr;
	s5 =	simm.s32 $0xFFFFFFFF;
	p2 =	slt.u32 s8, $0xFFFFF086  }
0x1c: {  	p1 =	slt.u32 s9, $0xF7A;
	s5 =	simm.s32 @!p2 $0x0  }
0x1d: {  	s5 =	simm.s32 @p1 $0x1;
	p0 =	seq.s32 s7, s2  }
0x1e: {  	s7 =	smul.u32 @!p0 $0xF7A, s2;
	p2 =	seq.s32 @!p0 s5, $0x0  }
0x1f: {  	s9 =	smul.u32 $0xF7A, s1;
	s8 =	simm.s32 @!p0 $0x1BF5;
	p2 =	por !p2, p0  }
0x20: {  	[sflag:s8] =	ssyncset.s32 @!p0 $0xFFFFF086;
	s6 =	sadd.s32 @!p0 s3, s7;
	s7 =	simm.s32 @!p0 $0x108  }
0x21: {  	s3 =	sadd.s32 s3, s9;
	s6 =	sadd.s32 @!p0 $0x88, s6;
	s7 =	simm.s32 @p2 $0x1082  }
0x22: {  	[simem:s7], [sflag:s8] =	dma.local @!p0 [hbm:s6], $0xF7A  }
0x23: {  	s9 =	sor.u32 $0xD0000000, s2;
	s6 =	simm.s32 $0x108;
	_ =	swait.ge @!p0 [sflag:s8], $0x0  }
0x24: {  	s3 =	sadd.s32 $0x88, s3;
	s6 =	simm.s32 @!p1 $0x1082;
	[sflag:s4] =	ssyncset.s32 $0xFFFFF086  }
0x25: {  	[simem:s6], [sflag:s4] =	dma.local [hbm:s3], $0xF7A  }
0x26: {  	[smem:$0x3F8F] =	sst s1;
	(tag) =	ssettag s2;
	_ =	strace s9  }
0x27: {  	s1 =	sld [smem:$0x3F9F]  }
0x28: {  	s2 =	sld [smem:$0x3FA0]  }
0x29: {  	s4 =	sld [smem:$0x3FA2]  }
0x2a: {  	p0 =	seq.s32 s5, $0x0;
	s5 =	sld [smem:$0x3FA3]  }
0x2b: {  	s6 =	sld [smem:$0x3FA4]  }
0x2c: {  	s7 =	sld [smem:$0x3FA5]  }
0x2d: {  	s3 =	simm.s32 $0x108;
	s8 =	sld [smem:$0x3FA6]  }
0x2e: {  	s3 =	simm.s32 @!p0 $0x1082;
	s9 =	sld [smem:$0x3FA7]  }
0x2f: {  	lr =	sadd.s32 s0, s3;
	s0 =	sld [smem:$0x3F9E]  }
0x30: {  	s3 =	sld [smem:$0x3FA1]  }
0x31: {  	[smem:$0x3FAA] =	sst s10  }
0x32: {  	s10 =	sld [smem:$0x3FA8];
	_ =	sdelay $0x3  }
0x33: {  	p0 =	seq.s32 s10, $0x1;
	s10 =	sld [smem:$0x3FAA];
	_ =	sdelay $0x3  }
0x34: {  	[smem:$0x3FAA] =	sst s10  }
0x35: {  	s10 =	sld [smem:$0x3FA9];
	_ =	sdelay $0x3  }
0x36: {  	p1 =	seq.s32 s10, $0x1;
	s10 =	sld [smem:$0x3FAA];
	_ =	sdelay $0x3  }
0x37: {  	[smem:$0x3FAA] =	sst s10  }
0x38: {  	s10 =	sld [smem:$0x3FAB]  }
0x39: {  	_ = 	snop;
	(pc) =	sbr.ind lr, $3  }
0x3a: {  	_ = 	snop  }
0x3b: {  	_ = 	snop  }
0x3c: {  	p2 =	seq.s32 s10, $0x1;
	s10 =	sld [smem:$0x3FAA]  }
0x3d: {  	_ =	shalt  }
0x3e: {  	_ =	shalt  }
0x3f: {  	_ =	shalt  }
0x40: {  	_ =	shalt  }
0x41: {  	_ =	shalt  }
0x42: {  	_ =	shalt  }
0x43: {  	_ =	shalt  }
0x44: {  	_ =	shalt  }
0x45: {  	_ =	shalt  }
0x46: {  	_ =	shalt  }
0x47: {  	_ =	shalt  }
0x48: {  	_ =	shalt  }
0x49: {  	_ =	shalt  }
0x4a: {  	_ =	shalt  }
0x4b: {  	_ =	shalt  }
0x4c: {  	_ =	shalt  }
0x4d: {  	_ =	shalt  }
0x4e: {  	_ =	shalt  }
0x4f: {  	_ =	shalt  }
0x50: {  	_ =	shalt  }
0x51: {  	_ =	shalt  }
0x52: {  	_ =	shalt  }
0x53: {  	_ =	shalt  }
0x54: {  	_ =	shalt  }
0x55: {  	_ =	shalt  }
0x56: {  	_ =	shalt  }
0x57: {  	_ =	shalt  }
0x58: {  	_ =	shalt  }
0x59: {  	_ =	shalt  }
0x5a: {  	_ =	shalt  }
0x5b: {  	_ =	shalt  }
0x5c: {  	_ =	shalt  }
0x5d: {  	_ =	shalt  }
0x5e: {  	_ =	shalt  }
0x5f: {  	_ =	shalt  }
0x60: {  	_ =	shalt  }
0x61: {  	_ =	shalt  }
0x62: {  	_ =	shalt  }
0x63: {  	_ =	shalt  }
0x64: {  	_ =	shalt  }
0x65: {  	_ =	shalt  }
0x66: {  	_ =	shalt  }
0x67: {  	_ =	shalt  }
0x68: {  	_ =	shalt  }
0x69: {  	_ =	shalt  }
0x6a: {  	_ =	shalt  }
0x6b: {  	_ =	shalt  }
0x6c: {  	_ =	shalt  }
0x6d: {  	_ =	shalt  }
0x6e: {  	_ =	shalt  }
0x6f: {  	_ =	shalt  }
0x70: {  	_ =	shalt  }
0x71: {  	_ =	shalt  }
0x72: {  	_ =	shalt  }
0x73: {  	_ =	shalt  }
0x74: {  	_ =	shalt  }
0x75: {  	_ =	shalt  }
0x76: {  	_ =	shalt  }
0x77: {  	_ =	shalt  }
0x78: {  	_ =	shalt  }
0x79: {  	_ =	shalt  }
0x7a: {  	_ =	shalt  }
0x7b: {  	_ =	shalt  }
0x7c: {  	_ =	shalt  }
0x7d: {  	_ =	shalt  }
0x7e: {  	_ =	shalt  }
0x7f: {  	_ =	shalt  }
0x80: {  	_ =	shalt  }
0x81: {  	_ =	shalt  }
0x82: {  	_ =	shalt  }
0x83: {  	_ =	shalt  }
0x84: {  	_ =	shalt  }
0x85: {  	_ =	shalt  }
0x86: {  	_ =	shalt  }
0x87: {  	_ =	shalt  }
.Lfunc_end0:
.L_simem_size_0:
called_computation_lowered:
.L_overlay_start_0:
0x88: {  	s2 =	sld [smem:$0x3FD9]  }
0x89: {  	s3 =	sld [smem:$0x3FFE];
	_ =	sdelay $0x1  }
0x8a: {  	s1 =	srdreg.scid  }
0x8b: {  	s0 =	sand.u32 $0x1, s1  }
0x8c: {  	s14 =	sshll.u32 s0, $0xA;
	s2 =	sadd.s32 s3, s2  }
0x8d: {  	s2 =	sadd.s32 s2, s14  }
0x8e: {  	[smem:$0x3FB6] =	sst s2  }
0x8f: {  	_ = 	snop  }
0x90: {  	s2 =	sld [smem:$0x3FD0];
	_ =	sdelay $0x2  }
0x91: {  	s15 =	simm.s32 $0xA;
	s4 =	simm.s32 $0x10  }
0x92: {  	[smem:s4], [sflag:s15] =	dma.local [hbm:s2], $0x1  }
0x93: {  	_ =	swait.eq [sflag:s15], $0x1  }
0x94: {  	s16 =	sld [smem:$0x11];
	[sflag:s15] =	ssyncset.done $0x0  }
0x95: {  	s17 =	sld [smem:$0x12];
	[sflag:s15] =	ssyncadd.s32 $0xFFFFFFFF  }
0x96: {  	s18 =	sld [smem:$0x13];
	(tm) =	ssettm $0x1  }
0x97: {  	s5 =	sld [smem:$0x3FFB];
	_ =	sdelay $0x3  }
0x98: {  	_ =	strace s5  }
0x99: {  	s5 =	sld [smem:$0x3FFC];
	_ =	sdelay $0x3  }
0x9a: {  	_ =	strace s5  }
0x9b: {  	s5 =	sld [smem:$0x3FFD];
	_ =	sdelay $0x3  }
0x9c: {  	_ =	strace s5  }
0x9d: {  	_ =	strace $0x8FFFFFFF  }
0x9e: {  	s19 =	sld [smem:$0x3FDB];
	_ =	sdelay $0x1  }
0x9f: {  	s6 =	simm.s32 $_scs_section_size  }
0xa0: {  	s7 =	simm.s32 $_size__tile_overlayer_lowered;
	s8 =	simm.s32 $_tile_overlayer_lowered  }
0xa1: {  	s22 =	simm.s32 $0x1BFF;
	s21 =	sshll.u32 s8, $0x1;
	s5 =	sadd.s32 s6, s19  }
0xa2: {  	s9 =	simm.s32 $0x0;
	s20 =	sshll.u32 s7, $0x1;
	s7 =	sadd.s32 s21, s5  }
0xa3: {  	[timem:s9], [sflag:s22] =	dma.local [hbm:s7], s20  }
0xa4: {  	_ =	swait.ge [sflag:s22], s20  }
0xa5: {  	s6 =	ssub.s32 $0x0, s20;
	[sflag:s22] =	ssyncset.done $0x0  }
0xa6: {  	[sflag:s22] =	ssyncadd.s32 s6;
	_ =	sdelay $0x1  }
0xa7: {  	s23 =	simm.s32 $0x1B8B  }
0xa8: {  	_ =	swait.ge [sflag:s23], $0x1  }
0xa9: {  	[sflag:s23] =	ssyncset.done $0x0  }
0xaa: {  	s25 =	simm.s32 $0x1B8E;
	s24 =	sld [smem:$0x3FFE];
	[sflag:s23] =	ssyncadd.s32 $0xFFFFFFFF  }
0xab: {  	s26 =	simm.s32 $execute0_lowered;
	[smem:$0x3FD2] =	sst s25  }
0xac: {  	s7 =	sshll.u32 s26, $0x1;
	_ =	strace $0x80000046;
	[dreg:$0x1] =	wrdreg $0xFFFFFFFF  }
0xad: {  	s28 =	simm.s32 $_size_execute0_lowered;
	s5 =	sadd.s32 s5, s7;
	[dreg:$0x0] =	wrdreg $0x0  }
0xae: {  	s7 =	sshll.u32 s28, $0x1;
	[dreg:$0x2] =	wrdreg s5  }
0xaf: {  	[dreg:$0x3] =	wrdreg s7  }
0xb0: {  	[dreg:$0x4] =	wrdreg $0xC0  }
0xb1: {  	_ =	task [dreg:s9], $0x5FFFF  }
0xb2: {  	[dreg:$0x1] =	wrdreg $0xFFFFFFFF  }
0xb3: {  	[dreg:$0x0] =	wrdreg $0x60  }
0xb4: {  	[dreg:$0x2] =	wrdreg s18  }
0xb5: {  	[dreg:$0x3] =	wrdreg s24  }
0xb6: {  	[dreg:$0x4] =	wrdreg s16  }
0xb7: {  	[dreg:$0x5] =	wrdreg s17  }
0xb8: {  	[dreg:$0x6] =	wrdreg $0x0  }
0xb9: {  	[dreg:$0x7] =	wrdreg $0x9  }
0xba: {  	_ =	task.clear_ibuf [dreg:s9], $0x8FFFF;
	_ =	strace $0x90000046  }
0xbb: {  	s29 =	simm.s32 $0x9;
	_ =	strace $0x80000048  }
0xbc: {  	_ =	swait.ge [sflag:s29], $0x1  }
0xbd: {  	[sflag:s29] =	ssyncadd.s32 $0xFFFFFFFF  }
0xbe: {  	_ =	strace $0x90000048  }
0xbf: {  	_ =	sfence  }
0xc0: {  	s30 =	sld [smem:$0x0];
	_ =	sdelay $0x2  }
0xc1: {  	s31 =	sshll.u32 s1, $0xD;
	s1 =	sshrl.u32 s1, $0x2  }
0xc2: {  	s3 =	sand.u32 $0x4000, s31;
	s1 =	sadd.s32 s1, s30  }
0xc3: {  	s0 =	sor.u32 s3, s0;
	s1 =	sshll.u32 s1, $0x11  }
0xc4: {  	s0 =	sor.u32 s1, s0  }
0xc5: {  	s0 =	sadd.s32 $0x8F2B, s0  }
0xc6: {  	[sflag:s0] =	ssyncadd.remote.s32 $0x1  }
0xc7: {  	_ =	sfence.sel $0xFFFF  }
0xc8: {  	[dreg:$0x0] =	wrdreg $0xFFFFFFFF;
	(pc) =	sbr.abs _section_cstart, $3  }
0xc9: {  	[dreg:$0x1] =	wrdreg $0xFFFFFFFF  }
0xca: {  	_ =	task.clear_ibuf [dreg:s9], $0x2FFFF;
	_ =	strace $0x9FFFFFFF  }
0xcb: {  	(tm) =	ssettm $0x7FFFFFFF  }
tec
execute0_lowered:
.L_overlay_start_1:
0x0: {  	(tag) =	ssettag $0x1  }
0x1: {  	s7 =	rddreg [dreg:$0x0]  }
0x2: {  	s4 =	rddreg [dreg:$0x1]  }
0x3: {  	s5 =	rddreg [dreg:$0x2]  }
0x4: {  	s8 =	rddreg [dreg:$0x3]  }
0x5: {  	s1 =	rddreg [dreg:$0x4]  }
0x6: {  	s0 =	rddreg [dreg:$0x5];
	s2 =	simm.s32 $0x0  }
0x7: {  	s3 =	srdreg.scid;
	s15 =	simm.s32 $0x0;
	[smem:$0x7FF] =	sst s2  }
0x8: {  	s6 =	sand.u32 $0x1, s3;
	s3 =	stileid.u32;
	s4 =	sadd.s32 $0x4800, s4  }
0x9: {  	_ =	strace $0x80000047;
	s9 =	ssub.s32 $0x2, s6;
	s11 =	smul.u32 $0x280, s3  }
0xa: {  	s31 =	sshll.u32 s6, $0x4;
	s6 =	smul.u32 $0x2800, s6;
	s10 =	sshrl.u32 s9, $0x1  }
0xb: {  	s14 =	sshll.u32 s3, $0x6;
	s9 =	ssub.s32 s9, s10;
	s12 =	sadd.s32 s11, s1  }
0xc: {  	s13 =	sshrl.u32 s11, $0x3;
	s10 =	sor.u32 s3, s31;
	s11 =	sadd.s32 s11, s6  }
0xd: {  	s6 =	sor.u32 $0x1C01, s14;
	s14 =	simm.s32 $0x80;
	s10 =	smul.u32 $0x500, s10  }
0xe: {  	s5 =	sadd.s32 s5, s13;
	s11 =	sshrl.u32 s11, $0x3;
	s9 =	smax.u32 s9, $0x1  }
0xf: {  	s13 =	simm.s32 $0x280;
	s8 =	sadd.s32 s8, s11;
	s11 =	simm.s32 $0x1  }
0x10: {  	s7 =	sadd.s32 s7, s10;
	s10 =	sshrl.u32 s12, $0x3;
	s12 =	simm.s32 $0x2A80  }
.LBB2_1:
0x11: {  	[spmem:s10], [sflag:s6] =	dma.local [hbm:s5], $0x50  }
0x12: {  	_ =	swait.ge [sflag:s11], $0x50  }
0x13: {  	[sflag:s11] =	ssyncset.done $0x0  }
0x14: {  	[sflag:s11] =	ssyncadd.s32 $0xFFFFFFB0  }
0x15: {  	[tilespmem:s12], [sflag:$0x1] =	stream.linear.gather [hbm4b:s4+s2], $0x80, $0x38;
	[tilespmem:$0x2B00] =	vst v63  }
0x16: {  	_ =	swait.ge [sflag:s11], $0x80  }
0x17: {  	[sflag:s11] =	ssyncset.done $0x0  }
0x18: {  	[sflag:s11] =	ssyncadd.s32 $0xFFFFFF80  }
0x19: {  	[tilespmem:s13], [sflag:$0x1] =	stream.linear.gather [hbm4b:s7+s2], $0x2800, $0x38;
	[tilespmem:$0x2B00] =	vst v63  }
0x1a: {  	_ =	swait.ge [sflag:s11], $0x2800  }
0x1b: {  	[sflag:s11] =	ssyncset.done $0x0  }
0x1c: {  	[sflag:s11] =	ssyncadd.s32 $0xFFFFD800  }
0x1d: {  	s16 =	simm.s32 $0x280;
	[bflag:$0x0] =	sbarrier.arrive $0xFFFF  }
0x1e: {  	[spmem:s1] =	stream.indirect.scatter.add.f32 [tilespmem:s12], [sflag:$0x1], $0x1, s16, s14, $0xb8;
	[tilespmem:$0x2B00] =	vst v63  }
0x1f: {  	s16 =	simm.s32 $0x200;
	_ =	swait.ge [sflag:s11], $0x80  }
.LBB2_2:
0x20: {  	s17 =	sshra.s32 s16, $0x2;
	[sflag:s11] =	ssyncset.done $0x0;
	p0 =	sne.s32 s16, $0x9E00  }
.Ltmp0:
0x21: {  	s17 =	sadd.s32 $0x280, s17;
	[sflag:s11] =	ssyncadd.s32 $0xFFFFFF80;
	(pc) =	sbr.rel @p0 .LBB2_2-.Ltmp0, $3  }
0x22: {  	[spmem:s1] =	stream.indirect.scatter.add.f32 [tilespmem:s12], [sflag:$0x1], $0x1, s17, s14, $0xb8;
	[tilespmem:$0x2B00] =	vst v63  }
0x23: {  	s16 =	sadd.s32 $0x200, s16;
	_ =	sdelay $0x1  }
0x24: {  	_ =	swait.ge [sflag:s11], $0x80  }
0x25: {  	[sflag:s11] =	ssyncset.done $0x0;
	s15 =	sadd.s32 $0x1, s15  }
0x26: {  	[sflag:s11] =	ssyncadd.s32 $0xFFFFFF80;
	p0 =	sne.s32 s15, s9  }
.Ltmp1:
0x27: {  	[bflag:$0x0] =	sbarrier.arrive $0xFFFF;
	(pc) =	sbr.rel @p0 .LBB2_1-.Ltmp1, $4  }
0x28: {  	[hbm:s8], [sflag:s6] =	dma.local [spmem:s10], $0x50  }
0x29: {  	_ =	swait.ge [sflag:s11], $0x50  }
0x2a: {  	[sflag:s11] =	ssyncset.done $0x0  }
0x2b: {  	[sflag:s11] =	ssyncadd.s32 $0xFFFFFFB0  }
0x2c: {  	_ =	sfence.sel $0x180000  }
0x2d: {  	[bflag:$0x0] =	sbarrier.arrive $0xFFFF  }
0x2e: {  	p0 =	sne.s32 s3, $0x0;
	_ =	strace $0x90000047  }
0x2f: {  	s0 =	sadd.s32 @!p0 $0x100000, s0;
	[bflag:$0x2] =	sbarrier.arrive $0xFFFF  }
0x30: {  	[sflag:s0] =	ssyncadd.tile.s32 @!p0 $0x1;
	_ =	shalt  }
.Lfunc_end2:
_tile_overlayer_lowered:
.L_overlay_start_2:
0x31: {  	(tag) =	ssettag $0x2  }
0x32: {  	s0 =	rddreg [dreg:$0x0];
	s2 =	stileid.u32  }
0x33: {  	s1 =	rddreg [dreg:$0x1];
	p0 =	sne.s32 s2, $0x0  }
0x34: {  	s3 =	rddreg [dreg:$0x2];
	[bflag:$0x3] =	sbarrier.arrive $0xFFFF;
	s2 =	simm.s32 @!p0 $0x1C01  }
0x35: {  	[timem:s3], [sflag:s2] =	dma.local @!p0 [hbm:s0], s1  }
0x36: {  	s0 =	simm.s32 @!p0 $0x1  }
0x37: {  	_ =	swait.ge @!p0 [sflag:s0], s1  }
0x38: {  	s1 =	ssub.s32 @!p0 $0x0, s1;
	[sflag:s0] =	ssyncset.done @!p0 $0x0  }
0x39: {  	[sflag:s0] =	ssyncadd.s32 @!p0 s1  }
0x3a: {  	[bflag:$0x3] =	sbarrier.arrive $0xFFFF  }
0x3b: {  	_ =	shalt  }

// kernel: kernel.13.cloned.1.call-start
scs
__scs_entry_jumppad:
0x0: {  	(pc) =	sbr.rel $0x88, $3  }
0x1: {  	(tag) =	ssettag $0x0;
	lr =	simm.s32 $0x1  }
0x2: {  	[smem:$0x3F8F] =	sst lr;
	_ =	strace $0xD0000000  }
0x3: {  	_ = 	snop  }
0x4: {  	_ = 	snop  }
0x5: {  	_ = 	snop  }
0x6: {  	_ = 	snop  }
0x7: {  	_ = 	snop  }
__scs_overlays_trampoline_lowered:
0x8: {  	[smem:$0x3F9E] =	sst s0  }
0x9: {  	[smem:$0x3F9F] =	sst s1  }
0xa: {  	[smem:$0x3FA0] =	sst s2  }
0xb: {  	[smem:$0x3FA1] =	sst s3  }
0xc: {  	[smem:$0x3FA2] =	sst s4  }
0xd: {  	[smem:$0x3FA3] =	sst s5  }
0xe: {  	[smem:$0x3FA4] =	sst s6  }
0xf: {  	[smem:$0x3FA5] =	sst s7  }
0x10: {  	[smem:$0x3FA6] =	sst s8  }
0x11: {  	[smem:$0x3FA7] =	sst s9;
	s0 =	simm.s32 @!p0 $0x0  }
0x12: {  	s1 =	sld [smem:$0x3F8D];
	s0 =	simm.s32 @p0 $0x1  }
0x13: {  	[smem:$0x3FA8] =	sst s0;
	s0 =	simm.s32 @!p1 $0x0  }
0x14: {  	s2 =	sld [smem:$0x3F8C];
	s0 =	simm.s32 @p1 $0x1  }
0x15: {  	[smem:$0x3FA9] =	sst s0;
	s0 =	simm.s32 @!p2 $0x0  }
0x16: {  	s3 =	sld [smem:$0x3FDB];
	s0 =	simm.s32 @p2 $0x1  }
0x17: {  	s4 =	simm.s32 $0x1BF5;
	[smem:$0x3FAB] =	sst s0  }
0x18: {  	s0 =	sld [smem:$0x3F8E];
	_ =	swait.ge [sflag:s4], $0x0  }
0x19: {  	s7 =	sld [smem:$0x3F8F]  }
0x1a: {  	s8 =	sadd.s32 $0xFFFFE003, lr  }
0x1b: {  	s9 =	sadd.s32 $0xFFFFFEF7, lr;
	s5 =	simm.s32 $0xFFFFFFFF;
	p2 =	slt.u32 s8, $0xFFFFF086  }
0x1c: {  	p1 =	slt.u32 s9, $0xF7A;
	s5 =	simm.s32 @!p2 $0x0  }
0x1d: {  	s5 =	simm.s32 @p1 $0x1;
	p0 =	seq.s32 s7, s2  }
0x1e: {  	s7 =	smul.u32 @!p0 $0xF7A, s2;
	p2 =	seq.s32 @!p0 s5, $0x0  }
0x1f: {  	s9 =	smul.u32 $0xF7A, s1;
	s8 =	simm.s32 @!p0 $0x1BF5;
	p2 =	por !p2, p0  }
0x20: {  	[sflag:s8] =	ssyncset.s32 @!p0 $0xFFFFF086;
	s6 =	sadd.s32 @!p0 s3, s7;
	s7 =	simm.s32 @!p0 $0x108  }
0x21: {  	s3 =	sadd.s32 s3, s9;
	s6 =	sadd.s32 @!p0 $0x88, s6;
	s7 =	simm.s32 @p2 $0x1082  }
0x22: {  	[simem:s7], [sflag:s8] =	dma.local @!p0 [hbm:s6], $0xF7A  }
0x23: {  	s9 =	sor.u32 $0xD0000000, s2;
	s6 =	simm.s32 $0x108;
	_ =	swait.ge @!p0 [sflag:s8], $0x0  }
0x24: {  	s3 =	sadd.s32 $0x88, s3;
	s6 =	simm.s32 @!p1 $0x1082;
	[sflag:s4] =	ssyncset.s32 $0xFFFFF086  }
0x25: {  	[simem:s6], [sflag:s4] =	dma.local [hbm:s3], $0xF7A  }
0x26: {  	[smem:$0x3F8F] =	sst s1;
	(tag) =	ssettag s2;
	_ =	strace s9  }
0x27: {  	s1 =	sld [smem:$0x3F9F]  }
0x28: {  	s2 =	sld [smem:$0x3FA0]  }
0x29: {  	s4 =	sld [smem:$0x3FA2]  }
0x2a: {  	p0 =	seq.s32 s5, $0x0;
	s5 =	sld [smem:$0x3FA3]  }
0x2b: {  	s6 =	sld [smem:$0x3FA4]  }
0x2c: {  	s7 =	sld [smem:$0x3FA5]  }
0x2d: {  	s3 =	simm.s32 $0x108;
	s8 =	sld [smem:$0x3FA6]  }
0x2e: {  	s3 =	simm.s32 @!p0 $0x1082;
	s9 =	sld [smem:$0x3FA7]  }
0x2f: {  	lr =	sadd.s32 s0, s3;
	s0 =	sld [smem:$0x3F9E]  }
0x30: {  	s3 =	sld [smem:$0x3FA1]  }
0x31: {  	[smem:$0x3FAA] =	sst s10  }
0x32: {  	s10 =	sld [smem:$0x3FA8];
	_ =	sdelay $0x3  }
0x33: {  	p0 =	seq.s32 s10, $0x1;
	s10 =	sld [smem:$0x3FAA];
	_ =	sdelay $0x3  }
0x34: {  	[smem:$0x3FAA] =	sst s10  }
0x35: {  	s10 =	sld [smem:$0x3FA9];
	_ =	sdelay $0x3  }
0x36: {  	p1 =	seq.s32 s10, $0x1;
	s10 =	sld [smem:$0x3FAA];
	_ =	sdelay $0x3  }
0x37: {  	[smem:$0x3FAA] =	sst s10  }
0x38: {  	s10 =	sld [smem:$0x3FAB]  }
0x39: {  	_ = 	snop;
	(pc) =	sbr.ind lr, $3  }
0x3a: {  	_ = 	snop  }
0x3b: {  	_ = 	snop  }
0x3c: {  	p2 =	seq.s32 s10, $0x1;
	s10 =	sld [smem:$0x3FAA]  }
0x3d: {  	_ =	shalt  }
0x3e: {  	_ =	shalt  }
0x3f: {  	_ =	shalt  }
0x40: {  	_ =	shalt  }
0x41: {  	_ =	shalt  }
0x42: {  	_ =	shalt  }
0x43: {  	_ =	shalt  }
0x44: {  	_ =	shalt  }
0x45: {  	_ =	shalt  }
0x46: {  	_ =	shalt  }
0x47: {  	_ =	shalt  }
0x48: {  	_ =	shalt  }
0x49: {  	_ =	shalt  }
0x4a: {  	_ =	shalt  }
0x4b: {  	_ =	shalt  }
0x4c: {  	_ =	shalt  }
0x4d: {  	_ =	shalt  }
0x4e: {  	_ =	shalt  }
0x4f: {  	_ =	shalt  }
0x50: {  	_ =	shalt  }
0x51: {  	_ =	shalt  }
0x52: {  	_ =	shalt  }
0x53: {  	_ =	shalt  }
0x54: {  	_ =	shalt  }
0x55: {  	_ =	shalt  }
0x56: {  	_ =	shalt  }
0x57: {  	_ =	shalt  }
0x58: {  	_ =	shalt  }
0x59: {  	_ =	shalt  }
0x5a: {  	_ =	shalt  }
0x5b: {  	_ =	shalt  }
0x5c: {  	_ =	shalt  }
0x5d: {  	_ =	shalt  }
0x5e: {  	_ =	shalt  }
0x5f: {  	_ =	shalt  }
0x60: {  	_ =	shalt  }
0x61: {  	_ =	shalt  }
0x62: {  	_ =	shalt  }
0x63: {  	_ =	shalt  }
0x64: {  	_ =	shalt  }
0x65: {  	_ =	shalt  }
0x66: {  	_ =	shalt  }
0x67: {  	_ =	shalt  }
0x68: {  	_ =	shalt  }
0x69: {  	_ =	shalt  }
0x6a: {  	_ =	shalt  }
0x6b: {  	_ =	shalt  }
0x6c: {  	_ =	shalt  }
0x6d: {  	_ =	shalt  }
0x6e: {  	_ =	shalt  }
0x6f: {  	_ =	shalt  }
0x70: {  	_ =	shalt  }
0x71: {  	_ =	shalt  }
0x72: {  	_ =	shalt  }
0x73: {  	_ =	shalt  }
0x74: {  	_ =	shalt  }
0x75: {  	_ =	shalt  }
0x76: {  	_ =	shalt  }
0x77: {  	_ =	shalt  }
0x78: {  	_ =	shalt  }
0x79: {  	_ =	shalt  }
0x7a: {  	_ =	shalt  }
0x7b: {  	_ =	shalt  }
0x7c: {  	_ =	shalt  }
0x7d: {  	_ =	shalt  }
0x7e: {  	_ =	shalt  }
0x7f: {  	_ =	shalt  }
0x80: {  	_ =	shalt  }
0x81: {  	_ =	shalt  }
0x82: {  	_ =	shalt  }
0x83: {  	_ =	shalt  }
0x84: {  	_ =	shalt  }
0x85: {  	_ =	shalt  }
0x86: {  	_ =	shalt  }
0x87: {  	_ =	shalt  }
.Lfunc_end0:
.L_simem_size_0:
called_computation.1_lowered:
.L_overlay_start_0:
0x88: {  	s2 =	sld [smem:$0x3FD9]  }
0x89: {  	s3 =	sld [smem:$0x3FFE];
	_ =	sdelay $0x1  }
0x8a: {  	s1 =	srdreg.scid  }
0x8b: {  	s0 =	sand.u32 $0x1, s1  }
0x8c: {  	s14 =	sshll.u32 s0, $0xA;
	s2 =	sadd.s32 s3, s2  }
0x8d: {  	s2 =	sadd.s32 s2, s14  }
0x8e: {  	[smem:$0x3FB6] =	sst s2  }
0x8f: {  	_ = 	snop  }
0x90: {  	s2 =	sld [smem:$0x3FD0];
	_ =	sdelay $0x2  }
0x91: {  	s15 =	simm.s32 $0xA;
	s4 =	simm.s32 $0x10  }
0x92: {  	[smem:s4], [sflag:s15] =	dma.local [hbm:s2], $0x1  }
0x93: {  	_ =	swait.eq [sflag:s15], $0x1  }
0x94: {  	[sflag:s15] =	ssyncset.done $0x0  }
0x95: {  	s16 =	sld [smem:$0x10];
	[sflag:s15] =	ssyncadd.s32 $0xFFFFFFFF  }
0x96: {  	s17 =	sld [smem:$0x13];
	(tm) =	ssettm $0x1  }
0x97: {  	s18 =	sld [smem:$0x3FFB];
	_ =	sdelay $0x3  }
0x98: {  	_ =	strace s18  }
0x99: {  	s4 =	sld [smem:$0x3FFC];
	_ =	sdelay $0x3  }
0x9a: {  	_ =	strace s4  }
0x9b: {  	s4 =	sld [smem:$0x3FFD];
	_ =	sdelay $0x3  }
0x9c: {  	_ =	strace s4  }
0x9d: {  	_ =	strace $0x8FFFFFFF  }
0x9e: {  	s19 =	sld [smem:$0x3FDB];
	_ =	sdelay $0x1  }
0x9f: {  	s5 =	simm.s32 $_scs_section_size  }
0xa0: {  	s6 =	simm.s32 $_size__tile_overlayer_lowered;
	s7 =	simm.s32 $_tile_overlayer_lowered  }
0xa1: {  	s22 =	simm.s32 $0x1BFF;
	s21 =	sshll.u32 s7, $0x1;
	s4 =	sadd.s32 s5, s19  }
0xa2: {  	s8 =	simm.s32 $0x0;
	s20 =	sshll.u32 s6, $0x1;
	s6 =	sadd.s32 s21, s4  }
0xa3: {  	[timem:s8], [sflag:s22] =	dma.local [hbm:s6], s20  }
0xa4: {  	_ =	swait.ge [sflag:s22], s20  }
0xa5: {  	s5 =	ssub.s32 $0x0, s20;
	[sflag:s22] =	ssyncset.done $0x0  }
0xa6: {  	[sflag:s22] =	ssyncadd.s32 s5;
	_ =	sdelay $0x1  }
0xa7: {  	s23 =	simm.s32 $0x1B8B  }
0xa8: {  	_ =	swait.ge [sflag:s23], $0x1  }
0xa9: {  	[sflag:s23] =	ssyncset.done $0x0  }
0xaa: {  	s25 =	simm.s32 $0x1B8E;
	s24 =	sld [smem:$0x3FFE];
	[sflag:s23] =	ssyncadd.s32 $0xFFFFFFFF  }
0xab: {  	s26 =	simm.s32 $execute0_lowered;
	[smem:$0x3FD2] =	sst s25  }
0xac: {  	s6 =	sshll.u32 s26, $0x1;
	_ =	strace $0x80000049;
	[dreg:$0x1] =	wrdreg $0xFFFFFFFF  }
0xad: {  	s28 =	simm.s32 $_size_execute0_lowered;
	s4 =	sadd.s32 s4, s6;
	[dreg:$0x0] =	wrdreg $0x0  }
0xae: {  	s6 =	sshll.u32 s28, $0x1;
	[dreg:$0x2] =	wrdreg s4  }
0xaf: {  	[dreg:$0x3] =	wrdreg s6  }
0xb0: {  	[dreg:$0x4] =	wrdreg $0xC0  }
0xb1: {  	_ =	task [dreg:s8], $0x5FFFF  }
0xb2: {  	[dreg:$0x1] =	wrdreg $0xFFFFFFFF  }
0xb3: {  	[dreg:$0x0] =	wrdreg $0x60  }
0xb4: {  	[dreg:$0x2] =	wrdreg s17  }
0xb5: {  	[dreg:$0x3] =	wrdreg s16  }
0xb6: {  	[dreg:$0x4] =	wrdreg s24  }
0xb7: {  	[dreg:$0x5] =	wrdreg $0x0  }
0xb8: {  	[dreg:$0x6] =	wrdreg $0x9  }
0xb9: {  	_ =	task.clear_ibuf [dreg:s8], $0x7FFFF;
	_ =	strace $0x90000049  }
0xba: {  	s29 =	simm.s32 $0x9;
	_ =	strace $0x8000004B  }
0xbb: {  	_ =	swait.ge [sflag:s29], $0x1  }
0xbc: {  	[sflag:s29] =	ssyncadd.s32 $0xFFFFFFFF  }
0xbd: {  	_ =	strace $0x9000004B  }
0xbe: {  	_ =	sfence  }
0xbf: {  	s30 =	sld [smem:$0x0];
	_ =	sdelay $0x2  }
0xc0: {  	s31 =	sshll.u32 s1, $0xD;
	s1 =	sshrl.u32 s1, $0x2  }
0xc1: {  	s3 =	sand.u32 $0x4000, s31;
	s1 =	sadd.s32 s1, s30  }
0xc2: {  	s0 =	sor.u32 s3, s0;
	s1 =	sshll.u32 s1, $0x11  }
0xc3: {  	s0 =	sor.u32 s1, s0  }
0xc4: {  	s0 =	sadd.s32 $0x8F2B, s0  }
0xc5: {  	[sflag:s0] =	ssyncadd.remote.s32 $0x1  }
0xc6: {  	_ =	sfence.sel $0xFFFF  }
0xc7: {  	[dreg:$0x0] =	wrdreg $0xFFFFFFFF;
	(pc) =	sbr.abs _section_cstart, $3  }
0xc8: {  	[dreg:$0x1] =	wrdreg $0xFFFFFFFF  }
0xc9: {  	_ =	task.clear_ibuf [dreg:s8], $0x2FFFF;
	_ =	strace $0x9FFFFFFF  }
0xca: {  	(tm) =	ssettm $0x7FFFFFFF  }
0xcb: {  	_ =	shalt  }
tec
execute0_lowered:
.L_overlay_start_1:
0x0: {  	(tag) =	ssettag $0x1  }
0x1: {  	s1 =	rddreg [dreg:$0x0]  }
0x2: {  	s0 =	rddreg [dreg:$0x1]  }
0x3: {  	s5 =	rddreg [dreg:$0x2]  }
0x4: {  	s3 =	rddreg [dreg:$0x3]  }
0x5: {  	s2 =	stileid.u32;
	s6 =	srdreg.scid  }
0x6: {  	s4 =	simm.s32 $0x0;
	s18 =	simm.s32 $0x14100;
	s19 =	simm.s32 $0x14080  }
0x7: {  	s20 =	simm.s32 $0x14180;
	s28 =	simm.s32 $0x5;
	s29 =	simm.s32 $0x2  }
0x8: {  	s30 =	simm.s32 $0x6;
	s31 =	simm.s32 $0x0;
	s7 =	smul.u32 $0x14000, s2  }
0x9: {  	s15 =	sand.u32 $0x1, s6;
	[smem:$0x7FF] =	sst s4;
	s24 =	smul.u32 $0x50000, s2  }
0xa: {  	s14 =	sadd.s32 $0x4A00, s5;
	s25 =	sshll.u32 s2, $0x1;
	s17 =	smul.u32 $0x9E0, s2  }
0xb: {  	s26 =	sshll.u32 s2, $0x6;
	s6 =	smul.u32 $0x140000, s15;
	_ =	strace $0x8000004A  }
0xc: {  	s22 =	ssub.s32 $0x2, s15;
	p0 =	seq.s32 s15, $0x0;
	s8 =	sshrl.u32 s7, $0x3  }
0xd: {  	s23 =	sshrl.u32 s22, $0x1;
	s13 =	sadd.s32 s17, s0;
	s6 =	sadd.s32 s7, s6  }
0xe: {  	s21 =	sadd.s32 s8, s5;
	s12 =	ssub.s32 s22, s23;
	s8 =	sor.u32 $0x9E0, s25  }
0xf: {  	s22 =	simm.s32 $0x80;
	s23 =	simm.s32 $0x14200;
	s6 =	sshrl.u32 s6, $0x3  }
0x10: {  	s11 =	sadd.s32 s6, s5;
	s5 =	smul.u32 $0x9E, s2;
	s6 =	sshrl.u32 s24, $0x2  }
0x11: {  	s25 =	simm.s32 $0x18200;
	s24 =	simm.s32 $0x4;
	s16 =	sadd.s32 s6, s3  }
0x12: {  	s6 =	sor.u32 $0x1C07, s26;
	s26 =	simm.s32 $0x1;
	s8 =	smov.u32 @p0 s5  }
0x13: {  	s5 =	sadd.s32 $0xEA00, s21;
	p0 =	sne.s32 s15, $0x0;
	s15 =	sshrl.u32 s16, $0x3  }
.Ltmp0:
0x14: {  	s16 =	simm.s32 $0x7;
	s8 =	sshll.u32 s8, $0x4;
	(pc) =	sbr.rel .LBB2_1-.Ltmp0, $4  }
0x15: {  	s9 =	sadd.s32 s0, s8;
	s10 =	sor.u32 $0x10, s8;
	s2 =	sadd.s32 s14, s8  }
0x16: {  	s7 =	sadd.s32 s0, s10;
	s8 =	sadd.s32 s14, s10;
	s10 =	sadd.s32 $0x36A00, s11  }
0x17: {  	s21 =	simm.s32 $0x3;
	s11 =	smax.u32 s12, $0x1;
	[dreg:$0x5] =	wrdreg s10  }
0x18: {  	s14 =	sadd.s32 s17, s14;
	s17 =	simm.s32 $0x14000;
	[dreg:$0x6] =	wrdreg s11  }
.LBB2_4:
0x19: {  	[tilespmem:s25], [sflag:$0x2] =	stream.indirect.gather [hbm4b:s1+s22], $0x80, s19, s22, $0xb8;
	[tilespmem:$0x1C200] =	vst v63  }
0x1a: {  	s5 =	smov.u32 s8;
	s2 =	smov.u32 s10;
	s10 =	rddreg [dreg:$0x5]  }
0x1b: {  	s7 =	smov.u32 s11;
	s8 =	smov.u32 s12;
	s11 =	rddreg [dreg:$0x6]  }
.LBB2_5:
0x1c: {  	_ =	swait.ge [sflag:s26], $0x4000  }
0x1d: {  	[sflag:s26] =	ssyncset.done $0x0  }
0x1e: {  	[sflag:s26] =	ssyncadd.s32 $0xFFFFC000  }
0x1f: {  	_ =	swait.ge [sflag:s28], $0x80  }
0x20: {  	[sflag:s28] =	ssyncset.done $0x0  }
0x21: {  	[sflag:s28] =	ssyncadd.s32 $0xFFFFFF80  }
0x22: {  	[spmem:s3] =	stream.indirect.scatter.add.f32 [tilespmem:s23], [sflag:$0x7], $0x80, s18, s22, $0xb8;
	[tilespmem:$0x1C200] =	vst v63  }
0x23: {  	_ =	swait.ge [sflag:s16], $0x4000  }
0x24: {  	[sflag:s16] =	ssyncset.done $0x0  }
0x25: {  	[sflag:s16] =	ssyncadd.s32 $0xFFFFC000  }
0x26: {  	_ =	swait.ge [sflag:s29], $0x4000  }
0x27: {  	[sflag:s29] =	ssyncset.done $0x0  }
0x28: {  	[sflag:s29] =	ssyncadd.s32 $0xFFFFC000  }
0x29: {  	_ =	swait.ge [sflag:s30], $0x80  }
0x2a: {  	[sflag:s30] =	ssyncset.done $0x0  }
0x2b: {  	[sflag:s30] =	ssyncadd.s32 $0xFFFFFF80  }
0x2c: {  	[spmem:s3] =	stream.indirect.scatter.add.f32 [tilespmem:s25], [sflag:$0x7], $0x80, s20, s22, $0xb8;
	[tilespmem:$0x1C200] =	vst v63  }
0x2d: {  	_ =	swait.ge [sflag:s16], $0x4000  }
0x2e: {  	s31 =	sadd.s32 $0x1, s31;
	[sflag:s16] =	ssyncset.done $0x0  }
0x2f: {  	p1 =	sne.s32 s31, s11;
	[sflag:s16] =	ssyncadd.s32 $0xFFFFC000  }
.Ltmp1:
0x30: {  	[bflag:$0x0] =	sbarrier.arrive $0xFFFF;
	(pc) =	sbr.rel @!p1 .LBB2_6-.Ltmp1, $4  }
0x31: {  	[hbm:s10], [sflag:s6] =	dma.local [spmem:s15], $0x2800  }
0x32: {  	_ =	swait.ge [sflag:s16], $0x2800  }
0x33: {  	[sflag:s16] =	ssyncset.done $0x0  }
0x34: {  	[sflag:s16] =	ssyncadd.s32 $0xFFFFD800  }
.LBB2_1:
0x35: {  	[spmem:s15], [sflag:s6] =	dma.local [hbm:s5], $0x2800  }
0x36: {  	_ =	swait.ge [sflag:s16], $0x2800  }
0x37: {  	[sflag:s16] =	ssyncset.done $0x0  }
0x38: {  	[sflag:s16] =	ssyncadd.s32 $0xFFFFD800  }
0x39: {  	[bflag:$0x0] =	sbarrier.arrive $0xFFFF  }
0x3a: {  	[tilespmem:s17], [sflag:$0x3] =	stream.linear.gather [hbm4b:s9+s4], $0x80, $0x38;
	[tilespmem:$0x1C200] =	vst v63  }
0x3b: {  	_ = 	snop  }
0x3c: {  	[tilespmem:s18], [sflag:$0x5] =	stream.linear.gather [hbm4b:s2+s4], $0x80, $0x38;
	[tilespmem:$0x1C200] =	vst v63  }
0x3d: {  	_ = 	snop  }
0x3e: {  	[tilespmem:s19], [sflag:$0x4] =	stream.linear.gather [hbm4b:s7+s4], $0x80, $0x38;
	[tilespmem:$0x1C200] =	vst v63  }
0x3f: {  	_ = 	snop  }
0x40: {  	[tilespmem:s20], [sflag:$0x6] =	stream.linear.gather [hbm4b:s8+s4], $0x80, $0x38;
	[tilespmem:$0x1C200] =	vst v63  }
0x41: {  	_ =	swait.ge [sflag:s21], $0x80  }
0x42: {  	[sflag:s21] =	ssyncset.done $0x0  }
0x43: {  	[sflag:s21] =	ssyncadd.s32 $0xFFFFFF80  }
0x44: {  	[tilespmem:s23], [sflag:$0x1] =	stream.indirect.gather [hbm4b:s1+s22], $0x80, s17, s22, $0xb8;
	[tilespmem:$0x1C200] =	vst v63  }
.Ltmp2:
0x45: {  	_ = 	snop;
	(pc) =	sbr.rel @p0 .LBB2_5-.Ltmp2, $4  }
0x46: {  	_ =	swait.ge [sflag:s24], $0x80  }
0x47: {  	[sflag:s24] =	ssyncset.done $0x0  }
0x48: {  	[sflag:s24] =	ssyncadd.s32 $0xFFFFFF80  }
0x49: {  	[tilespmem:s25], [sflag:$0x2] =	stream.indirect.gather [hbm4b:s1+s22], $0x80, s19, s22, $0xb8;
	[tilespmem:$0x1C200] =	vst v63  }
0x4a: {  	_ =	swait.ge [sflag:s26], $0x4000  }
0x4b: {  	s12 =	smov.u32 s8;
	s0 =	sadd.s32 $0xFFFFF640, s13;
	[sflag:s26] =	ssyncset.done $0x0  }
0x4c: {  	s8 =	smov.u32 s5;
	s5 =	sadd.s32 $0x9E0, s0;
	[sflag:s26] =	ssyncadd.s32 $0xFFFFC000  }
0x4d: {  	[tilespmem:s17], [sflag:$0x3] =	stream.linear.gather [hbm4b:s5+s4], $0x80, $0x38;
	[tilespmem:$0x1C200] =	vst v63  }
0x4e: {  	_ =	swait.ge [sflag:s28], $0x80  }
0x4f: {  	[sflag:s28] =	ssyncset.done $0x0  }
0x50: {  	[sflag:s28] =	ssyncadd.s32 $0xFFFFFF80  }
0x51: {  	[spmem:s3] =	stream.indirect.scatter.add.f32 [tilespmem:s23], [sflag:$0x7], $0x80, s18, s22, $0xb8;
	[tilespmem:$0x1C200] =	vst v63  }
0x52: {  	_ =	swait.ge [sflag:s16], $0x4000  }
0x53: {  	s10 =	smov.u32 s2;
	s2 =	sadd.s32 $0xFFFFF640, s14;
	[sflag:s16] =	ssyncset.done $0x0  }
0x54: {  	s11 =	smov.u32 s7;
	s7 =	sadd.s32 $0x9E0, s2;
	[sflag:s16] =	ssyncadd.s32 $0xFFFFC000  }
0x55: {  	[tilespmem:s18], [sflag:$0x5] =	stream.linear.gather [hbm4b:s7+s4], $0x80, $0x38;
	[tilespmem:$0x1C200] =	vst v63  }
0x56: {  	_ =	swait.ge [sflag:s21], $0x80  }
0x57: {  	[sflag:s21] =	ssyncset.done $0x0  }
0x58: {  	[sflag:s21] =	ssyncadd.s32 $0xFFFFFF80  }
0x59: {  	[tilespmem:s23], [sflag:$0x1] =	stream.indirect.gather [hbm4b:s1+s22], $0x80, s17, s22, $0xb8;
	[tilespmem:$0x1C200] =	vst v63  }
0x5a: {  	_ =	swait.ge [sflag:s29], $0x4000  }
0x5b: {  	[sflag:s29] =	ssyncset.done $0x0  }
0x5c: {  	s0 =	sadd.s32 $0x9F0, s0;
	[sflag:s29] =	ssyncadd.s32 $0xFFFFC000  }
0x5d: {  	[tilespmem:s19], [sflag:$0x4] =	stream.linear.gather [hbm4b:s0+s4], $0x80, $0x38;
	[tilespmem:$0x1C200] =	vst v63  }
0x5e: {  	_ =	swait.ge [sflag:s30], $0x80  }
0x5f: {  	[sflag:s30] =	ssyncset.done $0x0  }
0x60: {  	[sflag:s30] =	ssyncadd.s32 $0xFFFFFF80  }
0x61: {  	[spmem:s3] =	stream.indirect.scatter.add.f32 [tilespmem:s25], [sflag:$0x7], $0x80, s20, s22, $0xb8;
	[tilespmem:$0x1C200] =	vst v63  }
0x62: {  	_ =	swait.ge [sflag:s16], $0x4000  }
0x63: {  	[sflag:s16] =	ssyncset.done $0x0  }
0x64: {  	s7 =	sadd.s32 $0x9F0, s2;
	[sflag:s16] =	ssyncadd.s32 $0xFFFFC000  }
0x65: {  	[tilespmem:s20], [sflag:$0x6] =	stream.linear.gather [hbm4b:s7+s4], $0x80, $0x38;
	[tilespmem:$0x1C200] =	vst v63  }
0x66: {  	_ =	swait.ge [sflag:s24], $0x80  }
0x67: {  	[sflag:s24] =	ssyncset.done $0x0  }
0x68: {  	s0 =	simm.s32 $0xFFFFF660;
	[sflag:s24] =	ssyncadd.s32 $0xFFFFFF80  }
.LBB2_3:
0x69: {  	[tilespmem:s25], [sflag:$0x2] =	stream.indirect.gather [hbm4b:s1+s22], $0x80, s19, s22, $0xb8;
	[tilespmem:$0x1C200] =	vst v63  }
0x6a: {  	s2 =	smov.u32 s0  }
0x6b: {  	p1 =	sne.s32 s0, $0xFFFFFFE0;
	s0 =	sadd.s32 $0x20, s0;
	_ =	swait.ge [sflag:s26], $0x4000  }
0x6c: {  	s5 =	sadd.s32 s2, s13;
	[sflag:s26] =	ssyncset.done $0x0  }
0x6d: {  	s7 =	sadd.s32 $0x9E0, s5;
	[sflag:s26] =	ssyncadd.s32 $0xFFFFC000  }
0x6e: {  	[tilespmem:s17], [sflag:$0x3] =	stream.linear.gather [hbm4b:s7+s4], $0x80, $0x38;
	[tilespmem:$0x1C200] =	vst v63  }
0x6f: {  	_ =	swait.ge [sflag:s28], $0x80  }
0x70: {  	[sflag:s28] =	ssyncset.done $0x0  }
0x71: {  	[sflag:s28] =	ssyncadd.s32 $0xFFFFFF80  }
0x72: {  	[spmem:s3] =	stream.indirect.scatter.add.f32 [tilespmem:s23], [sflag:$0x7], $0x80, s18, s22, $0xb8;
	[tilespmem:$0x1C200] =	vst v63  }
0x73: {  	_ =	swait.ge [sflag:s16], $0x4000  }
0x74: {  	s2 =	sadd.s32 s2, s14;
	[sflag:s16] =	ssyncset.done $0x0  }
0x75: {  	s7 =	sadd.s32 $0x9E0, s2;
	[sflag:s16] =	ssyncadd.s32 $0xFFFFC000  }
0x76: {  	[tilespmem:s18], [sflag:$0x5] =	stream.linear.gather [hbm4b:s7+s4], $0x80, $0x38;
	[tilespmem:$0x1C200] =	vst v63  }
0x77: {  	_ =	swait.ge [sflag:s21], $0x80  }
0x78: {  	[sflag:s21] =	ssyncset.done $0x0  }
0x79: {  	[sflag:s21] =	ssyncadd.s32 $0xFFFFFF80  }
0x7a: {  	[tilespmem:s23], [sflag:$0x1] =	stream.indirect.gather [hbm4b:s1+s22], $0x80, s17, s22, $0xb8;
	[tilespmem:$0x1C200] =	vst v63  }
0x7b: {  	_ =	swait.ge [sflag:s29], $0x4000  }
0x7c: {  	[sflag:s29] =	ssyncset.done $0x0  }
0x7d: {  	s5 =	sadd.s32 $0x9F0, s5;
	[sflag:s29] =	ssyncadd.s32 $0xFFFFC000  }
0x7e: {  	[tilespmem:s19], [sflag:$0x4] =	stream.linear.gather [hbm4b:s5+s4], $0x80, $0x38;
	[tilespmem:$0x1C200] =	vst v63  }
0x7f: {  	_ =	swait.ge [sflag:s30], $0x80  }
0x80: {  	[sflag:s30] =	ssyncset.done $0x0  }
0x81: {  	[sflag:s30] =	ssyncadd.s32 $0xFFFFFF80  }
0x82: {  	[spmem:s3] =	stream.indirect.scatter.add.f32 [tilespmem:s25], [sflag:$0x7], $0x80, s20, s22, $0xb8;
	[tilespmem:$0x1C200] =	vst v63  }
0x83: {  	_ =	swait.ge [sflag:s16], $0x4000  }
0x84: {  	[sflag:s16] =	ssyncset.done $0x0  }
.Ltmp3:
0x85: {  	s2 =	sadd.s32 $0x9F0, s2;
	[sflag:s16] =	ssyncadd.s32 $0xFFFFC000;
	(pc) =	sbr.rel @p1 .LBB2_3-.Ltmp3, $4  }
0x86: {  	[tilespmem:s20], [sflag:$0x6] =	stream.linear.gather [hbm4b:s2+s4], $0x80, $0x38;
	[tilespmem:$0x1C200] =	vst v63  }
0x87: {  	_ =	swait.ge [sflag:s24], $0x80  }
0x88: {  	[sflag:s24] =	ssyncset.done $0x0  }
0x89: {  	[sflag:s24] =	ssyncadd.s32 $0xFFFFFF80  }
.Ltmp4:
0x8a: {  	_ = 	snop;
	(pc) =	sbr.rel .LBB2_4-.Ltmp4, $1  }
0x8b: {  	_ =	sdelay $0x3  }
.LBB2_6:
0x8c: {  	_ =	sfence.sel $0x180000  }
0x8d: {  	[bflag:$0x0] =	sbarrier.arrive $0xFFFF  }
0x8e: {  	_ =	strace $0x9000004A  }
0x8f: {  	s0 =	stileid.u32;
	[bflag:$0x2] =	sbarrier.arrive $0xFFFF  }
0x90: {  	p0 =	sne.s32 s0, $0x0;
	s0 =	rddreg [dreg:$0x4]  }
0x91: {  	s0 =	sadd.s32 @!p0 $0x100000, s0  }
0x92: {  	[sflag:s0] =	ssyncadd.tile.s32 @!p0 $0x1;
	_ =	shalt  }
.Lfunc_end2:
_tile_overlayer_lowered:
.L_overlay_start_2:
0x93: {  	(tag) =	ssettag $0x2  }
0x94: {  	s0 =	rddreg [dreg:$0x0];
	s2 =	stileid.u32  }
0x95: {  	s1 =	rddreg [dreg:$0x1];
	p0 =	sne.s32 s2, $0x0  }
0x96: {  	s3 =	rddreg [dreg:$0x2];
	[bflag:$0x3] =	sbarrier.arrive $0xFFFF;
	s2 =	simm.s32 @!p0 $0x1C07  }
0x97: {  	[timem:s3], [sflag:s2] =	dma.local @!p0 [hbm:s0], s1  }
0x98: {  	s0 =	simm.s32 @!p0 $0x7  }
0x99: {  	_ =	swait.ge @!p0 [sflag:s0], s1  }
0x9a: {  	s1 =	ssub.s32 @!p0 $0x0, s1;
	[sflag:s0] =	ssyncset.done @!p0 $0x0  }
0x9b: {  	[sflag:s0] =	ssyncadd.s32 @!p0 s1  }
0x9c: {  	[bflag:$0x3] =	sbarrier.arrive $0xFFFF  }
0x9d: {  	_ =	shalt  }

// kernel: kernel.16.cloned.1.call-start
scs
__scs_entry_jumppad:
0x0: {  	(pc) =	sbr.rel $0x88, $3  }
0x1: {  	(tag) =	ssettag $0x0;
	lr =	simm.s32 $0x1  }
0x2: {  	[smem:$0x3F8F] =	sst lr;
	_ =	strace $0xD0000000  }
0x3: {  	_ = 	snop  }
0x4: {  	_ = 	snop  }
0x5: {  	_ = 	snop  }
0x6: {  	_ = 	snop  }
0x7: {  	_ = 	snop  }
__scs_overlays_trampoline_lowered:
0x8: {  	[smem:$0x3F9E] =	sst s0  }
0x9: {  	[smem:$0x3F9F] =	sst s1  }
0xa: {  	[smem:$0x3FA0] =	sst s2  }
0xb: {  	[smem:$0x3FA1] =	sst s3  }
0xc: {  	[smem:$0x3FA2] =	sst s4  }
0xd: {  	[smem:$0x3FA3] =	sst s5  }
0xe: {  	[smem:$0x3FA4] =	sst s6  }
0xf: {  	[smem:$0x3FA5] =	sst s7  }
0x10: {  	[smem:$0x3FA6] =	sst s8  }
0x11: {  	[smem:$0x3FA7] =	sst s9;
	s0 =	simm.s32 @!p0 $0x0  }
0x12: {  	s1 =	sld [smem:$0x3F8D];
	s0 =	simm.s32 @p0 $0x1  }
0x13: {  	[smem:$0x3FA8] =	sst s0;
	s0 =	simm.s32 @!p1 $0x0  }
0x14: {  	s2 =	sld [smem:$0x3F8C];
	s0 =	simm.s32 @p1 $0x1  }
0x15: {  	[smem:$0x3FA9] =	sst s0;
	s0 =	simm.s32 @!p2 $0x0  }
0x16: {  	s3 =	sld [smem:$0x3FDB];
	s0 =	simm.s32 @p2 $0x1  }
0x17: {  	s4 =	simm.s32 $0x1BF5;
	[smem:$0x3FAB] =	sst s0  }
0x18: {  	s0 =	sld [smem:$0x3F8E];
	_ =	swait.ge [sflag:s4], $0x0  }
0x19: {  	s7 =	sld [smem:$0x3F8F]  }
0x1a: {  	s8 =	sadd.s32 $0xFFFFE003, lr  }
0x1b: {  	s9 =	sadd.s32 $0xFFFFFEF7, lr;
	s5 =	simm.s32 $0xFFFFFFFF;
	p2 =	slt.u32 s8, $0xFFFFF086  }
0x1c: {  	p1 =	slt.u32 s9, $0xF7A;
	s5 =	simm.s32 @!p2 $0x0  }
0x1d: {  	s5 =	simm.s32 @p1 $0x1;
	p0 =	seq.s32 s7, s2  }
0x1e: {  	s7 =	smul.u32 @!p0 $0xF7A, s2;
	p2 =	seq.s32 @!p0 s5, $0x0  }
0x1f: {  	s9 =	smul.u32 $0xF7A, s1;
	s8 =	simm.s32 @!p0 $0x1BF5;
	p2 =	por !p2, p0  }
0x20: {  	[sflag:s8] =	ssyncset.s32 @!p0 $0xFFFFF086;
	s6 =	sadd.s32 @!p0 s3, s7;
	s7 =	simm.s32 @!p0 $0x108  }
0x21: {  	s3 =	sadd.s32 s3, s9;
	s6 =	sadd.s32 @!p0 $0x88, s6;
	s7 =	simm.s32 @p2 $0x1082  }
0x22: {  	[simem:s7], [sflag:s8] =	dma.local @!p0 [hbm:s6], $0xF7A  }
0x23: {  	s9 =	sor.u32 $0xD0000000, s2;
	s6 =	simm.s32 $0x108;
	_ =	swait.ge @!p0 [sflag:s8], $0x0  }
0x24: {  	s3 =	sadd.s32 $0x88, s3;
	s6 =	simm.s32 @!p1 $0x1082;
	[sflag:s4] =	ssyncset.s32 $0xFFFFF086  }
0x25: {  	[simem:s6], [sflag:s4] =	dma.local [hbm:s3], $0xF7A  }
0x26: {  	[smem:$0x3F8F] =	sst s1;
	(tag) =	ssettag s2;
	_ =	strace s9  }
0x27: {  	s1 =	sld [smem:$0x3F9F]  }
0x28: {  	s2 =	sld [smem:$0x3FA0]  }
0x29: {  	s4 =	sld [smem:$0x3FA2]  }
0x2a: {  	p0 =	seq.s32 s5, $0x0;
	s5 =	sld [smem:$0x3FA3]  }
0x2b: {  	s6 =	sld [smem:$0x3FA4]  }
0x2c: {  	s7 =	sld [smem:$0x3FA5]  }
0x2d: {  	s3 =	simm.s32 $0x108;
	s8 =	sld [smem:$0x3FA6]  }
0x2e: {  	s3 =	simm.s32 @!p0 $0x1082;
	s9 =	sld [smem:$0x3FA7]  }
0x2f: {  	lr =	sadd.s32 s0, s3;
	s0 =	sld [smem:$0x3F9E]  }
0x30: {  	s3 =	sld [smem:$0x3FA1]  }
0x31: {  	[smem:$0x3FAA] =	sst s10  }
0x32: {  	s10 =	sld [smem:$0x3FA8];
	_ =	sdelay $0x3  }
0x33: {  	p0 =	seq.s32 s10, $0x1;
	s10 =	sld [smem:$0x3FAA];
	_ =	sdelay $0x3  }
0x34: {  	[smem:$0x3FAA] =	sst s10  }
0x35: {  	s10 =	sld [smem:$0x3FA9];
	_ =	sdelay $0x3  }
0x36: {  	p1 =	seq.s32 s10, $0x1;
	s10 =	sld [smem:$0x3FAA];
	_ =	sdelay $0x3  }
0x37: {  	[smem:$0x3FAA] =	sst s10  }
0x38: {  	s10 =	sld [smem:$0x3FAB]  }
0x39: {  	_ = 	snop;
	(pc) =	sbr.ind lr, $3  }
0x3a: {  	_ = 	snop  }
0x3b: {  	_ = 	snop  }
0x3c: {  	p2 =	seq.s32 s10, $0x1;
	s10 =	sld [smem:$0x3FAA]  }
0x3d: {  	_ =	shalt  }
0x3e: {  	_ =	shalt  }
0x3f: {  	_ =	shalt  }
0x40: {  	_ =	shalt  }
0x41: {  	_ =	shalt  }
0x42: {  	_ =	shalt  }
0x43: {  	_ =	shalt  }
0x44: {  	_ =	shalt  }
0x45: {  	_ =	shalt  }
0x46: {  	_ =	shalt  }
0x47: {  	_ =	shalt  }
0x48: {  	_ =	shalt  }
0x49: {  	_ =	shalt  }
0x4a: {  	_ =	shalt  }
0x4b: {  	_ =	shalt  }
0x4c: {  	_ =	shalt  }
0x4d: {  	_ =	shalt  }
0x4e: {  	_ =	shalt  }
0x4f: {  	_ =	shalt  }
0x50: {  	_ =	shalt  }
0x51: {  	_ =	shalt  }
0x52: {  	_ =	shalt  }
0x53: {  	_ =	shalt  }
0x54: {  	_ =	shalt  }
0x55: {  	_ =	shalt  }
0x56: {  	_ =	shalt  }
0x57: {  	_ =	shalt  }
0x58: {  	_ =	shalt  }
0x59: {  	_ =	shalt  }
0x5a: {  	_ =	shalt  }
0x5b: {  	_ =	shalt  }
0x5c: {  	_ =	shalt  }
0x5d: {  	_ =	shalt  }
0x5e: {  	_ =	shalt  }
0x5f: {  	_ =	shalt  }
0x60: {  	_ =	shalt  }
0x61: {  	_ =	shalt  }
0x62: {  	_ =	shalt  }
0x63: {  	_ =	shalt  }
0x64: {  	_ =	shalt  }
0x65: {  	_ =	shalt  }
0x66: {  	_ =	shalt  }
0x67: {  	_ =	shalt  }
0x68: {  	_ =	shalt  }
0x69: {  	_ =	shalt  }
0x6a: {  	_ =	shalt  }
0x6b: {  	_ =	shalt  }
0x6c: {  	_ =	shalt  }
0x6d: {  	_ =	shalt  }
0x6e: {  	_ =	shalt  }
0x6f: {  	_ =	shalt  }
0x70: {  	_ =	shalt  }
0x71: {  	_ =	shalt  }
0x72: {  	_ =	shalt  }
0x73: {  	_ =	shalt  }
0x74: {  	_ =	shalt  }
0x75: {  	_ =	shalt  }
0x76: {  	_ =	shalt  }
0x77: {  	_ =	shalt  }
0x78: {  	_ =	shalt  }
0x79: {  	_ =	shalt  }
0x7a: {  	_ =	shalt  }
0x7b: {  	_ =	shalt  }
0x7c: {  	_ =	shalt  }
0x7d: {  	_ =	shalt  }
0x7e: {  	_ =	shalt  }
0x7f: {  	_ =	shalt  }
0x80: {  	_ =	shalt  }
0x81: {  	_ =	shalt  }
0x82: {  	_ =	shalt  }
0x83: {  	_ =	shalt  }
0x84: {  	_ =	shalt  }
0x85: {  	_ =	shalt  }
0x86: {  	_ =	shalt  }
0x87: {  	_ =	shalt  }
.Lfunc_end0:
.L_simem_size_0:
called_computation.2_lowered:
.L_overlay_start_0:
0x88: {  	s2 =	sld [smem:$0x3FD9]  }
0x89: {  	s3 =	sld [smem:$0x3FFE];
	_ =	sdelay $0x1  }
0x8a: {  	s1 =	srdreg.scid  }
0x8b: {  	s0 =	sand.u32 $0x1, s1  }
0x8c: {  	s14 =	sshll.u32 s0, $0xA;
	s2 =	sadd.s32 s3, s2  }
0x8d: {  	s2 =	sadd.s32 s2, s14  }
0x8e: {  	[smem:$0x3FB6] =	sst s2  }
0x8f: {  	_ = 	snop  }
0x90: {  	s2 =	sld [smem:$0x3FD0];
	_ =	sdelay $0x2  }
0x91: {  	s15 =	simm.s32 $0xA;
	s4 =	simm.s32 $0x10  }
0x92: {  	[smem:s4], [sflag:s15] =	dma.local [hbm:s2], $0x1  }
0x93: {  	_ =	swait.eq [sflag:s15], $0x1  }
0x94: {  	[sflag:s15] =	ssyncset.done $0x0  }
0x95: {  	s16 =	sld [smem:$0x10];
	[sflag:s15] =	ssyncadd.s32 $0xFFFFFFFF  }
0x96: {  	s17 =	sld [smem:$0x13];
	(tm) =	ssettm $0x1  }
0x97: {  	s18 =	sld [smem:$0x3FFB];
	_ =	sdelay $0x3  }
0x98: {  	_ =	strace s18  }
0x99: {  	s4 =	sld [smem:$0x3FFC];
	_ =	sdelay $0x3  }
0x9a: {  	_ =	strace s4  }
0x9b: {  	s4 =	sld [smem:$0x3FFD];
	_ =	sdelay $0x3  }
0x9c: {  	_ =	strace s4  }
0x9d: {  	_ =	strace $0x8FFFFFFF  }
0x9e: {  	s19 =	sld [smem:$0x3FDB];
	_ =	sdelay $0x1  }
0x9f: {  	s5 =	simm.s32 $_scs_section_size  }
0xa0: {  	s6 =	simm.s32 $_size__tile_overlayer_lowered;
	s7 =	simm.s32 $_tile_overlayer_lowered  }
0xa1: {  	s22 =	simm.s32 $0x1BFF;
	s21 =	sshll.u32 s7, $0x1;
	s4 =	sadd.s32 s5, s19  }
0xa2: {  	s8 =	simm.s32 $0x0;
	s20 =	sshll.u32 s6, $0x1;
	s6 =	sadd.s32 s21, s4  }
0xa3: {  	[timem:s8], [sflag:s22] =	dma.local [hbm:s6], s20  }
0xa4: {  	_ =	swait.ge [sflag:s22], s20  }
0xa5: {  	s5 =	ssub.s32 $0x0, s20;
	[sflag:s22] =	ssyncset.done $0x0  }
0xa6: {  	[sflag:s22] =	ssyncadd.s32 s5;
	_ =	sdelay $0x1  }
0xa7: {  	s23 =	simm.s32 $0x1B8B  }
0xa8: {  	_ =	swait.ge [sflag:s23], $0x1  }
0xa9: {  	[sflag:s23] =	ssyncset.done $0x0  }
0xaa: {  	s25 =	simm.s32 $0x1B8E;
	s24 =	sld [smem:$0x3FFE];
	[sflag:s23] =	ssyncadd.s32 $0xFFFFFFFF  }
0xab: {  	s26 =	simm.s32 $execute0_lowered;
	[smem:$0x3FD2] =	sst s25  }
0xac: {  	s6 =	sshll.u32 s26, $0x1;
	_ =	strace $0x8000004C;
	[dreg:$0x1] =	wrdreg $0xFFFFFFFF  }
0xad: {  	s28 =	simm.s32 $_size_execute0_lowered;
	s4 =	sadd.s32 s4, s6;
	[dreg:$0x0] =	wrdreg $0x0  }
0xae: {  	s6 =	sshll.u32 s28, $0x1;
	[dreg:$0x2] =	wrdreg s4  }
0xaf: {  	[dreg:$0x3] =	wrdreg s6  }
0xb0: {  	[dreg:$0x4] =	wrdreg $0xC0  }
0xb1: {  	_ =	task [dreg:s8], $0x5FFFF  }
0xb2: {  	[dreg:$0x1] =	wrdreg $0xFFFFFFFF  }
0xb3: {  	[dreg:$0x0] =	wrdreg $0x60  }
0xb4: {  	[dreg:$0x2] =	wrdreg s17  }
0xb5: {  	[dreg:$0x3] =	wrdreg s16  }
0xb6: {  	[dreg:$0x4] =	wrdreg s24  }
0xb7: {  	[dreg:$0x5] =	wrdreg $0x0  }
0xb8: {  	[dreg:$0x6] =	wrdreg $0x9  }
0xb9: {  	_ =	task.clear_ibuf [dreg:s8], $0x7FFFF;
	_ =	strace $0x9000004C  }
0xba: {  	s29 =	simm.s32 $0x9;
	_ =	strace $0x8000004E  }
0xbb: {  	_ =	swait.ge [sflag:s29], $0x1  }
0xbc: {  	[sflag:s29] =	ssyncadd.s32 $0xFFFFFFFF  }
0xbd: {  	_ =	strace $0x9000004E  }
0xbe: {  	_ =	sfence  }
0xbf: {  	s30 =	sld [smem:$0x0];
	_ =	sdelay $0x2  }
0xc0: {  	s31 =	sshll.u32 s1, $0xD;
	s1 =	sshrl.u32 s1, $0x2  }
0xc1: {  	s3 =	sand.u32 $0x4000, s31;
	s1 =	sadd.s32 s1, s30  }
0xc2: {  	s0 =	sor.u32 s3, s0;
	s1 =	sshll.u32 s1, $0x11  }
0xc3: {  	s0 =	sor.u32 s1, s0  }
0xc4: {  	s0 =	sadd.s32 $0x8F2B, s0  }
0xc5: {  	[sflag:s0] =	ssyncadd.remote.s32 $0x1  }
0xc6: {  	_ =	sfence.sel $0xFFFF  }
0xc7: {  	[dreg:$0x0] =	wrdreg $0xFFFFFFFF;
	(pc) =	sbr.abs _section_cstart, $3  }
0xc8: {  	[dreg:$0x1] =	wrdreg $0xFFFFFFFF  }
0xc9: {  	_ =	task.clear_ibuf [dreg:s8], $0x2FFFF;
	_ =	strace $0x9FFFFFFF  }
0xca: {  	(tm) =	ssettm $0x7FFFFFFF  }
0xcb: {  	_ =	shalt  }
tec
execute0_lowered:
.L_overlay_start_1:
0x0: {  	(tag) =	ssettag $0x1  }
0x1: {  	s1 =	rddreg [dreg:$0x0]  }
0x2: {  	s0 =	rddreg [dreg:$0x1]  }
0x3: {  	s5 =	rddreg [dreg:$0x2]  }
0x4: {  	s3 =	rddreg [dreg:$0x3]  }
0x5: {  	s2 =	stileid.u32;
	s6 =	srdreg.scid  }
0x6: {  	s4 =	simm.s32 $0x0;
	s18 =	simm.s32 $0x14100;
	s19 =	simm.s32 $0x14080  }
0x7: {  	s20 =	simm.s32 $0x14180;
	s28 =	simm.s32 $0x5;
	s29 =	simm.s32 $0x2  }
0x8: {  	s30 =	simm.s32 $0x6;
	s31 =	simm.s32 $0x0;
	s7 =	smul.u32 $0x14000, s2  }
0x9: {  	s15 =	sand.u32 $0x1, s6;
	[smem:$0x7FF] =	sst s4;
	s24 =	smul.u32 $0x50000, s2  }
0xa: {  	s14 =	sadd.s32 $0x4A00, s5;
	s25 =	sshll.u32 s2, $0x1;
	s17 =	smul.u32 $0x9E0, s2  }
0xb: {  	s26 =	sshll.u32 s2, $0x6;
	s6 =	smul.u32 $0x140000, s15;
	_ =	strace $0x8000004D  }
0xc: {  	s22 =	ssub.s32 $0x2, s15;
	p0 =	seq.s32 s15, $0x0;
	s8 =	sshrl.u32 s7, $0x3  }
0xd: {  	s23 =	sshrl.u32 s22, $0x1;
	s13 =	sadd.s32 s17, s0;
	s6 =	sadd.s32 s7, s6  }
0xe: {  	s21 =	sadd.s32 s8, s5;
	s12 =	ssub.s32 s22, s23;
	s8 =	sor.u32 $0x9E0, s25  }
0xf: {  	s22 =	simm.s32 $0x80;
	s23 =	simm.s32 $0x14200;
	s6 =	sshrl.u32 s6, $0x3  }
0x10: {  	s11 =	sadd.s32 s6, s5;
	s5 =	smul.u32 $0x9E, s2;
	s6 =	sshrl.u32 s24, $0x2  }
0x11: {  	s25 =	simm.s32 $0x18200;
	s24 =	simm.s32 $0x4;
	s16 =	sadd.s32 s6, s3  }
0x12: {  	s6 =	sor.u32 $0x1C07, s26;
	s26 =	simm.s32 $0x1;
	s8 =	smov.u32 @p0 s5  }
0x13: {  	s5 =	sadd.s32 $0xEA00, s21;
	p0 =	sne.s32 s15, $0x0;
	s15 =	sshrl.u32 s16, $0x3  }
.Ltmp0:
0x14: {  	s16 =	simm.s32 $0x7;
	s8 =	sshll.u32 s8, $0x4;
	(pc) =	sbr.rel .LBB2_1-.Ltmp0, $4  }
0x15: {  	s9 =	sadd.s32 s0, s8;
	s10 =	sor.u32 $0x10, s8;
	s2 =	sadd.s32 s14, s8  }
0x16: {  	s7 =	sadd.s32 s0, s10;
	s8 =	sadd.s32 s14, s10;
	s10 =	sadd.s32 $0x36A00, s11  }
0x17: {  	s21 =	simm.s32 $0x3;
	s11 =	smax.u32 s12, $0x1;
	[dreg:$0x5] =	wrdreg s10  }
0x18: {  	s14 =	sadd.s32 s17, s14;
	s17 =	simm.s32 $0x14000;
	[dreg:$0x6] =	wrdreg s11  }
.LBB2_4:
0x19: {  	[tilespmem:s25], [sflag:$0x2] =	stream.indirect.gather [hbm4b:s1+s22], $0x80, s19, s22, $0xb8;
	[tilespmem:$0x1C200] =	vst v63  }
0x1a: {  	s5 =	smov.u32 s8;
	s2 =	smov.u32 s10;
	s10 =	rddreg [dreg:$0x5]  }
0x1b: {  	s7 =	smov.u32 s11;
	s8 =	smov.u32 s12;
	s11 =	rddreg [dreg:$0x6]  }
.LBB2_5:
0x1c: {  	_ =	swait.ge [sflag:s26], $0x4000  }
0x1d: {  	[sflag:s26] =	ssyncset.done $0x0  }
0x1e: {  	[sflag:s26] =	ssyncadd.s32 $0xFFFFC000  }
0x1f: {  	_ =	swait.ge [sflag:s28], $0x80  }
0x20: {  	[sflag:s28] =	ssyncset.done $0x0  }
0x21: {  	[sflag:s28] =	ssyncadd.s32 $0xFFFFFF80  }
0x22: {  	[spmem:s3] =	stream.indirect.scatter.add.f32 [tilespmem:s23], [sflag:$0x7], $0x80, s18, s22, $0xb8;
	[tilespmem:$0x1C200] =	vst v63  }
0x23: {  	_ =	swait.ge [sflag:s16], $0x4000  }
0x24: {  	[sflag:s16] =	ssyncset.done $0x0  }
0x25: {  	[sflag:s16] =	ssyncadd.s32 $0xFFFFC000  }
0x26: {  	_ =	swait.ge [sflag:s29], $0x4000  }
0x27: {  	[sflag:s29] =	ssyncset.done $0x0  }
0x28: {  	[sflag:s29] =	ssyncadd.s32 $0xFFFFC000  }
0x29: {  	_ =	swait.ge [sflag:s30], $0x80  }
0x2a: {  	[sflag:s30] =	ssyncset.done $0x0  }
0x2b: {  	[sflag:s30] =	ssyncadd.s32 $0xFFFFFF80  }
0x2c: {  	[spmem:s3] =	stream.indirect.scatter.add.f32 [tilespmem:s25], [sflag:$0x7], $0x80, s20, s22, $0xb8;
	[tilespmem:$0x1C200] =	vst v63  }
0x2d: {  	_ =	swait.ge [sflag:s16], $0x4000  }
0x2e: {  	s31 =	sadd.s32 $0x1, s31;
	[sflag:s16] =	ssyncset.done $0x0  }
0x2f: {  	p1 =	sne.s32 s31, s11;
	[sflag:s16] =	ssyncadd.s32 $0xFFFFC000  }
.Ltmp1:
0x30: {  	[bflag:$0x0] =	sbarrier.arrive $0xFFFF;
	(pc) =	sbr.rel @!p1 .LBB2_6-.Ltmp1, $4  }
0x31: {  	[hbm:s10], [sflag:s6] =	dma.local [spmem:s15], $0x2800  }
0x32: {  	_ =	swait.ge [sflag:s16], $0x2800  }
0x33: {  	[sflag:s16] =	ssyncset.done $0x0  }
0x34: {  	[sflag:s16] =	ssyncadd.s32 $0xFFFFD800  }
.LBB2_1:
0x35: {  	[spmem:s15], [sflag:s6] =	dma.local [hbm:s5], $0x2800  }
0x36: {  	_ =	swait.ge [sflag:s16], $0x2800  }
0x37: {  	[sflag:s16] =	ssyncset.done $0x0  }
0x38: {  	[sflag:s16] =	ssyncadd.s32 $0xFFFFD800  }
0x39: {  	[bflag:$0x0] =	sbarrier.arrive $0xFFFF  }
0x3a: {  	[tilespmem:s17], [sflag:$0x3] =	stream.linear.gather [hbm4b:s9+s4], $0x80, $0x38;
	[tilespmem:$0x1C200] =	vst v63  }
0x3b: {  	_ = 	snop  }
0x3c: {  	[tilespmem:s18], [sflag:$0x5] =	stream.linear.gather [hbm4b:s2+s4], $0x80, $0x38;
	[tilespmem:$0x1C200] =	vst v63  }
0x3d: {  	_ = 	snop  }
0x3e: {  	[tilespmem:s19], [sflag:$0x4] =	stream.linear.gather [hbm4b:s7+s4], $0x80, $0x38;
	[tilespmem:$0x1C200] =	vst v63  }
0x3f: {  	_ = 	snop  }
0x40: {  	[tilespmem:s20], [sflag:$0x6] =	stream.linear.gather [hbm4b:s8+s4], $0x80, $0x38;
	[tilespmem:$0x1C200] =	vst v63  }
0x41: {  	_ =	swait.ge [sflag:s21], $0x80  }
0x42: {  	[sflag:s21] =	ssyncset.done $0x0  }
0x43: {  	[sflag:s21] =	ssyncadd.s32 $0xFFFFFF80  }
0x44: {  	[tilespmem:s23], [sflag:$0x1] =	stream.indirect.gather [hbm4b:s1+s22], $0x80, s17, s22, $0xb8;
	[tilespmem:$0x1C200] =	vst v63  }
.Ltmp2:
0x45: {  	_ = 	snop;
	(pc) =	sbr.rel @p0 .LBB2_5-.Ltmp2, $4  }
0x46: {  	_ =	swait.ge [sflag:s24], $0x80  }
0x47: {  	[sflag:s24] =	ssyncset.done $0x0  }
0x48: {  	[sflag:s24] =	ssyncadd.s32 $0xFFFFFF80  }
0x49: {  	[tilespmem:s25], [sflag:$0x2] =	stream.indirect.gather [hbm4b:s1+s22], $0x80, s19, s22, $0xb8;
	[tilespmem:$0x1C200] =	vst v63  }
0x4a: {  	_ =	swait.ge [sflag:s26], $0x4000  }
0x4b: {  	s12 =	smov.u32 s8;
	s0 =	sadd.s32 $0xFFFFF640, s13;
	[sflag:s26] =	ssyncset.done $0x0  }
0x4c: {  	s8 =	smov.u32 s5;
	s5 =	sadd.s32 $0x9E0, s0;
	[sflag:s26] =	ssyncadd.s32 $0xFFFFC000  }
0x4d: {  	[tilespmem:s17], [sflag:$0x3] =	stream.linear.gather [hbm4b:s5+s4], $0x80, $0x38;
	[tilespmem:$0x1C200] =	vst v63  }
0x4e: {  	_ =	swait.ge [sflag:s28], $0x80  }
0x4f: {  	[sflag:s28] =	ssyncset.done $0x0  }
0x50: {  	[sflag:s28] =	ssyncadd.s32 $0xFFFFFF80  }
0x51: {  	[spmem:s3] =	stream.indirect.scatter.add.f32 [tilespmem:s23], [sflag:$0x7], $0x80, s18, s22, $0xb8;
	[tilespmem:$0x1C200] =	vst v63  }
0x52: {  	_ =	swait.ge [sflag:s16], $0x4000  }
0x53: {  	s10 =	smov.u32 s2;
	s2 =	sadd.s32 $0xFFFFF640, s14;
	[sflag:s16] =	ssyncset.done $0x0  }
0x54: {  	s11 =	smov.u32 s7;
	s7 =	sadd.s32 $0x9E0, s2;
	[sflag:s16] =	ssyncadd.s32 $0xFFFFC000  }
0x55: {  	[tilespmem:s18], [sflag:$0x5] =	stream.linear.gather [hbm4b:s7+s4], $0x80, $0x38;
	[tilespmem:$0x1C200] =	vst v63  }
0x56: {  	_ =	swait.ge [sflag:s21], $0x80  }
0x57: {  	[sflag:s21] =	ssyncset.done $0x0  }
0x58: {  	[sflag:s21] =	ssyncadd.s32 $0xFFFFFF80  }
0x59: {  	[tilespmem:s23], [sflag:$0x1] =	stream.indirect.gather [hbm4b:s1+s22], $0x80, s17, s22, $0xb8;
	[tilespmem:$0x1C200] =	vst v63  }
0x5a: {  	_ =	swait.ge [sflag:s29], $0x4000  }
0x5b: {  	[sflag:s29] =	ssyncset.done $0x0  }
0x5c: {  	s0 =	sadd.s32 $0x9F0, s0;
	[sflag:s29] =	ssyncadd.s32 $0xFFFFC000  }
0x5d: {  	[tilespmem:s19], [sflag:$0x4] =	stream.linear.gather [hbm4b:s0+s4], $0x80, $0x38;
	[tilespmem:$0x1C200] =	vst v63  }
0x5e: {  	_ =	swait.ge [sflag:s30], $0x80  }
0x5f: {  	[sflag:s30] =	ssyncset.done $0x0  }
0x60: {  	[sflag:s30] =	ssyncadd.s32 $0xFFFFFF80  }
0x61: {  	[spmem:s3] =	stream.indirect.scatter.add.f32 [tilespmem:s25], [sflag:$0x7], $0x80, s20, s22, $0xb8;
	[tilespmem:$0x1C200] =	vst v63  }
0x62: {  	_ =	swait.ge [sflag:s16], $0x4000  }
0x63: {  	[sflag:s16] =	ssyncset.done $0x0  }
0x64: {  	s7 =	sadd.s32 $0x9F0, s2;
	[sflag:s16] =	ssyncadd.s32 $0xFFFFC000  }
0x65: {  	[tilespmem:s20], [sflag:$0x6] =	stream.linear.gather [hbm4b:s7+s4], $0x80, $0x38;
	[tilespmem:$0x1C200] =	vst v63  }
0x66: {  	_ =	swait.ge [sflag:s24], $0x80  }
0x67: {  	[sflag:s24] =	ssyncset.done $0x0  }
0x68: {  	s0 =	simm.s32 $0xFFFFF660;
	[sflag:s24] =	ssyncadd.s32 $0xFFFFFF80  }
.LBB2_3:
0x69: {  	[tilespmem:s25], [sflag:$0x2] =	stream.indirect.gather [hbm4b:s1+s22], $0x80, s19, s22, $0xb8;
	[tilespmem:$0x1C200] =	vst v63  }
0x6a: {  	s2 =	smov.u32 s0  }
0x6b: {  	p1 =	sne.s32 s0, $0xFFFFFFE0;
	s0 =	sadd.s32 $0x20, s0;
	_ =	swait.ge [sflag:s26], $0x4000  }
0x6c: {  	s5 =	sadd.s32 s2, s13;
	[sflag:s26] =	ssyncset.done $0x0  }
0x6d: {  	s7 =	sadd.s32 $0x9E0, s5;
	[sflag:s26] =	ssyncadd.s32 $0xFFFFC000  }
0x6e: {  	[tilespmem:s17], [sflag:$0x3] =	stream.linear.gather [hbm4b:s7+s4], $0x80, $0x38;
	[tilespmem:$0x1C200] =	vst v63  }
0x6f: {  	_ =	swait.ge [sflag:s28], $0x80  }
0x70: {  	[sflag:s28] =	ssyncset.done $0x0  }
0x71: {  	[sflag:s28] =	ssyncadd.s32 $0xFFFFFF80  }
0x72: {  	[spmem:s3] =	stream.indirect.scatter.add.f32 [tilespmem:s23], [sflag:$0x7], $0x80, s18, s22, $0xb8;
	[tilespmem:$0x1C200] =	vst v63  }
0x73: {  	_ =	swait.ge [sflag:s16], $0x4000  }
0x74: {  	s2 =	sadd.s32 s2, s14;
	[sflag:s16] =	ssyncset.done $0x0  }
0x75: {  	s7 =	sadd.s32 $0x9E0, s2;
	[sflag:s16] =	ssyncadd.s32 $0xFFFFC000  }
0x76: {  	[tilespmem:s18], [sflag:$0x5] =	stream.linear.gather [hbm4b:s7+s4], $0x80, $0x38;
	[tilespmem:$0x1C200] =	vst v63  }
0x77: {  	_ =	swait.ge [sflag:s21], $0x80  }
0x78: {  	[sflag:s21] =	ssyncset.done $0x0  }
0x79: {  	[sflag:s21] =	ssyncadd.s32 $0xFFFFFF80  }
0x7a: {  	[tilespmem:s23], [sflag:$0x1] =	stream.indirect.gather [hbm4b:s1+s22], $0x80, s17, s22, $0xb8;
	[tilespmem:$0x1C200] =	vst v63  }
0x7b: {  	_ =	swait.ge [sflag:s29], $0x4000  }
0x7c: {  	[sflag:s29] =	ssyncset.done $0x0  }
0x7d: {  	s5 =	sadd.s32 $0x9F0, s5;
	[sflag:s29] =	ssyncadd.s32 $0xFFFFC000  }
0x7e: {  	[tilespmem:s19], [sflag:$0x4] =	stream.linear.gather [hbm4b:s5+s4], $0x80, $0x38;
	[tilespmem:$0x1C200] =	vst v63  }
0x7f: {  	_ =	swait.ge [sflag:s30], $0x80  }
0x80: {  	[sflag:s30] =	ssyncset.done $0x0  }
0x81: {  	[sflag:s30] =	ssyncadd.s32 $0xFFFFFF80  }
0x82: {  	[spmem:s3] =	stream.indirect.scatter.add.f32 [tilespmem:s25], [sflag:$0x7], $0x80, s20, s22, $0xb8;
	[tilespmem:$0x1C200] =	vst v63  }
0x83: {  	_ =	swait.ge [sflag:s16], $0x4000  }
0x84: {  	[sflag:s16] =	ssyncset.done $0x0  }
.Ltmp3:
0x85: {  	s2 =	sadd.s32 $0x9F0, s2;
	[sflag:s16] =	ssyncadd.s32 $0xFFFFC000;
	(pc) =	sbr.rel @p1 .LBB2_3-.Ltmp3, $4  }
0x86: {  	[tilespmem:s20], [sflag:$0x6] =	stream.linear.gather [hbm4b:s2+s4], $0x80, $0x38;
	[tilespmem:$0x1C200] =	vst v63  }
0x87: {  	_ =	swait.ge [sflag:s24], $0x80  }
0x88: {  	[sflag:s24] =	ssyncset.done $0x0  }
0x89: {  	[sflag:s24] =	ssyncadd.s32 $0xFFFFFF80  }
.Ltmp4:
0x8a: {  	_ = 	snop;
	(pc) =	sbr.rel .LBB2_4-.Ltmp4, $1  }
0x8b: {  	_ =	sdelay $0x3  }
.LBB2_6:
0x8c: {  	_ =	sfence.sel $0x180000  }
0x8d: {  	[bflag:$0x0] =	sbarrier.arrive $0xFFFF  }
0x8e: {  	_ =	strace $0x9000004D  }
0x8f: {  	s0 =	stileid.u32;
	[bflag:$0x2] =	sbarrier.arrive $0xFFFF  }
0x90: {  	p0 =	sne.s32 s0, $0x0;
	s0 =	rddreg [dreg:$0x4]  }
0x91: {  	s0 =	sadd.s32 @!p0 $0x100000, s0  }
0x92: {  	[sflag:s0] =	ssyncadd.tile.s32 @!p0 $0x1;
	_ =	shalt  }
.Lfunc_end2:
_tile_overlayer_lowered:
.L_overlay_start_2:
0x93: {  	(tag) =	ssettag $0x2  }
0x94: {  	s0 =	rddreg [dreg:$0x0];
	s2 =	stileid.u32  }
0x95: {  	s1 =	rddreg [dreg:$0x1];
	p0 =	sne.s32 s2, $0x0  }
0x96: {  	s3 =	rddreg [dreg:$0x2];
	[bflag:$0x3] =	sbarrier.arrive $0xFFFF;
	s2 =	simm.s32 @!p0 $0x1C07  }
0x97: {  	[timem:s3], [sflag:s2] =	dma.local @!p0 [hbm:s0], s1  }
0x98: {  	s0 =	simm.s32 @!p0 $0x7  }
0x99: {  	_ =	swait.ge @!p0 [sflag:s0], s1  }
0x9a: {  	s1 =	ssub.s32 @!p0 $0x0, s1;
	[sflag:s0] =	ssyncset.done @!p0 $0x0  }
0x9b: {  	[sflag:s0] =	ssyncadd.s32 @!p0 s1  }
0x9c: {  	[bflag:$0x3] =	sbarrier.arrive $0xFFFF  }
0x9d: {  	_ =	shalt  }

// kernel: kernel.19.cloned.1.call-start
scs
__scs_entry_jumppad:
0x0: {  	(pc) =	sbr.rel $0x88, $3  }
0x1: {  	(tag) =	ssettag $0x0;
	lr =	simm.s32 $0x1  }
0x2: {  	[smem:$0x3F8F] =	sst lr;
	_ =	strace $0xD0000000  }
0x3: {  	_ = 	snop  }
0x4: {  	_ = 	snop  }
0x5: {  	_ = 	snop  }
0x6: {  	_ = 	snop  }
0x7: {  	_ = 	snop  }
__scs_overlays_trampoline_lowered:
0x8: {  	[smem:$0x3F9E] =	sst s0  }
0x9: {  	[smem:$0x3F9F] =	sst s1  }
0xa: {  	[smem:$0x3FA0] =	sst s2  }
0xb: {  	[smem:$0x3FA1] =	sst s3  }
0xc: {  	[smem:$0x3FA2] =	sst s4  }
0xd: {  	[smem:$0x3FA3] =	sst s5  }
0xe: {  	[smem:$0x3FA4] =	sst s6  }
0xf: {  	[smem:$0x3FA5] =	sst s7  }
0x10: {  	[smem:$0x3FA6] =	sst s8  }
0x11: {  	[smem:$0x3FA7] =	sst s9;
	s0 =	simm.s32 @!p0 $0x0  }
0x12: {  	s1 =	sld [smem:$0x3F8D];
	s0 =	simm.s32 @p0 $0x1  }
0x13: {  	[smem:$0x3FA8] =	sst s0;
	s0 =	simm.s32 @!p1 $0x0  }
0x14: {  	s2 =	sld [smem:$0x3F8C];
	s0 =	simm.s32 @p1 $0x1  }
0x15: {  	[smem:$0x3FA9] =	sst s0;
	s0 =	simm.s32 @!p2 $0x0  }
0x16: {  	s3 =	sld [smem:$0x3FDB];
	s0 =	simm.s32 @p2 $0x1  }
0x17: {  	s4 =	simm.s32 $0x1BF5;
	[smem:$0x3FAB] =	sst s0  }
0x18: {  	s0 =	sld [smem:$0x3F8E];
	_ =	swait.ge [sflag:s4], $0x0  }
0x19: {  	s7 =	sld [smem:$0x3F8F]  }
0x1a: {  	s8 =	sadd.s32 $0xFFFFE003, lr  }
0x1b: {  	s9 =	sadd.s32 $0xFFFFFEF7, lr;
	s5 =	simm.s32 $0xFFFFFFFF;
	p2 =	slt.u32 s8, $0xFFFFF086  }
0x1c: {  	p1 =	slt.u32 s9, $0xF7A;
	s5 =	simm.s32 @!p2 $0x0  }
0x1d: {  	s5 =	simm.s32 @p1 $0x1;
	p0 =	seq.s32 s7, s2  }
0x1e: {  	s7 =	smul.u32 @!p0 $0xF7A, s2;
	p2 =	seq.s32 @!p0 s5, $0x0  }
0x1f: {  	s9 =	smul.u32 $0xF7A, s1;
	s8 =	simm.s32 @!p0 $0x1BF5;
	p2 =	por !p2, p0  }
0x20: {  	[sflag:s8] =	ssyncset.s32 @!p0 $0xFFFFF086;
	s6 =	sadd.s32 @!p0 s3, s7;
	s7 =	simm.s32 @!p0 $0x108  }
0x21: {  	s3 =	sadd.s32 s3, s9;
	s6 =	sadd.s32 @!p0 $0x88, s6;
	s7 =	simm.s32 @p2 $0x1082  }
0x22: {  	[simem:s7], [sflag:s8] =	dma.local @!p0 [hbm:s6], $0xF7A  }
0x23: {  	s9 =	sor.u32 $0xD0000000, s2;
	s6 =	simm.s32 $0x108;
	_ =	swait.ge @!p0 [sflag:s8], $0x0  }
0x24: {  	s3 =	sadd.s32 $0x88, s3;
	s6 =	simm.s32 @!p1 $0x1082;
	[sflag:s4] =	ssyncset.s32 $0xFFFFF086  }
0x25: {  	[simem:s6], [sflag:s4] =	dma.local [hbm:s3], $0xF7A  }
0x26: {  	[smem:$0x3F8F] =	sst s1;
	(tag) =	ssettag s2;
	_ =	strace s9  }
0x27: {  	s1 =	sld [smem:$0x3F9F]  }
0x28: {  	s2 =	sld [smem:$0x3FA0]  }
0x29: {  	s4 =	sld [smem:$0x3FA2]  }
0x2a: {  	p0 =	seq.s32 s5, $0x0;
	s5 =	sld [smem:$0x3FA3]  }
0x2b: {  	s6 =	sld [smem:$0x3FA4]  }
0x2c: {  	s7 =	sld [smem:$0x3FA5]  }
0x2d: {  	s3 =	simm.s32 $0x108;
	s8 =	sld [smem:$0x3FA6]  }
0x2e: {  	s3 =	simm.s32 @!p0 $0x1082;
	s9 =	sld [smem:$0x3FA7]  }
0x2f: {  	lr =	sadd.s32 s0, s3;
	s0 =	sld [smem:$0x3F9E]  }
0x30: {  	s3 =	sld [smem:$0x3FA1]  }
0x31: {  	[smem:$0x3FAA] =	sst s10  }
0x32: {  	s10 =	sld [smem:$0x3FA8];
	_ =	sdelay $0x3  }
0x33: {  	p0 =	seq.s32 s10, $0x1;
	s10 =	sld [smem:$0x3FAA];
	_ =	sdelay $0x3  }
0x34: {  	[smem:$0x3FAA] =	sst s10  }
0x35: {  	s10 =	sld [smem:$0x3FA9];
	_ =	sdelay $0x3  }
0x36: {  	p1 =	seq.s32 s10, $0x1;
	s10 =	sld [smem:$0x3FAA];
	_ =	sdelay $0x3  }
0x37: {  	[smem:$0x3FAA] =	sst s10  }
0x38: {  	s10 =	sld [smem:$0x3FAB]  }
0x39: {  	_ = 	snop;
	(pc) =	sbr.ind lr, $3  }
0x3a: {  	_ = 	snop  }
0x3b: {  	_ = 	snop  }
0x3c: {  	p2 =	seq.s32 s10, $0x1;
	s10 =	sld [smem:$0x3FAA]  }
0x3d: {  	_ =	shalt  }
0x3e: {  	_ =	shalt  }
0x3f: {  	_ =	shalt  }
0x40: {  	_ =	shalt  }
0x41: {  	_ =	shalt  }
0x42: {  	_ =	shalt  }
0x43: {  	_ =	shalt  }
0x44: {  	_ =	shalt  }
0x45: {  	_ =	shalt  }
0x46: {  	_ =	shalt  }
0x47: {  	_ =	shalt  }
0x48: {  	_ =	shalt  }
0x49: {  	_ =	shalt  }
0x4a: {  	_ =	shalt  }
0x4b: {  	_ =	shalt  }
0x4c: {  	_ =	shalt  }
0x4d: {  	_ =	shalt  }
0x4e: {  	_ =	shalt  }
0x4f: {  	_ =	shalt  }
0x50: {  	_ =	shalt  }
0x51: {  	_ =	shalt  }
0x52: {  	_ =	shalt  }
0x53: {  	_ =	shalt  }
0x54: {  	_ =	shalt  }
0x55: {  	_ =	shalt  }
0x56: {  	_ =	shalt  }
0x57: {  	_ =	shalt  }
0x58: {  	_ =	shalt  }
0x59: {  	_ =	shalt  }
0x5a: {  	_ =	shalt  }
0x5b: {  	_ =	shalt  }
0x5c: {  	_ =	shalt  }
0x5d: {  	_ =	shalt  }
0x5e: {  	_ =	shalt  }
0x5f: {  	_ =	shalt  }
0x60: {  	_ =	shalt  }
0x61: {  	_ =	shalt  }
0x62: {  	_ =	shalt  }
0x63: {  	_ =	shalt  }
0x64: {  	_ =	shalt  }
0x65: {  	_ =	shalt  }
0x66: {  	_ =	shalt  }
0x67: {  	_ =	shalt  }
0x68: {  	_ =	shalt  }
0x69: {  	_ =	shalt  }
0x6a: {  	_ =	shalt  }
0x6b: {  	_ =	shalt  }
0x6c: {  	_ =	shalt  }
0x6d: {  	_ =	shalt  }
0x6e: {  	_ =	shalt  }
0x6f: {  	_ =	shalt  }
0x70: {  	_ =	shalt  }
0x71: {  	_ =	shalt  }
0x72: {  	_ =	shalt  }
0x73: {  	_ =	shalt  }
0x74: {  	_ =	shalt  }
0x75: {  	_ =	shalt  }
0x76: {  	_ =	shalt  }
0x77: {  	_ =	shalt  }
0x78: {  	_ =	shalt  }
0x79: {  	_ =	shalt  }
0x7a: {  	_ =	shalt  }
0x7b: {  	_ =	shalt  }
0x7c: {  	_ =	shalt  }
0x7d: {  	_ =	shalt  }
0x7e: {  	_ =	shalt  }
0x7f: {  	_ =	shalt  }
0x80: {  	_ =	shalt  }
0x81: {  	_ =	shalt  }
0x82: {  	_ =	shalt  }
0x83: {  	_ =	shalt  }
0x84: {  	_ =	shalt  }
0x85: {  	_ =	shalt  }
0x86: {  	_ =	shalt  }
0x87: {  	_ =	shalt  }
.Lfunc_end0:
.L_simem_size_0:
called_computation.3_lowered:
.L_overlay_start_0:
0x88: {  	s2 =	sld [smem:$0x3FD9]  }
0x89: {  	s3 =	sld [smem:$0x3FFE];
	_ =	sdelay $0x1  }
0x8a: {  	s1 =	srdreg.scid  }
0x8b: {  	s0 =	sand.u32 $0x1, s1  }
0x8c: {  	s14 =	sshll.u32 s0, $0xA;
	s2 =	sadd.s32 s3, s2  }
0x8d: {  	s2 =	sadd.s32 s2, s14  }
0x8e: {  	[smem:$0x3FB6] =	sst s2  }
0x8f: {  	_ = 	snop  }
0x90: {  	s2 =	sld [smem:$0x3FD0];
	_ =	sdelay $0x2  }
0x91: {  	s15 =	simm.s32 $0xA;
	s4 =	simm.s32 $0x10  }
0x92: {  	[smem:s4], [sflag:s15] =	dma.local [hbm:s2], $0x1  }
0x93: {  	_ =	swait.eq [sflag:s15], $0x1  }
0x94: {  	[sflag:s15] =	ssyncset.done $0x0  }
0x95: {  	s16 =	sld [smem:$0x10];
	[sflag:s15] =	ssyncadd.s32 $0xFFFFFFFF  }
0x96: {  	s17 =	sld [smem:$0x13];
	(tm) =	ssettm $0x1  }
0x97: {  	s18 =	sld [smem:$0x3FFB];
	_ =	sdelay $0x3  }
0x98: {  	_ =	strace s18  }
0x99: {  	s4 =	sld [smem:$0x3FFC];
	_ =	sdelay $0x3  }
0x9a: {  	_ =	strace s4  }
0x9b: {  	s4 =	sld [smem:$0x3FFD];
	_ =	sdelay $0x3  }
0x9c: {  	_ =	strace s4  }
0x9d: {  	_ =	strace $0x8FFFFFFF  }
0x9e: {  	s19 =	sld [smem:$0x3FDB];
	_ =	sdelay $0x1  }
0x9f: {  	s5 =	simm.s32 $_scs_section_size  }
0xa0: {  	s6 =	simm.s32 $_size__tile_overlayer_lowered;
	s7 =	simm.s32 $_tile_overlayer_lowered  }
0xa1: {  	s22 =	simm.s32 $0x1BFF;
	s21 =	sshll.u32 s7, $0x1;
	s4 =	sadd.s32 s5, s19  }
0xa2: {  	s8 =	simm.s32 $0x0;
	s20 =	sshll.u32 s6, $0x1;
	s6 =	sadd.s32 s21, s4  }
0xa3: {  	[timem:s8], [sflag:s22] =	dma.local [hbm:s6], s20  }
0xa4: {  	_ =	swait.ge [sflag:s22], s20  }
0xa5: {  	s5 =	ssub.s32 $0x0, s20;
	[sflag:s22] =	ssyncset.done $0x0  }
0xa6: {  	[sflag:s22] =	ssyncadd.s32 s5;
	_ =	sdelay $0x1  }
0xa7: {  	s23 =	simm.s32 $0x1B8B  }
0xa8: {  	_ =	swait.ge [sflag:s23], $0x1  }
0xa9: {  	[sflag:s23] =	ssyncset.done $0x0  }
0xaa: {  	s25 =	simm.s32 $0x1B8E;
	s24 =	sld [smem:$0x3FFE];
	[sflag:s23] =	ssyncadd.s32 $0xFFFFFFFF  }
0xab: {  	s26 =	simm.s32 $execute0_lowered;
	[smem:$0x3FD2] =	sst s25  }
0xac: {  	s6 =	sshll.u32 s26, $0x1;
	_ =	strace $0x8000004F;
	[dreg:$0x1] =	wrdreg $0xFFFFFFFF  }
0xad: {  	s28 =	simm.s32 $_size_execute0_lowered;
	s4 =	sadd.s32 s4, s6;
	[dreg:$0x0] =	wrdreg $0x0  }
0xae: {  	s6 =	sshll.u32 s28, $0x1;
	[dreg:$0x2] =	wrdreg s4  }
0xaf: {  	[dreg:$0x3] =	wrdreg s6  }
0xb0: {  	[dreg:$0x4] =	wrdreg $0xC0  }
0xb1: {  	_ =	task [dreg:s8], $0x5FFFF  }
0xb2: {  	[dreg:$0x1] =	wrdreg $0xFFFFFFFF  }
0xb3: {  	[dreg:$0x0] =	wrdreg $0x60  }
0xb4: {  	[dreg:$0x2] =	wrdreg s17  }
0xb5: {  	[dreg:$0x3] =	wrdreg s16  }
0xb6: {  	[dreg:$0x4] =	wrdreg s24  }
0xb7: {  	[dreg:$0x5] =	wrdreg $0x0  }
0xb8: {  	[dreg:$0x6] =	wrdreg $0x9  }
0xb9: {  	_ =	task.clear_ibuf [dreg:s8], $0x7FFFF;
	_ =	strace $0x9000004F  }
0xba: {  	s29 =	simm.s32 $0x9;
	_ =	strace $0x80000051  }
0xbb: {  	_ =	swait.ge [sflag:s29], $0x1  }
0xbc: {  	[sflag:s29] =	ssyncadd.s32 $0xFFFFFFFF  }
0xbd: {  	_ =	strace $0x90000051  }
0xbe: {  	_ =	sfence  }
0xbf: {  	s30 =	sld [smem:$0x0];
	_ =	sdelay $0x2  }
0xc0: {  	s31 =	sshll.u32 s1, $0xD;
	s1 =	sshrl.u32 s1, $0x2  }
0xc1: {  	s3 =	sand.u32 $0x4000, s31;
	s1 =	sadd.s32 s1, s30  }
0xc2: {  	s0 =	sor.u32 s3, s0;
	s1 =	sshll.u32 s1, $0x11  }
0xc3: {  	s0 =	sor.u32 s1, s0  }
0xc4: {  	s0 =	sadd.s32 $0x8F2B, s0  }
0xc5: {  	[sflag:s0] =	ssyncadd.remote.s32 $0x1  }
0xc6: {  	_ =	sfence.sel $0xFFFF  }
0xc7: {  	[dreg:$0x0] =	wrdreg $0xFFFFFFFF;
	(pc) =	sbr.abs _section_cstart, $3  }
0xc8: {  	[dreg:$0x1] =	wrdreg $0xFFFFFFFF  }
0xc9: {  	_ =	task.clear_ibuf [dreg:s8], $0x2FFFF;
	_ =	strace $0x9FFFFFFF  }
0xca: {  	(tm) =	ssettm $0x7FFFFFFF  }
0xcb: {  	_ =	shalt  }
tec
execute0_lowered:
.L_overlay_start_1:
0x0: {  	(tag) =	ssettag $0x1  }
0x1: {  	s1 =	rddreg [dreg:$0x0]  }
0x2: {  	s0 =	rddreg [dreg:$0x1]  }
0x3: {  	s5 =	rddreg [dreg:$0x2]  }
0x4: {  	s3 =	rddreg [dreg:$0x3]  }
0x5: {  	s2 =	stileid.u32;
	s6 =	srdreg.scid  }
0x6: {  	s4 =	simm.s32 $0x0;
	s18 =	simm.s32 $0x14100;
	s19 =	simm.s32 $0x14080  }
0x7: {  	s20 =	simm.s32 $0x14180;
	s28 =	simm.s32 $0x5;
	s29 =	simm.s32 $0x2  }
0x8: {  	s30 =	simm.s32 $0x6;
	s31 =	simm.s32 $0x0;
	s7 =	smul.u32 $0x14000, s2  }
0x9: {  	s15 =	sand.u32 $0x1, s6;
	[smem:$0x7FF] =	sst s4;
	s24 =	smul.u32 $0x50000, s2  }
0xa: {  	s14 =	sadd.s32 $0x4A00, s5;
	s25 =	sshll.u32 s2, $0x1;
	s17 =	smul.u32 $0x9E0, s2  }
0xb: {  	s26 =	sshll.u32 s2, $0x6;
	s6 =	smul.u32 $0x140000, s15;
	_ =	strace $0x80000050  }
0xc: {  	s22 =	ssub.s32 $0x2, s15;
	p0 =	seq.s32 s15, $0x0;
	s8 =	sshrl.u32 s7, $0x3  }
0xd: {  	s23 =	sshrl.u32 s22, $0x1;
	s13 =	sadd.s32 s17, s0;
	s6 =	sadd.s32 s7, s6  }
0xe: {  	s21 =	sadd.s32 s8, s5;
	s12 =	ssub.s32 s22, s23;
	s8 =	sor.u32 $0x9E0, s25  }
0xf: {  	s22 =	simm.s32 $0x80;
	s23 =	simm.s32 $0x14200;
	s6 =	sshrl.u32 s6, $0x3  }
0x10: {  	s11 =	sadd.s32 s6, s5;
	s5 =	smul.u32 $0x9E, s2;
	s6 =	sshrl.u32 s24, $0x2  }
0x11: {  	s25 =	simm.s32 $0x18200;
	s24 =	simm.s32 $0x4;
	s16 =	sadd.s32 s6, s3  }
0x12: {  	s6 =	sor.u32 $0x1C07, s26;
	s26 =	simm.s32 $0x1;
	s8 =	smov.u32 @p0 s5  }
0x13: {  	s5 =	sadd.s32 $0xEA00, s21;
	p0 =	sne.s32 s15, $0x0;
	s15 =	sshrl.u32 s16, $0x3  }
.Ltmp0:
0x14: {  	s16 =	simm.s32 $0x7;
	s8 =	sshll.u32 s8, $0x4;
	(pc) =	sbr.rel .LBB2_1-.Ltmp0, $4  }
0x15: {  	s9 =	sadd.s32 s0, s8;
	s10 =	sor.u32 $0x10, s8;
	s2 =	sadd.s32 s14, s8  }
0x16: {  	s7 =	sadd.s32 s0, s10;
	s8 =	sadd.s32 s14, s10;
	s10 =	sadd.s32 $0x36A00, s11  }
0x17: {  	s21 =	simm.s32 $0x3;
	s11 =	smax.u32 s12, $0x1;
	[dreg:$0x5] =	wrdreg s10  }
0x18: {  	s14 =	sadd.s32 s17, s14;
	s17 =	simm.s32 $0x14000;
	[dreg:$0x6] =	wrdreg s11  }
.LBB2_4:
0x19: {  	[tilespmem:s25], [sflag:$0x2] =	stream.indirect.gather [hbm4b:s1+s22], $0x80, s19, s22, $0xb8;
	[tilespmem:$0x1C200] =	vst v63  }
0x1a: {  	s5 =	smov.u32 s8;
	s2 =	smov.u32 s10;
	s10 =	rddreg [dreg:$0x5]  }
0x1b: {  	s7 =	smov.u32 s11;
	s8 =	smov.u32 s12;
	s11 =	rddreg [dreg:$0x6]  }
.LBB2_5:
0x1c: {  	_ =	swait.ge [sflag:s26], $0x4000  }
0x1d: {  	[sflag:s26] =	ssyncset.done $0x0  }
0x1e: {  	[sflag:s26] =	ssyncadd.s32 $0xFFFFC000  }
0x1f: {  	_ =	swait.ge [sflag:s28], $0x80  }
0x20: {  	[sflag:s28] =	ssyncset.done $0x0  }
0x21: {  	[sflag:s28] =	ssyncadd.s32 $0xFFFFFF80  }
0x22: {  	[spmem:s3] =	stream.indirect.scatter.add.f32 [tilespmem:s23], [sflag:$0x7], $0x80, s18, s22, $0xb8;
	[tilespmem:$0x1C200] =	vst v63  }
0x23: {  	_ =	swait.ge [sflag:s16], $0x4000  }
0x24: {  	[sflag:s16] =	ssyncset.done $0x0  }
0x25: {  	[sflag:s16] =	ssyncadd.s32 $0xFFFFC000  }
0x26: {  	_ =	swait.ge [sflag:s29], $0x4000  }
0x27: {  	[sflag:s29] =	ssyncset.done $0x0  }
0x28: {  	[sflag:s29] =	ssyncadd.s32 $0xFFFFC000  }
0x29: {  	_ =	swait.ge [sflag:s30], $0x80  }
0x2a: {  	[sflag:s30] =	ssyncset.done $0x0  }
0x2b: {  	[sflag:s30] =	ssyncadd.s32 $0xFFFFFF80  }
0x2c: {  	[spmem:s3] =	stream.indirect.scatter.add.f32 [tilespmem:s25], [sflag:$0x7], $0x80, s20, s22, $0xb8;
	[tilespmem:$0x1C200] =	vst v63  }
0x2d: {  	_ =	swait.ge [sflag:s16], $0x4000  }
0x2e: {  	s31 =	sadd.s32 $0x1, s31;
	[sflag:s16] =	ssyncset.done $0x0  }
0x2f: {  	p1 =	sne.s32 s31, s11;
	[sflag:s16] =	ssyncadd.s32 $0xFFFFC000  }
.Ltmp1:
0x30: {  	[bflag:$0x0] =	sbarrier.arrive $0xFFFF;
	(pc) =	sbr.rel @!p1 .LBB2_6-.Ltmp1, $4  }
0x31: {  	[hbm:s10], [sflag:s6] =	dma.local [spmem:s15], $0x2800  }
0x32: {  	_ =	swait.ge [sflag:s16], $0x2800  }
0x33: {  	[sflag:s16] =	ssyncset.done $0x0  }
0x34: {  	[sflag:s16] =	ssyncadd.s32 $0xFFFFD800  }
.LBB2_1:
0x35: {  	[spmem:s15], [sflag:s6] =	dma.local [hbm:s5], $0x2800  }
0x36: {  	_ =	swait.ge [sflag:s16], $0x2800  }
0x37: {  	[sflag:s16] =	ssyncset.done $0x0  }
0x38: {  	[sflag:s16] =	ssyncadd.s32 $0xFFFFD800  }
0x39: {  	[bflag:$0x0] =	sbarrier.arrive $0xFFFF  }
0x3a: {  	[tilespmem:s17], [sflag:$0x3] =	stream.linear.gather [hbm4b:s9+s4], $0x80, $0x38;
	[tilespmem:$0x1C200] =	vst v63  }
0x3b: {  	_ = 	snop  }
0x3c: {  	[tilespmem:s18], [sflag:$0x5] =	stream.linear.gather [hbm4b:s2+s4], $0x80, $0x38;
	[tilespmem:$0x1C200] =	vst v63  }
0x3d: {  	_ = 	snop  }
0x3e: {  	[tilespmem:s19], [sflag:$0x4] =	stream.linear.gather [hbm4b:s7+s4], $0x80, $0x38;
	[tilespmem:$0x1C200] =	vst v63  }
0x3f: {  	_ = 	snop  }
0x40: {  	[tilespmem:s20], [sflag:$0x6] =	stream.linear.gather [hbm4b:s8+s4], $0x80, $0x38;
	[tilespmem:$0x1C200] =	vst v63  }
0x41: {  	_ =	swait.ge [sflag:s21], $0x80  }
0x42: {  	[sflag:s21] =	ssyncset.done $0x0  }
0x43: {  	[sflag:s21] =	ssyncadd.s32 $0xFFFFFF80  }
0x44: {  	[tilespmem:s23], [sflag:$0x1] =	stream.indirect.gather [hbm4b:s1+s22], $0x80, s17, s22, $0xb8;
	[tilespmem:$0x1C200] =	vst v63  }
.Ltmp2:
0x45: {  	_ = 	snop;
	(pc) =	sbr.rel @p0 .LBB2_5-.Ltmp2, $4  }
0x46: {  	_ =	swait.ge [sflag:s24], $0x80  }
0x47: {  	[sflag:s24] =	ssyncset.done $0x0  }
0x48: {  	[sflag:s24] =	ssyncadd.s32 $0xFFFFFF80  }
0x49: {  	[tilespmem:s25], [sflag:$0x2] =	stream.indirect.gather [hbm4b:s1+s22], $0x80, s19, s22, $0xb8;
	[tilespmem:$0x1C200] =	vst v63  }
0x4a: {  	_ =	swait.ge [sflag:s26], $0x4000  }
0x4b: {  	s12 =	smov.u32 s8;
	s0 =	sadd.s32 $0xFFFFF640, s13;
	[sflag:s26] =	ssyncset.done $0x0  }
0x4c: {  	s8 =	smov.u32 s5;
	s5 =	sadd.s32 $0x9E0, s0;
	[sflag:s26] =	ssyncadd.s32 $0xFFFFC000  }
0x4d: {  	[tilespmem:s17], [sflag:$0x3] =	stream.linear.gather [hbm4b:s5+s4], $0x80, $0x38;
	[tilespmem:$0x1C200] =	vst v63  }
0x4e: {  	_ =	swait.ge [sflag:s28], $0x80  }
0x4f: {  	[sflag:s28] =	ssyncset.done $0x0  }
0x50: {  	[sflag:s28] =	ssyncadd.s32 $0xFFFFFF80  }
0x51: {  	[spmem:s3] =	stream.indirect.scatter.add.f32 [tilespmem:s23], [sflag:$0x7], $0x80, s18, s22, $0xb8;
	[tilespmem:$0x1C200] =	vst v63  }
0x52: {  	_ =	swait.ge [sflag:s16], $0x4000  }
0x53: {  	s10 =	smov.u32 s2;
	s2 =	sadd.s32 $0xFFFFF640, s14;
	[sflag:s16] =	ssyncset.done $0x0  }
0x54: {  	s11 =	smov.u32 s7;
	s7 =	sadd.s32 $0x9E0, s2;
	[sflag:s16] =	ssyncadd.s32 $0xFFFFC000  }
0x55: {  	[tilespmem:s18], [sflag:$0x5] =	stream.linear.gather [hbm4b:s7+s4], $0x80, $0x38;
	[tilespmem:$0x1C200] =	vst v63  }
0x56: {  	_ =	swait.ge [sflag:s21], $0x80  }
0x57: {  	[sflag:s21] =	ssyncset.done $0x0  }
0x58: {  	[sflag:s21] =	ssyncadd.s32 $0xFFFFFF80  }
0x59: {  	[tilespmem:s23], [sflag:$0x1] =	stream.indirect.gather [hbm4b:s1+s22], $0x80, s17, s22, $0xb8;
	[tilespmem:$0x1C200] =	vst v63  }
0x5a: {  	_ =	swait.ge [sflag:s29], $0x4000  }
0x5b: {  	[sflag:s29] =	ssyncset.done $0x0  }
0x5c: {  	s0 =	sadd.s32 $0x9F0, s0;
	[sflag:s29] =	ssyncadd.s32 $0xFFFFC000  }
0x5d: {  	[tilespmem:s19], [sflag:$0x4] =	stream.linear.gather [hbm4b:s0+s4], $0x80, $0x38;
	[tilespmem:$0x1C200] =	vst v63  }
0x5e: {  	_ =	swait.ge [sflag:s30], $0x80  }
0x5f: {  	[sflag:s30] =	ssyncset.done $0x0  }
0x60: {  	[sflag:s30] =	ssyncadd.s32 $0xFFFFFF80  }
0x61: {  	[spmem:s3] =	stream.indirect.scatter.add.f32 [tilespmem:s25], [sflag:$0x7], $0x80, s20, s22, $0xb8;
	[tilespmem:$0x1C200] =	vst v63  }
0x62: {  	_ =	swait.ge [sflag:s16], $0x4000  }
0x63: {  	[sflag:s16] =	ssyncset.done $0x0  }
0x64: {  	s7 =	sadd.s32 $0x9F0, s2;
	[sflag:s16] =	ssyncadd.s32 $0xFFFFC000  }
0x65: {  	[tilespmem:s20], [sflag:$0x6] =	stream.linear.gather [hbm4b:s7+s4], $0x80, $0x38;
	[tilespmem:$0x1C200] =	vst v63  }
0x66: {  	_ =	swait.ge [sflag:s24], $0x80  }
0x67: {  	[sflag:s24] =	ssyncset.done $0x0  }
0x68: {  	s0 =	simm.s32 $0xFFFFF660;
	[sflag:s24] =	ssyncadd.s32 $0xFFFFFF80  }
.LBB2_3:
0x69: {  	[tilespmem:s25], [sflag:$0x2] =	stream.indirect.gather [hbm4b:s1+s22], $0x80, s19, s22, $0xb8;
	[tilespmem:$0x1C200] =	vst v63  }
0x6a: {  	s2 =	smov.u32 s0  }
0x6b: {  	p1 =	sne.s32 s0, $0xFFFFFFE0;
	s0 =	sadd.s32 $0x20, s0;
	_ =	swait.ge [sflag:s26], $0x4000  }
0x6c: {  	s5 =	sadd.s32 s2, s13;
	[sflag:s26] =	ssyncset.done $0x0  }
0x6d: {  	s7 =	sadd.s32 $0x9E0, s5;
	[sflag:s26] =	ssyncadd.s32 $0xFFFFC000  }
0x6e: {  	[tilespmem:s17], [sflag:$0x3] =	stream.linear.gather [hbm4b:s7+s4], $0x80, $0x38;
	[tilespmem:$0x1C200] =	vst v63  }
0x6f: {  	_ =	swait.ge [sflag:s28], $0x80  }
0x70: {  	[sflag:s28] =	ssyncset.done $0x0  }
0x71: {  	[sflag:s28] =	ssyncadd.s32 $0xFFFFFF80  }
0x72: {  	[spmem:s3] =	stream.indirect.scatter.add.f32 [tilespmem:s23], [sflag:$0x7], $0x80, s18, s22, $0xb8;
	[tilespmem:$0x1C200] =	vst v63  }
0x73: {  	_ =	swait.ge [sflag:s16], $0x4000  }
0x74: {  	s2 =	sadd.s32 s2, s14;
	[sflag:s16] =	ssyncset.done $0x0  }
0x75: {  	s7 =	sadd.s32 $0x9E0, s2;
	[sflag:s16] =	ssyncadd.s32 $0xFFFFC000  }
0x76: {  	[tilespmem:s18], [sflag:$0x5] =	stream.linear.gather [hbm4b:s7+s4], $0x80, $0x38;
	[tilespmem:$0x1C200] =	vst v63  }
0x77: {  	_ =	swait.ge [sflag:s21], $0x80  }
0x78: {  	[sflag:s21] =	ssyncset.done $0x0  }
0x79: {  	[sflag:s21] =	ssyncadd.s32 $0xFFFFFF80  }
0x7a: {  	[tilespmem:s23], [sflag:$0x1] =	stream.indirect.gather [hbm4b:s1+s22], $0x80, s17, s22, $0xb8;
	[tilespmem:$0x1C200] =	vst v63  }
0x7b: {  	_ =	swait.ge [sflag:s29], $0x4000  }
0x7c: {  	[sflag:s29] =	ssyncset.done $0x0  }
0x7d: {  	s5 =	sadd.s32 $0x9F0, s5;
	[sflag:s29] =	ssyncadd.s32 $0xFFFFC000  }
0x7e: {  	[tilespmem:s19], [sflag:$0x4] =	stream.linear.gather [hbm4b:s5+s4], $0x80, $0x38;
	[tilespmem:$0x1C200] =	vst v63  }
0x7f: {  	_ =	swait.ge [sflag:s30], $0x80  }
0x80: {  	[sflag:s30] =	ssyncset.done $0x0  }
0x81: {  	[sflag:s30] =	ssyncadd.s32 $0xFFFFFF80  }
0x82: {  	[spmem:s3] =	stream.indirect.scatter.add.f32 [tilespmem:s25], [sflag:$0x7], $0x80, s20, s22, $0xb8;
	[tilespmem:$0x1C200] =	vst v63  }
0x83: {  	_ =	swait.ge [sflag:s16], $0x4000  }
0x84: {  	[sflag:s16] =	ssyncset.done $0x0  }
.Ltmp3:
0x85: {  	s2 =	sadd.s32 $0x9F0, s2;
	[sflag:s16] =	ssyncadd.s32 $0xFFFFC000;
	(pc) =	sbr.rel @p1 .LBB2_3-.Ltmp3, $4  }
0x86: {  	[tilespmem:s20], [sflag:$0x6] =	stream.linear.gather [hbm4b:s2+s4], $0x80, $0x38;
	[tilespmem:$0x1C200] =	vst v63  }
0x87: {  	_ =	swait.ge [sflag:s24], $0x80  }
0x88: {  	[sflag:s24] =	ssyncset.done $0x0  }
0x89: {  	[sflag:s24] =	ssyncadd.s32 $0xFFFFFF80  }
.Ltmp4:
0x8a: {  	_ = 	snop;
	(pc) =	sbr.rel .LBB2_4-.Ltmp4, $1  }
0x8b: {  	_ =	sdelay $0x3  }
.LBB2_6:
0x8c: {  	_ =	sfence.sel $0x180000  }
0x8d: {  	[bflag:$0x0] =	sbarrier.arrive $0xFFFF  }
0x8e: {  	_ =	strace $0x90000050  }
0x8f: {  	s0 =	stileid.u32;
	[bflag:$0x2] =	sbarrier.arrive $0xFFFF  }
0x90: {  	p0 =	sne.s32 s0, $0x0;
	s0 =	rddreg [dreg:$0x4]  }
0x91: {  	s0 =	sadd.s32 @!p0 $0x100000, s0  }
0x92: {  	[sflag:s0] =	ssyncadd.tile.s32 @!p0 $0x1;
	_ =	shalt  }
.Lfunc_end2:
_tile_overlayer_lowered:
.L_overlay_start_2:
0x93: {  	(tag) =	ssettag $0x2  }
0x94: {  	s0 =	rddreg [dreg:$0x0];
	s2 =	stileid.u32  }
0x95: {  	s1 =	rddreg [dreg:$0x1];
	p0 =	sne.s32 s2, $0x0  }
0x96: {  	s3 =	rddreg [dreg:$0x2];
	[bflag:$0x3] =	sbarrier.arrive $0xFFFF;
	s2 =	simm.s32 @!p0 $0x1C07  }
0x97: {  	[timem:s3], [sflag:s2] =	dma.local @!p0 [hbm:s0], s1  }
0x98: {  	s0 =	simm.s32 @!p0 $0x7  }
0x99: {  	_ =	swait.ge @!p0 [sflag:s0], s1  }
0x9a: {  	s1 =	ssub.s32 @!p0 $0x0, s1;
	[sflag:s0] =	ssyncset.done @!p0 $0x0  }
0x9b: {  	[sflag:s0] =	ssyncadd.s32 @!p0 s1  }
0x9c: {  	[bflag:$0x3] =	sbarrier.arrive $0xFFFF  }
0x9d: {  	_ =	shalt  }

</sc_bundles>
